<compile_context>
chip_gen: v7x
topology: tpu7x:2x2x1
jax: 0.10.2.dev20260603
libtpu: 0.0.44.dev20260713+nightly
codegen_flags: <defaults>
</compile_context>

<pallas_src>
import functools

import jax
import jax.numpy as jnp
from jax import lax
from jax.experimental import pallas as pl
from jax.experimental.pallas import tpu as pltpu
from jax.experimental.pallas import tpu_sc as plsc

_NC = 2
_NS = 16
_NW = _NC * _NS
_LANES = 16

_EPS = 1e-5
_PREC = lax.Precision.HIGHEST


def _dot(a, b):
    return jnp.matmul(a, b, precision=_PREC)


def _gather_body(npad, chunk, pd_hbm, ps_hbm, src_hbm, dst_hbm,
                 h1_hbm, stats_hbm, srcv, dstv,
                 idxd_a, idxs_a, bufd_a, bufs_a, sem_a,
                 idxd_b, idxs_b, bufd_b, bufs_b, sem_b,
                 statv):
    e_total = src_hbm.shape[0]
    per_w = e_total // _NW
    nchunks = per_w // chunk
    wid = lax.axis_index("s") * _NC + lax.axis_index("c")
    base_w = wid * per_w

    dummy = jnp.full((_LANES,), npad, jnp.int32)

    def issue(ci, idxd, idxs, bufd, bufs, sem):
        base = base_w + ci * chunk
        pltpu.sync_copy(src_hbm.at[pl.ds(base, chunk)], srcv)
        pltpu.sync_copy(dst_hbm.at[pl.ds(base, chunk)], dstv)

        def fix(j, _):
            sl = pl.ds(j * _LANES, _LANES)
            s = srcv[sl]
            d = dstv[sl]
            m = s == d
            idxd[sl] = jnp.where(m, dummy, d)
            idxs[sl] = jnp.where(m, dummy, s)
            return 0

        lax.fori_loop(0, chunk // _LANES, fix, 0)
        pltpu.async_copy(pd_hbm.at[idxd], bufd, sem)
        pltpu.async_copy(ps_hbm.at[idxs], bufs, sem)

    def finish(ci, idxd, idxs, bufd, bufs, sem, acc):
        base = base_w + ci * chunk
        pltpu.make_async_copy(pd_hbm.at[idxd], bufd, sem).wait()
        pltpu.make_async_copy(ps_hbm.at[idxs], bufs, sem).wait()

        def body(i, carry):
            out = list(carry)
            for c in range(4):
                sl = pl.ds(c * _LANES, _LANES)
                h = jnp.maximum(bufd[i, sl] + bufs[i, sl], 0.0)
                bufd[i, sl] = h
                out[c] = out[c] + h
                out[4 + c] = out[4 + c] + h * h
            return tuple(out)

        acc = lax.fori_loop(0, chunk, body, acc)
        pltpu.sync_copy(bufd, h1_hbm.at[pl.ds(base, chunk)])
        return acc

    set_a = (idxd_a, idxs_a, bufd_a, bufs_a, sem_a)
    set_b = (idxd_b, idxs_b, bufd_b, bufs_b, sem_b)

    zero = jnp.zeros((_LANES,), jnp.float32)
    issue(0, *set_a)

    def pair(k, acc):
        i = 2 * k
        issue(i + 1, *set_b)
        acc = finish(i, *set_a, acc)
        issue(i + 2, *set_a)
        acc = finish(i + 1, *set_b, acc)
        return acc

    acc = lax.fori_loop(0, (nchunks - 1) // 2, pair, (zero,) * 8)
    acc = finish(nchunks - 1, *set_a, acc)
    for c in range(8):
        statv[pl.ds(c * _LANES, _LANES)] = acc[c]
    pltpu.sync_copy(statv, stats_hbm.at[wid])


def _sc_gather(pd_ext, ps_ext, src, dst, chunk=400):
    e_total = src.shape[0]
    npad = pd_ext.shape[0] - 8
    f = pd_ext.shape[1]
    mesh = plsc.VectorSubcoreMesh(core_axis_name="c", subcore_axis_name="s")
    bufset = [
        pltpu.VMEM((chunk,), jnp.int32),
        pltpu.VMEM((chunk,), jnp.int32),
        pltpu.VMEM((chunk, f), jnp.float32),
        pltpu.VMEM((chunk, f), jnp.float32),
        pltpu.SemaphoreType.DMA,
    ]
    kern = functools.partial(
        pl.kernel,
        out_type=[
            jax.ShapeDtypeStruct((e_total, f), jnp.float32),
            jax.ShapeDtypeStruct((_NW, 2 * f), jnp.float32),
        ],
        mesh=mesh,
        scratch_types=[
            pltpu.VMEM((chunk,), jnp.int32),
            pltpu.VMEM((chunk,), jnp.int32),
        ] + bufset + bufset + [
            pltpu.VMEM((2 * f,), jnp.float32),
        ],
        compiler_params=pltpu.CompilerParams(use_tc_tiling_on_sc=False),
    )(functools.partial(_gather_body, npad, chunk))
    h1, stats = kern(pd_ext, ps_ext, src, dst)
    return h1, stats


def _edge_mm_body(h1_ref, w_ref, b_ref, sg_ref, h2_ref, s_ref, q_ref):
    h1 = h1_ref[...]
    h2 = jnp.maximum(_dot(h1, w_ref[...]) + b_ref[...], 0.0)
    h2_ref[...] = h2 * sg_ref[...]

    @pl.when(pl.program_id(0) == 0)
    def _init():
        s_ref[...] = jnp.zeros_like(s_ref)
        q_ref[...] = jnp.zeros_like(q_ref)

    s_ref[...] += jnp.sum(h2, axis=0, keepdims=True)
    q_ref[...] += jnp.sum(h2 * h2, axis=0, keepdims=True)


def _edge_mm(h1, w, b, sign, blk=2560):
    e, f = h1.shape
    grid = e // blk
    h2s, s, q = pl.pallas_call(
        _edge_mm_body,
        grid=(grid,),
        in_specs=[
            pl.BlockSpec((blk, f), lambda i: (i, 0)),
            pl.BlockSpec((f, f), lambda i: (0, 0)),
            pl.BlockSpec((1, f), lambda i: (0, 0)),
            pl.BlockSpec((1, f), lambda i: (0, 0)),
        ],
        out_specs=[
            pl.BlockSpec((blk, f), lambda i: (i, 0)),
            pl.BlockSpec((1, f), lambda i: (0, 0)),
            pl.BlockSpec((1, f), lambda i: (0, 0)),
        ],
        out_shape=[
            jax.ShapeDtypeStruct((e, f), jnp.float32),
            jax.ShapeDtypeStruct((1, f), jnp.float32),
            jax.ShapeDtypeStruct((1, f), jnp.float32),
        ],
    )(h1, w, b.reshape(1, f), sign.reshape(1, f))
    return h2s, s[0], q[0]


def _mm_body(x_ref, w_ref, b_ref, o_ref):
    o_ref[...] = jnp.maximum(_dot(x_ref[...], w_ref[...]) + b_ref[...], 0.0)


def _mm_lin_body(x_ref, w_ref, b_ref, o_ref):
    o_ref[...] = _dot(x_ref[...], w_ref[...]) + b_ref[...]


def _mm_lin(x, w, b, blk=2000):
    n, k = x.shape
    f = w.shape[1]
    return pl.pallas_call(
        _mm_lin_body,
        grid=(n // blk,),
        in_specs=[
            pl.BlockSpec((blk, k), lambda i: (i, 0)),
            pl.BlockSpec((k, f), lambda i: (0, 0)),
            pl.BlockSpec((1, f), lambda i: (0, 0)),
        ],
        out_specs=pl.BlockSpec((blk, f), lambda i: (i, 0)),
        out_shape=jax.ShapeDtypeStruct((n, f), jnp.float32),
    )(x, w, b.reshape(1, f))


def _mm_relu(x, w, b, blk=2000):
    n, k = x.shape
    f = w.shape[1]
    return pl.pallas_call(
        _mm_body,
        grid=(n // blk,),
        in_specs=[
            pl.BlockSpec((blk, k), lambda i: (i, 0)),
            pl.BlockSpec((k, f), lambda i: (0, 0)),
            pl.BlockSpec((1, f), lambda i: (0, 0)),
        ],
        out_specs=pl.BlockSpec((blk, f), lambda i: (i, 0)),
        out_shape=jax.ShapeDtypeStruct((n, f), jnp.float32),
    )(x, w, b.reshape(1, f))


def _bn_affine(s, q, cnt, gamma, beta):
    mean = s / cnt
    var = q / cnt - mean * mean
    a = gamma * lax.rsqrt(jnp.maximum(var, 0.0) + _EPS)
    c = beta - mean * a
    return a, c


def _one_conv(x, edge_index, layers):
    n, d = x.shape
    e = edge_index.shape[1]
    src, dst = edge_index[0], edge_index[1]
    mask = src != dst
    nvalid = jnp.sum(mask.astype(jnp.float32))
    cnt = nvalid + n

    w1, b1 = layers[0]["W"], layers[0]["b"]
    g1, be1 = layers[0]["gamma"], layers[0]["beta"]
    w2, b2 = layers[1]["W"], layers[1]["b"]
    g2, be2 = layers[1]["gamma"], layers[1]["beta"]
    f = w1.shape[1]

    pad = jnp.zeros((8, f), jnp.float32)
    wcat = jnp.concatenate([w1[:d] - w1[d:], w1[d:]], axis=1)
    bcat = jnp.concatenate([b1, jnp.zeros((f,), jnp.float32)])
    pdps = _mm_lin(x, wcat, bcat)
    pd = jnp.concatenate([pdps[:, :f], pad], axis=0)
    ps = jnp.concatenate([pdps[:, f:], pad], axis=0)

    h1, stats = _sc_gather(pd, ps, src, dst)
    h1_self = jnp.maximum(pd[:n] + ps[:n], 0.0)

    s1 = jnp.sum(stats[:, :f], axis=0) + jnp.sum(h1_self, axis=0)
    q1 = jnp.sum(stats[:, f:], axis=0) + jnp.sum(h1_self * h1_self, axis=0)
    a1, c1 = _bn_affine(s1, q1, cnt, g1, be1)

    w2p = a1[:, None] * w2
    b2p = _dot(c1, w2) + b2
    sign2 = jnp.sign(g2)

    h2s, s2, q2 = _edge_mm(h1, w2p, b2p, sign2)
    h2_self = _mm_relu(h1_self, w2p, b2p)

    r0 = jnp.maximum(b2p, 0.0)
    nmask = jnp.float32(e) - nvalid
    s2 = s2 + jnp.sum(h2_self, axis=0) - nmask * r0
    q2 = q2 + jnp.sum(h2_self * h2_self, axis=0) - nmask * r0 * r0
    a2, c2 = _bn_affine(s2, q2, cnt, g2, be2)

    dst2 = jnp.where(mask, dst, n)
    acc = jax.ops.segment_max(h2s, dst2, num_segments=n + 1)[:n]
    acc = jnp.maximum(acc, h2_self * sign2)
    return acc * jnp.abs(a2) + c2


def kernel(x, edge_index_1, edge_index_2, params):
    n = x.shape[0]
    o1 = _one_conv(x, edge_index_1, params["conv1"])
    o2 = _one_conv(x, edge_index_2, params["conv2"])
    out = jnp.concatenate([o1, o2], axis=1)

    p = params["mlp"][0]
    h = _mm_relu(out, p["W"], p["b"])
    s = jnp.sum(h, axis=0)
    q = jnp.sum(h * h, axis=0)
    a, c = _bn_affine(s, q, jnp.float32(n), p["gamma"], p["beta"])
    return h * a + c

# --- scband reference (transcript-rebuilt; emitter-appended) ---
"""Pipeline reference for scband-gcu-37306085933363 (READ-ONLY COPY).

The authoritative reference and input builder live on the scoring server;
editing this copy changes nothing except your own understanding.
"""

import jax, jax.numpy as jnp
import numpy as np

N = 10000
D = 128
E = 320000
OUT = 128


def _mlp(h, layers, mask=None):
    # Sequential(Linear, ReLU, BatchNorm1d(training-mode batch stats)) blocks
    if mask is not None:
        w = mask.astype(h.dtype)[:, None]
        cnt = jnp.sum(mask.astype(h.dtype))
    for p in layers:
        h = h @ p["W"] + p["b"]
        h = jnp.maximum(h, 0.0)
        if mask is None:
            mean = jnp.mean(h, axis=0)
            var = jnp.var(h, axis=0)
        else:
            mean = jnp.sum(h * w, axis=0) / cnt
            var = jnp.sum(((h - mean) ** 2) * w, axis=0) / cnt
        h = (h - mean) / jnp.sqrt(var + 1e-5) * p["gamma"] + p["beta"]
    return h


def _prep_edges(edge_index, n):
    # remove_self_loops then add_self_loops (PyG convention: row0=src(j), row1=dst(i))
    src, dst = edge_index[0], edge_index[1]
    valid = src != dst
    loop = jnp.arange(n, dtype=src.dtype)
    src_full = jnp.concatenate([src, loop])
    dst_full = jnp.concatenate([dst, loop])
    mask = jnp.concatenate([valid, jnp.ones((n,), dtype=bool)])
    return src_full, dst_full, mask


def _edge_conv(x, src, dst, mask, layers, n):
    x_i = x[dst]
    x_j = x[src]
    msg = _mlp(jnp.concatenate([x_i, x_j - x_i], axis=1), layers, mask)
    # aggr='max' scatter-max into dst nodes; all nodes covered via self-loops
    msg = jnp.where(mask[:, None], msg, -jnp.inf)
    return jax.ops.segment_max(msg, dst, num_segments=n)


def _init_layer(key, fin, fout):
    k1, k2 = jax.random.split(key)
    lim = 1.0 / np.sqrt(fin)
    W = jax.random.uniform(k1, (fin, fout), minval=-lim, maxval=lim, dtype=jnp.float32)
    b = jax.random.uniform(k2, (fout,), minval=-lim, maxval=lim, dtype=jnp.float32)
    return {"W": W, "b": b, "gamma": jnp.ones((fout,), jnp.float32), "beta": jnp.zeros((fout,), jnp.float32)}


def setup_inputs(seed: int = 0) -> dict:
    key = jax.random.key(seed)
    ks = jax.random.split(key, 8)
    x = jax.random.normal(ks[0], (N, D), dtype=jnp.float32)
    edge_index_1 = jax.random.randint(ks[1], (2, E), 0, N, dtype=jnp.int32)
    edge_index_2 = jax.random.randint(ks[2], (2, E), 0, N, dtype=jnp.int32)
    half = OUT // 2
    params = {
        "conv1": [_init_layer(ks[3], 2 * D, half), _init_layer(ks[4], half, half)],
        "conv2": [_init_layer(ks[5], 2 * D, half), _init_layer(ks[6], half, half)],
        "mlp": [_init_layer(ks[7], OUT, OUT)],
    }
    return {"x": x, "edge_index_1": edge_index_1, "edge_index_2": edge_index_2, "params": params}


def reference(x, edge_index_1, edge_index_2, params):
    n = x.shape[0]
    s1, d1, m1 = _prep_edges(edge_index_1, n)
    s2, d2, m2 = _prep_edges(edge_index_2, n)
    o1 = _edge_conv(x, s1, d1, m1, params["conv1"], n)
    o2 = _edge_conv(x, s2, d2, m2, params["conv2"], n)
    out = jnp.concatenate([o1, o2], axis=1)
    out = _mlp(out, params["mlp"])
    return out

if __name__ == "__main__":
    import jax
    _d = setup_inputs()
    print(jax.jit(kernel)(*tuple(_d.values())))

</pallas_src>

<mosaic_0001>
#map = affine_map<(d0, d1) -> (0, 0)>
#map1 = affine_map<(d0, d1) -> (0)>
module attributes {stable_mosaic.version = 14 : i64} {
  func.func @_gather_body(%arg0: i32, %arg1: i32, %arg2: memref<10008x64xf32, #tpu.memory_space<hbm>>, %arg3: memref<10008x64xf32, #tpu.memory_space<hbm>>, %arg4: memref<320000xi32, #tpu.memory_space<hbm>>, %arg5: memref<320000xi32, #tpu.memory_space<hbm>>, %arg6: memref<320000x64xf32, #tpu.memory_space<hbm>>, %arg7: memref<32x128xf32, #tpu.memory_space<hbm>>, %arg8: memref<400xi32, #tpu.memory_space<vmem>>, %arg9: memref<400xi32, #tpu.memory_space<vmem>>, %arg10: memref<400xi32, #tpu.memory_space<vmem>>, %arg11: memref<400xi32, #tpu.memory_space<vmem>>, %arg12: memref<400x64xf32, #tpu.memory_space<vmem>>, %arg13: memref<400x64xf32, #tpu.memory_space<vmem>>, %arg14: memref<!tpu.dma_semaphore, #tpu.memory_space<semaphore_mem>>, %arg15: memref<400xi32, #tpu.memory_space<vmem>>, %arg16: memref<400xi32, #tpu.memory_space<vmem>>, %arg17: memref<400x64xf32, #tpu.memory_space<vmem>>, %arg18: memref<400x64xf32, #tpu.memory_space<vmem>>, %arg19: memref<!tpu.dma_semaphore, #tpu.memory_space<semaphore_mem>>, %arg20: memref<128xf32, #tpu.memory_space<vmem>>) attributes {dimension_semantics = [#tpu.dimension_semantics<core_parallel>, #tpu.dimension_semantics<subcore_parallel>], iteration_bounds = array<i64: 2, 16>, scalar_prefetch = 0 : i64, scratch_operands = 13 : i64, tpu.core_type = #tpu.core_type<sc_vector_subcore>, window_params = [{transform_indices = #map}, {transform_indices = #map}, {transform_indices = #map1}, {transform_indices = #map1}, {transform_indices = #map}, {transform_indices = #map}]} {
    %mul3A = arith.constant 2 : i32
    %mul3A_0 = arith.muli %arg1, %mul3A : i32
    %add3A = arith.addi %mul3A_0, %arg0 : i32
    %mul3A_1 = arith.constant 10000 : i32
    %mul3A_2 = arith.muli %add3A, %mul3A_1 : i32
    %broadcast_in_dim3A = arith.constant 10000 : i32
    %broadcast_in_dim3A_3 = vector.broadcast %broadcast_in_dim3A : i32 to vector<16xi32>
    %broadcast_in_dim3A_4 = arith.constant 0.000000e+00 : f32
    %broadcast_in_dim3A_5 = vector.broadcast %broadcast_in_dim3A_4 : f32 to vector<16xf32>
    %add3A_6 = arith.constant 0 : i32
    %add3A_7 = arith.addi %mul3A_2, %add3A_6 : i32
    "tpu.region"() ({
      %run_scoped3A = tpu.sem_alloc : memref<!tpu.dma_semaphore, #tpu.memory_space<semaphore_mem>>
      %dma_start3A_69 = tpu.memref_slice %arg4[%add3A_7] : memref<320000xi32, #tpu.memory_space<hbm>> -> memref<400xi32, #tpu.memory_space<hbm>>
      %dma_start3A_70 = tpu.memref_slice %arg4[%add3A_7] : memref<320000xi32, #tpu.memory_space<hbm>> -> memref<400xi32, #tpu.memory_space<hbm>>
      tpu.enqueue_dma source(%dma_start3A_70 : memref<400xi32, #tpu.memory_space<hbm>>) target(%arg8 : memref<400xi32, #tpu.memory_space<vmem>>) target_semaphore(%run_scoped3A : memref<!tpu.dma_semaphore, #tpu.memory_space<semaphore_mem>>)
      %dma_wait3A_71 = tpu.memref_slice %arg4[%add3A_7] : memref<320000xi32, #tpu.memory_space<hbm>> -> memref<400xi32, #tpu.memory_space<hbm>>
      %dma_wait3A_72 = tpu.memref_slice %arg4[%add3A_7] : memref<320000xi32, #tpu.memory_space<hbm>> -> memref<400xi32, #tpu.memory_space<hbm>>
      tpu.wait_dma2 semaphore(%run_scoped3A : memref<!tpu.dma_semaphore, #tpu.memory_space<semaphore_mem>>) src(%dma_wait3A_72 : memref<400xi32, #tpu.memory_space<hbm>>) dst(%arg8 : memref<400xi32, #tpu.memory_space<vmem>>)
      tpu.yield
    }) : () -> ()
    "tpu.region"() ({
      %run_scoped3A = tpu.sem_alloc : memref<!tpu.dma_semaphore, #tpu.memory_space<semaphore_mem>>
      %dma_start3A_69 = tpu.memref_slice %arg5[%add3A_7] : memref<320000xi32, #tpu.memory_space<hbm>> -> memref<400xi32, #tpu.memory_space<hbm>>
      %dma_start3A_70 = tpu.memref_slice %arg5[%add3A_7] : memref<320000xi32, #tpu.memory_space<hbm>> -> memref<400xi32, #tpu.memory_space<hbm>>
      tpu.enqueue_dma source(%dma_start3A_70 : memref<400xi32, #tpu.memory_space<hbm>>) target(%arg9 : memref<400xi32, #tpu.memory_space<vmem>>) target_semaphore(%run_scoped3A : memref<!tpu.dma_semaphore, #tpu.memory_space<semaphore_mem>>)
      %dma_wait3A_71 = tpu.memref_slice %arg5[%add3A_7] : memref<320000xi32, #tpu.memory_space<hbm>> -> memref<400xi32, #tpu.memory_space<hbm>>
      %dma_wait3A_72 = tpu.memref_slice %arg5[%add3A_7] : memref<320000xi32, #tpu.memory_space<hbm>> -> memref<400xi32, #tpu.memory_space<hbm>>
      tpu.wait_dma2 semaphore(%run_scoped3A : memref<!tpu.dma_semaphore, #tpu.memory_space<semaphore_mem>>) src(%dma_wait3A_72 : memref<400xi32, #tpu.memory_space<hbm>>) dst(%arg9 : memref<400xi32, #tpu.memory_space<vmem>>)
      tpu.yield
    }) : () -> ()
    %scan3A = arith.constant 0 : i32
    %scan3A_8 = arith.constant 0 : i32
    %scan3A_9 = arith.constant 25 : i32
    %scan3A_10 = arith.addi %scan3A_8, %scan3A_9 : i32
    %scan3A_11 = arith.constant 1 : i32
    %scan3A_12 = scf.for %scan3A_69 = %scan3A_8 to %scan3A_10 step %scan3A_11 iter_args(%scan3A_70 = %scan3A) -> (i32)  : i32 {
      %mul3A_71 = arith.constant 16 : i32
      %mul3A_72 = arith.muli %scan3A_69, %mul3A_71 : i32
      %get3A = arith.index_cast %mul3A_72 : i32 to index
      %get3A_73 = tpu.vector_load %arg8[%get3A] {strides = array<i32>} : memref<400xi32, #tpu.memory_space<vmem>>, vector<16xi32>,
      %get3A_74 = vector.shape_cast %get3A_73 : vector<16xi32> to vector<16xi32>
      %get3A_75 = arith.index_cast %mul3A_72 : i32 to index
      %get3A_76 = tpu.vector_load %arg9[%get3A_75] {strides = array<i32>} : memref<400xi32, #tpu.memory_space<vmem>>, vector<16xi32>,
      %get3A_77 = vector.shape_cast %get3A_76 : vector<16xi32> to vector<16xi32>
      %eq3A = arith.cmpi eq, %get3A_74, %get3A_77 : vector<16xi32>
      %select_n3A = arith.select %eq3A, %broadcast_in_dim3A_3, %get3A_77 : vector<16xi1>, vector<16xi32>
      %swap3A_78 = arith.index_cast %mul3A_72 : i32 to index
      %swap3A_79 = tpu.vector_load %arg10[%swap3A_78] {strides = array<i32>} : memref<400xi32, #tpu.memory_space<vmem>>, vector<16xi32>,
      %swap3A_80 = vector.shape_cast %swap3A_79 : vector<16xi32> to vector<16xi32>
      %swap3A_81 = vector.shape_cast %select_n3A : vector<16xi32> to vector<16xi32>
      tpu.vector_store %arg10[%swap3A_78], %swap3A_81 {strides = array<i32>} : memref<400xi32, #tpu.memory_space<vmem>>, vector<16xi32>,
      %select_n3A_82 = arith.select %eq3A, %broadcast_in_dim3A_3, %get3A_74 : vector<16xi1>, vector<16xi32>
      %swap3A_83 = arith.index_cast %mul3A_72 : i32 to index
      %swap3A_84 = tpu.vector_load %arg11[%swap3A_83] {strides = array<i32>} : memref<400xi32, #tpu.memory_space<vmem>>, vector<16xi32>,
      %swap3A_85 = vector.shape_cast %swap3A_84 : vector<16xi32> to vector<16xi32>
      %swap3A_86 = vector.shape_cast %select_n3A_82 : vector<16xi32> to vector<16xi32>
      tpu.vector_store %arg11[%swap3A_83], %swap3A_86 {strides = array<i32>} : memref<400xi32, #tpu.memory_space<vmem>>, vector<16xi32>,
      %scan3A_87 = arith.constant 0 : i32
      scf.yield %scan3A_87 : i32
    }
    %scan3A_13 = arith.constant 25 : i32
    %dma_start3A = arith.constant 0 : i32
    %dma_start3A_14 = arith.constant 0 : i32
    %dma_start3A_15 = tpu.memref_slice %arg2[%dma_start3A, %dma_start3A_14] : memref<10008x64xf32, #tpu.memory_space<hbm>> -> memref<10008x64xf32, #tpu.memory_space<hbm>>
    tpu.enqueue_indirect_dma source(%dma_start3A_15 : memref<10008x64xf32, #tpu.memory_space<hbm>>) target(%arg12 : memref<400x64xf32, #tpu.memory_space<vmem>>) offsets(%arg10 : memref<400xi32, #tpu.memory_space<vmem>>) semaphore(%arg14 : memref<!tpu.dma_semaphore, #tpu.memory_space<semaphore_mem>>)
    %dma_start3A_16 = arith.constant 0 : i32
    %dma_start3A_17 = arith.constant 0 : i32
    %dma_start3A_18 = tpu.memref_slice %arg3[%dma_start3A_16, %dma_start3A_17] : memref<10008x64xf32, #tpu.memory_space<hbm>> -> memref<10008x64xf32, #tpu.memory_space<hbm>>
    tpu.enqueue_indirect_dma source(%dma_start3A_18 : memref<10008x64xf32, #tpu.memory_space<hbm>>) target(%arg13 : memref<400x64xf32, #tpu.memory_space<vmem>>) offsets(%arg11 : memref<400xi32, #tpu.memory_space<vmem>>) semaphore(%arg14 : memref<!tpu.dma_semaphore, #tpu.memory_space<semaphore_mem>>)
    %scan3A_19 = arith.constant 0 : i32
    %scan3A_20 = arith.constant 12 : i32
    %scan3A_21 = arith.addi %scan3A_19, %scan3A_20 : i32
    %scan3A_22 = arith.constant 1 : i32
    %scan3A_23:8 = scf.for %scan3A_69 = %scan3A_19 to %scan3A_21 step %scan3A_22 iter_args(%scan3A_70 = %broadcast_in_dim3A_5, %scan3A_71 = %broadcast_in_dim3A_5, %scan3A_72 = %broadcast_in_dim3A_5, %scan3A_73 = %broadcast_in_dim3A_5, %scan3A_74 = %broadcast_in_dim3A_5, %scan3A_75 = %broadcast_in_dim3A_5, %scan3A_76 = %broadcast_in_dim3A_5, %scan3A_77 = %broadcast_in_dim3A_5) -> (vector<16xf32>, vector<16xf32>, vector<16xf32>, vector<16xf32>, vector<16xf32>, vector<16xf32>, vector<16xf32>, vector<16xf32>)  : i32 {
      %mul3A_78 = arith.constant 2 : i32
      %mul3A_79 = arith.muli %mul3A_78, %scan3A_69 : i32
      %add3A_80 = arith.constant 1 : i32
      %add3A_81 = arith.addi %mul3A_79, %add3A_80 : i32
      %mul3A_82 = arith.constant 400 : i32
      %mul3A_83 = arith.muli %add3A_81, %mul3A_82 : i32
      %add3A_84 = arith.addi %mul3A_2, %mul3A_83 : i32
      "tpu.region"() ({
        %run_scoped3A = tpu.sem_alloc : memref<!tpu.dma_semaphore, #tpu.memory_space<semaphore_mem>>
        %dma_start3A_148 = tpu.memref_slice %arg4[%add3A_84] : memref<320000xi32, #tpu.memory_space<hbm>> -> memref<400xi32, #tpu.memory_space<hbm>>
        %dma_start3A_149 = tpu.memref_slice %arg4[%add3A_84] : memref<320000xi32, #tpu.memory_space<hbm>> -> memref<400xi32, #tpu.memory_space<hbm>>
        tpu.enqueue_dma source(%dma_start3A_149 : memref<400xi32, #tpu.memory_space<hbm>>) target(%arg8 : memref<400xi32, #tpu.memory_space<vmem>>) target_semaphore(%run_scoped3A : memref<!tpu.dma_semaphore, #tpu.memory_space<semaphore_mem>>)
        %dma_wait3A_150 = tpu.memref_slice %arg4[%add3A_84] : memref<320000xi32, #tpu.memory_space<hbm>> -> memref<400xi32, #tpu.memory_space<hbm>>
        %dma_wait3A_151 = tpu.memref_slice %arg4[%add3A_84] : memref<320000xi32, #tpu.memory_space<hbm>> -> memref<400xi32, #tpu.memory_space<hbm>>
        tpu.wait_dma2 semaphore(%run_scoped3A : memref<!tpu.dma_semaphore, #tpu.memory_space<semaphore_mem>>) src(%dma_wait3A_151 : memref<400xi32, #tpu.memory_space<hbm>>) dst(%arg8 : memref<400xi32, #tpu.memory_space<vmem>>)
        tpu.yield
      }) : () -> ()
      "tpu.region"() ({
        %run_scoped3A = tpu.sem_alloc : memref<!tpu.dma_semaphore, #tpu.memory_space<semaphore_mem>>
        %dma_start3A_148 = tpu.memref_slice %arg5[%add3A_84] : memref<320000xi32, #tpu.memory_space<hbm>> -> memref<400xi32, #tpu.memory_space<hbm>>
        %dma_start3A_149 = tpu.memref_slice %arg5[%add3A_84] : memref<320000xi32, #tpu.memory_space<hbm>> -> memref<400xi32, #tpu.memory_space<hbm>>
        tpu.enqueue_dma source(%dma_start3A_149 : memref<400xi32, #tpu.memory_space<hbm>>) target(%arg9 : memref<400xi32, #tpu.memory_space<vmem>>) target_semaphore(%run_scoped3A : memref<!tpu.dma_semaphore, #tpu.memory_space<semaphore_mem>>)
        %dma_wait3A_150 = tpu.memref_slice %arg5[%add3A_84] : memref<320000xi32, #tpu.memory_space<hbm>> -> memref<400xi32, #tpu.memory_space<hbm>>
        %dma_wait3A_151 = tpu.memref_slice %arg5[%add3A_84] : memref<320000xi32, #tpu.memory_space<hbm>> -> memref<400xi32, #tpu.memory_space<hbm>>
        tpu.wait_dma2 semaphore(%run_scoped3A : memref<!tpu.dma_semaphore, #tpu.memory_space<semaphore_mem>>) src(%dma_wait3A_151 : memref<400xi32, #tpu.memory_space<hbm>>) dst(%arg9 : memref<400xi32, #tpu.memory_space<vmem>>)
        tpu.yield
      }) : () -> ()
      %scan3A_85 = arith.constant 0 : i32
      %scan3A_86 = arith.constant 0 : i32
      %scan3A_87 = arith.constant 25 : i32
      %scan3A_88 = arith.addi %scan3A_86, %scan3A_87 : i32
      %scan3A_89 = arith.constant 1 : i32
      %scan3A_90 = scf.for %scan3A_148 = %scan3A_86 to %scan3A_88 step %scan3A_89 iter_args(%scan3A_149 = %scan3A_85) -> (i32)  : i32 {
        %mul3A_150 = arith.constant 16 : i32
        %mul3A_151 = arith.muli %scan3A_148, %mul3A_150 : i32
        %get3A = arith.index_cast %mul3A_151 : i32 to index
        %get3A_152 = tpu.vector_load %arg8[%get3A] {strides = array<i32>} : memref<400xi32, #tpu.memory_space<vmem>>, vector<16xi32>,
        %get3A_153 = vector.shape_cast %get3A_152 : vector<16xi32> to vector<16xi32>
        %get3A_154 = arith.index_cast %mul3A_151 : i32 to index
        %get3A_155 = tpu.vector_load %arg9[%get3A_154] {strides = array<i32>} : memref<400xi32, #tpu.memory_space<vmem>>, vector<16xi32>,
        %get3A_156 = vector.shape_cast %get3A_155 : vector<16xi32> to vector<16xi32>
        %eq3A = arith.cmpi eq, %get3A_153, %get3A_156 : vector<16xi32>
        %select_n3A = arith.select %eq3A, %broadcast_in_dim3A_3, %get3A_156 : vector<16xi1>, vector<16xi32>
        %swap3A_157 = arith.index_cast %mul3A_151 : i32 to index
        %swap3A_158 = tpu.vector_load %arg15[%swap3A_157] {strides = array<i32>} : memref<400xi32, #tpu.memory_space<vmem>>, vector<16xi32>,
        %swap3A_159 = vector.shape_cast %swap3A_158 : vector<16xi32> to vector<16xi32>
        %swap3A_160 = vector.shape_cast %select_n3A : vector<16xi32> to vector<16xi32>
        tpu.vector_store %arg15[%swap3A_157], %swap3A_160 {strides = array<i32>} : memref<400xi32, #tpu.memory_space<vmem>>, vector<16xi32>,
        %select_n3A_161 = arith.select %eq3A, %broadcast_in_dim3A_3, %get3A_153 : vector<16xi1>, vector<16xi32>
        %swap3A_162 = arith.index_cast %mul3A_151 : i32 to index
        %swap3A_163 = tpu.vector_load %arg16[%swap3A_162] {strides = array<i32>} : memref<400xi32, #tpu.memory_space<vmem>>, vector<16xi32>,
        %swap3A_164 = vector.shape_cast %swap3A_163 : vector<16xi32> to vector<16xi32>
        %swap3A_165 = vector.shape_cast %select_n3A_161 : vector<16xi32> to vector<16xi32>
        tpu.vector_store %arg16[%swap3A_162], %swap3A_165 {strides = array<i32>} : memref<400xi32, #tpu.memory_space<vmem>>, vector<16xi32>,
        %scan3A_166 = arith.constant 0 : i32
        scf.yield %scan3A_166 : i32
      }
      %scan3A_91 = arith.constant 25 : i32
      %dma_start3A_92 = arith.constant 0 : i32
      %dma_start3A_93 = arith.constant 0 : i32
      %dma_start3A_94 = tpu.memref_slice %arg2[%dma_start3A_92, %dma_start3A_93] : memref<10008x64xf32, #tpu.memory_space<hbm>> -> memref<10008x64xf32, #tpu.memory_space<hbm>>
      tpu.enqueue_indirect_dma source(%dma_start3A_94 : memref<10008x64xf32, #tpu.memory_space<hbm>>) target(%arg17 : memref<400x64xf32, #tpu.memory_space<vmem>>) offsets(%arg15 : memref<400xi32, #tpu.memory_space<vmem>>) semaphore(%arg19 : memref<!tpu.dma_semaphore, #tpu.memory_space<semaphore_mem>>)
      %dma_start3A_95 = arith.constant 0 : i32
      %dma_start3A_96 = arith.constant 0 : i32
      %dma_start3A_97 = tpu.memref_slice %arg3[%dma_start3A_95, %dma_start3A_96] : memref<10008x64xf32, #tpu.memory_space<hbm>> -> memref<10008x64xf32, #tpu.memory_space<hbm>>
      tpu.enqueue_indirect_dma source(%dma_start3A_97 : memref<10008x64xf32, #tpu.memory_space<hbm>>) target(%arg18 : memref<400x64xf32, #tpu.memory_space<vmem>>) offsets(%arg16 : memref<400xi32, #tpu.memory_space<vmem>>) semaphore(%arg19 : memref<!tpu.dma_semaphore, #tpu.memory_space<semaphore_mem>>)
      %mul3A_98 = arith.constant 400 : i32
      %mul3A_99 = arith.muli %mul3A_79, %mul3A_98 : i32
      %add3A_100 = arith.addi %mul3A_2, %mul3A_99 : i32
      %dma_wait3A_101 = arith.constant 0 : i32
      %dma_wait3A_102 = arith.constant 0 : i32
      %dma_wait3A_103 = tpu.memref_slice %arg2[%dma_wait3A_101, %dma_wait3A_102] : memref<10008x64xf32, #tpu.memory_space<hbm>> -> memref<10008x64xf32, #tpu.memory_space<hbm>>
      tpu.wait_indirect_dma semaphore(%arg14 : memref<!tpu.dma_semaphore, #tpu.memory_space<semaphore_mem>>) src(%dma_wait3A_103 : memref<10008x64xf32, #tpu.memory_space<hbm>>) dst(%arg12 : memref<400x64xf32, #tpu.memory_space<vmem>>)
      %dma_wait3A_104 = arith.constant 0 : i32
      %dma_wait3A_105 = arith.constant 0 : i32
      %dma_wait3A_106 = tpu.memref_slice %arg3[%dma_wait3A_104, %dma_wait3A_105] : memref<10008x64xf32, #tpu.memory_space<hbm>> -> memref<10008x64xf32, #tpu.memory_space<hbm>>
      tpu.wait_indirect_dma semaphore(%arg14 : memref<!tpu.dma_semaphore, #tpu.memory_space<semaphore_mem>>) src(%dma_wait3A_106 : memref<10008x64xf32, #tpu.memory_space<hbm>>) dst(%arg13 : memref<400x64xf32, #tpu.memory_space<vmem>>)
      %scan3A_107 = arith.constant 0 : i32
      %scan3A_108 = arith.constant 400 : i32
      %scan3A_109 = arith.addi %scan3A_107, %scan3A_108 : i32
      %scan3A_110 = arith.constant 1 : i32
      %scan3A_111:8 = scf.for %scan3A_148 = %scan3A_107 to %scan3A_109 step %scan3A_110 iter_args(%scan3A_149 = %scan3A_70, %scan3A_150 = %scan3A_71, %scan3A_151 = %scan3A_72, %scan3A_152 = %scan3A_73, %scan3A_153 = %scan3A_74, %scan3A_154 = %scan3A_75, %scan3A_155 = %scan3A_76, %scan3A_156 = %scan3A_77) -> (vector<16xf32>, vector<16xf32>, vector<16xf32>, vector<16xf32>, vector<16xf32>, vector<16xf32>, vector<16xf32>, vector<16xf32>)  : i32 {
        %get3A = arith.index_cast %scan3A_148 : i32 to index
        %get3A_157 = arith.constant 0 : index
        %get3A_158 = tpu.vector_load %arg12[%get3A, %get3A_157] {strides = array<i32>} : memref<400x64xf32, #tpu.memory_space<vmem>>, vector<1x16xf32>,
        %get3A_159 = vector.shape_cast %get3A_158 : vector<1x16xf32> to vector<16xf32>
        %get3A_160 = arith.index_cast %scan3A_148 : i32 to index
        %get3A_161 = arith.constant 0 : index
        %get3A_162 = tpu.vector_load %arg13[%get3A_160, %get3A_161] {strides = array<i32>} : memref<400x64xf32, #tpu.memory_space<vmem>>, vector<1x16xf32>,
        %get3A_163 = vector.shape_cast %get3A_162 : vector<1x16xf32> to vector<16xf32>
        %add3A_164 = arith.addf %get3A_159, %get3A_163 : vector<16xf32>
        %max3A = arith.constant 0.000000e+00 : f32
        %max3A_165 = vector.broadcast %max3A : f32 to vector<16xf32>
        %max3A_166 = arith.maximumf %add3A_164, %max3A_165 : vector<16xf32>
        %swap3A_167 = arith.index_cast %scan3A_148 : i32 to index
        %swap3A_168 = arith.constant 0 : index
        %swap3A_169 = tpu.vector_load %arg12[%swap3A_167, %swap3A_168] {strides = array<i32>} : memref<400x64xf32, #tpu.memory_space<vmem>>, vector<1x16xf32>,
        %swap3A_170 = vector.shape_cast %swap3A_169 : vector<1x16xf32> to vector<16xf32>
        %swap3A_171 = vector.shape_cast %max3A_166 : vector<16xf32> to vector<1x16xf32>
        tpu.vector_store %arg12[%swap3A_167, %swap3A_168], %swap3A_171 {strides = array<i32>} : memref<400x64xf32, #tpu.memory_space<vmem>>, vector<1x16xf32>,
        %add3A_172 = arith.addf %scan3A_149, %max3A_166 : vector<16xf32>
        %mul3A_173 = arith.mulf %max3A_166, %max3A_166 : vector<16xf32>
        %add3A_174 = arith.addf %scan3A_153, %mul3A_173 : vector<16xf32>
        %get3A_175 = arith.index_cast %scan3A_148 : i32 to index
        %get3A_176 = arith.constant 16 : index
        %get3A_177 = tpu.vector_load %arg12[%get3A_175, %get3A_176] {strides = array<i32>} : memref<400x64xf32, #tpu.memory_space<vmem>>, vector<1x16xf32>,
        %get3A_178 = vector.shape_cast %get3A_177 : vector<1x16xf32> to vector<16xf32>
        %get3A_179 = arith.index_cast %scan3A_148 : i32 to index
        %get3A_180 = arith.constant 16 : index
        %get3A_181 = tpu.vector_load %arg13[%get3A_179, %get3A_180] {strides = array<i32>} : memref<400x64xf32, #tpu.memory_space<vmem>>, vector<1x16xf32>,
        %get3A_182 = vector.shape_cast %get3A_181 : vector<1x16xf32> to vector<16xf32>
        %add3A_183 = arith.addf %get3A_178, %get3A_182 : vector<16xf32>
        %max3A_184 = arith.constant 0.000000e+00 : f32
        %max3A_185 = vector.broadcast %max3A_184 : f32 to vector<16xf32>
        %max3A_186 = arith.maximumf %add3A_183, %max3A_185 : vector<16xf32>
        %swap3A_187 = arith.index_cast %scan3A_148 : i32 to index
        %swap3A_188 = arith.constant 16 : index
        %swap3A_189 = tpu.vector_load %arg12[%swap3A_187, %swap3A_188] {strides = array<i32>} : memref<400x64xf32, #tpu.memory_space<vmem>>, vector<1x16xf32>,
        %swap3A_190 = vector.shape_cast %swap3A_189 : vector<1x16xf32> to vector<16xf32>
        %swap3A_191 = vector.shape_cast %max3A_186 : vector<16xf32> to vector<1x16xf32>
        tpu.vector_store %arg12[%swap3A_187, %swap3A_188], %swap3A_191 {strides = array<i32>} : memref<400x64xf32, #tpu.memory_space<vmem>>, vector<1x16xf32>,
        %add3A_192 = arith.addf %scan3A_150, %max3A_186 : vector<16xf32>
        %mul3A_193 = arith.mulf %max3A_186, %max3A_186 : vector<16xf32>
        %add3A_194 = arith.addf %scan3A_154, %mul3A_193 : vector<16xf32>
        %get3A_195 = arith.index_cast %scan3A_148 : i32 to index
        %get3A_196 = arith.constant 32 : index
        %get3A_197 = tpu.vector_load %arg12[%get3A_195, %get3A_196] {strides = array<i32>} : memref<400x64xf32, #tpu.memory_space<vmem>>, vector<1x16xf32>,
        %get3A_198 = vector.shape_cast %get3A_197 : vector<1x16xf32> to vector<16xf32>
        %get3A_199 = arith.index_cast %scan3A_148 : i32 to index
        %get3A_200 = arith.constant 32 : index
        %get3A_201 = tpu.vector_load %arg13[%get3A_199, %get3A_200] {strides = array<i32>} : memref<400x64xf32, #tpu.memory_space<vmem>>, vector<1x16xf32>,
        %get3A_202 = vector.shape_cast %get3A_201 : vector<1x16xf32> to vector<16xf32>
        %add3A_203 = arith.addf %get3A_198, %get3A_202 : vector<16xf32>
        %max3A_204 = arith.constant 0.000000e+00 : f32
        %max3A_205 = vector.broadcast %max3A_204 : f32 to vector<16xf32>
        %max3A_206 = arith.maximumf %add3A_203, %max3A_205 : vector<16xf32>
        %swap3A_207 = arith.index_cast %scan3A_148 : i32 to index
        %swap3A_208 = arith.constant 32 : index
        %swap3A_209 = tpu.vector_load %arg12[%swap3A_207, %swap3A_208] {strides = array<i32>} : memref<400x64xf32, #tpu.memory_space<vmem>>, vector<1x16xf32>,
        %swap3A_210 = vector.shape_cast %swap3A_209 : vector<1x16xf32> to vector<16xf32>
        %swap3A_211 = vector.shape_cast %max3A_206 : vector<16xf32> to vector<1x16xf32>
        tpu.vector_store %arg12[%swap3A_207, %swap3A_208], %swap3A_211 {strides = array<i32>} : memref<400x64xf32, #tpu.memory_space<vmem>>, vector<1x16xf32>,
        %add3A_212 = arith.addf %scan3A_151, %max3A_206 : vector<16xf32>
        %mul3A_213 = arith.mulf %max3A_206, %max3A_206 : vector<16xf32>
        %add3A_214 = arith.addf %scan3A_155, %mul3A_213 : vector<16xf32>
        %get3A_215 = arith.index_cast %scan3A_148 : i32 to index
        %get3A_216 = arith.constant 48 : index
        %get3A_217 = tpu.vector_load %arg12[%get3A_215, %get3A_216] {strides = array<i32>} : memref<400x64xf32, #tpu.memory_space<vmem>>, vector<1x16xf32>,
        %get3A_218 = vector.shape_cast %get3A_217 : vector<1x16xf32> to vector<16xf32>
        %get3A_219 = arith.index_cast %scan3A_148 : i32 to index
        %get3A_220 = arith.constant 48 : index
        %get3A_221 = tpu.vector_load %arg13[%get3A_219, %get3A_220] {strides = array<i32>} : memref<400x64xf32, #tpu.memory_space<vmem>>, vector<1x16xf32>,
        %get3A_222 = vector.shape_cast %get3A_221 : vector<1x16xf32> to vector<16xf32>
        %add3A_223 = arith.addf %get3A_218, %get3A_222 : vector<16xf32>
        %max3A_224 = arith.constant 0.000000e+00 : f32
        %max3A_225 = vector.broadcast %max3A_224 : f32 to vector<16xf32>
        %max3A_226 = arith.maximumf %add3A_223, %max3A_225 : vector<16xf32>
        %swap3A_227 = arith.index_cast %scan3A_148 : i32 to index
        %swap3A_228 = arith.constant 48 : index
        %swap3A_229 = tpu.vector_load %arg12[%swap3A_227, %swap3A_228] {strides = array<i32>} : memref<400x64xf32, #tpu.memory_space<vmem>>, vector<1x16xf32>,
        %swap3A_230 = vector.shape_cast %swap3A_229 : vector<1x16xf32> to vector<16xf32>
        %swap3A_231 = vector.shape_cast %max3A_226 : vector<16xf32> to vector<1x16xf32>
        tpu.vector_store %arg12[%swap3A_227, %swap3A_228], %swap3A_231 {strides = array<i32>} : memref<400x64xf32, #tpu.memory_space<vmem>>, vector<1x16xf32>,
        %add3A_232 = arith.addf %scan3A_152, %max3A_226 : vector<16xf32>
        %mul3A_233 = arith.mulf %max3A_226, %max3A_226 : vector<16xf32>
        %add3A_234 = arith.addf %scan3A_156, %mul3A_233 : vector<16xf32>
        scf.yield %add3A_172, %add3A_192, %add3A_212, %add3A_232, %add3A_174, %add3A_194, %add3A_214, %add3A_234 : vector<16xf32>, vector<16xf32>, vector<16xf32>, vector<16xf32>, vector<16xf32>, vector<16xf32>, vector<16xf32>, vector<16xf32>
      }
      %scan3A_112 = arith.constant 400 : i32
      "tpu.region"() ({
        %run_scoped3A = tpu.sem_alloc : memref<!tpu.dma_semaphore, #tpu.memory_space<semaphore_mem>>
        %dma_start3A_148 = arith.constant 0 : i32
        %dma_start3A_149 = tpu.memref_slice %arg6[%add3A_100, %dma_start3A_148] : memref<320000x64xf32, #tpu.memory_space<hbm>> -> memref<400x64xf32, #tpu.memory_space<hbm>>
        %dma_start3A_150 = arith.constant 0 : i32
        %dma_start3A_151 = tpu.memref_slice %arg6[%add3A_100, %dma_start3A_150] : memref<320000x64xf32, #tpu.memory_space<hbm>> -> memref<400x64xf32, #tpu.memory_space<hbm>>
        tpu.enqueue_dma source(%arg12 : memref<400x64xf32, #tpu.memory_space<vmem>>) target(%dma_start3A_151 : memref<400x64xf32, #tpu.memory_space<hbm>>) target_semaphore(%run_scoped3A : memref<!tpu.dma_semaphore, #tpu.memory_space<semaphore_mem>>)
        %dma_wait3A_152 = arith.constant 0 : i32
        %dma_wait3A_153 = tpu.memref_slice %arg6[%add3A_100, %dma_wait3A_152] : memref<320000x64xf32, #tpu.memory_space<hbm>> -> memref<400x64xf32, #tpu.memory_space<hbm>>
        %dma_wait3A_154 = arith.constant 0 : i32
        %dma_wait3A_155 = tpu.memref_slice %arg6[%add3A_100, %dma_wait3A_154] : memref<320000x64xf32, #tpu.memory_space<hbm>> -> memref<400x64xf32, #tpu.memory_space<hbm>>
        tpu.wait_dma2 semaphore(%run_scoped3A : memref<!tpu.dma_semaphore, #tpu.memory_space<semaphore_mem>>) src(%arg12 : memref<400x64xf32, #tpu.memory_space<vmem>>) dst(%dma_wait3A_155 : memref<400x64xf32, #tpu.memory_space<hbm>>)
        tpu.yield
      }) : () -> ()
      %add3A_113 = arith.constant 2 : i32
      %add3A_114 = arith.addi %mul3A_79, %add3A_113 : i32
      %mul3A_115 = arith.constant 400 : i32
      %mul3A_116 = arith.muli %add3A_114, %mul3A_115 : i32
      %add3A_117 = arith.addi %mul3A_2, %mul3A_116 : i32
      "tpu.region"() ({
        %run_scoped3A = tpu.sem_alloc : memref<!tpu.dma_semaphore, #tpu.memory_space<semaphore_mem>>
        %dma_start3A_148 = tpu.memref_slice %arg4[%add3A_117] : memref<320000xi32, #tpu.memory_space<hbm>> -> memref<400xi32, #tpu.memory_space<hbm>>
        %dma_start3A_149 = tpu.memref_slice %arg4[%add3A_117] : memref<320000xi32, #tpu.memory_space<hbm>> -> memref<400xi32, #tpu.memory_space<hbm>>
        tpu.enqueue_dma source(%dma_start3A_149 : memref<400xi32, #tpu.memory_space<hbm>>) target(%arg8 : memref<400xi32, #tpu.memory_space<vmem>>) target_semaphore(%run_scoped3A : memref<!tpu.dma_semaphore, #tpu.memory_space<semaphore_mem>>)
        %dma_wait3A_150 = tpu.memref_slice %arg4[%add3A_117] : memref<320000xi32, #tpu.memory_space<hbm>> -> memref<400xi32, #tpu.memory_space<hbm>>
        %dma_wait3A_151 = tpu.memref_slice %arg4[%add3A_117] : memref<320000xi32, #tpu.memory_space<hbm>> -> memref<400xi32, #tpu.memory_space<hbm>>
        tpu.wait_dma2 semaphore(%run_scoped3A : memref<!tpu.dma_semaphore, #tpu.memory_space<semaphore_mem>>) src(%dma_wait3A_151 : memref<400xi32, #tpu.memory_space<hbm>>) dst(%arg8 : memref<400xi32, #tpu.memory_space<vmem>>)
        tpu.yield
      }) : () -> ()
      "tpu.region"() ({
        %run_scoped3A = tpu.sem_alloc : memref<!tpu.dma_semaphore, #tpu.memory_space<semaphore_mem>>
        %dma_start3A_148 = tpu.memref_slice %arg5[%add3A_117] : memref<320000xi32, #tpu.memory_space<hbm>> -> memref<400xi32, #tpu.memory_space<hbm>>
        %dma_start3A_149 = tpu.memref_slice %arg5[%add3A_117] : memref<320000xi32, #tpu.memory_space<hbm>> -> memref<400xi32, #tpu.memory_space<hbm>>
        tpu.enqueue_dma source(%dma_start3A_149 : memref<400xi32, #tpu.memory_space<hbm>>) target(%arg9 : memref<400xi32, #tpu.memory_space<vmem>>) target_semaphore(%run_scoped3A : memref<!tpu.dma_semaphore, #tpu.memory_space<semaphore_mem>>)
        %dma_wait3A_150 = tpu.memref_slice %arg5[%add3A_117] : memref<320000xi32, #tpu.memory_space<hbm>> -> memref<400xi32, #tpu.memory_space<hbm>>
        %dma_wait3A_151 = tpu.memref_slice %arg5[%add3A_117] : memref<320000xi32, #tpu.memory_space<hbm>> -> memref<400xi32, #tpu.memory_space<hbm>>
        tpu.wait_dma2 semaphore(%run_scoped3A : memref<!tpu.dma_semaphore, #tpu.memory_space<semaphore_mem>>) src(%dma_wait3A_151 : memref<400xi32, #tpu.memory_space<hbm>>) dst(%arg9 : memref<400xi32, #tpu.memory_space<vmem>>)
        tpu.yield
      }) : () -> ()
      %scan3A_118 = arith.constant 0 : i32
      %scan3A_119 = arith.constant 0 : i32
      %scan3A_120 = arith.constant 25 : i32
      %scan3A_121 = arith.addi %scan3A_119, %scan3A_120 : i32
      %scan3A_122 = arith.constant 1 : i32
      %scan3A_123 = scf.for %scan3A_148 = %scan3A_119 to %scan3A_121 step %scan3A_122 iter_args(%scan3A_149 = %scan3A_118) -> (i32)  : i32 {
        %mul3A_150 = arith.constant 16 : i32
        %mul3A_151 = arith.muli %scan3A_148, %mul3A_150 : i32
        %get3A = arith.index_cast %mul3A_151 : i32 to index
        %get3A_152 = tpu.vector_load %arg8[%get3A] {strides = array<i32>} : memref<400xi32, #tpu.memory_space<vmem>>, vector<16xi32>,
        %get3A_153 = vector.shape_cast %get3A_152 : vector<16xi32> to vector<16xi32>
        %get3A_154 = arith.index_cast %mul3A_151 : i32 to index
        %get3A_155 = tpu.vector_load %arg9[%get3A_154] {strides = array<i32>} : memref<400xi32, #tpu.memory_space<vmem>>, vector<16xi32>,
        %get3A_156 = vector.shape_cast %get3A_155 : vector<16xi32> to vector<16xi32>
        %eq3A = arith.cmpi eq, %get3A_153, %get3A_156 : vector<16xi32>
        %select_n3A = arith.select %eq3A, %broadcast_in_dim3A_3, %get3A_156 : vector<16xi1>, vector<16xi32>
        %swap3A_157 = arith.index_cast %mul3A_151 : i32 to index
        %swap3A_158 = tpu.vector_load %arg10[%swap3A_157] {strides = array<i32>} : memref<400xi32, #tpu.memory_space<vmem>>, vector<16xi32>,
        %swap3A_159 = vector.shape_cast %swap3A_158 : vector<16xi32> to vector<16xi32>
        %swap3A_160 = vector.shape_cast %select_n3A : vector<16xi32> to vector<16xi32>
        tpu.vector_store %arg10[%swap3A_157], %swap3A_160 {strides = array<i32>} : memref<400xi32, #tpu.memory_space<vmem>>, vector<16xi32>,
        %select_n3A_161 = arith.select %eq3A, %broadcast_in_dim3A_3, %get3A_153 : vector<16xi1>, vector<16xi32>
        %swap3A_162 = arith.index_cast %mul3A_151 : i32 to index
        %swap3A_163 = tpu.vector_load %arg11[%swap3A_162] {strides = array<i32>} : memref<400xi32, #tpu.memory_space<vmem>>, vector<16xi32>,
        %swap3A_164 = vector.shape_cast %swap3A_163 : vector<16xi32> to vector<16xi32>
        %swap3A_165 = vector.shape_cast %select_n3A_161 : vector<16xi32> to vector<16xi32>
        tpu.vector_store %arg11[%swap3A_162], %swap3A_165 {strides = array<i32>} : memref<400xi32, #tpu.memory_space<vmem>>, vector<16xi32>,
        %scan3A_166 = arith.constant 0 : i32
        scf.yield %scan3A_166 : i32
      }
      %scan3A_124 = arith.constant 25 : i32
      %dma_start3A_125 = arith.constant 0 : i32
      %dma_start3A_126 = arith.constant 0 : i32
      %dma_start3A_127 = tpu.memref_slice %arg2[%dma_start3A_125, %dma_start3A_126] : memref<10008x64xf32, #tpu.memory_space<hbm>> -> memref<10008x64xf32, #tpu.memory_space<hbm>>
      tpu.enqueue_indirect_dma source(%dma_start3A_127 : memref<10008x64xf32, #tpu.memory_space<hbm>>) target(%arg12 : memref<400x64xf32, #tpu.memory_space<vmem>>) offsets(%arg10 : memref<400xi32, #tpu.memory_space<vmem>>) semaphore(%arg14 : memref<!tpu.dma_semaphore, #tpu.memory_space<semaphore_mem>>)
      %dma_start3A_128 = arith.constant 0 : i32
      %dma_start3A_129 = arith.constant 0 : i32
      %dma_start3A_130 = tpu.memref_slice %arg3[%dma_start3A_128, %dma_start3A_129] : memref<10008x64xf32, #tpu.memory_space<hbm>> -> memref<10008x64xf32, #tpu.memory_space<hbm>>
      tpu.enqueue_indirect_dma source(%dma_start3A_130 : memref<10008x64xf32, #tpu.memory_space<hbm>>) target(%arg13 : memref<400x64xf32, #tpu.memory_space<vmem>>) offsets(%arg11 : memref<400xi32, #tpu.memory_space<vmem>>) semaphore(%arg14 : memref<!tpu.dma_semaphore, #tpu.memory_space<semaphore_mem>>)
      %add3A_131 = arith.constant 1 : i32
      %add3A_132 = arith.addi %mul3A_79, %add3A_131 : i32
      %mul3A_133 = arith.constant 400 : i32
      %mul3A_134 = arith.muli %add3A_132, %mul3A_133 : i32
      %add3A_135 = arith.addi %mul3A_2, %mul3A_134 : i32
      %dma_wait3A_136 = arith.constant 0 : i32
      %dma_wait3A_137 = arith.constant 0 : i32
      %dma_wait3A_138 = tpu.memref_slice %arg2[%dma_wait3A_136, %dma_wait3A_137] : memref<10008x64xf32, #tpu.memory_space<hbm>> -> memref<10008x64xf32, #tpu.memory_space<hbm>>
      tpu.wait_indirect_dma semaphore(%arg19 : memref<!tpu.dma_semaphore, #tpu.memory_space<semaphore_mem>>) src(%dma_wait3A_138 : memref<10008x64xf32, #tpu.memory_space<hbm>>) dst(%arg17 : memref<400x64xf32, #tpu.memory_space<vmem>>)
      %dma_wait3A_139 = arith.constant 0 : i32
      %dma_wait3A_140 = arith.constant 0 : i32
      %dma_wait3A_141 = tpu.memref_slice %arg3[%dma_wait3A_139, %dma_wait3A_140] : memref<10008x64xf32, #tpu.memory_space<hbm>> -> memref<10008x64xf32, #tpu.memory_space<hbm>>
      tpu.wait_indirect_dma semaphore(%arg19 : memref<!tpu.dma_semaphore, #tpu.memory_space<semaphore_mem>>) src(%dma_wait3A_141 : memref<10008x64xf32, #tpu.memory_space<hbm>>) dst(%arg18 : memref<400x64xf32, #tpu.memory_space<vmem>>)
      %scan3A_142 = arith.constant 0 : i32
      %scan3A_143 = arith.constant 400 : i32
      %scan3A_144 = arith.addi %scan3A_142, %scan3A_143 : i32
      %scan3A_145 = arith.constant 1 : i32
      %scan3A_146:8 = scf.for %scan3A_148 = %scan3A_142 to %scan3A_144 step %scan3A_145 iter_args(%scan3A_149 = %scan3A_111#0, %scan3A_150 = %scan3A_111#1, %scan3A_151 = %scan3A_111#2, %scan3A_152 = %scan3A_111#3, %scan3A_153 = %scan3A_111#4, %scan3A_154 = %scan3A_111#5, %scan3A_155 = %scan3A_111#6, %scan3A_156 = %scan3A_111#7) -> (vector<16xf32>, vector<16xf32>, vector<16xf32>, vector<16xf32>, vector<16xf32>, vector<16xf32>, vector<16xf32>, vector<16xf32>)  : i32 {
        %get3A = arith.index_cast %scan3A_148 : i32 to index
        %get3A_157 = arith.constant 0 : index
        %get3A_158 = tpu.vector_load %arg17[%get3A, %get3A_157] {strides = array<i32>} : memref<400x64xf32, #tpu.memory_space<vmem>>, vector<1x16xf32>,
        %get3A_159 = vector.shape_cast %get3A_158 : vector<1x16xf32> to vector<16xf32>
        %get3A_160 = arith.index_cast %scan3A_148 : i32 to index
        %get3A_161 = arith.constant 0 : index
        %get3A_162 = tpu.vector_load %arg18[%get3A_160, %get3A_161] {strides = array<i32>} : memref<400x64xf32, #tpu.memory_space<vmem>>, vector<1x16xf32>,
        %get3A_163 = vector.shape_cast %get3A_162 : vector<1x16xf32> to vector<16xf32>
        %add3A_164 = arith.addf %get3A_159, %get3A_163 : vector<16xf32>
        %max3A = arith.constant 0.000000e+00 : f32
        %max3A_165 = vector.broadcast %max3A : f32 to vector<16xf32>
        %max3A_166 = arith.maximumf %add3A_164, %max3A_165 : vector<16xf32>
        %swap3A_167 = arith.index_cast %scan3A_148 : i32 to index
        %swap3A_168 = arith.constant 0 : index
        %swap3A_169 = tpu.vector_load %arg17[%swap3A_167, %swap3A_168] {strides = array<i32>} : memref<400x64xf32, #tpu.memory_space<vmem>>, vector<1x16xf32>,
        %swap3A_170 = vector.shape_cast %swap3A_169 : vector<1x16xf32> to vector<16xf32>
        %swap3A_171 = vector.shape_cast %max3A_166 : vector<16xf32> to vector<1x16xf32>
        tpu.vector_store %arg17[%swap3A_167, %swap3A_168], %swap3A_171 {strides = array<i32>} : memref<400x64xf32, #tpu.memory_space<vmem>>, vector<1x16xf32>,
        %add3A_172 = arith.addf %scan3A_149, %max3A_166 : vector<16xf32>
        %mul3A_173 = arith.mulf %max3A_166, %max3A_166 : vector<16xf32>
        %add3A_174 = arith.addf %scan3A_153, %mul3A_173 : vector<16xf32>
        %get3A_175 = arith.index_cast %scan3A_148 : i32 to index
        %get3A_176 = arith.constant 16 : index
        %get3A_177 = tpu.vector_load %arg17[%get3A_175, %get3A_176] {strides = array<i32>} : memref<400x64xf32, #tpu.memory_space<vmem>>, vector<1x16xf32>,
        %get3A_178 = vector.shape_cast %get3A_177 : vector<1x16xf32> to vector<16xf32>
        %get3A_179 = arith.index_cast %scan3A_148 : i32 to index
        %get3A_180 = arith.constant 16 : index
        %get3A_181 = tpu.vector_load %arg18[%get3A_179, %get3A_180] {strides = array<i32>} : memref<400x64xf32, #tpu.memory_space<vmem>>, vector<1x16xf32>,
        %get3A_182 = vector.shape_cast %get3A_181 : vector<1x16xf32> to vector<16xf32>
        %add3A_183 = arith.addf %get3A_178, %get3A_182 : vector<16xf32>
        %max3A_184 = arith.constant 0.000000e+00 : f32
        %max3A_185 = vector.broadcast %max3A_184 : f32 to vector<16xf32>
        %max3A_186 = arith.maximumf %add3A_183, %max3A_185 : vector<16xf32>
        %swap3A_187 = arith.index_cast %scan3A_148 : i32 to index
        %swap3A_188 = arith.constant 16 : index
        %swap3A_189 = tpu.vector_load %arg17[%swap3A_187, %swap3A_188] {strides = array<i32>} : memref<400x64xf32, #tpu.memory_space<vmem>>, vector<1x16xf32>,
        %swap3A_190 = vector.shape_cast %swap3A_189 : vector<1x16xf32> to vector<16xf32>
        %swap3A_191 = vector.shape_cast %max3A_186 : vector<16xf32> to vector<1x16xf32>
        tpu.vector_store %arg17[%swap3A_187, %swap3A_188], %swap3A_191 {strides = array<i32>} : memref<400x64xf32, #tpu.memory_space<vmem>>, vector<1x16xf32>,
        %add3A_192 = arith.addf %scan3A_150, %max3A_186 : vector<16xf32>
        %mul3A_193 = arith.mulf %max3A_186, %max3A_186 : vector<16xf32>
        %add3A_194 = arith.addf %scan3A_154, %mul3A_193 : vector<16xf32>
        %get3A_195 = arith.index_cast %scan3A_148 : i32 to index
        %get3A_196 = arith.constant 32 : index
        %get3A_197 = tpu.vector_load %arg17[%get3A_195, %get3A_196] {strides = array<i32>} : memref<400x64xf32, #tpu.memory_space<vmem>>, vector<1x16xf32>,
        %get3A_198 = vector.shape_cast %get3A_197 : vector<1x16xf32> to vector<16xf32>
        %get3A_199 = arith.index_cast %scan3A_148 : i32 to index
        %get3A_200 = arith.constant 32 : index
        %get3A_201 = tpu.vector_load %arg18[%get3A_199, %get3A_200] {strides = array<i32>} : memref<400x64xf32, #tpu.memory_space<vmem>>, vector<1x16xf32>,
        %get3A_202 = vector.shape_cast %get3A_201 : vector<1x16xf32> to vector<16xf32>
        %add3A_203 = arith.addf %get3A_198, %get3A_202 : vector<16xf32>
        %max3A_204 = arith.constant 0.000000e+00 : f32
        %max3A_205 = vector.broadcast %max3A_204 : f32 to vector<16xf32>
        %max3A_206 = arith.maximumf %add3A_203, %max3A_205 : vector<16xf32>
        %swap3A_207 = arith.index_cast %scan3A_148 : i32 to index
        %swap3A_208 = arith.constant 32 : index
        %swap3A_209 = tpu.vector_load %arg17[%swap3A_207, %swap3A_208] {strides = array<i32>} : memref<400x64xf32, #tpu.memory_space<vmem>>, vector<1x16xf32>,
        %swap3A_210 = vector.shape_cast %swap3A_209 : vector<1x16xf32> to vector<16xf32>
        %swap3A_211 = vector.shape_cast %max3A_206 : vector<16xf32> to vector<1x16xf32>
        tpu.vector_store %arg17[%swap3A_207, %swap3A_208], %swap3A_211 {strides = array<i32>} : memref<400x64xf32, #tpu.memory_space<vmem>>, vector<1x16xf32>,
        %add3A_212 = arith.addf %scan3A_151, %max3A_206 : vector<16xf32>
        %mul3A_213 = arith.mulf %max3A_206, %max3A_206 : vector<16xf32>
        %add3A_214 = arith.addf %scan3A_155, %mul3A_213 : vector<16xf32>
        %get3A_215 = arith.index_cast %scan3A_148 : i32 to index
        %get3A_216 = arith.constant 48 : index
        %get3A_217 = tpu.vector_load %arg17[%get3A_215, %get3A_216] {strides = array<i32>} : memref<400x64xf32, #tpu.memory_space<vmem>>, vector<1x16xf32>,
        %get3A_218 = vector.shape_cast %get3A_217 : vector<1x16xf32> to vector<16xf32>
        %get3A_219 = arith.index_cast %scan3A_148 : i32 to index
        %get3A_220 = arith.constant 48 : index
        %get3A_221 = tpu.vector_load %arg18[%get3A_219, %get3A_220] {strides = array<i32>} : memref<400x64xf32, #tpu.memory_space<vmem>>, vector<1x16xf32>,
        %get3A_222 = vector.shape_cast %get3A_221 : vector<1x16xf32> to vector<16xf32>
        %add3A_223 = arith.addf %get3A_218, %get3A_222 : vector<16xf32>
        %max3A_224 = arith.constant 0.000000e+00 : f32
        %max3A_225 = vector.broadcast %max3A_224 : f32 to vector<16xf32>
        %max3A_226 = arith.maximumf %add3A_223, %max3A_225 : vector<16xf32>
        %swap3A_227 = arith.index_cast %scan3A_148 : i32 to index
        %swap3A_228 = arith.constant 48 : index
        %swap3A_229 = tpu.vector_load %arg17[%swap3A_227, %swap3A_228] {strides = array<i32>} : memref<400x64xf32, #tpu.memory_space<vmem>>, vector<1x16xf32>,
        %swap3A_230 = vector.shape_cast %swap3A_229 : vector<1x16xf32> to vector<16xf32>
        %swap3A_231 = vector.shape_cast %max3A_226 : vector<16xf32> to vector<1x16xf32>
        tpu.vector_store %arg17[%swap3A_227, %swap3A_228], %swap3A_231 {strides = array<i32>} : memref<400x64xf32, #tpu.memory_space<vmem>>, vector<1x16xf32>,
        %add3A_232 = arith.addf %scan3A_152, %max3A_226 : vector<16xf32>
        %mul3A_233 = arith.mulf %max3A_226, %max3A_226 : vector<16xf32>
        %add3A_234 = arith.addf %scan3A_156, %mul3A_233 : vector<16xf32>
        scf.yield %add3A_172, %add3A_192, %add3A_212, %add3A_232, %add3A_174, %add3A_194, %add3A_214, %add3A_234 : vector<16xf32>, vector<16xf32>, vector<16xf32>, vector<16xf32>, vector<16xf32>, vector<16xf32>, vector<16xf32>, vector<16xf32>
      }
      %scan3A_147 = arith.constant 400 : i32
      "tpu.region"() ({
        %run_scoped3A = tpu.sem_alloc : memref<!tpu.dma_semaphore, #tpu.memory_space<semaphore_mem>>
        %dma_start3A_148 = arith.constant 0 : i32
        %dma_start3A_149 = tpu.memref_slice %arg6[%add3A_135, %dma_start3A_148] : memref<320000x64xf32, #tpu.memory_space<hbm>> -> memref<400x64xf32, #tpu.memory_space<hbm>>
        %dma_start3A_150 = arith.constant 0 : i32
        %dma_start3A_151 = tpu.memref_slice %arg6[%add3A_135, %dma_start3A_150] : memref<320000x64xf32, #tpu.memory_space<hbm>> -> memref<400x64xf32, #tpu.memory_space<hbm>>
        tpu.enqueue_dma source(%arg17 : memref<400x64xf32, #tpu.memory_space<vmem>>) target(%dma_start3A_151 : memref<400x64xf32, #tpu.memory_space<hbm>>) target_semaphore(%run_scoped3A : memref<!tpu.dma_semaphore, #tpu.memory_space<semaphore_mem>>)
        %dma_wait3A_152 = arith.constant 0 : i32
        %dma_wait3A_153 = tpu.memref_slice %arg6[%add3A_135, %dma_wait3A_152] : memref<320000x64xf32, #tpu.memory_space<hbm>> -> memref<400x64xf32, #tpu.memory_space<hbm>>
        %dma_wait3A_154 = arith.constant 0 : i32
        %dma_wait3A_155 = tpu.memref_slice %arg6[%add3A_135, %dma_wait3A_154] : memref<320000x64xf32, #tpu.memory_space<hbm>> -> memref<400x64xf32, #tpu.memory_space<hbm>>
        tpu.wait_dma2 semaphore(%run_scoped3A : memref<!tpu.dma_semaphore, #tpu.memory_space<semaphore_mem>>) src(%arg17 : memref<400x64xf32, #tpu.memory_space<vmem>>) dst(%dma_wait3A_155 : memref<400x64xf32, #tpu.memory_space<hbm>>)
        tpu.yield
      }) : () -> ()
      scf.yield %scan3A_146#0, %scan3A_146#1, %scan3A_146#2, %scan3A_146#3, %scan3A_146#4, %scan3A_146#5, %scan3A_146#6, %scan3A_146#7 : vector<16xf32>, vector<16xf32>, vector<16xf32>, vector<16xf32>, vector<16xf32>, vector<16xf32>, vector<16xf32>, vector<16xf32>
    }
    %scan3A_24 = arith.constant 12 : i32
    %add3A_25 = arith.constant 9600 : i32
    %add3A_26 = arith.addi %mul3A_2, %add3A_25 : i32
    %dma_wait3A = arith.constant 0 : i32
    %dma_wait3A_27 = arith.constant 0 : i32
    %dma_wait3A_28 = tpu.memref_slice %arg2[%dma_wait3A, %dma_wait3A_27] : memref<10008x64xf32, #tpu.memory_space<hbm>> -> memref<10008x64xf32, #tpu.memory_space<hbm>>
    tpu.wait_indirect_dma semaphore(%arg14 : memref<!tpu.dma_semaphore, #tpu.memory_space<semaphore_mem>>) src(%dma_wait3A_28 : memref<10008x64xf32, #tpu.memory_space<hbm>>) dst(%arg12 : memref<400x64xf32, #tpu.memory_space<vmem>>)
    %dma_wait3A_29 = arith.constant 0 : i32
    %dma_wait3A_30 = arith.constant 0 : i32
    %dma_wait3A_31 = tpu.memref_slice %arg3[%dma_wait3A_29, %dma_wait3A_30] : memref<10008x64xf32, #tpu.memory_space<hbm>> -> memref<10008x64xf32, #tpu.memory_space<hbm>>
    tpu.wait_indirect_dma semaphore(%arg14 : memref<!tpu.dma_semaphore, #tpu.memory_space<semaphore_mem>>) src(%dma_wait3A_31 : memref<10008x64xf32, #tpu.memory_space<hbm>>) dst(%arg13 : memref<400x64xf32, #tpu.memory_space<vmem>>)
    %scan3A_32 = arith.constant 0 : i32
    %scan3A_33 = arith.constant 400 : i32
    %scan3A_34 = arith.addi %scan3A_32, %scan3A_33 : i32
    %scan3A_35 = arith.constant 1 : i32
    %scan3A_36:8 = scf.for %scan3A_69 = %scan3A_32 to %scan3A_34 step %scan3A_35 iter_args(%scan3A_70 = %scan3A_23#0, %scan3A_71 = %scan3A_23#1, %scan3A_72 = %scan3A_23#2, %scan3A_73 = %scan3A_23#3, %scan3A_74 = %scan3A_23#4, %scan3A_75 = %scan3A_23#5, %scan3A_76 = %scan3A_23#6, %scan3A_77 = %scan3A_23#7) -> (vector<16xf32>, vector<16xf32>, vector<16xf32>, vector<16xf32>, vector<16xf32>, vector<16xf32>, vector<16xf32>, vector<16xf32>)  : i32 {
      %get3A = arith.index_cast %scan3A_69 : i32 to index
      %get3A_78 = arith.constant 0 : index
      %get3A_79 = tpu.vector_load %arg12[%get3A, %get3A_78] {strides = array<i32>} : memref<400x64xf32, #tpu.memory_space<vmem>>, vector<1x16xf32>,
      %get3A_80 = vector.shape_cast %get3A_79 : vector<1x16xf32> to vector<16xf32>
      %get3A_81 = arith.index_cast %scan3A_69 : i32 to index
      %get3A_82 = arith.constant 0 : index
      %get3A_83 = tpu.vector_load %arg13[%get3A_81, %get3A_82] {strides = array<i32>} : memref<400x64xf32, #tpu.memory_space<vmem>>, vector<1x16xf32>,
      %get3A_84 = vector.shape_cast %get3A_83 : vector<1x16xf32> to vector<16xf32>
      %add3A_85 = arith.addf %get3A_80, %get3A_84 : vector<16xf32>
      %max3A = arith.constant 0.000000e+00 : f32
      %max3A_86 = vector.broadcast %max3A : f32 to vector<16xf32>
      %max3A_87 = arith.maximumf %add3A_85, %max3A_86 : vector<16xf32>
      %swap3A_88 = arith.index_cast %scan3A_69 : i32 to index
      %swap3A_89 = arith.constant 0 : index
      %swap3A_90 = tpu.vector_load %arg12[%swap3A_88, %swap3A_89] {strides = array<i32>} : memref<400x64xf32, #tpu.memory_space<vmem>>, vector<1x16xf32>,
      %swap3A_91 = vector.shape_cast %swap3A_90 : vector<1x16xf32> to vector<16xf32>
      %swap3A_92 = vector.shape_cast %max3A_87 : vector<16xf32> to vector<1x16xf32>
      tpu.vector_store %arg12[%swap3A_88, %swap3A_89], %swap3A_92 {strides = array<i32>} : memref<400x64xf32, #tpu.memory_space<vmem>>, vector<1x16xf32>,
      %add3A_93 = arith.addf %scan3A_70, %max3A_87 : vector<16xf32>
      %mul3A_94 = arith.mulf %max3A_87, %max3A_87 : vector<16xf32>
      %add3A_95 = arith.addf %scan3A_74, %mul3A_94 : vector<16xf32>
      %get3A_96 = arith.index_cast %scan3A_69 : i32 to index
      %get3A_97 = arith.constant 16 : index
      %get3A_98 = tpu.vector_load %arg12[%get3A_96, %get3A_97] {strides = array<i32>} : memref<400x64xf32, #tpu.memory_space<vmem>>, vector<1x16xf32>,
      %get3A_99 = vector.shape_cast %get3A_98 : vector<1x16xf32> to vector<16xf32>
      %get3A_100 = arith.index_cast %scan3A_69 : i32 to index
      %get3A_101 = arith.constant 16 : index
      %get3A_102 = tpu.vector_load %arg13[%get3A_100, %get3A_101] {strides = array<i32>} : memref<400x64xf32, #tpu.memory_space<vmem>>, vector<1x16xf32>,
      %get3A_103 = vector.shape_cast %get3A_102 : vector<1x16xf32> to vector<16xf32>
      %add3A_104 = arith.addf %get3A_99, %get3A_103 : vector<16xf32>
      %max3A_105 = arith.constant 0.000000e+00 : f32
      %max3A_106 = vector.broadcast %max3A_105 : f32 to vector<16xf32>
      %max3A_107 = arith.maximumf %add3A_104, %max3A_106 : vector<16xf32>
      %swap3A_108 = arith.index_cast %scan3A_69 : i32 to index
      %swap3A_109 = arith.constant 16 : index
      %swap3A_110 = tpu.vector_load %arg12[%swap3A_108, %swap3A_109] {strides = array<i32>} : memref<400x64xf32, #tpu.memory_space<vmem>>, vector<1x16xf32>,
      %swap3A_111 = vector.shape_cast %swap3A_110 : vector<1x16xf32> to vector<16xf32>
      %swap3A_112 = vector.shape_cast %max3A_107 : vector<16xf32> to vector<1x16xf32>
      tpu.vector_store %arg12[%swap3A_108, %swap3A_109], %swap3A_112 {strides = array<i32>} : memref<400x64xf32, #tpu.memory_space<vmem>>, vector<1x16xf32>,
      %add3A_113 = arith.addf %scan3A_71, %max3A_107 : vector<16xf32>
      %mul3A_114 = arith.mulf %max3A_107, %max3A_107 : vector<16xf32>
      %add3A_115 = arith.addf %scan3A_75, %mul3A_114 : vector<16xf32>
      %get3A_116 = arith.index_cast %scan3A_69 : i32 to index
      %get3A_117 = arith.constant 32 : index
      %get3A_118 = tpu.vector_load %arg12[%get3A_116, %get3A_117] {strides = array<i32>} : memref<400x64xf32, #tpu.memory_space<vmem>>, vector<1x16xf32>,
      %get3A_119 = vector.shape_cast %get3A_118 : vector<1x16xf32> to vector<16xf32>
      %get3A_120 = arith.index_cast %scan3A_69 : i32 to index
      %get3A_121 = arith.constant 32 : index
      %get3A_122 = tpu.vector_load %arg13[%get3A_120, %get3A_121] {strides = array<i32>} : memref<400x64xf32, #tpu.memory_space<vmem>>, vector<1x16xf32>,
      %get3A_123 = vector.shape_cast %get3A_122 : vector<1x16xf32> to vector<16xf32>
      %add3A_124 = arith.addf %get3A_119, %get3A_123 : vector<16xf32>
      %max3A_125 = arith.constant 0.000000e+00 : f32
      %max3A_126 = vector.broadcast %max3A_125 : f32 to vector<16xf32>
      %max3A_127 = arith.maximumf %add3A_124, %max3A_126 : vector<16xf32>
      %swap3A_128 = arith.index_cast %scan3A_69 : i32 to index
      %swap3A_129 = arith.constant 32 : index
      %swap3A_130 = tpu.vector_load %arg12[%swap3A_128, %swap3A_129] {strides = array<i32>} : memref<400x64xf32, #tpu.memory_space<vmem>>, vector<1x16xf32>,
      %swap3A_131 = vector.shape_cast %swap3A_130 : vector<1x16xf32> to vector<16xf32>
      %swap3A_132 = vector.shape_cast %max3A_127 : vector<16xf32> to vector<1x16xf32>
      tpu.vector_store %arg12[%swap3A_128, %swap3A_129], %swap3A_132 {strides = array<i32>} : memref<400x64xf32, #tpu.memory_space<vmem>>, vector<1x16xf32>,
      %add3A_133 = arith.addf %scan3A_72, %max3A_127 : vector<16xf32>
      %mul3A_134 = arith.mulf %max3A_127, %max3A_127 : vector<16xf32>
      %add3A_135 = arith.addf %scan3A_76, %mul3A_134 : vector<16xf32>
      %get3A_136 = arith.index_cast %scan3A_69 : i32 to index
      %get3A_137 = arith.constant 48 : index
      %get3A_138 = tpu.vector_load %arg12[%get3A_136, %get3A_137] {strides = array<i32>} : memref<400x64xf32, #tpu.memory_space<vmem>>, vector<1x16xf32>,
      %get3A_139 = vector.shape_cast %get3A_138 : vector<1x16xf32> to vector<16xf32>
      %get3A_140 = arith.index_cast %scan3A_69 : i32 to index
      %get3A_141 = arith.constant 48 : index
      %get3A_142 = tpu.vector_load %arg13[%get3A_140, %get3A_141] {strides = array<i32>} : memref<400x64xf32, #tpu.memory_space<vmem>>, vector<1x16xf32>,
      %get3A_143 = vector.shape_cast %get3A_142 : vector<1x16xf32> to vector<16xf32>
      %add3A_144 = arith.addf %get3A_139, %get3A_143 : vector<16xf32>
      %max3A_145 = arith.constant 0.000000e+00 : f32
      %max3A_146 = vector.broadcast %max3A_145 : f32 to vector<16xf32>
      %max3A_147 = arith.maximumf %add3A_144, %max3A_146 : vector<16xf32>
      %swap3A_148 = arith.index_cast %scan3A_69 : i32 to index
      %swap3A_149 = arith.constant 48 : index
      %swap3A_150 = tpu.vector_load %arg12[%swap3A_148, %swap3A_149] {strides = array<i32>} : memref<400x64xf32, #tpu.memory_space<vmem>>, vector<1x16xf32>,
      %swap3A_151 = vector.shape_cast %swap3A_150 : vector<1x16xf32> to vector<16xf32>
      %swap3A_152 = vector.shape_cast %max3A_147 : vector<16xf32> to vector<1x16xf32>
      tpu.vector_store %arg12[%swap3A_148, %swap3A_149], %swap3A_152 {strides = array<i32>} : memref<400x64xf32, #tpu.memory_space<vmem>>, vector<1x16xf32>,
      %add3A_153 = arith.addf %scan3A_73, %max3A_147 : vector<16xf32>
      %mul3A_154 = arith.mulf %max3A_147, %max3A_147 : vector<16xf32>
      %add3A_155 = arith.addf %scan3A_77, %mul3A_154 : vector<16xf32>
      scf.yield %add3A_93, %add3A_113, %add3A_133, %add3A_153, %add3A_95, %add3A_115, %add3A_135, %add3A_155 : vector<16xf32>, vector<16xf32>, vector<16xf32>, vector<16xf32>, vector<16xf32>, vector<16xf32>, vector<16xf32>, vector<16xf32>
    }
    %scan3A_37 = arith.constant 400 : i32
    "tpu.region"() ({
      %run_scoped3A = tpu.sem_alloc : memref<!tpu.dma_semaphore, #tpu.memory_space<semaphore_mem>>
      %dma_start3A_69 = arith.constant 0 : i32
      %dma_start3A_70 = tpu.memref_slice %arg6[%add3A_26, %dma_start3A_69] : memref<320000x64xf32, #tpu.memory_space<hbm>> -> memref<400x64xf32, #tpu.memory_space<hbm>>
      %dma_start3A_71 = arith.constant 0 : i32
      %dma_start3A_72 = tpu.memref_slice %arg6[%add3A_26, %dma_start3A_71] : memref<320000x64xf32, #tpu.memory_space<hbm>> -> memref<400x64xf32, #tpu.memory_space<hbm>>
      tpu.enqueue_dma source(%arg12 : memref<400x64xf32, #tpu.memory_space<vmem>>) target(%dma_start3A_72 : memref<400x64xf32, #tpu.memory_space<hbm>>) target_semaphore(%run_scoped3A : memref<!tpu.dma_semaphore, #tpu.memory_space<semaphore_mem>>)
      %dma_wait3A_73 = arith.constant 0 : i32
      %dma_wait3A_74 = tpu.memref_slice %arg6[%add3A_26, %dma_wait3A_73] : memref<320000x64xf32, #tpu.memory_space<hbm>> -> memref<400x64xf32, #tpu.memory_space<hbm>>
      %dma_wait3A_75 = arith.constant 0 : i32
      %dma_wait3A_76 = tpu.memref_slice %arg6[%add3A_26, %dma_wait3A_75] : memref<320000x64xf32, #tpu.memory_space<hbm>> -> memref<400x64xf32, #tpu.memory_space<hbm>>
      tpu.wait_dma2 semaphore(%run_scoped3A : memref<!tpu.dma_semaphore, #tpu.memory_space<semaphore_mem>>) src(%arg12 : memref<400x64xf32, #tpu.memory_space<vmem>>) dst(%dma_wait3A_76 : memref<400x64xf32, #tpu.memory_space<hbm>>)
      tpu.yield
    }) : () -> ()
    %swap3A = arith.constant 0 : index
    %swap3A_38 = tpu.vector_load %arg20[%swap3A] {strides = array<i32>} : memref<128xf32, #tpu.memory_space<vmem>>, vector<16xf32>,
    %swap3A_39 = vector.shape_cast %swap3A_38 : vector<16xf32> to vector<16xf32>
    %swap3A_40 = vector.shape_cast %scan3A_36#0 : vector<16xf32> to vector<16xf32>
    tpu.vector_store %arg20[%swap3A], %swap3A_40 {strides = array<i32>} : memref<128xf32, #tpu.memory_space<vmem>>, vector<16xf32>,
    %swap3A_41 = arith.constant 16 : index
    %swap3A_42 = tpu.vector_load %arg20[%swap3A_41] {strides = array<i32>} : memref<128xf32, #tpu.memory_space<vmem>>, vector<16xf32>,
    %swap3A_43 = vector.shape_cast %swap3A_42 : vector<16xf32> to vector<16xf32>
    %swap3A_44 = vector.shape_cast %scan3A_36#1 : vector<16xf32> to vector<16xf32>
    tpu.vector_store %arg20[%swap3A_41], %swap3A_44 {strides = array<i32>} : memref<128xf32, #tpu.memory_space<vmem>>, vector<16xf32>,
    %swap3A_45 = arith.constant 32 : index
    %swap3A_46 = tpu.vector_load %arg20[%swap3A_45] {strides = array<i32>} : memref<128xf32, #tpu.memory_space<vmem>>, vector<16xf32>,
    %swap3A_47 = vector.shape_cast %swap3A_46 : vector<16xf32> to vector<16xf32>
    %swap3A_48 = vector.shape_cast %scan3A_36#2 : vector<16xf32> to vector<16xf32>
    tpu.vector_store %arg20[%swap3A_45], %swap3A_48 {strides = array<i32>} : memref<128xf32, #tpu.memory_space<vmem>>, vector<16xf32>,
    %swap3A_49 = arith.constant 48 : index
    %swap3A_50 = tpu.vector_load %arg20[%swap3A_49] {strides = array<i32>} : memref<128xf32, #tpu.memory_space<vmem>>, vector<16xf32>,
    %swap3A_51 = vector.shape_cast %swap3A_50 : vector<16xf32> to vector<16xf32>
    %swap3A_52 = vector.shape_cast %scan3A_36#3 : vector<16xf32> to vector<16xf32>
    tpu.vector_store %arg20[%swap3A_49], %swap3A_52 {strides = array<i32>} : memref<128xf32, #tpu.memory_space<vmem>>, vector<16xf32>,
    %swap3A_53 = arith.constant 64 : index
    %swap3A_54 = tpu.vector_load %arg20[%swap3A_53] {strides = array<i32>} : memref<128xf32, #tpu.memory_space<vmem>>, vector<16xf32>,
    %swap3A_55 = vector.shape_cast %swap3A_54 : vector<16xf32> to vector<16xf32>
    %swap3A_56 = vector.shape_cast %scan3A_36#4 : vector<16xf32> to vector<16xf32>
    tpu.vector_store %arg20[%swap3A_53], %swap3A_56 {strides = array<i32>} : memref<128xf32, #tpu.memory_space<vmem>>, vector<16xf32>,
    %swap3A_57 = arith.constant 80 : index
    %swap3A_58 = tpu.vector_load %arg20[%swap3A_57] {strides = array<i32>} : memref<128xf32, #tpu.memory_space<vmem>>, vector<16xf32>,
    %swap3A_59 = vector.shape_cast %swap3A_58 : vector<16xf32> to vector<16xf32>
    %swap3A_60 = vector.shape_cast %scan3A_36#5 : vector<16xf32> to vector<16xf32>
    tpu.vector_store %arg20[%swap3A_57], %swap3A_60 {strides = array<i32>} : memref<128xf32, #tpu.memory_space<vmem>>, vector<16xf32>,
    %swap3A_61 = arith.constant 96 : index
    %swap3A_62 = tpu.vector_load %arg20[%swap3A_61] {strides = array<i32>} : memref<128xf32, #tpu.memory_space<vmem>>, vector<16xf32>,
    %swap3A_63 = vector.shape_cast %swap3A_62 : vector<16xf32> to vector<16xf32>
    %swap3A_64 = vector.shape_cast %scan3A_36#6 : vector<16xf32> to vector<16xf32>
    tpu.vector_store %arg20[%swap3A_61], %swap3A_64 {strides = array<i32>} : memref<128xf32, #tpu.memory_space<vmem>>, vector<16xf32>,
    %swap3A_65 = arith.constant 112 : index
    %swap3A_66 = tpu.vector_load %arg20[%swap3A_65] {strides = array<i32>} : memref<128xf32, #tpu.memory_space<vmem>>, vector<16xf32>,
    %swap3A_67 = vector.shape_cast %swap3A_66 : vector<16xf32> to vector<16xf32>
    %swap3A_68 = vector.shape_cast %scan3A_36#7 : vector<16xf32> to vector<16xf32>
    tpu.vector_store %arg20[%swap3A_65], %swap3A_68 {strides = array<i32>} : memref<128xf32, #tpu.memory_space<vmem>>, vector<16xf32>,
    "tpu.region"() ({
      %run_scoped3A = tpu.sem_alloc : memref<!tpu.dma_semaphore, #tpu.memory_space<semaphore_mem>>
      %dma_start3A_69 = arith.constant 0 : i32
      %dma_start3A_70 = tpu.memref_slice %arg7[%add3A, %dma_start3A_69] : memref<32x128xf32, #tpu.memory_space<hbm>> -> memref<1x128xf32, #tpu.memory_space<hbm>>
      %dma_start3A_71 = tpu.memref_squeeze %dma_start3A_70 : memref<1x128xf32, #tpu.memory_space<hbm>> -> memref<128xf32, #tpu.memory_space<hbm>>
      %dma_start3A_72 = arith.constant 0 : i32
      %dma_start3A_73 = tpu.memref_slice %arg7[%add3A, %dma_start3A_72] : memref<32x128xf32, #tpu.memory_space<hbm>> -> memref<1x128xf32, #tpu.memory_space<hbm>>
      %dma_start3A_74 = tpu.memref_squeeze %dma_start3A_73 : memref<1x128xf32, #tpu.memory_space<hbm>> -> memref<128xf32, #tpu.memory_space<hbm>>
      tpu.enqueue_dma source(%arg20 : memref<128xf32, #tpu.memory_space<vmem>>) target(%dma_start3A_74 : memref<128xf32, #tpu.memory_space<hbm>>) target_semaphore(%run_scoped3A : memref<!tpu.dma_semaphore, #tpu.memory_space<semaphore_mem>>)
      %dma_wait3A_75 = arith.constant 0 : i32
      %dma_wait3A_76 = tpu.memref_slice %arg7[%add3A, %dma_wait3A_75] : memref<32x128xf32, #tpu.memory_space<hbm>> -> memref<1x128xf32, #tpu.memory_space<hbm>>
      %dma_wait3A_77 = tpu.memref_squeeze %dma_wait3A_76 : memref<1x128xf32, #tpu.memory_space<hbm>> -> memref<128xf32, #tpu.memory_space<hbm>>
      %dma_wait3A_78 = arith.constant 0 : i32
      %dma_wait3A_79 = tpu.memref_slice %arg7[%add3A, %dma_wait3A_78] : memref<32x128xf32, #tpu.memory_space<hbm>> -> memref<1x128xf32, #tpu.memory_space<hbm>>
      %dma_wait3A_80 = tpu.memref_squeeze %dma_wait3A_79 : memref<1x128xf32, #tpu.memory_space<hbm>> -> memref<128xf32, #tpu.memory_space<hbm>>
      tpu.wait_dma2 semaphore(%run_scoped3A : memref<!tpu.dma_semaphore, #tpu.memory_space<semaphore_mem>>) src(%arg20 : memref<128xf32, #tpu.memory_space<vmem>>) dst(%dma_wait3A_80 : memref<128xf32, #tpu.memory_space<hbm>>)
      tpu.yield
    }) : () -> ()
    return
  }
}

#map = affine_map<(d0, d1) -> (0, 0)>
#map1 = affine_map<(d0, d1) -> (0)>
module attributes {stable_mosaic.version = 14 : i64} {
  func.func @_gather_body(%arg0: i32, %arg1: i32, %arg2: memref<10008x64xf32, #tpu.memory_space<hbm>>, %arg3: memref<10008x64xf32, #tpu.memory_space<hbm>>, %arg4: memref<320000xi32, #tpu.memory_space<hbm>>, %arg5: memref<320000xi32, #tpu.memory_space<hbm>>, %arg6: memref<320000x64xf32, #tpu.memory_space<hbm>>, %arg7: memref<32x128xf32, #tpu.memory_space<hbm>>, %arg8: memref<400xi32, #tpu.memory_space<vmem>>, %arg9: memref<400xi32, #tpu.memory_space<vmem>>, %arg10: memref<400xi32, #tpu.memory_space<vmem>>, %arg11: memref<400xi32, #tpu.memory_space<vmem>>, %arg12: memref<400x64xf32, #tpu.memory_space<vmem>>, %arg13: memref<400x64xf32, #tpu.memory_space<vmem>>, %arg14: memref<!tpu.dma_semaphore, #tpu.memory_space<semaphore_mem>>, %arg15: memref<400xi32, #tpu.memory_space<vmem>>, %arg16: memref<400xi32, #tpu.memory_space<vmem>>, %arg17: memref<400x64xf32, #tpu.memory_space<vmem>>, %arg18: memref<400x64xf32, #tpu.memory_space<vmem>>, %arg19: memref<!tpu.dma_semaphore, #tpu.memory_space<semaphore_mem>>, %arg20: memref<128xf32, #tpu.memory_space<vmem>>) attributes {dimension_semantics = [#tpu.dimension_semantics<core_parallel>, #tpu.dimension_semantics<subcore_parallel>], iteration_bounds = array<i64: 2, 16>, scalar_prefetch = 0 : i64, scratch_operands = 13 : i64, tpu.core_type = #tpu.core_type<sc_vector_subcore>, window_params = [{transform_indices = #map}, {transform_indices = #map}, {transform_indices = #map1}, {transform_indices = #map1}, {transform_indices = #map}, {transform_indices = #map}]} {
    %mul3A = arith.constant 2 : i32
    %mul3A_0 = arith.muli %arg1, %mul3A : i32
    %add3A = arith.addi %mul3A_0, %arg0 : i32
    %mul3A_1 = arith.constant 10000 : i32
    %mul3A_2 = arith.muli %add3A, %mul3A_1 : i32
    %broadcast_in_dim3A = arith.constant 10000 : i32
    %broadcast_in_dim3A_3 = vector.broadcast %broadcast_in_dim3A : i32 to vector<16xi32>
    %broadcast_in_dim3A_4 = arith.constant 0.000000e+00 : f32
    %broadcast_in_dim3A_5 = vector.broadcast %broadcast_in_dim3A_4 : f32 to vector<16xf32>
    %add3A_6 = arith.constant 0 : i32
    %add3A_7 = arith.addi %mul3A_2, %add3A_6 : i32
    "tpu.region"() ({
      %run_scoped3A = tpu.sem_alloc : memref<!tpu.dma_semaphore, #tpu.memory_space<semaphore_mem>>
      %dma_start3A_69 = tpu.memref_slice %arg4[%add3A_7] : memref<320000xi32, #tpu.memory_space<hbm>> -> memref<400xi32, #tpu.memory_space<hbm>>
      %dma_start3A_70 = tpu.memref_slice %arg4[%add3A_7] : memref<320000xi32, #tpu.memory_space<hbm>> -> memref<400xi32, #tpu.memory_space<hbm>>
      tpu.enqueue_dma source(%dma_start3A_70 : memref<400xi32, #tpu.memory_space<hbm>>) target(%arg8 : memref<400xi32, #tpu.memory_space<vmem>>) target_semaphore(%run_scoped3A : memref<!tpu.dma_semaphore, #tpu.memory_space<semaphore_mem>>)
      %dma_wait3A_71 = tpu.memref_slice %arg4[%add3A_7] : memref<320000xi32, #tpu.memory_space<hbm>> -> memref<400xi32, #tpu.memory_space<hbm>>
      %dma_wait3A_72 = tpu.memref_slice %arg4[%add3A_7] : memref<320000xi32, #tpu.memory_space<hbm>> -> memref<400xi32, #tpu.memory_space<hbm>>
      tpu.wait_dma2 semaphore(%run_scoped3A : memref<!tpu.dma_semaphore, #tpu.memory_space<semaphore_mem>>) src(%dma_wait3A_72 : memref<400xi32, #tpu.memory_space<hbm>>) dst(%arg8 : memref<400xi32, #tpu.memory_space<vmem>>)
      tpu.yield
    }) : () -> ()
    "tpu.region"() ({
      %run_scoped3A = tpu.sem_alloc : memref<!tpu.dma_semaphore, #tpu.memory_space<semaphore_mem>>
      %dma_start3A_69 = tpu.memref_slice %arg5[%add3A_7] : memref<320000xi32, #tpu.memory_space<hbm>> -> memref<400xi32, #tpu.memory_space<hbm>>
      %dma_start3A_70 = tpu.memref_slice %arg5[%add3A_7] : memref<320000xi32, #tpu.memory_space<hbm>> -> memref<400xi32, #tpu.memory_space<hbm>>
      tpu.enqueue_dma source(%dma_start3A_70 : memref<400xi32, #tpu.memory_space<hbm>>) target(%arg9 : memref<400xi32, #tpu.memory_space<vmem>>) target_semaphore(%run_scoped3A : memref<!tpu.dma_semaphore, #tpu.memory_space<semaphore_mem>>)
      %dma_wait3A_71 = tpu.memref_slice %arg5[%add3A_7] : memref<320000xi32, #tpu.memory_space<hbm>> -> memref<400xi32, #tpu.memory_space<hbm>>
      %dma_wait3A_72 = tpu.memref_slice %arg5[%add3A_7] : memref<320000xi32, #tpu.memory_space<hbm>> -> memref<400xi32, #tpu.memory_space<hbm>>
      tpu.wait_dma2 semaphore(%run_scoped3A : memref<!tpu.dma_semaphore, #tpu.memory_space<semaphore_mem>>) src(%dma_wait3A_72 : memref<400xi32, #tpu.memory_space<hbm>>) dst(%arg9 : memref<400xi32, #tpu.memory_space<vmem>>)
      tpu.yield
    }) : () -> ()
    %scan3A = arith.constant 0 : i32
    %scan3A_8 = arith.constant 0 : i32
    %scan3A_9 = arith.constant 25 : i32
    %scan3A_10 = arith.addi %scan3A_8, %scan3A_9 : i32
    %scan3A_11 = arith.constant 1 : i32
    %scan3A_12 = scf.for %scan3A_69 = %scan3A_8 to %scan3A_10 step %scan3A_11 iter_args(%scan3A_70 = %scan3A) -> (i32)  : i32 {
      %mul3A_71 = arith.constant 16 : i32
      %mul3A_72 = arith.muli %scan3A_69, %mul3A_71 : i32
      %get3A = arith.index_cast %mul3A_72 : i32 to index
      %get3A_73 = tpu.vector_load %arg8[%get3A] {strides = array<i32>} : memref<400xi32, #tpu.memory_space<vmem>>, vector<16xi32>,
      %get3A_74 = vector.shape_cast %get3A_73 : vector<16xi32> to vector<16xi32>
      %get3A_75 = arith.index_cast %mul3A_72 : i32 to index
      %get3A_76 = tpu.vector_load %arg9[%get3A_75] {strides = array<i32>} : memref<400xi32, #tpu.memory_space<vmem>>, vector<16xi32>,
      %get3A_77 = vector.shape_cast %get3A_76 : vector<16xi32> to vector<16xi32>
      %eq3A = arith.cmpi eq, %get3A_74, %get3A_77 : vector<16xi32>
      %select_n3A = arith.select %eq3A, %broadcast_in_dim3A_3, %get3A_77 : vector<16xi1>, vector<16xi32>
      %swap3A_78 = arith.index_cast %mul3A_72 : i32 to index
      %swap3A_79 = tpu.vector_load %arg10[%swap3A_78] {strides = array<i32>} : memref<400xi32, #tpu.memory_space<vmem>>, vector<16xi32>,
      %swap3A_80 = vector.shape_cast %swap3A_79 : vector<16xi32> to vector<16xi32>
      %swap3A_81 = vector.shape_cast %select_n3A : vector<16xi32> to vector<16xi32>
      tpu.vector_store %arg10[%swap3A_78], %swap3A_81 {strides = array<i32>} : memref<400xi32, #tpu.memory_space<vmem>>, vector<16xi32>,
      %select_n3A_82 = arith.select %eq3A, %broadcast_in_dim3A_3, %get3A_74 : vector<16xi1>, vector<16xi32>
      %swap3A_83 = arith.index_cast %mul3A_72 : i32 to index
      %swap3A_84 = tpu.vector_load %arg11[%swap3A_83] {strides = array<i32>} : memref<400xi32, #tpu.memory_space<vmem>>, vector<16xi32>,
      %swap3A_85 = vector.shape_cast %swap3A_84 : vector<16xi32> to vector<16xi32>
      %swap3A_86 = vector.shape_cast %select_n3A_82 : vector<16xi32> to vector<16xi32>
      tpu.vector_store %arg11[%swap3A_83], %swap3A_86 {strides = array<i32>} : memref<400xi32, #tpu.memory_space<vmem>>, vector<16xi32>,
      %scan3A_87 = arith.constant 0 : i32
      scf.yield %scan3A_87 : i32
    }
    %scan3A_13 = arith.constant 25 : i32
    %dma_start3A = arith.constant 0 : i32
    %dma_start3A_14 = arith.constant 0 : i32
    %dma_start3A_15 = tpu.memref_slice %arg2[%dma_start3A, %dma_start3A_14] : memref<10008x64xf32, #tpu.memory_space<hbm>> -> memref<10008x64xf32, #tpu.memory_space<hbm>>
    tpu.enqueue_indirect_dma source(%dma_start3A_15 : memref<10008x64xf32, #tpu.memory_space<hbm>>) target(%arg12 : memref<400x64xf32, #tpu.memory_space<vmem>>) offsets(%arg10 : memref<400xi32, #tpu.memory_space<vmem>>) semaphore(%arg14 : memref<!tpu.dma_semaphore, #tpu.memory_space<semaphore_mem>>)
    %dma_start3A_16 = arith.constant 0 : i32
    %dma_start3A_17 = arith.constant 0 : i32
    %dma_start3A_18 = tpu.memref_slice %arg3[%dma_start3A_16, %dma_start3A_17] : memref<10008x64xf32, #tpu.memory_space<hbm>> -> memref<10008x64xf32, #tpu.memory_space<hbm>>
    tpu.enqueue_indirect_dma source(%dma_start3A_18 : memref<10008x64xf32, #tpu.memory_space<hbm>>) target(%arg13 : memref<400x64xf32, #tpu.memory_space<vmem>>) offsets(%arg11 : memref<400xi32, #tpu.memory_space<vmem>>) semaphore(%arg14 : memref<!tpu.dma_semaphore, #tpu.memory_space<semaphore_mem>>)
    %scan3A_19 = arith.constant 0 : i32
    %scan3A_20 = arith.constant 12 : i32
    %scan3A_21 = arith.addi %scan3A_19, %scan3A_20 : i32
    %scan3A_22 = arith.constant 1 : i32
    %scan3A_23:8 = scf.for %scan3A_69 = %scan3A_19 to %scan3A_21 step %scan3A_22 iter_args(%scan3A_70 = %broadcast_in_dim3A_5, %scan3A_71 = %broadcast_in_dim3A_5, %scan3A_72 = %broadcast_in_dim3A_5, %scan3A_73 = %broadcast_in_dim3A_5, %scan3A_74 = %broadcast_in_dim3A_5, %scan3A_75 = %broadcast_in_dim3A_5, %scan3A_76 = %broadcast_in_dim3A_5, %scan3A_77 = %broadcast_in_dim3A_5) -> (vector<16xf32>, vector<16xf32>, vector<16xf32>, vector<16xf32>, vector<16xf32>, vector<16xf32>, vector<16xf32>, vector<16xf32>)  : i32 {
      %mul3A_78 = arith.constant 2 : i32
      %mul3A_79 = arith.muli %mul3A_78, %scan3A_69 : i32
      %add3A_80 = arith.constant 1 : i32
      %add3A_81 = arith.addi %mul3A_79, %add3A_80 : i32
      %mul3A_82 = arith.constant 400 : i32
      %mul3A_83 = arith.muli %add3A_81, %mul3A_82 : i32
      %add3A_84 = arith.addi %mul3A_2, %mul3A_83 : i32
      "tpu.region"() ({
        %run_scoped3A = tpu.sem_alloc : memref<!tpu.dma_semaphore, #tpu.memory_space<semaphore_mem>>
        %dma_start3A_148 = tpu.memref_slice %arg4[%add3A_84] : memref<320000xi32, #tpu.memory_space<hbm>> -> memref<400xi32, #tpu.memory_space<hbm>>
        %dma_start3A_149 = tpu.memref_slice %arg4[%add3A_84] : memref<320000xi32, #tpu.memory_space<hbm>> -> memref<400xi32, #tpu.memory_space<hbm>>
        tpu.enqueue_dma source(%dma_start3A_149 : memref<400xi32, #tpu.memory_space<hbm>>) target(%arg8 : memref<400xi32, #tpu.memory_space<vmem>>) target_semaphore(%run_scoped3A : memref<!tpu.dma_semaphore, #tpu.memory_space<semaphore_mem>>)
        %dma_wait3A_150 = tpu.memref_slice %arg4[%add3A_84] : memref<320000xi32, #tpu.memory_space<hbm>> -> memref<400xi32, #tpu.memory_space<hbm>>
        %dma_wait3A_151 = tpu.memref_slice %arg4[%add3A_84] : memref<320000xi32, #tpu.memory_space<hbm>> -> memref<400xi32, #tpu.memory_space<hbm>>
        tpu.wait_dma2 semaphore(%run_scoped3A : memref<!tpu.dma_semaphore, #tpu.memory_space<semaphore_mem>>) src(%dma_wait3A_151 : memref<400xi32, #tpu.memory_space<hbm>>) dst(%arg8 : memref<400xi32, #tpu.memory_space<vmem>>)
        tpu.yield
      }) : () -> ()
      "tpu.region"() ({
        %run_scoped3A = tpu.sem_alloc : memref<!tpu.dma_semaphore, #tpu.memory_space<semaphore_mem>>
        %dma_start3A_148 = tpu.memref_slice %arg5[%add3A_84] : memref<320000xi32, #tpu.memory_space<hbm>> -> memref<400xi32, #tpu.memory_space<hbm>>
        %dma_start3A_149 = tpu.memref_slice %arg5[%add3A_84] : memref<320000xi32, #tpu.memory_space<hbm>> -> memref<400xi32, #tpu.memory_space<hbm>>
        tpu.enqueue_dma source(%dma_start3A_149 : memref<400xi32, #tpu.memory_space<hbm>>) target(%arg9 : memref<400xi32, #tpu.memory_space<vmem>>) target_semaphore(%run_scoped3A : memref<!tpu.dma_semaphore, #tpu.memory_space<semaphore_mem>>)
        %dma_wait3A_150 = tpu.memref_slice %arg5[%add3A_84] : memref<320000xi32, #tpu.memory_space<hbm>> -> memref<400xi32, #tpu.memory_space<hbm>>
        %dma_wait3A_151 = tpu.memref_slice %arg5[%add3A_84] : memref<320000xi32, #tpu.memory_space<hbm>> -> memref<400xi32, #tpu.memory_space<hbm>>
        tpu.wait_dma2 semaphore(%run_scoped3A : memref<!tpu.dma_semaphore, #tpu.memory_space<semaphore_mem>>) src(%dma_wait3A_151 : memref<400xi32, #tpu.memory_space<hbm>>) dst(%arg9 : memref<400xi32, #tpu.memory_space<vmem>>)
        tpu.yield
      }) : () -> ()
      %scan3A_85 = arith.constant 0 : i32
      %scan3A_86 = arith.constant 0 : i32
      %scan3A_87 = arith.constant 25 : i32
      %scan3A_88 = arith.addi %scan3A_86, %scan3A_87 : i32
      %scan3A_89 = arith.constant 1 : i32
      %scan3A_90 = scf.for %scan3A_148 = %scan3A_86 to %scan3A_88 step %scan3A_89 iter_args(%scan3A_149 = %scan3A_85) -> (i32)  : i32 {
        %mul3A_150 = arith.constant 16 : i32
        %mul3A_151 = arith.muli %scan3A_148, %mul3A_150 : i32
        %get3A = arith.index_cast %mul3A_151 : i32 to index
        %get3A_152 = tpu.vector_load %arg8[%get3A] {strides = array<i32>} : memref<400xi32, #tpu.memory_space<vmem>>, vector<16xi32>,
        %get3A_153 = vector.shape_cast %get3A_152 : vector<16xi32> to vector<16xi32>
        %get3A_154 = arith.index_cast %mul3A_151 : i32 to index
        %get3A_155 = tpu.vector_load %arg9[%get3A_154] {strides = array<i32>} : memref<400xi32, #tpu.memory_space<vmem>>, vector<16xi32>,
        %get3A_156 = vector.shape_cast %get3A_155 : vector<16xi32> to vector<16xi32>
        %eq3A = arith.cmpi eq, %get3A_153, %get3A_156 : vector<16xi32>
        %select_n3A = arith.select %eq3A, %broadcast_in_dim3A_3, %get3A_156 : vector<16xi1>, vector<16xi32>
        %swap3A_157 = arith.index_cast %mul3A_151 : i32 to index
        %swap3A_158 = tpu.vector_load %arg15[%swap3A_157] {strides = array<i32>} : memref<400xi32, #tpu.memory_space<vmem>>, vector<16xi32>,
        %swap3A_159 = vector.shape_cast %swap3A_158 : vector<16xi32> to vector<16xi32>
        %swap3A_160 = vector.shape_cast %select_n3A : vector<16xi32> to vector<16xi32>
        tpu.vector_store %arg15[%swap3A_157], %swap3A_160 {strides = array<i32>} : memref<400xi32, #tpu.memory_space<vmem>>, vector<16xi32>,
        %select_n3A_161 = arith.select %eq3A, %broadcast_in_dim3A_3, %get3A_153 : vector<16xi1>, vector<16xi32>
        %swap3A_162 = arith.index_cast %mul3A_151 : i32 to index
        %swap3A_163 = tpu.vector_load %arg16[%swap3A_162] {strides = array<i32>} : memref<400xi32, #tpu.memory_space<vmem>>, vector<16xi32>,
        %swap3A_164 = vector.shape_cast %swap3A_163 : vector<16xi32> to vector<16xi32>
        %swap3A_165 = vector.shape_cast %select_n3A_161 : vector<16xi32> to vector<16xi32>
        tpu.vector_store %arg16[%swap3A_162], %swap3A_165 {strides = array<i32>} : memref<400xi32, #tpu.memory_space<vmem>>, vector<16xi32>,
        %scan3A_166 = arith.constant 0 : i32
        scf.yield %scan3A_166 : i32
      }
      %scan3A_91 = arith.constant 25 : i32
      %dma_start3A_92 = arith.constant 0 : i32
      %dma_start3A_93 = arith.constant 0 : i32
      %dma_start3A_94 = tpu.memref_slice %arg2[%dma_start3A_92, %dma_start3A_93] : memref<10008x64xf32, #tpu.memory_space<hbm>> -> memref<10008x64xf32, #tpu.memory_space<hbm>>
      tpu.enqueue_indirect_dma source(%dma_start3A_94 : memref<10008x64xf32, #tpu.memory_space<hbm>>) target(%arg17 : memref<400x64xf32, #tpu.memory_space<vmem>>) offsets(%arg15 : memref<400xi32, #tpu.memory_space<vmem>>) semaphore(%arg19 : memref<!tpu.dma_semaphore, #tpu.memory_space<semaphore_mem>>)
      %dma_start3A_95 = arith.constant 0 : i32
      %dma_start3A_96 = arith.constant 0 : i32
      %dma_start3A_97 = tpu.memref_slice %arg3[%dma_start3A_95, %dma_start3A_96] : memref<10008x64xf32, #tpu.memory_space<hbm>> -> memref<10008x64xf32, #tpu.memory_space<hbm>>
      tpu.enqueue_indirect_dma source(%dma_start3A_97 : memref<10008x64xf32, #tpu.memory_space<hbm>>) target(%arg18 : memref<400x64xf32, #tpu.memory_space<vmem>>) offsets(%arg16 : memref<400xi32, #tpu.memory_space<vmem>>) semaphore(%arg19 : memref<!tpu.dma_semaphore, #tpu.memory_space<semaphore_mem>>)
      %mul3A_98 = arith.constant 400 : i32
      %mul3A_99 = arith.muli %mul3A_79, %mul3A_98 : i32
      %add3A_100 = arith.addi %mul3A_2, %mul3A_99 : i32
      %dma_wait3A_101 = arith.constant 0 : i32
      %dma_wait3A_102 = arith.constant 0 : i32
      %dma_wait3A_103 = tpu.memref_slice %arg2[%dma_wait3A_101, %dma_wait3A_102] : memref<10008x64xf32, #tpu.memory_space<hbm>> -> memref<10008x64xf32, #tpu.memory_space<hbm>>
      tpu.wait_indirect_dma semaphore(%arg14 : memref<!tpu.dma_semaphore, #tpu.memory_space<semaphore_mem>>) src(%dma_wait3A_103 : memref<10008x64xf32, #tpu.memory_space<hbm>>) dst(%arg12 : memref<400x64xf32, #tpu.memory_space<vmem>>)
      %dma_wait3A_104 = arith.constant 0 : i32
      %dma_wait3A_105 = arith.constant 0 : i32
      %dma_wait3A_106 = tpu.memref_slice %arg3[%dma_wait3A_104, %dma_wait3A_105] : memref<10008x64xf32, #tpu.memory_space<hbm>> -> memref<10008x64xf32, #tpu.memory_space<hbm>>
      tpu.wait_indirect_dma semaphore(%arg14 : memref<!tpu.dma_semaphore, #tpu.memory_space<semaphore_mem>>) src(%dma_wait3A_106 : memref<10008x64xf32, #tpu.memory_space<hbm>>) dst(%arg13 : memref<400x64xf32, #tpu.memory_space<vmem>>)
      %scan3A_107 = arith.constant 0 : i32
      %scan3A_108 = arith.constant 400 : i32
      %scan3A_109 = arith.addi %scan3A_107, %scan3A_108 : i32
      %scan3A_110 = arith.constant 1 : i32
      %scan3A_111:8 = scf.for %scan3A_148 = %scan3A_107 to %scan3A_109 step %scan3A_110 iter_args(%scan3A_149 = %scan3A_70, %scan3A_150 = %scan3A_71, %scan3A_151 = %scan3A_72, %scan3A_152 = %scan3A_73, %scan3A_153 = %scan3A_74, %scan3A_154 = %scan3A_75, %scan3A_155 = %scan3A_76, %scan3A_156 = %scan3A_77) -> (vector<16xf32>, vector<16xf32>, vector<16xf32>, vector<16xf32>, vector<16xf32>, vector<16xf32>, vector<16xf32>, vector<16xf32>)  : i32 {
        %get3A = arith.index_cast %scan3A_148 : i32 to index
        %get3A_157 = arith.constant 0 : index
        %get3A_158 = tpu.vector_load %arg12[%get3A, %get3A_157] {strides = array<i32>} : memref<400x64xf32, #tpu.memory_space<vmem>>, vector<1x16xf32>,
        %get3A_159 = vector.shape_cast %get3A_158 : vector<1x16xf32> to vector<16xf32>
        %get3A_160 = arith.index_cast %scan3A_148 : i32 to index
        %get3A_161 = arith.constant 0 : index
        %get3A_162 = tpu.vector_load %arg13[%get3A_160, %get3A_161] {strides = array<i32>} : memref<400x64xf32, #tpu.memory_space<vmem>>, vector<1x16xf32>,
        %get3A_163 = vector.shape_cast %get3A_162 : vector<1x16xf32> to vector<16xf32>
        %add3A_164 = arith.addf %get3A_159, %get3A_163 : vector<16xf32>
        %max3A = arith.constant 0.000000e+00 : f32
        %max3A_165 = vector.broadcast %max3A : f32 to vector<16xf32>
        %max3A_166 = arith.maximumf %add3A_164, %max3A_165 : vector<16xf32>
        %swap3A_167 = arith.index_cast %scan3A_148 : i32 to index
        %swap3A_168 = arith.constant 0 : index
        %swap3A_169 = tpu.vector_load %arg12[%swap3A_167, %swap3A_168] {strides = array<i32>} : memref<400x64xf32, #tpu.memory_space<vmem>>, vector<1x16xf32>,
        %swap3A_170 = vector.shape_cast %swap3A_169 : vector<1x16xf32> to vector<16xf32>
        %swap3A_171 = vector.shape_cast %max3A_166 : vector<16xf32> to vector<1x16xf32>
        tpu.vector_store %arg12[%swap3A_167, %swap3A_168], %swap3A_171 {strides = array<i32>} : memref<400x64xf32, #tpu.memory_space<vmem>>, vector<1x16xf32>,
        %add3A_172 = arith.addf %scan3A_149, %max3A_166 : vector<16xf32>
        %mul3A_173 = arith.mulf %max3A_166, %max3A_166 : vector<16xf32>
        %add3A_174 = arith.addf %scan3A_153, %mul3A_173 : vector<16xf32>
        %get3A_175 = arith.index_cast %scan3A_148 : i32 to index
        %get3A_176 = arith.constant 16 : index
        %get3A_177 = tpu.vector_load %arg12[%get3A_175, %get3A_176] {strides = array<i32>} : memref<400x64xf32, #tpu.memory_space<vmem>>, vector<1x16xf32>,
        %get3A_178 = vector.shape_cast %get3A_177 : vector<1x16xf32> to vector<16xf32>
        %get3A_179 = arith.index_cast %scan3A_148 : i32 to index
        %get3A_180 = arith.constant 16 : index
        %get3A_181 = tpu.vector_load %arg13[%get3A_179, %get3A_180] {strides = array<i32>} : memref<400x64xf32, #tpu.memory_space<vmem>>, vector<1x16xf32>,
        %get3A_182 = vector.shape_cast %get3A_181 : vector<1x16xf32> to vector<16xf32>
        %add3A_183 = arith.addf %get3A_178, %get3A_182 : vector<16xf32>
        %max3A_184 = arith.constant 0.000000e+00 : f32
        %max3A_185 = vector.broadcast %max3A_184 : f32 to vector<16xf32>
        %max3A_186 = arith.maximumf %add3A_183, %max3A_185 : vector<16xf32>
        %swap3A_187 = arith.index_cast %scan3A_148 : i32 to index
        %swap3A_188 = arith.constant 16 : index
        %swap3A_189 = tpu.vector_load %arg12[%swap3A_187, %swap3A_188] {strides = array<i32>} : memref<400x64xf32, #tpu.memory_space<vmem>>, vector<1x16xf32>,
        %swap3A_190 = vector.shape_cast %swap3A_189 : vector<1x16xf32> to vector<16xf32>
        %swap3A_191 = vector.shape_cast %max3A_186 : vector<16xf32> to vector<1x16xf32>
        tpu.vector_store %arg12[%swap3A_187, %swap3A_188], %swap3A_191 {strides = array<i32>} : memref<400x64xf32, #tpu.memory_space<vmem>>, vector<1x16xf32>,
        %add3A_192 = arith.addf %scan3A_150, %max3A_186 : vector<16xf32>
        %mul3A_193 = arith.mulf %max3A_186, %max3A_186 : vector<16xf32>
        %add3A_194 = arith.addf %scan3A_154, %mul3A_193 : vector<16xf32>
        %get3A_195 = arith.index_cast %scan3A_148 : i32 to index
        %get3A_196 = arith.constant 32 : index
        %get3A_197 = tpu.vector_load %arg12[%get3A_195, %get3A_196] {strides = array<i32>} : memref<400x64xf32, #tpu.memory_space<vmem>>, vector<1x16xf32>,
        %get3A_198 = vector.shape_cast %get3A_197 : vector<1x16xf32> to vector<16xf32>
        %get3A_199 = arith.index_cast %scan3A_148 : i32 to index
        %get3A_200 = arith.constant 32 : index
        %get3A_201 = tpu.vector_load %arg13[%get3A_199, %get3A_200] {strides = array<i32>} : memref<400x64xf32, #tpu.memory_space<vmem>>, vector<1x16xf32>,
        %get3A_202 = vector.shape_cast %get3A_201 : vector<1x16xf32> to vector<16xf32>
        %add3A_203 = arith.addf %get3A_198, %get3A_202 : vector<16xf32>
        %max3A_204 = arith.constant 0.000000e+00 : f32
        %max3A_205 = vector.broadcast %max3A_204 : f32 to vector<16xf32>
        %max3A_206 = arith.maximumf %add3A_203, %max3A_205 : vector<16xf32>
        %swap3A_207 = arith.index_cast %scan3A_148 : i32 to index
        %swap3A_208 = arith.constant 32 : index
        %swap3A_209 = tpu.vector_load %arg12[%swap3A_207, %swap3A_208] {strides = array<i32>} : memref<400x64xf32, #tpu.memory_space<vmem>>, vector<1x16xf32>,
        %swap3A_210 = vector.shape_cast %swap3A_209 : vector<1x16xf32> to vector<16xf32>
        %swap3A_211 = vector.shape_cast %max3A_206 : vector<16xf32> to vector<1x16xf32>
        tpu.vector_store %arg12[%swap3A_207, %swap3A_208], %swap3A_211 {strides = array<i32>} : memref<400x64xf32, #tpu.memory_space<vmem>>, vector<1x16xf32>,
        %add3A_212 = arith.addf %scan3A_151, %max3A_206 : vector<16xf32>
        %mul3A_213 = arith.mulf %max3A_206, %max3A_206 : vector<16xf32>
        %add3A_214 = arith.addf %scan3A_155, %mul3A_213 : vector<16xf32>
        %get3A_215 = arith.index_cast %scan3A_148 : i32 to index
        %get3A_216 = arith.constant 48 : index
        %get3A_217 = tpu.vector_load %arg12[%get3A_215, %get3A_216] {strides = array<i32>} : memref<400x64xf32, #tpu.memory_space<vmem>>, vector<1x16xf32>,
        %get3A_218 = vector.shape_cast %get3A_217 : vector<1x16xf32> to vector<16xf32>
        %get3A_219 = arith.index_cast %scan3A_148 : i32 to index
        %get3A_220 = arith.constant 48 : index
        %get3A_221 = tpu.vector_load %arg13[%get3A_219, %get3A_220] {strides = array<i32>} : memref<400x64xf32, #tpu.memory_space<vmem>>, vector<1x16xf32>,
        %get3A_222 = vector.shape_cast %get3A_221 : vector<1x16xf32> to vector<16xf32>
        %add3A_223 = arith.addf %get3A_218, %get3A_222 : vector<16xf32>
        %max3A_224 = arith.constant 0.000000e+00 : f32
        %max3A_225 = vector.broadcast %max3A_224 : f32 to vector<16xf32>
        %max3A_226 = arith.maximumf %add3A_223, %max3A_225 : vector<16xf32>
        %swap3A_227 = arith.index_cast %scan3A_148 : i32 to index
        %swap3A_228 = arith.constant 48 : index
        %swap3A_229 = tpu.vector_load %arg12[%swap3A_227, %swap3A_228] {strides = array<i32>} : memref<400x64xf32, #tpu.memory_space<vmem>>, vector<1x16xf32>,
        %swap3A_230 = vector.shape_cast %swap3A_229 : vector<1x16xf32> to vector<16xf32>
        %swap3A_231 = vector.shape_cast %max3A_226 : vector<16xf32> to vector<1x16xf32>
        tpu.vector_store %arg12[%swap3A_227, %swap3A_228], %swap3A_231 {strides = array<i32>} : memref<400x64xf32, #tpu.memory_space<vmem>>, vector<1x16xf32>,
        %add3A_232 = arith.addf %scan3A_152, %max3A_226 : vector<16xf32>
        %mul3A_233 = arith.mulf %max3A_226, %max3A_226 : vector<16xf32>
        %add3A_234 = arith.addf %scan3A_156, %mul3A_233 : vector<16xf32>
        scf.yield %add3A_172, %add3A_192, %add3A_212, %add3A_232, %add3A_174, %add3A_194, %add3A_214, %add3A_234 : vector<16xf32>, vector<16xf32>, vector<16xf32>, vector<16xf32>, vector<16xf32>, vector<16xf32>, vector<16xf32>, vector<16xf32>
      }
      %scan3A_112 = arith.constant 400 : i32
      "tpu.region"() ({
        %run_scoped3A = tpu.sem_alloc : memref<!tpu.dma_semaphore, #tpu.memory_space<semaphore_mem>>
        %dma_start3A_148 = arith.constant 0 : i32
        %dma_start3A_149 = tpu.memref_slice %arg6[%add3A_100, %dma_start3A_148] : memref<320000x64xf32, #tpu.memory_space<hbm>> -> memref<400x64xf32, #tpu.memory_space<hbm>>
        %dma_start3A_150 = arith.constant 0 : i32
        %dma_start3A_151 = tpu.memref_slice %arg6[%add3A_100, %dma_start3A_150] : memref<320000x64xf32, #tpu.memory_space<hbm>> -> memref<400x64xf32, #tpu.memory_space<hbm>>
        tpu.enqueue_dma source(%arg12 : memref<400x64xf32, #tpu.memory_space<vmem>>) target(%dma_start3A_151 : memref<400x64xf32, #tpu.memory_space<hbm>>) target_semaphore(%run_scoped3A : memref<!tpu.dma_semaphore, #tpu.memory_space<semaphore_mem>>)
        %dma_wait3A_152 = arith.constant 0 : i32
        %dma_wait3A_153 = tpu.memref_slice %arg6[%add3A_100, %dma_wait3A_152] : memref<320000x64xf32, #tpu.memory_space<hbm>> -> memref<400x64xf32, #tpu.memory_space<hbm>>
        %dma_wait3A_154 = arith.constant 0 : i32
        %dma_wait3A_155 = tpu.memref_slice %arg6[%add3A_100, %dma_wait3A_154] : memref<320000x64xf32, #tpu.memory_space<hbm>> -> memref<400x64xf32, #tpu.memory_space<hbm>>
        tpu.wait_dma2 semaphore(%run_scoped3A : memref<!tpu.dma_semaphore, #tpu.memory_space<semaphore_mem>>) src(%arg12 : memref<400x64xf32, #tpu.memory_space<vmem>>) dst(%dma_wait3A_155 : memref<400x64xf32, #tpu.memory_space<hbm>>)
        tpu.yield
      }) : () -> ()
      %add3A_113 = arith.constant 2 : i32
      %add3A_114 = arith.addi %mul3A_79, %add3A_113 : i32
      %mul3A_115 = arith.constant 400 : i32
      %mul3A_116 = arith.muli %add3A_114, %mul3A_115 : i32
      %add3A_117 = arith.addi %mul3A_2, %mul3A_116 : i32
      "tpu.region"() ({
        %run_scoped3A = tpu.sem_alloc : memref<!tpu.dma_semaphore, #tpu.memory_space<semaphore_mem>>
        %dma_start3A_148 = tpu.memref_slice %arg4[%add3A_117] : memref<320000xi32, #tpu.memory_space<hbm>> -> memref<400xi32, #tpu.memory_space<hbm>>
        %dma_start3A_149 = tpu.memref_slice %arg4[%add3A_117] : memref<320000xi32, #tpu.memory_space<hbm>> -> memref<400xi32, #tpu.memory_space<hbm>>
        tpu.enqueue_dma source(%dma_start3A_149 : memref<400xi32, #tpu.memory_space<hbm>>) target(%arg8 : memref<400xi32, #tpu.memory_space<vmem>>) target_semaphore(%run_scoped3A : memref<!tpu.dma_semaphore, #tpu.memory_space<semaphore_mem>>)
        %dma_wait3A_150 = tpu.memref_slice %arg4[%add3A_117] : memref<320000xi32, #tpu.memory_space<hbm>> -> memref<400xi32, #tpu.memory_space<hbm>>
        %dma_wait3A_151 = tpu.memref_slice %arg4[%add3A_117] : memref<320000xi32, #tpu.memory_space<hbm>> -> memref<400xi32, #tpu.memory_space<hbm>>
        tpu.wait_dma2 semaphore(%run_scoped3A : memref<!tpu.dma_semaphore, #tpu.memory_space<semaphore_mem>>) src(%dma_wait3A_151 : memref<400xi32, #tpu.memory_space<hbm>>) dst(%arg8 : memref<400xi32, #tpu.memory_space<vmem>>)
        tpu.yield
      }) : () -> ()
      "tpu.region"() ({
        %run_scoped3A = tpu.sem_alloc : memref<!tpu.dma_semaphore, #tpu.memory_space<semaphore_mem>>
        %dma_start3A_148 = tpu.memref_slice %arg5[%add3A_117] : memref<320000xi32, #tpu.memory_space<hbm>> -> memref<400xi32, #tpu.memory_space<hbm>>
        %dma_start3A_149 = tpu.memref_slice %arg5[%add3A_117] : memref<320000xi32, #tpu.memory_space<hbm>> -> memref<400xi32, #tpu.memory_space<hbm>>
        tpu.enqueue_dma source(%dma_start3A_149 : memref<400xi32, #tpu.memory_space<hbm>>) target(%arg9 : memref<400xi32, #tpu.memory_space<vmem>>) target_semaphore(%run_scoped3A : memref<!tpu.dma_semaphore, #tpu.memory_space<semaphore_mem>>)
        %dma_wait3A_150 = tpu.memref_slice %arg5[%add3A_117] : memref<320000xi32, #tpu.memory_space<hbm>> -> memref<400xi32, #tpu.memory_space<hbm>>
        %dma_wait3A_151 = tpu.memref_slice %arg5[%add3A_117] : memref<320000xi32, #tpu.memory_space<hbm>> -> memref<400xi32, #tpu.memory_space<hbm>>
        tpu.wait_dma2 semaphore(%run_scoped3A : memref<!tpu.dma_semaphore, #tpu.memory_space<semaphore_mem>>) src(%dma_wait3A_151 : memref<400xi32, #tpu.memory_space<hbm>>) dst(%arg9 : memref<400xi32, #tpu.memory_space<vmem>>)
        tpu.yield
      }) : () -> ()
      %scan3A_118 = arith.constant 0 : i32
      %scan3A_119 = arith.constant 0 : i32
      %scan3A_120 = arith.constant 25 : i32
      %scan3A_121 = arith.addi %scan3A_119, %scan3A_120 : i32
      %scan3A_122 = arith.constant 1 : i32
      %scan3A_123 = scf.for %scan3A_148 = %scan3A_119 to %scan3A_121 step %scan3A_122 iter_args(%scan3A_149 = %scan3A_118) -> (i32)  : i32 {
        %mul3A_150 = arith.constant 16 : i32
        %mul3A_151 = arith.muli %scan3A_148, %mul3A_150 : i32
        %get3A = arith.index_cast %mul3A_151 : i32 to index
        %get3A_152 = tpu.vector_load %arg8[%get3A] {strides = array<i32>} : memref<400xi32, #tpu.memory_space<vmem>>, vector<16xi32>,
        %get3A_153 = vector.shape_cast %get3A_152 : vector<16xi32> to vector<16xi32>
        %get3A_154 = arith.index_cast %mul3A_151 : i32 to index
        %get3A_155 = tpu.vector_load %arg9[%get3A_154] {strides = array<i32>} : memref<400xi32, #tpu.memory_space<vmem>>, vector<16xi32>,
        %get3A_156 = vector.shape_cast %get3A_155 : vector<16xi32> to vector<16xi32>
        %eq3A = arith.cmpi eq, %get3A_153, %get3A_156 : vector<16xi32>
        %select_n3A = arith.select %eq3A, %broadcast_in_dim3A_3, %get3A_156 : vector<16xi1>, vector<16xi32>
        %swap3A_157 = arith.index_cast %mul3A_151 : i32 to index
        %swap3A_158 = tpu.vector_load %arg10[%swap3A_157] {strides = array<i32>} : memref<400xi32, #tpu.memory_space<vmem>>, vector<16xi32>,
        %swap3A_159 = vector.shape_cast %swap3A_158 : vector<16xi32> to vector<16xi32>
        %swap3A_160 = vector.shape_cast %select_n3A : vector<16xi32> to vector<16xi32>
        tpu.vector_store %arg10[%swap3A_157], %swap3A_160 {strides = array<i32>} : memref<400xi32, #tpu.memory_space<vmem>>, vector<16xi32>,
        %select_n3A_161 = arith.select %eq3A, %broadcast_in_dim3A_3, %get3A_153 : vector<16xi1>, vector<16xi32>
        %swap3A_162 = arith.index_cast %mul3A_151 : i32 to index
        %swap3A_163 = tpu.vector_load %arg11[%swap3A_162] {strides = array<i32>} : memref<400xi32, #tpu.memory_space<vmem>>, vector<16xi32>,
        %swap3A_164 = vector.shape_cast %swap3A_163 : vector<16xi32> to vector<16xi32>
        %swap3A_165 = vector.shape_cast %select_n3A_161 : vector<16xi32> to vector<16xi32>
        tpu.vector_store %arg11[%swap3A_162], %swap3A_165 {strides = array<i32>} : memref<400xi32, #tpu.memory_space<vmem>>, vector<16xi32>,
        %scan3A_166 = arith.constant 0 : i32
        scf.yield %scan3A_166 : i32
      }
      %scan3A_124 = arith.constant 25 : i32
      %dma_start3A_125 = arith.constant 0 : i32
      %dma_start3A_126 = arith.constant 0 : i32
      %dma_start3A_127 = tpu.memref_slice %arg2[%dma_start3A_125, %dma_start3A_126] : memref<10008x64xf32, #tpu.memory_space<hbm>> -> memref<10008x64xf32, #tpu.memory_space<hbm>>
      tpu.enqueue_indirect_dma source(%dma_start3A_127 : memref<10008x64xf32, #tpu.memory_space<hbm>>) target(%arg12 : memref<400x64xf32, #tpu.memory_space<vmem>>) offsets(%arg10 : memref<400xi32, #tpu.memory_space<vmem>>) semaphore(%arg14 : memref<!tpu.dma_semaphore, #tpu.memory_space<semaphore_mem>>)
      %dma_start3A_128 = arith.constant 0 : i32
      %dma_start3A_129 = arith.constant 0 : i32
      %dma_start3A_130 = tpu.memref_slice %arg3[%dma_start3A_128, %dma_start3A_129] : memref<10008x64xf32, #tpu.memory_space<hbm>> -> memref<10008x64xf32, #tpu.memory_space<hbm>>
      tpu.enqueue_indirect_dma source(%dma_start3A_130 : memref<10008x64xf32, #tpu.memory_space<hbm>>) target(%arg13 : memref<400x64xf32, #tpu.memory_space<vmem>>) offsets(%arg11 : memref<400xi32, #tpu.memory_space<vmem>>) semaphore(%arg14 : memref<!tpu.dma_semaphore, #tpu.memory_space<semaphore_mem>>)
      %add3A_131 = arith.constant 1 : i32
      %add3A_132 = arith.addi %mul3A_79, %add3A_131 : i32
      %mul3A_133 = arith.constant 400 : i32
      %mul3A_134 = arith.muli %add3A_132, %mul3A_133 : i32
      %add3A_135 = arith.addi %mul3A_2, %mul3A_134 : i32
      %dma_wait3A_136 = arith.constant 0 : i32
      %dma_wait3A_137 = arith.constant 0 : i32
      %dma_wait3A_138 = tpu.memref_slice %arg2[%dma_wait3A_136, %dma_wait3A_137] : memref<10008x64xf32, #tpu.memory_space<hbm>> -> memref<10008x64xf32, #tpu.memory_space<hbm>>
      tpu.wait_indirect_dma semaphore(%arg19 : memref<!tpu.dma_semaphore, #tpu.memory_space<semaphore_mem>>) src(%dma_wait3A_138 : memref<10008x64xf32, #tpu.memory_space<hbm>>) dst(%arg17 : memref<400x64xf32, #tpu.memory_space<vmem>>)
      %dma_wait3A_139 = arith.constant 0 : i32
      %dma_wait3A_140 = arith.constant 0 : i32
      %dma_wait3A_141 = tpu.memref_slice %arg3[%dma_wait3A_139, %dma_wait3A_140] : memref<10008x64xf32, #tpu.memory_space<hbm>> -> memref<10008x64xf32, #tpu.memory_space<hbm>>
      tpu.wait_indirect_dma semaphore(%arg19 : memref<!tpu.dma_semaphore, #tpu.memory_space<semaphore_mem>>) src(%dma_wait3A_141 : memref<10008x64xf32, #tpu.memory_space<hbm>>) dst(%arg18 : memref<400x64xf32, #tpu.memory_space<vmem>>)
      %scan3A_142 = arith.constant 0 : i32
      %scan3A_143 = arith.constant 400 : i32
      %scan3A_144 = arith.addi %scan3A_142, %scan3A_143 : i32
      %scan3A_145 = arith.constant 1 : i32
      %scan3A_146:8 = scf.for %scan3A_148 = %scan3A_142 to %scan3A_144 step %scan3A_145 iter_args(%scan3A_149 = %scan3A_111#0, %scan3A_150 = %scan3A_111#1, %scan3A_151 = %scan3A_111#2, %scan3A_152 = %scan3A_111#3, %scan3A_153 = %scan3A_111#4, %scan3A_154 = %scan3A_111#5, %scan3A_155 = %scan3A_111#6, %scan3A_156 = %scan3A_111#7) -> (vector<16xf32>, vector<16xf32>, vector<16xf32>, vector<16xf32>, vector<16xf32>, vector<16xf32>, vector<16xf32>, vector<16xf32>)  : i32 {
        %get3A = arith.index_cast %scan3A_148 : i32 to index
        %get3A_157 = arith.constant 0 : index
        %get3A_158 = tpu.vector_load %arg17[%get3A, %get3A_157] {strides = array<i32>} : memref<400x64xf32, #tpu.memory_space<vmem>>, vector<1x16xf32>,
        %get3A_159 = vector.shape_cast %get3A_158 : vector<1x16xf32> to vector<16xf32>
        %get3A_160 = arith.index_cast %scan3A_148 : i32 to index
        %get3A_161 = arith.constant 0 : index
        %get3A_162 = tpu.vector_load %arg18[%get3A_160, %get3A_161] {strides = array<i32>} : memref<400x64xf32, #tpu.memory_space<vmem>>, vector<1x16xf32>,
        %get3A_163 = vector.shape_cast %get3A_162 : vector<1x16xf32> to vector<16xf32>
        %add3A_164 = arith.addf %get3A_159, %get3A_163 : vector<16xf32>
        %max3A = arith.constant 0.000000e+00 : f32
        %max3A_165 = vector.broadcast %max3A : f32 to vector<16xf32>
        %max3A_166 = arith.maximumf %add3A_164, %max3A_165 : vector<16xf32>
        %swap3A_167 = arith.index_cast %scan3A_148 : i32 to index
        %swap3A_168 = arith.constant 0 : index
        %swap3A_169 = tpu.vector_load %arg17[%swap3A_167, %swap3A_168] {strides = array<i32>} : memref<400x64xf32, #tpu.memory_space<vmem>>, vector<1x16xf32>,
        %swap3A_170 = vector.shape_cast %swap3A_169 : vector<1x16xf32> to vector<16xf32>
        %swap3A_171 = vector.shape_cast %max3A_166 : vector<16xf32> to vector<1x16xf32>
        tpu.vector_store %arg17[%swap3A_167, %swap3A_168], %swap3A_171 {strides = array<i32>} : memref<400x64xf32, #tpu.memory_space<vmem>>, vector<1x16xf32>,
        %add3A_172 = arith.addf %scan3A_149, %max3A_166 : vector<16xf32>
        %mul3A_173 = arith.mulf %max3A_166, %max3A_166 : vector<16xf32>
        %add3A_174 = arith.addf %scan3A_153, %mul3A_173 : vector<16xf32>
        %get3A_175 = arith.index_cast %scan3A_148 : i32 to index
        %get3A_176 = arith.constant 16 : index
        %get3A_177 = tpu.vector_load %arg17[%get3A_175, %get3A_176] {strides = array<i32>} : memref<400x64xf32, #tpu.memory_space<vmem>>, vector<1x16xf32>,
        %get3A_178 = vector.shape_cast %get3A_177 : vector<1x16xf32> to vector<16xf32>
        %get3A_179 = arith.index_cast %scan3A_148 : i32 to index
        %get3A_180 = arith.constant 16 : index
        %get3A_181 = tpu.vector_load %arg18[%get3A_179, %get3A_180] {strides = array<i32>} : memref<400x64xf32, #tpu.memory_space<vmem>>, vector<1x16xf32>,
        %get3A_182 = vector.shape_cast %get3A_181 : vector<1x16xf32> to vector<16xf32>
        %add3A_183 = arith.addf %get3A_178, %get3A_182 : vector<16xf32>
        %max3A_184 = arith.constant 0.000000e+00 : f32
        %max3A_185 = vector.broadcast %max3A_184 : f32 to vector<16xf32>
        %max3A_186 = arith.maximumf %add3A_183, %max3A_185 : vector<16xf32>
        %swap3A_187 = arith.index_cast %scan3A_148 : i32 to index
        %swap3A_188 = arith.constant 16 : index
        %swap3A_189 = tpu.vector_load %arg17[%swap3A_187, %swap3A_188] {strides = array<i32>} : memref<400x64xf32, #tpu.memory_space<vmem>>, vector<1x16xf32>,
        %swap3A_190 = vector.shape_cast %swap3A_189 : vector<1x16xf32> to vector<16xf32>
        %swap3A_191 = vector.shape_cast %max3A_186 : vector<16xf32> to vector<1x16xf32>
        tpu.vector_store %arg17[%swap3A_187, %swap3A_188], %swap3A_191 {strides = array<i32>} : memref<400x64xf32, #tpu.memory_space<vmem>>, vector<1x16xf32>,
        %add3A_192 = arith.addf %scan3A_150, %max3A_186 : vector<16xf32>
        %mul3A_193 = arith.mulf %max3A_186, %max3A_186 : vector<16xf32>
        %add3A_194 = arith.addf %scan3A_154, %mul3A_193 : vector<16xf32>
        %get3A_195 = arith.index_cast %scan3A_148 : i32 to index
        %get3A_196 = arith.constant 32 : index
        %get3A_197 = tpu.vector_load %arg17[%get3A_195, %get3A_196] {strides = array<i32>} : memref<400x64xf32, #tpu.memory_space<vmem>>, vector<1x16xf32>,
        %get3A_198 = vector.shape_cast %get3A_197 : vector<1x16xf32> to vector<16xf32>
        %get3A_199 = arith.index_cast %scan3A_148 : i32 to index
        %get3A_200 = arith.constant 32 : index
        %get3A_201 = tpu.vector_load %arg18[%get3A_199, %get3A_200] {strides = array<i32>} : memref<400x64xf32, #tpu.memory_space<vmem>>, vector<1x16xf32>,
        %get3A_202 = vector.shape_cast %get3A_201 : vector<1x16xf32> to vector<16xf32>
        %add3A_203 = arith.addf %get3A_198, %get3A_202 : vector<16xf32>
        %max3A_204 = arith.constant 0.000000e+00 : f32
        %max3A_205 = vector.broadcast %max3A_204 : f32 to vector<16xf32>
        %max3A_206 = arith.maximumf %add3A_203, %max3A_205 : vector<16xf32>
        %swap3A_207 = arith.index_cast %scan3A_148 : i32 to index
        %swap3A_208 = arith.constant 32 : index
        %swap3A_209 = tpu.vector_load %arg17[%swap3A_207, %swap3A_208] {strides = array<i32>} : memref<400x64xf32, #tpu.memory_space<vmem>>, vector<1x16xf32>,
        %swap3A_210 = vector.shape_cast %swap3A_209 : vector<1x16xf32> to vector<16xf32>
        %swap3A_211 = vector.shape_cast %max3A_206 : vector<16xf32> to vector<1x16xf32>
        tpu.vector_store %arg17[%swap3A_207, %swap3A_208], %swap3A_211 {strides = array<i32>} : memref<400x64xf32, #tpu.memory_space<vmem>>, vector<1x16xf32>,
        %add3A_212 = arith.addf %scan3A_151, %max3A_206 : vector<16xf32>
        %mul3A_213 = arith.mulf %max3A_206, %max3A_206 : vector<16xf32>
        %add3A_214 = arith.addf %scan3A_155, %mul3A_213 : vector<16xf32>
        %get3A_215 = arith.index_cast %scan3A_148 : i32 to index
        %get3A_216 = arith.constant 48 : index
        %get3A_217 = tpu.vector_load %arg17[%get3A_215, %get3A_216] {strides = array<i32>} : memref<400x64xf32, #tpu.memory_space<vmem>>, vector<1x16xf32>,
        %get3A_218 = vector.shape_cast %get3A_217 : vector<1x16xf32> to vector<16xf32>
        %get3A_219 = arith.index_cast %scan3A_148 : i32 to index
        %get3A_220 = arith.constant 48 : index
        %get3A_221 = tpu.vector_load %arg18[%get3A_219, %get3A_220] {strides = array<i32>} : memref<400x64xf32, #tpu.memory_space<vmem>>, vector<1x16xf32>,
        %get3A_222 = vector.shape_cast %get3A_221 : vector<1x16xf32> to vector<16xf32>
        %add3A_223 = arith.addf %get3A_218, %get3A_222 : vector<16xf32>
        %max3A_224 = arith.constant 0.000000e+00 : f32
        %max3A_225 = vector.broadcast %max3A_224 : f32 to vector<16xf32>
        %max3A_226 = arith.maximumf %add3A_223, %max3A_225 : vector<16xf32>
        %swap3A_227 = arith.index_cast %scan3A_148 : i32 to index
        %swap3A_228 = arith.constant 48 : index
        %swap3A_229 = tpu.vector_load %arg17[%swap3A_227, %swap3A_228] {strides = array<i32>} : memref<400x64xf32, #tpu.memory_space<vmem>>, vector<1x16xf32>,
        %swap3A_230 = vector.shape_cast %swap3A_229 : vector<1x16xf32> to vector<16xf32>
        %swap3A_231 = vector.shape_cast %max3A_226 : vector<16xf32> to vector<1x16xf32>
        tpu.vector_store %arg17[%swap3A_227, %swap3A_228], %swap3A_231 {strides = array<i32>} : memref<400x64xf32, #tpu.memory_space<vmem>>, vector<1x16xf32>,
        %add3A_232 = arith.addf %scan3A_152, %max3A_226 : vector<16xf32>
        %mul3A_233 = arith.mulf %max3A_226, %max3A_226 : vector<16xf32>
        %add3A_234 = arith.addf %scan3A_156, %mul3A_233 : vector<16xf32>
        scf.yield %add3A_172, %add3A_192, %add3A_212, %add3A_232, %add3A_174, %add3A_194, %add3A_214, %add3A_234 : vector<16xf32>, vector<16xf32>, vector<16xf32>, vector<16xf32>, vector<16xf32>, vector<16xf32>, vector<16xf32>, vector<16xf32>
      }
      %scan3A_147 = arith.constant 400 : i32
      "tpu.region"() ({
        %run_scoped3A = tpu.sem_alloc : memref<!tpu.dma_semaphore, #tpu.memory_space<semaphore_mem>>
        %dma_start3A_148 = arith.constant 0 : i32
        %dma_start3A_149 = tpu.memref_slice %arg6[%add3A_135, %dma_start3A_148] : memref<320000x64xf32, #tpu.memory_space<hbm>> -> memref<400x64xf32, #tpu.memory_space<hbm>>
        %dma_start3A_150 = arith.constant 0 : i32
        %dma_start3A_151 = tpu.memref_slice %arg6[%add3A_135, %dma_start3A_150] : memref<320000x64xf32, #tpu.memory_space<hbm>> -> memref<400x64xf32, #tpu.memory_space<hbm>>
        tpu.enqueue_dma source(%arg17 : memref<400x64xf32, #tpu.memory_space<vmem>>) target(%dma_start3A_151 : memref<400x64xf32, #tpu.memory_space<hbm>>) target_semaphore(%run_scoped3A : memref<!tpu.dma_semaphore, #tpu.memory_space<semaphore_mem>>)
        %dma_wait3A_152 = arith.constant 0 : i32
        %dma_wait3A_153 = tpu.memref_slice %arg6[%add3A_135, %dma_wait3A_152] : memref<320000x64xf32, #tpu.memory_space<hbm>> -> memref<400x64xf32, #tpu.memory_space<hbm>>
        %dma_wait3A_154 = arith.constant 0 : i32
        %dma_wait3A_155 = tpu.memref_slice %arg6[%add3A_135, %dma_wait3A_154] : memref<320000x64xf32, #tpu.memory_space<hbm>> -> memref<400x64xf32, #tpu.memory_space<hbm>>
        tpu.wait_dma2 semaphore(%run_scoped3A : memref<!tpu.dma_semaphore, #tpu.memory_space<semaphore_mem>>) src(%arg17 : memref<400x64xf32, #tpu.memory_space<vmem>>) dst(%dma_wait3A_155 : memref<400x64xf32, #tpu.memory_space<hbm>>)
        tpu.yield
      }) : () -> ()
      scf.yield %scan3A_146#0, %scan3A_146#1, %scan3A_146#2, %scan3A_146#3, %scan3A_146#4, %scan3A_146#5, %scan3A_146#6, %scan3A_146#7 : vector<16xf32>, vector<16xf32>, vector<16xf32>, vector<16xf32>, vector<16xf32>, vector<16xf32>, vector<16xf32>, vector<16xf32>
    }
    %scan3A_24 = arith.constant 12 : i32
    %add3A_25 = arith.constant 9600 : i32
    %add3A_26 = arith.addi %mul3A_2, %add3A_25 : i32
    %dma_wait3A = arith.constant 0 : i32
    %dma_wait3A_27 = arith.constant 0 : i32
    %dma_wait3A_28 = tpu.memref_slice %arg2[%dma_wait3A, %dma_wait3A_27] : memref<10008x64xf32, #tpu.memory_space<hbm>> -> memref<10008x64xf32, #tpu.memory_space<hbm>>
    tpu.wait_indirect_dma semaphore(%arg14 : memref<!tpu.dma_semaphore, #tpu.memory_space<semaphore_mem>>) src(%dma_wait3A_28 : memref<10008x64xf32, #tpu.memory_space<hbm>>) dst(%arg12 : memref<400x64xf32, #tpu.memory_space<vmem>>)
    %dma_wait3A_29 = arith.constant 0 : i32
    %dma_wait3A_30 = arith.constant 0 : i32
    %dma_wait3A_31 = tpu.memref_slice %arg3[%dma_wait3A_29, %dma_wait3A_30] : memref<10008x64xf32, #tpu.memory_space<hbm>> -> memref<10008x64xf32, #tpu.memory_space<hbm>>
    tpu.wait_indirect_dma semaphore(%arg14 : memref<!tpu.dma_semaphore, #tpu.memory_space<semaphore_mem>>) src(%dma_wait3A_31 : memref<10008x64xf32, #tpu.memory_space<hbm>>) dst(%arg13 : memref<400x64xf32, #tpu.memory_space<vmem>>)
    %scan3A_32 = arith.constant 0 : i32
    %scan3A_33 = arith.constant 400 : i32
    %scan3A_34 = arith.addi %scan3A_32, %scan3A_33 : i32
    %scan3A_35 = arith.constant 1 : i32
    %scan3A_36:8 = scf.for %scan3A_69 = %scan3A_32 to %scan3A_34 step %scan3A_35 iter_args(%scan3A_70 = %scan3A_23#0, %scan3A_71 = %scan3A_23#1, %scan3A_72 = %scan3A_23#2, %scan3A_73 = %scan3A_23#3, %scan3A_74 = %scan3A_23#4, %scan3A_75 = %scan3A_23#5, %scan3A_76 = %scan3A_23#6, %scan3A_77 = %scan3A_23#7) -> (vector<16xf32>, vector<16xf32>, vector<16xf32>, vector<16xf32>, vector<16xf32>, vector<16xf32>, vector<16xf32>, vector<16xf32>)  : i32 {
      %get3A = arith.index_cast %scan3A_69 : i32 to index
      %get3A_78 = arith.constant 0 : index
      %get3A_79 = tpu.vector_load %arg12[%get3A, %get3A_78] {strides = array<i32>} : memref<400x64xf32, #tpu.memory_space<vmem>>, vector<1x16xf32>,
      %get3A_80 = vector.shape_cast %get3A_79 : vector<1x16xf32> to vector<16xf32>
      %get3A_81 = arith.index_cast %scan3A_69 : i32 to index
      %get3A_82 = arith.constant 0 : index
      %get3A_83 = tpu.vector_load %arg13[%get3A_81, %get3A_82] {strides = array<i32>} : memref<400x64xf32, #tpu.memory_space<vmem>>, vector<1x16xf32>,
      %get3A_84 = vector.shape_cast %get3A_83 : vector<1x16xf32> to vector<16xf32>
      %add3A_85 = arith.addf %get3A_80, %get3A_84 : vector<16xf32>
      %max3A = arith.constant 0.000000e+00 : f32
      %max3A_86 = vector.broadcast %max3A : f32 to vector<16xf32>
      %max3A_87 = arith.maximumf %add3A_85, %max3A_86 : vector<16xf32>
      %swap3A_88 = arith.index_cast %scan3A_69 : i32 to index
      %swap3A_89 = arith.constant 0 : index
      %swap3A_90 = tpu.vector_load %arg12[%swap3A_88, %swap3A_89] {strides = array<i32>} : memref<400x64xf32, #tpu.memory_space<vmem>>, vector<1x16xf32>,
      %swap3A_91 = vector.shape_cast %swap3A_90 : vector<1x16xf32> to vector<16xf32>
      %swap3A_92 = vector.shape_cast %max3A_87 : vector<16xf32> to vector<1x16xf32>
      tpu.vector_store %arg12[%swap3A_88, %swap3A_89], %swap3A_92 {strides = array<i32>} : memref<400x64xf32, #tpu.memory_space<vmem>>, vector<1x16xf32>,
      %add3A_93 = arith.addf %scan3A_70, %max3A_87 : vector<16xf32>
      %mul3A_94 = arith.mulf %max3A_87, %max3A_87 : vector<16xf32>
      %add3A_95 = arith.addf %scan3A_74, %mul3A_94 : vector<16xf32>
      %get3A_96 = arith.index_cast %scan3A_69 : i32 to index
      %get3A_97 = arith.constant 16 : index
      %get3A_98 = tpu.vector_load %arg12[%get3A_96, %get3A_97] {strides = array<i32>} : memref<400x64xf32, #tpu.memory_space<vmem>>, vector<1x16xf32>,
      %get3A_99 = vector.shape_cast %get3A_98 : vector<1x16xf32> to vector<16xf32>
      %get3A_100 = arith.index_cast %scan3A_69 : i32 to index
      %get3A_101 = arith.constant 16 : index
      %get3A_102 = tpu.vector_load %arg13[%get3A_100, %get3A_101] {strides = array<i32>} : memref<400x64xf32, #tpu.memory_space<vmem>>, vector<1x16xf32>,
      %get3A_103 = vector.shape_cast %get3A_102 : vector<1x16xf32> to vector<16xf32>
      %add3A_104 = arith.addf %get3A_99, %get3A_103 : vector<16xf32>
      %max3A_105 = arith.constant 0.000000e+00 : f32
      %max3A_106 = vector.broadcast %max3A_105 : f32 to vector<16xf32>
      %max3A_107 = arith.maximumf %add3A_104, %max3A_106 : vector<16xf32>
      %swap3A_108 = arith.index_cast %scan3A_69 : i32 to index
      %swap3A_109 = arith.constant 16 : index
      %swap3A_110 = tpu.vector_load %arg12[%swap3A_108, %swap3A_109] {strides = array<i32>} : memref<400x64xf32, #tpu.memory_space<vmem>>, vector<1x16xf32>,
      %swap3A_111 = vector.shape_cast %swap3A_110 : vector<1x16xf32> to vector<16xf32>
      %swap3A_112 = vector.shape_cast %max3A_107 : vector<16xf32> to vector<1x16xf32>
      tpu.vector_store %arg12[%swap3A_108, %swap3A_109], %swap3A_112 {strides = array<i32>} : memref<400x64xf32, #tpu.memory_space<vmem>>, vector<1x16xf32>,
      %add3A_113 = arith.addf %scan3A_71, %max3A_107 : vector<16xf32>
      %mul3A_114 = arith.mulf %max3A_107, %max3A_107 : vector<16xf32>
      %add3A_115 = arith.addf %scan3A_75, %mul3A_114 : vector<16xf32>
      %get3A_116 = arith.index_cast %scan3A_69 : i32 to index
      %get3A_117 = arith.constant 32 : index
      %get3A_118 = tpu.vector_load %arg12[%get3A_116, %get3A_117] {strides = array<i32>} : memref<400x64xf32, #tpu.memory_space<vmem>>, vector<1x16xf32>,
      %get3A_119 = vector.shape_cast %get3A_118 : vector<1x16xf32> to vector<16xf32>
      %get3A_120 = arith.index_cast %scan3A_69 : i32 to index
      %get3A_121 = arith.constant 32 : index
      %get3A_122 = tpu.vector_load %arg13[%get3A_120, %get3A_121] {strides = array<i32>} : memref<400x64xf32, #tpu.memory_space<vmem>>, vector<1x16xf32>,
      %get3A_123 = vector.shape_cast %get3A_122 : vector<1x16xf32> to vector<16xf32>
      %add3A_124 = arith.addf %get3A_119, %get3A_123 : vector<16xf32>
      %max3A_125 = arith.constant 0.000000e+00 : f32
      %max3A_126 = vector.broadcast %max3A_125 : f32 to vector<16xf32>
      %max3A_127 = arith.maximumf %add3A_124, %max3A_126 : vector<16xf32>
      %swap3A_128 = arith.index_cast %scan3A_69 : i32 to index
      %swap3A_129 = arith.constant 32 : index
      %swap3A_130 = tpu.vector_load %arg12[%swap3A_128, %swap3A_129] {strides = array<i32>} : memref<400x64xf32, #tpu.memory_space<vmem>>, vector<1x16xf32>,
      %swap3A_131 = vector.shape_cast %swap3A_130 : vector<1x16xf32> to vector<16xf32>
      %swap3A_132 = vector.shape_cast %max3A_127 : vector<16xf32> to vector<1x16xf32>
      tpu.vector_store %arg12[%swap3A_128, %swap3A_129], %swap3A_132 {strides = array<i32>} : memref<400x64xf32, #tpu.memory_space<vmem>>, vector<1x16xf32>,
      %add3A_133 = arith.addf %scan3A_72, %max3A_127 : vector<16xf32>
      %mul3A_134 = arith.mulf %max3A_127, %max3A_127 : vector<16xf32>
      %add3A_135 = arith.addf %scan3A_76, %mul3A_134 : vector<16xf32>
      %get3A_136 = arith.index_cast %scan3A_69 : i32 to index
      %get3A_137 = arith.constant 48 : index
      %get3A_138 = tpu.vector_load %arg12[%get3A_136, %get3A_137] {strides = array<i32>} : memref<400x64xf32, #tpu.memory_space<vmem>>, vector<1x16xf32>,
      %get3A_139 = vector.shape_cast %get3A_138 : vector<1x16xf32> to vector<16xf32>
      %get3A_140 = arith.index_cast %scan3A_69 : i32 to index
      %get3A_141 = arith.constant 48 : index
      %get3A_142 = tpu.vector_load %arg13[%get3A_140, %get3A_141] {strides = array<i32>} : memref<400x64xf32, #tpu.memory_space<vmem>>, vector<1x16xf32>,
      %get3A_143 = vector.shape_cast %get3A_142 : vector<1x16xf32> to vector<16xf32>
      %add3A_144 = arith.addf %get3A_139, %get3A_143 : vector<16xf32>
      %max3A_145 = arith.constant 0.000000e+00 : f32
      %max3A_146 = vector.broadcast %max3A_145 : f32 to vector<16xf32>
      %max3A_147 = arith.maximumf %add3A_144, %max3A_146 : vector<16xf32>
      %swap3A_148 = arith.index_cast %scan3A_69 : i32 to index
      %swap3A_149 = arith.constant 48 : index
      %swap3A_150 = tpu.vector_load %arg12[%swap3A_148, %swap3A_149] {strides = array<i32>} : memref<400x64xf32, #tpu.memory_space<vmem>>, vector<1x16xf32>,
      %swap3A_151 = vector.shape_cast %swap3A_150 : vector<1x16xf32> to vector<16xf32>
      %swap3A_152 = vector.shape_cast %max3A_147 : vector<16xf32> to vector<1x16xf32>
      tpu.vector_store %arg12[%swap3A_148, %swap3A_149], %swap3A_152 {strides = array<i32>} : memref<400x64xf32, #tpu.memory_space<vmem>>, vector<1x16xf32>,
      %add3A_153 = arith.addf %scan3A_73, %max3A_147 : vector<16xf32>
      %mul3A_154 = arith.mulf %max3A_147, %max3A_147 : vector<16xf32>
      %add3A_155 = arith.addf %scan3A_77, %mul3A_154 : vector<16xf32>
      scf.yield %add3A_93, %add3A_113, %add3A_133, %add3A_153, %add3A_95, %add3A_115, %add3A_135, %add3A_155 : vector<16xf32>, vector<16xf32>, vector<16xf32>, vector<16xf32>, vector<16xf32>, vector<16xf32>, vector<16xf32>, vector<16xf32>
    }
    %scan3A_37 = arith.constant 400 : i32
    "tpu.region"() ({
      %run_scoped3A = tpu.sem_alloc : memref<!tpu.dma_semaphore, #tpu.memory_space<semaphore_mem>>
      %dma_start3A_69 = arith.constant 0 : i32
      %dma_start3A_70 = tpu.memref_slice %arg6[%add3A_26, %dma_start3A_69] : memref<320000x64xf32, #tpu.memory_space<hbm>> -> memref<400x64xf32, #tpu.memory_space<hbm>>
      %dma_start3A_71 = arith.constant 0 : i32
      %dma_start3A_72 = tpu.memref_slice %arg6[%add3A_26, %dma_start3A_71] : memref<320000x64xf32, #tpu.memory_space<hbm>> -> memref<400x64xf32, #tpu.memory_space<hbm>>
      tpu.enqueue_dma source(%arg12 : memref<400x64xf32, #tpu.memory_space<vmem>>) target(%dma_start3A_72 : memref<400x64xf32, #tpu.memory_space<hbm>>) target_semaphore(%run_scoped3A : memref<!tpu.dma_semaphore, #tpu.memory_space<semaphore_mem>>)
      %dma_wait3A_73 = arith.constant 0 : i32
      %dma_wait3A_74 = tpu.memref_slice %arg6[%add3A_26, %dma_wait3A_73] : memref<320000x64xf32, #tpu.memory_space<hbm>> -> memref<400x64xf32, #tpu.memory_space<hbm>>
      %dma_wait3A_75 = arith.constant 0 : i32
      %dma_wait3A_76 = tpu.memref_slice %arg6[%add3A_26, %dma_wait3A_75] : memref<320000x64xf32, #tpu.memory_space<hbm>> -> memref<400x64xf32, #tpu.memory_space<hbm>>
      tpu.wait_dma2 semaphore(%run_scoped3A : memref<!tpu.dma_semaphore, #tpu.memory_space<semaphore_mem>>) src(%arg12 : memref<400x64xf32, #tpu.memory_space<vmem>>) dst(%dma_wait3A_76 : memref<400x64xf32, #tpu.memory_space<hbm>>)
      tpu.yield
    }) : () -> ()
    %swap3A = arith.constant 0 : index
    %swap3A_38 = tpu.vector_load %arg20[%swap3A] {strides = array<i32>} : memref<128xf32, #tpu.memory_space<vmem>>, vector<16xf32>,
    %swap3A_39 = vector.shape_cast %swap3A_38 : vector<16xf32> to vector<16xf32>
    %swap3A_40 = vector.shape_cast %scan3A_36#0 : vector<16xf32> to vector<16xf32>
    tpu.vector_store %arg20[%swap3A], %swap3A_40 {strides = array<i32>} : memref<128xf32, #tpu.memory_space<vmem>>, vector<16xf32>,
    %swap3A_41 = arith.constant 16 : index
    %swap3A_42 = tpu.vector_load %arg20[%swap3A_41] {strides = array<i32>} : memref<128xf32, #tpu.memory_space<vmem>>, vector<16xf32>,
    %swap3A_43 = vector.shape_cast %swap3A_42 : vector<16xf32> to vector<16xf32>
    %swap3A_44 = vector.shape_cast %scan3A_36#1 : vector<16xf32> to vector<16xf32>
    tpu.vector_store %arg20[%swap3A_41], %swap3A_44 {strides = array<i32>} : memref<128xf32, #tpu.memory_space<vmem>>, vector<16xf32>,
    %swap3A_45 = arith.constant 32 : index
    %swap3A_46 = tpu.vector_load %arg20[%swap3A_45] {strides = array<i32>} : memref<128xf32, #tpu.memory_space<vmem>>, vector<16xf32>,
    %swap3A_47 = vector.shape_cast %swap3A_46 : vector<16xf32> to vector<16xf32>
    %swap3A_48 = vector.shape_cast %scan3A_36#2 : vector<16xf32> to vector<16xf32>
    tpu.vector_store %arg20[%swap3A_45], %swap3A_48 {strides = array<i32>} : memref<128xf32, #tpu.memory_space<vmem>>, vector<16xf32>,
    %swap3A_49 = arith.constant 48 : index
    %swap3A_50 = tpu.vector_load %arg20[%swap3A_49] {strides = array<i32>} : memref<128xf32, #tpu.memory_space<vmem>>, vector<16xf32>,
    %swap3A_51 = vector.shape_cast %swap3A_50 : vector<16xf32> to vector<16xf32>
    %swap3A_52 = vector.shape_cast %scan3A_36#3 : vector<16xf32> to vector<16xf32>
    tpu.vector_store %arg20[%swap3A_49], %swap3A_52 {strides = array<i32>} : memref<128xf32, #tpu.memory_space<vmem>>, vector<16xf32>,
    %swap3A_53 = arith.constant 64 : index
    %swap3A_54 = tpu.vector_load %arg20[%swap3A_53] {strides = array<i32>} : memref<128xf32, #tpu.memory_space<vmem>>, vector<16xf32>,
    %swap3A_55 = vector.shape_cast %swap3A_54 : vector<16xf32> to vector<16xf32>
    %swap3A_56 = vector.shape_cast %scan3A_36#4 : vector<16xf32> to vector<16xf32>
    tpu.vector_store %arg20[%swap3A_53], %swap3A_56 {strides = array<i32>} : memref<128xf32, #tpu.memory_space<vmem>>, vector<16xf32>,
    %swap3A_57 = arith.constant 80 : index
    %swap3A_58 = tpu.vector_load %arg20[%swap3A_57] {strides = array<i32>} : memref<128xf32, #tpu.memory_space<vmem>>, vector<16xf32>,
    %swap3A_59 = vector.shape_cast %swap3A_58 : vector<16xf32> to vector<16xf32>
    %swap3A_60 = vector.shape_cast %scan3A_36#5 : vector<16xf32> to vector<16xf32>
    tpu.vector_store %arg20[%swap3A_57], %swap3A_60 {strides = array<i32>} : memref<128xf32, #tpu.memory_space<vmem>>, vector<16xf32>,
    %swap3A_61 = arith.constant 96 : index
    %swap3A_62 = tpu.vector_load %arg20[%swap3A_61] {strides = array<i32>} : memref<128xf32, #tpu.memory_space<vmem>>, vector<16xf32>,
    %swap3A_63 = vector.shape_cast %swap3A_62 : vector<16xf32> to vector<16xf32>
    %swap3A_64 = vector.shape_cast %scan3A_36#6 : vector<16xf32> to vector<16xf32>
    tpu.vector_store %arg20[%swap3A_61], %swap3A_64 {strides = array<i32>} : memref<128xf32, #tpu.memory_space<vmem>>, vector<16xf32>,
    %swap3A_65 = arith.constant 112 : index
    %swap3A_66 = tpu.vector_load %arg20[%swap3A_65] {strides = array<i32>} : memref<128xf32, #tpu.memory_space<vmem>>, vector<16xf32>,
    %swap3A_67 = vector.shape_cast %swap3A_66 : vector<16xf32> to vector<16xf32>
    %swap3A_68 = vector.shape_cast %scan3A_36#7 : vector<16xf32> to vector<16xf32>
    tpu.vector_store %arg20[%swap3A_65], %swap3A_68 {strides = array<i32>} : memref<128xf32, #tpu.memory_space<vmem>>, vector<16xf32>,
    "tpu.region"() ({
      %run_scoped3A = tpu.sem_alloc : memref<!tpu.dma_semaphore, #tpu.memory_space<semaphore_mem>>
      %dma_start3A_69 = arith.constant 0 : i32
      %dma_start3A_70 = tpu.memref_slice %arg7[%add3A, %dma_start3A_69] : memref<32x128xf32, #tpu.memory_space<hbm>> -> memref<1x128xf32, #tpu.memory_space<hbm>>
      %dma_start3A_71 = tpu.memref_squeeze %dma_start3A_70 : memref<1x128xf32, #tpu.memory_space<hbm>> -> memref<128xf32, #tpu.memory_space<hbm>>
      %dma_start3A_72 = arith.constant 0 : i32
      %dma_start3A_73 = tpu.memref_slice %arg7[%add3A, %dma_start3A_72] : memref<32x128xf32, #tpu.memory_space<hbm>> -> memref<1x128xf32, #tpu.memory_space<hbm>>
      %dma_start3A_74 = tpu.memref_squeeze %dma_start3A_73 : memref<1x128xf32, #tpu.memory_space<hbm>> -> memref<128xf32, #tpu.memory_space<hbm>>
      tpu.enqueue_dma source(%arg20 : memref<128xf32, #tpu.memory_space<vmem>>) target(%dma_start3A_74 : memref<128xf32, #tpu.memory_space<hbm>>) target_semaphore(%run_scoped3A : memref<!tpu.dma_semaphore, #tpu.memory_space<semaphore_mem>>)
      %dma_wait3A_75 = arith.constant 0 : i32
      %dma_wait3A_76 = tpu.memref_slice %arg7[%add3A, %dma_wait3A_75] : memref<32x128xf32, #tpu.memory_space<hbm>> -> memref<1x128xf32, #tpu.memory_space<hbm>>
      %dma_wait3A_77 = tpu.memref_squeeze %dma_wait3A_76 : memref<1x128xf32, #tpu.memory_space<hbm>> -> memref<128xf32, #tpu.memory_space<hbm>>
      %dma_wait3A_78 = arith.constant 0 : i32
      %dma_wait3A_79 = tpu.memref_slice %arg7[%add3A, %dma_wait3A_78] : memref<32x128xf32, #tpu.memory_space<hbm>> -> memref<1x128xf32, #tpu.memory_space<hbm>>
      %dma_wait3A_80 = tpu.memref_squeeze %dma_wait3A_79 : memref<1x128xf32, #tpu.memory_space<hbm>> -> memref<128xf32, #tpu.memory_space<hbm>>
      tpu.wait_dma2 semaphore(%run_scoped3A : memref<!tpu.dma_semaphore, #tpu.memory_space<semaphore_mem>>) src(%arg20 : memref<128xf32, #tpu.memory_space<vmem>>) dst(%dma_wait3A_80 : memref<128xf32, #tpu.memory_space<hbm>>)
      tpu.yield
    }) : () -> ()
    return
  }
}

module attributes {stable_mosaic.version = 14 : i64} {
  func.func @_mm_lin_body(%arg0: i32, %arg1: memref<2000x128xf32, #tpu.memory_space<vmem>>, %arg2: memref<128x128xf32, #tpu.memory_space<vmem>>, %arg3: memref<1x128xf32, #tpu.memory_space<vmem>>, %arg4: memref<2000x128xf32, #tpu.memory_space<vmem>>) attributes {dimension_semantics = [#tpu.dimension_semantics<arbitrary>], iteration_bounds = array<i64: 5>, scalar_prefetch = 0 : i64, scratch_operands = 0 : i64, tpu.core_type = #tpu.core_type<tc>, window_params = [{transform_indices = @transform_0, window_bounds = array<i64: 2000, 128>}, {pipeline_mode = #tpu.pipeline_mode<synchronous>, transform_indices = @transform_1, window_bounds = array<i64: 128, 128>}, {pipeline_mode = #tpu.pipeline_mode<synchronous>, transform_indices = @transform_2, window_bounds = array<i64: 1, 128>}, {transform_indices = @transform_3, window_bounds = array<i64: 2000, 128>}]} {
    %get3A = arith.constant 0 : index
    %get3A_0 = arith.constant 0 : index
    %get3A_1 = vector.load %arg1[%get3A, %get3A_0] : memref<2000x128xf32, #tpu.memory_space<vmem>>, vector<2000x128xf32>
    %get3A_2 = arith.constant 0 : index
    %get3A_3 = arith.constant 0 : index
    %get3A_4 = vector.load %arg2[%get3A_2, %get3A_3] : memref<128x128xf32, #tpu.memory_space<vmem>>, vector<128x128xf32>
    %dot_general3A = arith.constant dense<0.000000e+00> : vector<2000x128xf32>
    %dot_general3A_5 = tpu.matmul %get3A_1, %get3A_4, %dot_general3A {dimension_numbers = #tpu.dot_dimension_numbers<[1], [0], [0], [1], [0, 0, 1, 1], [], []>, precision = #tpu.contract_precision<fp32>, transpose_lhs_hint = false} : vector<2000x128xf32>, vector<128x128xf32>, vector<2000x128xf32> -> vector<2000x128xf32>
    %get3A_6 = arith.constant 0 : index
    %get3A_7 = arith.constant 0 : index
    %get3A_8 = vector.load %arg3[%get3A_6, %get3A_7] : memref<1x128xf32, #tpu.memory_space<vmem>>, vector<1x128xf32>
    %add3A = vector.broadcast %get3A_8 : vector<1x128xf32> to vector<2000x128xf32>
    %add3A_9 = arith.addf %dot_general3A_5, %add3A : vector<2000x128xf32>
    %swap3A = arith.constant 0 : index
    %swap3A_10 = arith.constant 0 : index
    %swap3A_11 = vector.load %arg4[%swap3A, %swap3A_10] : memref<2000x128xf32, #tpu.memory_space<vmem>>, vector<2000x128xf32>
    tpu.vector_store %arg4[%swap3A, %swap3A_10], %add3A_9 {strides = array<i32>} : memref<2000x128xf32, #tpu.memory_space<vmem>>, vector<2000x128xf32>,
    return
  }
  func.func @transform_0(%arg0: i32) -> (i32, i32) {
    %c0_i32 = arith.constant 0 : i32
    %c0_i32_0 = arith.constant 0 : i32
    return %arg0, %c0_i32 : i32, i32
  }
  func.func @transform_1(%arg0: i32) -> (i32, i32) {
    %c0_i32 = arith.constant 0 : i32
    %c0_i32_0 = arith.constant 0 : i32
    %c0_i32_1 = arith.constant 0 : i32
    return %c0_i32, %c0_i32_0 : i32, i32
  }
  func.func @transform_2(%arg0: i32) -> (i32, i32) {
    %c0_i32 = arith.constant 0 : i32
    %c0_i32_0 = arith.constant 0 : i32
    %c0_i32_1 = arith.constant 0 : i32
    return %c0_i32, %c0_i32_0 : i32, i32
  }
  func.func @transform_3(%arg0: i32) -> (i32, i32) {
    %c0_i32 = arith.constant 0 : i32
    %c0_i32_0 = arith.constant 0 : i32
    return %arg0, %c0_i32 : i32, i32
  }
}

module attributes {stable_mosaic.version = 14 : i64} {
  func.func @_edge_mm_body(%arg0: i32, %arg1: memref<2560x64xf32, #tpu.memory_space<vmem>>, %arg2: memref<64x64xf32, #tpu.memory_space<vmem>>, %arg3: memref<1x64xf32, #tpu.memory_space<vmem>>, %arg4: memref<1x64xf32, #tpu.memory_space<vmem>>, %arg5: memref<2560x64xf32, #tpu.memory_space<vmem>>, %arg6: memref<1x64xf32, #tpu.memory_space<vmem>>, %arg7: memref<1x64xf32, #tpu.memory_space<vmem>>) attributes {dimension_semantics = [#tpu.dimension_semantics<arbitrary>], iteration_bounds = array<i64: 125>, scalar_prefetch = 0 : i64, scratch_operands = 0 : i64, tpu.core_type = #tpu.core_type<tc>, window_params = [{transform_indices = @transform_0, window_bounds = array<i64: 2560, 64>}, {pipeline_mode = #tpu.pipeline_mode<synchronous>, transform_indices = @transform_1, window_bounds = array<i64: 64, 64>}, {pipeline_mode = #tpu.pipeline_mode<synchronous>, transform_indices = @transform_2, window_bounds = array<i64: 1, 64>}, {pipeline_mode = #tpu.pipeline_mode<synchronous>, transform_indices = @transform_3, window_bounds = array<i64: 1, 64>}, {transform_indices = @transform_4, window_bounds = array<i64: 2560, 64>}, {pipeline_mode = #tpu.pipeline_mode<synchronous>, transform_indices = @transform_5, window_bounds = array<i64: 1, 64>}, {pipeline_mode = #tpu.pipeline_mode<synchronous>, transform_indices = @transform_6, window_bounds = array<i64: 1, 64>}]} {
    %get3A = arith.constant 0 : index
    %get3A_0 = arith.constant 0 : index
    %get3A_1 = vector.load %arg1[%get3A, %get3A_0] : memref<2560x64xf32, #tpu.memory_space<vmem>>, vector<2560x64xf32>
    %get3A_2 = arith.constant 0 : index
    %get3A_3 = arith.constant 0 : index
    %get3A_4 = vector.load %arg2[%get3A_2, %get3A_3] : memref<64x64xf32, #tpu.memory_space<vmem>>, vector<64x64xf32>
    %dot_general3A = arith.constant dense<0.000000e+00> : vector<2560x64xf32>
    %dot_general3A_5 = tpu.matmul %get3A_1, %get3A_4, %dot_general3A {dimension_numbers = #tpu.dot_dimension_numbers<[1], [0], [0], [1], [0, 0, 1, 1], [], []>, precision = #tpu.contract_precision<fp32>, transpose_lhs_hint = false} : vector<2560x64xf32>, vector<64x64xf32>, vector<2560x64xf32> -> vector<2560x64xf32>
    %get3A_6 = arith.constant 0 : index
    %get3A_7 = arith.constant 0 : index
    %get3A_8 = vector.load %arg3[%get3A_6, %get3A_7] : memref<1x64xf32, #tpu.memory_space<vmem>>, vector<1x64xf32>
    %add3A = vector.broadcast %get3A_8 : vector<1x64xf32> to vector<2560x64xf32>
    %add3A_9 = arith.addf %dot_general3A_5, %add3A : vector<2560x64xf32>
    %max3A = arith.constant 0.000000e+00 : f32
    %max3A_10 = vector.broadcast %max3A : f32 to vector<2560x64xf32>
    %max3A_11 = arith.maximumf %add3A_9, %max3A_10 : vector<2560x64xf32>
    %get3A_12 = arith.constant 0 : index
    %get3A_13 = arith.constant 0 : index
    %get3A_14 = vector.load %arg4[%get3A_12, %get3A_13] : memref<1x64xf32, #tpu.memory_space<vmem>>, vector<1x64xf32>
    %mul3A = vector.broadcast %get3A_14 : vector<1x64xf32> to vector<2560x64xf32>
    %mul3A_15 = arith.mulf %max3A_11, %mul3A : vector<2560x64xf32>
    %swap3A = arith.constant 0 : index
    %swap3A_16 = arith.constant 0 : index
    %swap3A_17 = vector.load %arg5[%swap3A, %swap3A_16] : memref<2560x64xf32, #tpu.memory_space<vmem>>, vector<2560x64xf32>
    tpu.vector_store %arg5[%swap3A, %swap3A_16], %mul3A_15 {strides = array<i32>} : memref<2560x64xf32, #tpu.memory_space<vmem>>, vector<2560x64xf32>,
    %eq3A = arith.constant 0 : i32
    %eq3A_18 = arith.cmpi eq, %arg0, %eq3A : i32
    %convert_element_type3A = arith.extui %eq3A_18 : i1 to i32
    %cond3A = arith.constant 0 : i32
    %cond3A_19 = arith.cmpi ne, %convert_element_type3A, %cond3A : i32
    scf.if %cond3A_19 {
      %broadcast_in_dim3A_39 = arith.constant 0.000000e+00 : f32
      %broadcast_in_dim3A_40 = vector.broadcast %broadcast_in_dim3A_39 : f32 to vector<1x64xf32>
      %swap3A_41 = arith.constant 0 : index
      %swap3A_42 = arith.constant 0 : index
      %swap3A_43 = vector.load %arg6[%swap3A_41, %swap3A_42] : memref<1x64xf32, #tpu.memory_space<vmem>>, vector<1x64xf32>
      tpu.vector_store %arg6[%swap3A_41, %swap3A_42], %broadcast_in_dim3A_40 {strides = array<i32>} : memref<1x64xf32, #tpu.memory_space<vmem>>, vector<1x64xf32>,
      %broadcast_in_dim3A_44 = arith.constant 0.000000e+00 : f32
      %broadcast_in_dim3A_45 = vector.broadcast %broadcast_in_dim3A_44 : f32 to vector<1x64xf32>
      %swap3A_46 = arith.constant 0 : index
      %swap3A_47 = arith.constant 0 : index
      %swap3A_48 = vector.load %arg7[%swap3A_46, %swap3A_47] : memref<1x64xf32, #tpu.memory_space<vmem>>, vector<1x64xf32>
      tpu.vector_store %arg7[%swap3A_46, %swap3A_47], %broadcast_in_dim3A_45 {strides = array<i32>} : memref<1x64xf32, #tpu.memory_space<vmem>>, vector<1x64xf32>,
    } else {
    }
    %get3A_20 = arith.constant 0 : index
    %get3A_21 = arith.constant 0 : index
    %get3A_22 = vector.load %arg6[%get3A_20, %get3A_21] : memref<1x64xf32, #tpu.memory_space<vmem>>, vector<1x64xf32>
    %reduce_sum3A = arith.constant dense<0.000000e+00> : vector<64xf32>
    %reduce_sum3A_23 = vector.multi_reduction <add>, %max3A_11, %reduce_sum3A [0] : vector<2560x64xf32> to vector<64xf32>
    %broadcast_in_dim3A = vector.shape_cast %reduce_sum3A_23 : vector<64xf32> to vector<1x64xf32>
    %add3A_24 = arith.addf %get3A_22, %broadcast_in_dim3A : vector<1x64xf32>
    %swap3A_25 = arith.constant 0 : index
    %swap3A_26 = arith.constant 0 : index
    %swap3A_27 = vector.load %arg6[%swap3A_25, %swap3A_26] : memref<1x64xf32, #tpu.memory_space<vmem>>, vector<1x64xf32>
    tpu.vector_store %arg6[%swap3A_25, %swap3A_26], %add3A_24 {strides = array<i32>} : memref<1x64xf32, #tpu.memory_space<vmem>>, vector<1x64xf32>,
    %get3A_28 = arith.constant 0 : index
    %get3A_29 = arith.constant 0 : index
    %get3A_30 = vector.load %arg7[%get3A_28, %get3A_29] : memref<1x64xf32, #tpu.memory_space<vmem>>, vector<1x64xf32>
    %mul3A_31 = arith.mulf %max3A_11, %max3A_11 : vector<2560x64xf32>
    %reduce_sum3A_32 = arith.constant dense<0.000000e+00> : vector<64xf32>
    %reduce_sum3A_33 = vector.multi_reduction <add>, %mul3A_31, %reduce_sum3A_32 [0] : vector<2560x64xf32> to vector<64xf32>
    %broadcast_in_dim3A_34 = vector.shape_cast %reduce_sum3A_33 : vector<64xf32> to vector<1x64xf32>
    %add3A_35 = arith.addf %get3A_30, %broadcast_in_dim3A_34 : vector<1x64xf32>
    %swap3A_36 = arith.constant 0 : index
    %swap3A_37 = arith.constant 0 : index
    %swap3A_38 = vector.load %arg7[%swap3A_36, %swap3A_37] : memref<1x64xf32, #tpu.memory_space<vmem>>, vector<1x64xf32>
    tpu.vector_store %arg7[%swap3A_36, %swap3A_37], %add3A_35 {strides = array<i32>} : memref<1x64xf32, #tpu.memory_space<vmem>>, vector<1x64xf32>,
    return
  }
  func.func @transform_0(%arg0: i32) -> (i32, i32) {
    %c0_i32 = arith.constant 0 : i32
    %c0_i32_0 = arith.constant 0 : i32
    return %arg0, %c0_i32 : i32, i32
  }
  func.func @transform_1(%arg0: i32) -> (i32, i32) {
    %c0_i32 = arith.constant 0 : i32
    %c0_i32_0 = arith.constant 0 : i32
    %c0_i32_1 = arith.constant 0 : i32
    return %c0_i32, %c0_i32_0 : i32, i32
  }
  func.func @transform_2(%arg0: i32) -> (i32, i32) {
    %c0_i32 = arith.constant 0 : i32
    %c0_i32_0 = arith.constant 0 : i32
    %c0_i32_1 = arith.constant 0 : i32
    return %c0_i32, %c0_i32_0 : i32, i32
  }
  func.func @transform_3(%arg0: i32) -> (i32, i32) {
    %c0_i32 = arith.constant 0 : i32
    %c0_i32_0 = arith.constant 0 : i32
    %c0_i32_1 = arith.constant 0 : i32
    return %c0_i32, %c0_i32_0 : i32, i32
  }
  func.func @transform_4(%arg0: i32) -> (i32, i32) {
    %c0_i32 = arith.constant 0 : i32
    %c0_i32_0 = arith.constant 0 : i32
    return %arg0, %c0_i32 : i32, i32
  }
  func.func @transform_5(%arg0: i32) -> (i32, i32) {
    %c0_i32 = arith.constant 0 : i32
    %c0_i32_0 = arith.constant 0 : i32
    %c0_i32_1 = arith.constant 0 : i32
    return %c0_i32, %c0_i32_0 : i32, i32
  }
  func.func @transform_6(%arg0: i32) -> (i32, i32) {
    %c0_i32 = arith.constant 0 : i32
    %c0_i32_0 = arith.constant 0 : i32
    %c0_i32_1 = arith.constant 0 : i32
    return %c0_i32, %c0_i32_0 : i32, i32
  }
}

module attributes {stable_mosaic.version = 14 : i64} {
  func.func @_mm_body(%arg0: i32, %arg1: memref<2000x64xf32, #tpu.memory_space<vmem>>, %arg2: memref<64x64xf32, #tpu.memory_space<vmem>>, %arg3: memref<1x64xf32, #tpu.memory_space<vmem>>, %arg4: memref<2000x64xf32, #tpu.memory_space<vmem>>) attributes {dimension_semantics = [#tpu.dimension_semantics<arbitrary>], iteration_bounds = array<i64: 5>, scalar_prefetch = 0 : i64, scratch_operands = 0 : i64, tpu.core_type = #tpu.core_type<tc>, window_params = [{transform_indices = @transform_0, window_bounds = array<i64: 2000, 64>}, {pipeline_mode = #tpu.pipeline_mode<synchronous>, transform_indices = @transform_1, window_bounds = array<i64: 64, 64>}, {pipeline_mode = #tpu.pipeline_mode<synchronous>, transform_indices = @transform_2, window_bounds = array<i64: 1, 64>}, {transform_indices = @transform_3, window_bounds = array<i64: 2000, 64>}]} {
    %get3A = arith.constant 0 : index
    %get3A_0 = arith.constant 0 : index
    %get3A_1 = vector.load %arg1[%get3A, %get3A_0] : memref<2000x64xf32, #tpu.memory_space<vmem>>, vector<2000x64xf32>
    %get3A_2 = arith.constant 0 : index
    %get3A_3 = arith.constant 0 : index
    %get3A_4 = vector.load %arg2[%get3A_2, %get3A_3] : memref<64x64xf32, #tpu.memory_space<vmem>>, vector<64x64xf32>
    %dot_general3A = arith.constant dense<0.000000e+00> : vector<2000x64xf32>
    %dot_general3A_5 = tpu.matmul %get3A_1, %get3A_4, %dot_general3A {dimension_numbers = #tpu.dot_dimension_numbers<[1], [0], [0], [1], [0, 0, 1, 1], [], []>, precision = #tpu.contract_precision<fp32>, transpose_lhs_hint = false} : vector<2000x64xf32>, vector<64x64xf32>, vector<2000x64xf32> -> vector<2000x64xf32>
    %get3A_6 = arith.constant 0 : index
    %get3A_7 = arith.constant 0 : index
    %get3A_8 = vector.load %arg3[%get3A_6, %get3A_7] : memref<1x64xf32, #tpu.memory_space<vmem>>, vector<1x64xf32>
    %add3A = vector.broadcast %get3A_8 : vector<1x64xf32> to vector<2000x64xf32>
    %add3A_9 = arith.addf %dot_general3A_5, %add3A : vector<2000x64xf32>
    %max3A = arith.constant 0.000000e+00 : f32
    %max3A_10 = vector.broadcast %max3A : f32 to vector<2000x64xf32>
    %max3A_11 = arith.maximumf %add3A_9, %max3A_10 : vector<2000x64xf32>
    %swap3A = arith.constant 0 : index
    %swap3A_12 = arith.constant 0 : index
    %swap3A_13 = vector.load %arg4[%swap3A, %swap3A_12] : memref<2000x64xf32, #tpu.memory_space<vmem>>, vector<2000x64xf32>
    tpu.vector_store %arg4[%swap3A, %swap3A_12], %max3A_11 {strides = array<i32>} : memref<2000x64xf32, #tpu.memory_space<vmem>>, vector<2000x64xf32>,
    return
  }
  func.func @transform_0(%arg0: i32) -> (i32, i32) {
    %c0_i32 = arith.constant 0 : i32
    %c0_i32_0 = arith.constant 0 : i32
    return %arg0, %c0_i32 : i32, i32
  }
  func.func @transform_1(%arg0: i32) -> (i32, i32) {
    %c0_i32 = arith.constant 0 : i32
    %c0_i32_0 = arith.constant 0 : i32
    %c0_i32_1 = arith.constant 0 : i32
    return %c0_i32, %c0_i32_0 : i32, i32
  }
  func.func @transform_2(%arg0: i32) -> (i32, i32) {
    %c0_i32 = arith.constant 0 : i32
    %c0_i32_0 = arith.constant 0 : i32
    %c0_i32_1 = arith.constant 0 : i32
    return %c0_i32, %c0_i32_0 : i32, i32
  }
  func.func @transform_3(%arg0: i32) -> (i32, i32) {
    %c0_i32 = arith.constant 0 : i32
    %c0_i32_0 = arith.constant 0 : i32
    return %arg0, %c0_i32 : i32, i32
  }
}

module attributes {stable_mosaic.version = 14 : i64} {
  func.func @_mm_body(%arg0: i32, %arg1: memref<2000x128xf32, #tpu.memory_space<vmem>>, %arg2: memref<128x128xf32, #tpu.memory_space<vmem>>, %arg3: memref<1x128xf32, #tpu.memory_space<vmem>>, %arg4: memref<2000x128xf32, #tpu.memory_space<vmem>>) attributes {dimension_semantics = [#tpu.dimension_semantics<arbitrary>], iteration_bounds = array<i64: 5>, scalar_prefetch = 0 : i64, scratch_operands = 0 : i64, tpu.core_type = #tpu.core_type<tc>, window_params = [{transform_indices = @transform_0, window_bounds = array<i64: 2000, 128>}, {pipeline_mode = #tpu.pipeline_mode<synchronous>, transform_indices = @transform_1, window_bounds = array<i64: 128, 128>}, {pipeline_mode = #tpu.pipeline_mode<synchronous>, transform_indices = @transform_2, window_bounds = array<i64: 1, 128>}, {transform_indices = @transform_3, window_bounds = array<i64: 2000, 128>}]} {
    %get3A = arith.constant 0 : index
    %get3A_0 = arith.constant 0 : index
    %get3A_1 = vector.load %arg1[%get3A, %get3A_0] : memref<2000x128xf32, #tpu.memory_space<vmem>>, vector<2000x128xf32>
    %get3A_2 = arith.constant 0 : index
    %get3A_3 = arith.constant 0 : index
    %get3A_4 = vector.load %arg2[%get3A_2, %get3A_3] : memref<128x128xf32, #tpu.memory_space<vmem>>, vector<128x128xf32>
    %dot_general3A = arith.constant dense<0.000000e+00> : vector<2000x128xf32>
    %dot_general3A_5 = tpu.matmul %get3A_1, %get3A_4, %dot_general3A {dimension_numbers = #tpu.dot_dimension_numbers<[1], [0], [0], [1], [0, 0, 1, 1], [], []>, precision = #tpu.contract_precision<fp32>, transpose_lhs_hint = false} : vector<2000x128xf32>, vector<128x128xf32>, vector<2000x128xf32> -> vector<2000x128xf32>
    %get3A_6 = arith.constant 0 : index
    %get3A_7 = arith.constant 0 : index
    %get3A_8 = vector.load %arg3[%get3A_6, %get3A_7] : memref<1x128xf32, #tpu.memory_space<vmem>>, vector<1x128xf32>
    %add3A = vector.broadcast %get3A_8 : vector<1x128xf32> to vector<2000x128xf32>
    %add3A_9 = arith.addf %dot_general3A_5, %add3A : vector<2000x128xf32>
    %max3A = arith.constant 0.000000e+00 : f32
    %max3A_10 = vector.broadcast %max3A : f32 to vector<2000x128xf32>
    %max3A_11 = arith.maximumf %add3A_9, %max3A_10 : vector<2000x128xf32>
    %swap3A = arith.constant 0 : index
    %swap3A_12 = arith.constant 0 : index
    %swap3A_13 = vector.load %arg4[%swap3A, %swap3A_12] : memref<2000x128xf32, #tpu.memory_space<vmem>>, vector<2000x128xf32>
    tpu.vector_store %arg4[%swap3A, %swap3A_12], %max3A_11 {strides = array<i32>} : memref<2000x128xf32, #tpu.memory_space<vmem>>, vector<2000x128xf32>,
    return
  }
  func.func @transform_0(%arg0: i32) -> (i32, i32) {
    %c0_i32 = arith.constant 0 : i32
    %c0_i32_0 = arith.constant 0 : i32
    return %arg0, %c0_i32 : i32, i32
  }
  func.func @transform_1(%arg0: i32) -> (i32, i32) {
    %c0_i32 = arith.constant 0 : i32
    %c0_i32_0 = arith.constant 0 : i32
    %c0_i32_1 = arith.constant 0 : i32
    return %c0_i32, %c0_i32_0 : i32, i32
  }
  func.func @transform_2(%arg0: i32) -> (i32, i32) {
    %c0_i32 = arith.constant 0 : i32
    %c0_i32_0 = arith.constant 0 : i32
    %c0_i32_1 = arith.constant 0 : i32
    return %c0_i32, %c0_i32_0 : i32, i32
  }
  func.func @transform_3(%arg0: i32) -> (i32, i32) {
    %c0_i32 = arith.constant 0 : i32
    %c0_i32_0 = arith.constant 0 : i32
    return %arg0, %c0_i32 : i32, i32
  }
}

</mosaic_0001>

<sc_bundles>
// kernel: kernel.11.cloned.1.call-start
scs
__scs_entry_jumppad:
0x0: {  	(pc) =	sbr.rel $0x88, $3  }
0x1: {  	(tag) =	ssettag $0x0;
	lr =	simm.s32 $0x1  }
0x2: {  	[smem:$0x3F8A] =	sst lr;
	_ =	strace $0xD0000000  }
0x3: {  	_ = 	snop  }
0x4: {  	_ = 	snop  }
0x5: {  	_ = 	snop  }
0x6: {  	_ = 	snop  }
0x7: {  	_ = 	snop  }
__scs_overlays_trampoline_lowered:
0x8: {  	[smem:$0x3F99] =	sst s0  }
0x9: {  	[smem:$0x3F9A] =	sst s1  }
0xa: {  	[smem:$0x3F9B] =	sst s2  }
0xb: {  	[smem:$0x3F9C] =	sst s3  }
0xc: {  	[smem:$0x3F9D] =	sst s4  }
0xd: {  	[smem:$0x3F9E] =	sst s5  }
0xe: {  	[smem:$0x3F9F] =	sst s6  }
0xf: {  	[smem:$0x3FA0] =	sst s7  }
0x10: {  	[smem:$0x3FA1] =	sst s8  }
0x11: {  	[smem:$0x3FA2] =	sst s9;
	s0 =	simm.s32 @!p0 $0x0  }
0x12: {  	s1 =	sld [smem:$0x3F88];
	s0 =	simm.s32 @p0 $0x1  }
0x13: {  	[smem:$0x3FA3] =	sst s0;
	s0 =	simm.s32 @!p1 $0x0  }
0x14: {  	s2 =	sld [smem:$0x3F87];
	s0 =	simm.s32 @p1 $0x1  }
0x15: {  	[smem:$0x3FA4] =	sst s0;
	s0 =	simm.s32 @!p2 $0x0  }
0x16: {  	s3 =	sld [smem:$0x3FDB];
	s0 =	simm.s32 @p2 $0x1  }
0x17: {  	s4 =	simm.s32 $0x1BF5;
	[smem:$0x3FA6] =	sst s0  }
0x18: {  	s0 =	sld [smem:$0x3F89];
	_ =	swait.ge [sflag:s4], $0x0  }
0x19: {  	s7 =	sld [smem:$0x3F8A]  }
0x1a: {  	s8 =	sadd.s32 $0xFFFFE003, lr  }
0x1b: {  	s9 =	sadd.s32 $0xFFFFFEF7, lr;
	s5 =	simm.s32 $0xFFFFFFFF;
	p2 =	slt.u32 s8, $0xFFFFF086  }
0x1c: {  	p1 =	slt.u32 s9, $0xF7A;
	s5 =	simm.s32 @!p2 $0x0  }
0x1d: {  	s5 =	simm.s32 @p1 $0x1;
	p0 =	seq.s32 s7, s2  }
0x1e: {  	s7 =	smul.u32 @!p0 $0xF7A, s2;
	p2 =	seq.s32 @!p0 s5, $0x0  }
0x1f: {  	s9 =	smul.u32 $0xF7A, s1;
	s8 =	simm.s32 @!p0 $0x1BF5;
	p2 =	por !p2, p0  }
0x20: {  	[sflag:s8] =	ssyncset.s32 @!p0 $0xFFFFF086;
	s6 =	sadd.s32 @!p0 s3, s7;
	s7 =	simm.s32 @!p0 $0x108  }
0x21: {  	s3 =	sadd.s32 s3, s9;
	s6 =	sadd.s32 @!p0 $0x88, s6;
	s7 =	simm.s32 @p2 $0x1082  }
0x22: {  	[simem:s7], [sflag:s8] =	dma.local @!p0 [hbm:s6], $0xF7A  }
0x23: {  	s9 =	sor.u32 $0xD0000000, s2;
	s6 =	simm.s32 $0x108;
	_ =	swait.ge @!p0 [sflag:s8], $0x0  }
0x24: {  	s3 =	sadd.s32 $0x88, s3;
	s6 =	simm.s32 @!p1 $0x1082;
	[sflag:s4] =	ssyncset.s32 $0xFFFFF086  }
0x25: {  	[simem:s6], [sflag:s4] =	dma.local [hbm:s3], $0xF7A  }
0x26: {  	[smem:$0x3F8A] =	sst s1;
	(tag) =	ssettag s2;
	_ =	strace s9  }
0x27: {  	s1 =	sld [smem:$0x3F9A]  }
0x28: {  	s2 =	sld [smem:$0x3F9B]  }
0x29: {  	s4 =	sld [smem:$0x3F9D]  }
0x2a: {  	p0 =	seq.s32 s5, $0x0;
	s5 =	sld [smem:$0x3F9E]  }
0x2b: {  	s6 =	sld [smem:$0x3F9F]  }
0x2c: {  	s7 =	sld [smem:$0x3FA0]  }
0x2d: {  	s3 =	simm.s32 $0x108;
	s8 =	sld [smem:$0x3FA1]  }
0x2e: {  	s3 =	simm.s32 @!p0 $0x1082;
	s9 =	sld [smem:$0x3FA2]  }
0x2f: {  	lr =	sadd.s32 s0, s3;
	s0 =	sld [smem:$0x3F99]  }
0x30: {  	s3 =	sld [smem:$0x3F9C]  }
0x31: {  	[smem:$0x3FA5] =	sst s10  }
0x32: {  	s10 =	sld [smem:$0x3FA3];
	_ =	sdelay $0x3  }
0x33: {  	p0 =	seq.s32 s10, $0x1;
	s10 =	sld [smem:$0x3FA5];
	_ =	sdelay $0x3  }
0x34: {  	[smem:$0x3FA5] =	sst s10  }
0x35: {  	s10 =	sld [smem:$0x3FA4];
	_ =	sdelay $0x3  }
0x36: {  	p1 =	seq.s32 s10, $0x1;
	s10 =	sld [smem:$0x3FA5];
	_ =	sdelay $0x3  }
0x37: {  	[smem:$0x3FA5] =	sst s10  }
0x38: {  	s10 =	sld [smem:$0x3FA6]  }
0x39: {  	_ = 	snop;
	(pc) =	sbr.ind lr, $3  }
0x3a: {  	_ = 	snop  }
0x3b: {  	_ = 	snop  }
0x3c: {  	p2 =	seq.s32 s10, $0x1;
	s10 =	sld [smem:$0x3FA5]  }
0x3d: {  	_ =	shalt  }
0x3e: {  	_ =	shalt  }
0x3f: {  	_ =	shalt  }
0x40: {  	_ =	shalt  }
0x41: {  	_ =	shalt  }
0x42: {  	_ =	shalt  }
0x43: {  	_ =	shalt  }
0x44: {  	_ =	shalt  }
0x45: {  	_ =	shalt  }
0x46: {  	_ =	shalt  }
0x47: {  	_ =	shalt  }
0x48: {  	_ =	shalt  }
0x49: {  	_ =	shalt  }
0x4a: {  	_ =	shalt  }
0x4b: {  	_ =	shalt  }
0x4c: {  	_ =	shalt  }
0x4d: {  	_ =	shalt  }
0x4e: {  	_ =	shalt  }
0x4f: {  	_ =	shalt  }
0x50: {  	_ =	shalt  }
0x51: {  	_ =	shalt  }
0x52: {  	_ =	shalt  }
0x53: {  	_ =	shalt  }
0x54: {  	_ =	shalt  }
0x55: {  	_ =	shalt  }
0x56: {  	_ =	shalt  }
0x57: {  	_ =	shalt  }
0x58: {  	_ =	shalt  }
0x59: {  	_ =	shalt  }
0x5a: {  	_ =	shalt  }
0x5b: {  	_ =	shalt  }
0x5c: {  	_ =	shalt  }
0x5d: {  	_ =	shalt  }
0x5e: {  	_ =	shalt  }
0x5f: {  	_ =	shalt  }
0x60: {  	_ =	shalt  }
0x61: {  	_ =	shalt  }
0x62: {  	_ =	shalt  }
0x63: {  	_ =	shalt  }
0x64: {  	_ =	shalt  }
0x65: {  	_ =	shalt  }
0x66: {  	_ =	shalt  }
0x67: {  	_ =	shalt  }
0x68: {  	_ =	shalt  }
0x69: {  	_ =	shalt  }
0x6a: {  	_ =	shalt  }
0x6b: {  	_ =	shalt  }
0x6c: {  	_ =	shalt  }
0x6d: {  	_ =	shalt  }
0x6e: {  	_ =	shalt  }
0x6f: {  	_ =	shalt  }
0x70: {  	_ =	shalt  }
0x71: {  	_ =	shalt  }
0x72: {  	_ =	shalt  }
0x73: {  	_ =	shalt  }
0x74: {  	_ =	shalt  }
0x75: {  	_ =	shalt  }
0x76: {  	_ =	shalt  }
0x77: {  	_ =	shalt  }
0x78: {  	_ =	shalt  }
0x79: {  	_ =	shalt  }
0x7a: {  	_ =	shalt  }
0x7b: {  	_ =	shalt  }
0x7c: {  	_ =	shalt  }
0x7d: {  	_ =	shalt  }
0x7e: {  	_ =	shalt  }
0x7f: {  	_ =	shalt  }
0x80: {  	_ =	shalt  }
0x81: {  	_ =	shalt  }
0x82: {  	_ =	shalt  }
0x83: {  	_ =	shalt  }
0x84: {  	_ =	shalt  }
0x85: {  	_ =	shalt  }
0x86: {  	_ =	shalt  }
0x87: {  	_ =	shalt  }
.Lfunc_end0:
.L_simem_size_0:
called_computation.2_lowered:
.L_overlay_start_0:
0x88: {  	s2 =	sld [smem:$0x3FD9]  }
0x89: {  	s3 =	sld [smem:$0x3FFE];
	_ =	sdelay $0x1  }
0x8a: {  	s1 =	srdreg.scid  }
0x8b: {  	s0 =	sand.u32 $0x1, s1  }
0x8c: {  	s16 =	sshll.u32 s0, $0xA;
	s2 =	sadd.s32 s3, s2  }
0x8d: {  	s2 =	sadd.s32 s2, s16  }
0x8e: {  	[smem:$0x3FB1] =	sst s2  }
0x8f: {  	_ = 	snop  }
0x90: {  	(tm) =	ssettm $0x1  }
0x91: {  	s17 =	sld [smem:$0x3FFB];
	_ =	sdelay $0x3  }
0x92: {  	_ =	strace s17  }
0x93: {  	s2 =	sld [smem:$0x3FFC];
	_ =	sdelay $0x3  }
0x94: {  	_ =	strace s2  }
0x95: {  	s2 =	sld [smem:$0x3FFD];
	_ =	sdelay $0x3  }
0x96: {  	_ =	strace s2  }
0x97: {  	_ =	strace $0x8FFFFFFF  }
0x98: {  	s18 =	sld [smem:$0x3FDB];
	_ =	sdelay $0x1  }
0x99: {  	s19 =	simm.s32 $_scs_section_size  }
0x9a: {  	s4 =	simm.s32 $_size__tile_overlayer_lowered;
	s5 =	simm.s32 $_tile_overlayer_lowered  }
0x9b: {  	s22 =	simm.s32 $0x1BFF;
	s21 =	sshll.u32 s5, $0x1;
	s2 =	sadd.s32 s19, s18  }
0x9c: {  	s6 =	simm.s32 $0x0;
	s20 =	sshll.u32 s4, $0x1;
	s4 =	sadd.s32 s21, s2  }
0x9d: {  	[timem:s6], [sflag:s22] =	dma.local [hbm:s4], s20  }
0x9e: {  	_ =	swait.ge [sflag:s22], s20  }
0x9f: {  	s3 =	ssub.s32 $0x0, s20;
	[sflag:s22] =	ssyncset.done $0x0  }
0xa0: {  	[sflag:s22] =	ssyncadd.s32 s3;
	_ =	sdelay $0x1  }
0xa1: {  	s23 =	simm.s32 $0x1B8B  }
0xa2: {  	_ =	swait.ge [sflag:s23], $0x1  }
0xa3: {  	[sflag:s23] =	ssyncset.done $0x0  }
0xa4: {  	s25 =	simm.s32 $0x1B8E;
	s24 =	sld [smem:$0x3FFE];
	[sflag:s23] =	ssyncadd.s32 $0xFFFFFFFF  }
0xa5: {  	s26 =	simm.s32 $execute0_lowered;
	[smem:$0x3FD2] =	sst s25  }
0xa6: {  	s4 =	sshll.u32 s26, $0x1;
	_ =	strace $0x80000046;
	[dreg:$0x1] =	wrdreg $0xFFFFFFFF  }
0xa7: {  	s28 =	simm.s32 $_size_execute0_lowered;
	s2 =	sadd.s32 s2, s4;
	[dreg:$0x0] =	wrdreg $0x0  }
0xa8: {  	s4 =	sshll.u32 s28, $0x1;
	[dreg:$0x2] =	wrdreg s2  }
0xa9: {  	[dreg:$0x3] =	wrdreg s4  }
0xaa: {  	[dreg:$0x4] =	wrdreg $0xC0  }
0xab: {  	_ =	task [dreg:s6], $0x5FFFF  }
0xac: {  	[dreg:$0x1] =	wrdreg $0xFFFFFFFF  }
0xad: {  	[dreg:$0x0] =	wrdreg $0x60  }
0xae: {  	[dreg:$0x2] =	wrdreg s24  }
0xaf: {  	[dreg:$0x3] =	wrdreg $0x9  }
0xb0: {  	_ =	task.clear_ibuf [dreg:s6], $0x4FFFF;
	_ =	strace $0x90000046  }
0xb1: {  	s29 =	simm.s32 $0x9;
	_ =	strace $0x80000048  }
0xb2: {  	_ =	swait.ge [sflag:s29], $0x1  }
0xb3: {  	[sflag:s29] =	ssyncadd.s32 $0xFFFFFFFF  }
0xb4: {  	_ =	strace $0x90000048  }
0xb5: {  	_ =	sfence  }
0xb6: {  	s30 =	sld [smem:$0x0];
	_ =	sdelay $0x2  }
0xb7: {  	s31 =	sshll.u32 s1, $0xD;
	s1 =	sshrl.u32 s1, $0x2  }
0xb8: {  	s3 =	sand.u32 $0x4000, s31;
	s1 =	sadd.s32 s1, s30  }
0xb9: {  	s0 =	sor.u32 s3, s0;
	s1 =	sshll.u32 s1, $0x11  }
0xba: {  	s0 =	sor.u32 s1, s0  }
0xbb: {  	s0 =	sadd.s32 $0x8F2B, s0  }
0xbc: {  	[sflag:s0] =	ssyncadd.remote.s32 $0x1  }
0xbd: {  	_ =	sfence.sel $0xFFFF  }
0xbe: {  	[dreg:$0x0] =	wrdreg $0xFFFFFFFF;
	(pc) =	sbr.abs _section_cstart, $3  }
0xbf: {  	[dreg:$0x1] =	wrdreg $0xFFFFFFFF  }
0xc0: {  	_ =	task.clear_ibuf [dreg:s6], $0x2FFFF;
	_ =	strace $0x9FFFFFFF  }
0xc1: {  	(tm) =	ssettm $0x7FFFFFFF  }
tec
execute0_lowered:
.L_overlay_start_1:
0x0: {  	(tag) =	ssettag $0x1  }
0x1: {  	s0 =	rddreg [dreg:$0x0];
	s2 =	simm.s32 $0x0;
	s1 =	srdreg.scid  }
0x2: {  	s4 =	stileid.u32;
	s16 =	simm.s32 $0x3;
	s17 =	simm.s32 $0x190  }
0x3: {  	s18 =	simm.s32 $0x320;
	s19 =	simm.s32 $0x640;
	s20 =	simm.s32 $0x4B0  }
0x4: {  	s21 =	simm.s32 $0x6A40;
	s22 =	simm.s32 $0xCE40;
	s23 =	simm.s32 $0xD160  }
0x5: {  	s24 =	simm.s32 $0xCFD0;
	s28 =	simm.s32 $0x2;
	s30 =	simm.s32 $0x0  }
0x6: {  	s31 =	simm.s32 $0x0;
	[smem:$0x7FF] =	sst s2;
	s3 =	sadd.s32 $0x3AC00, s0  }
0x7: {  	s1 =	sand.u32 $0x1, s1;
	s6 =	sshll.u32 s4, $0x1;
	s4 =	sadd.s32 $0x27200, s0  }
0x8: {  	s5 =	sadd.s32 $0x58400, s0;
	s7 =	sadd.s32 $0x62200, s0;
	s9 =	sor.u32 s1, s6  }
0x9: {  	_ =	strace $0x80000047;
	s1 =	ssub.s32 $0x2, s1;
	s8 =	smul.u32 $0x2710, s9  }
0xa: {  	s10 =	sshll.u32 s9, $0x4;
	s9 =	smul.u32 $0x9C400, s9;
	s25 =	sshrl.u32 s1, $0x1  }
0xb: {  	s6 =	sadd.s32 $0x4E600, s0;
	s0 =	sadd.s32 s10, s0;
	s1 =	ssub.s32 s1, s25  }
0xc: {  	s25 =	simm.s32 $0x13560;
	s11 =	sshrl.u32 s8, $0x3;
	s9 =	sshrl.u32 s9, $0x3  }
0xd: {  	s12 =	sadd.s32 $0x320, s8;
	s14 =	sadd.s32 $0x2D3200, s0;
	s26 =	sadd.s32 s5, s11  }
0xe: {  	s29 =	sadd.s32 s6, s11;
	s9 =	sadd.s32 s7, s9;
	[dreg:$0x2] =	wrdreg s26  }
0xf: {  	s15 =	smax.u32 s1, $0x1;
	[dreg:$0x3] =	wrdreg s29;
	s9 =	sadd.s32 $0x12C00, s9  }
0x10: {  	s11 =	sadd.s32 $0x190, s8;
	s26 =	simm.s32 $0x1;
	[dreg:$0x4] =	wrdreg s9  }
.LBB2_1:
0x11: {  	s0 =	rddreg [dreg:$0x2]  }
0x12: {  	[tilespmem:s2], [sflag:$0x3] =	stream.linear.gather [hbm4b:s0+s2], $0x190, $0x38;
	[tilespmem:$0x199E0] =	vst v63  }
0x13: {  	_ =	swait.ge [sflag:s16], $0x190  }
0x14: {  	[sflag:s16] =	ssyncset.done $0x0  }
0x15: {  	s29 =	rddreg [dreg:$0x3];
	[sflag:s16] =	ssyncadd.s32 $0xFFFFFE70  }
0x16: {  	[tilespmem:s17], [sflag:$0x3] =	stream.linear.gather [hbm4b:s29+s2], $0x190, $0x38;
	[tilespmem:$0x199E0] =	vst v63  }
0x17: {  	_ =	swait.ge [sflag:s16], $0x190  }
0x18: {  	[sflag:s16] =	ssyncset.done $0x0  }
0x19: {  	s0 =	simm.s32 $0x0;
	[sflag:s16] =	ssyncadd.s32 $0xFFFFFE70  }
0x1a: {  	v0 =	vld [tilespmem:s0+$0x0]  }
0x1b: {  	v1 =	vld [tilespmem:s0+$0x190];
	_ =	sdelay $0x1  }
0x1c: {  	s1 =	simm.s32 $0x40  }
.LBB2_2:
0x1d: {  	p0 =	sne.s32 s1, $0x600  }
.Ltmp0:
0x1e: {  	s9 =	sshra.s32 s1, $0x2;
	v2 =	vmov v0;
	(pc) =	sbr.rel @p0 .LBB2_2-.Ltmp0, $4  }
0x1f: {  	s1 =	sadd.s32 $0x40, s1;
	v0 =	vld [tilespmem:s9+$0x0];
	vm0 =	veq.s32 v2, v1  }
0x20: {  	v3 =	vsel vm0, $0x2710, v1;
	v1 =	vld [tilespmem:s9+$0x190];
	v2 =	vsel vm0, $0x2710, v2  }
0x21: {  	[tilespmem:s0+$0x4B0] =	vst v2  }
0x22: {  	[tilespmem:s0+$0x320] =	vst v3;
	s0 =	smov.u32 s9  }
0x23: {  	_ =	sdelay $0x1  }
0x24: {  	vm0 =	veq.s32 v0, v1  }
0x25: {  	v0 =	vsel vm0, $0x2710, v0  }
0x26: {  	v1 =	vsel vm0, $0x2710, v1;
	[tilespmem:s0+$0x4B0] =	vst v0  }
0x27: {  	[tilespmem:s0+$0x320] =	vst v1  }
0x28: {  	v2 =	vimm.f32 $0.0e+00;
	v4 =	vimm.f32 $0.0e+00;
	[tilespmem:s19], [sflag:$0x1] =	stream.indirect.gather [hbm4b:s3+s17], $0x40, s18, s17, $0xb8;
	[tilespmem:$0x199E0] =	vst v63  }
0x29: {  	v3 =	vimm.f32 $0.0e+00;
	v5 =	vimm.f32 $0.0e+00;
	v6 =	vimm.f32 $0.0e+00;
	s0 =	simm.s32 $0x0  }
0x2a: {  	v7 =	vimm.f32 $0.0e+00;
	v0 =	vimm.f32 $0.0e+00;
	v1 =	vimm.f32 $0.0e+00;
	[tilespmem:s21], [sflag:$0x1] =	stream.indirect.gather [hbm4b:s4+s17], $0x40, s20, s17, $0xb8;
	[tilespmem:$0x199E0] =	vst v63  }
.LBB2_4:
0x2b: {  	s29 =	smul.u32 $0x320, s0;
	_ =	sdelay $0x1  }
0x2c: {  	s1 =	sadd.s32 s29, s11  }
0x2d: {  	s9 =	sshrl.u32 s1, $0x3  }
0x2e: {  	s10 =	sadd.s32 s5, s9  }
0x2f: {  	[tilespmem:s31], [sflag:$0x3] =	stream.linear.gather [hbm4b:s10+s31], $0x190, $0x38;
	[tilespmem:$0x199E0] =	vst v63  }
0x30: {  	_ =	swait.ge [sflag:s16], $0x190  }
0x31: {  	[sflag:s16] =	ssyncset.done $0x0  }
0x32: {  	s9 =	sadd.s32 s6, s9;
	[sflag:s16] =	ssyncadd.s32 $0xFFFFFE70  }
0x33: {  	[tilespmem:s17], [sflag:$0x3] =	stream.linear.gather [hbm4b:s9+s31], $0x190, $0x38;
	[tilespmem:$0x199E0] =	vst v63  }
0x34: {  	_ =	swait.ge [sflag:s16], $0x190  }
0x35: {  	[sflag:s16] =	ssyncset.done $0x0  }
0x36: {  	s9 =	simm.s32 $0x0;
	[sflag:s16] =	ssyncadd.s32 $0xFFFFFE70  }
0x37: {  	v8 =	vld [tilespmem:s9+$0x0]  }
0x38: {  	v9 =	vld [tilespmem:s9+$0x190];
	_ =	sdelay $0x1  }
0x39: {  	s10 =	simm.s32 $0x40  }
.LBB2_5:
0x3a: {  	p0 =	sne.s32 s10, $0x600  }
.Ltmp1:
0x3b: {  	s13 =	sshra.s32 s10, $0x2;
	v10 =	vmov v8;
	(pc) =	sbr.rel @p0 .LBB2_5-.Ltmp1, $4  }
0x3c: {  	s10 =	sadd.s32 $0x40, s10;
	v8 =	vld [tilespmem:s13+$0x0];
	vm0 =	veq.s32 v10, v9  }
0x3d: {  	v11 =	vsel vm0, $0x2710, v9;
	v9 =	vld [tilespmem:s13+$0x190];
	v10 =	vsel vm0, $0x2710, v10  }
0x3e: {  	[tilespmem:s9+$0xCFD0] =	vst v10  }
0x3f: {  	[tilespmem:s9+$0xCE40] =	vst v11;
	s9 =	smov.u32 s13  }
0x40: {  	_ =	sdelay $0x1  }
0x41: {  	vm0 =	veq.s32 v8, v9  }
0x42: {  	v8 =	vsel vm0, $0x2710, v8  }
0x43: {  	v9 =	vsel vm0, $0x2710, v9;
	[tilespmem:s9+$0xCFD0] =	vst v8  }
0x44: {  	[tilespmem:s9+$0xCE40] =	vst v9  }
0x45: {  	[tilespmem:s23], [sflag:$0x2] =	stream.indirect.gather [hbm4b:s3+s17], $0x40, s22, s17, $0xb8;
	[tilespmem:$0x199E0] =	vst v63  }
0x46: {  	_ = 	snop  }
0x47: {  	[tilespmem:s25], [sflag:$0x2] =	stream.indirect.gather [hbm4b:s4+s17], $0x40, s24, s17, $0xb8;
	[tilespmem:$0x199E0] =	vst v63  }
0x48: {  	_ =	swait.ge [sflag:s26], $0x6400  }
0x49: {  	[sflag:s26] =	ssyncset.done $0x0  }
0x4a: {  	[sflag:s26] =	ssyncadd.s32 $0xFFFF9C00  }
0x4b: {  	_ =	swait.ge [sflag:s26], $0x6400  }
0x4c: {  	[sflag:s26] =	ssyncset.done $0x0  }
0x4d: {  	s10 =	simm.s32 $0x0;
	[sflag:s26] =	ssyncadd.s32 $0xFFFF9C00  }
0x4e: {  	v9 =	vld [tilespmem:s10+$0x6A40]  }
0x4f: {  	v10 =	vld [tilespmem:s10+$0x6A50]  }
0x50: {  	v12 =	vld [tilespmem:s10+$0x6A60]  }
0x51: {  	v13 =	vld [tilespmem:s10+$0x6A70]  }
0x52: {  	v11 =	vld [tilespmem:s10+$0x640]  }
0x53: {  	v14 =	vld [tilespmem:s10+$0x650]  }
0x54: {  	v15 =	vld [tilespmem:s10+$0x660]  }
0x55: {  	v16 =	vld [tilespmem:s10+$0x670]  }
0x56: {  	s9 =	simm.s32 $0x40  }
0x57: {  	v8 =	vld [tilespmem:s9+$0x6A40];
	v17 =	vadd.f32 v9, v11  }
0x58: {  	v11 =	vld [tilespmem:s9+$0x6A50];
	v18 =	vadd.f32 v10, v14  }
0x59: {  	v9 =	vld [tilespmem:s9+$0x6A60];
	v20 =	vadd.f32 v12, v15;
	v19 =	vmax.f32 v17, $0.0e+00  }
0x5a: {  	v10 =	vld [tilespmem:s9+$0x6A70];
	v12 =	vmax.f32 v18, $0.0e+00;
	v17 =	vadd.f32 v13, v16;
	[tilespmem:s10+$0x640] =	vst v19;
	v14 =	vmul.f32 v19, v19  }
0x5b: {  	s13 =	simm.s32 $0x200;
	v13 =	vmax.f32 v20, $0.0e+00;
	v7 =	vadd.f32 v19, v7;
	v15 =	vmul.f32 v12, v12;
	v16 =	vld [tilespmem:s9+$0x640];
	[tilespmem:s10+$0x650] =	vst v12  }
.LBB2_7:
0x5c: {  	p0 =	sne.s32 s13, $0x18F00;
	v18 =	vld [tilespmem:s9+$0x650];
	v4 =	vadd.f32 v14, v4;
	[tilespmem:s10+$0x660] =	vst v13;
	v14 =	vmul.f32 v13, v13;
	v17 =	vmax.f32 v17, $0.0e+00  }
0x5d: {  	v6 =	vadd.f32 v12, v6;
	v19 =	vld [tilespmem:s9+$0x660];
	v2 =	vadd.f32 v15, v2;
	[tilespmem:s10+$0x670] =	vst v17;
	v12 =	vmul.f32 v17, v17;
	s10 =	smov.u32 s9  }
0x5e: {  	v5 =	vadd.f32 v13, v5;
	v15 =	vld [tilespmem:s10+$0x670];
	v1 =	vadd.f32 v14, v1  }
0x5f: {  	s9 =	sshra.s32 s13, $0x2;
	v3 =	vadd.f32 v17, v3;
	v0 =	vadd.f32 v12, v0  }
.Ltmp2:
0x60: {  	v12 =	vadd.f32 v8, v16;
	v8 =	vld [tilespmem:s9+$0x6A40];
	(pc) =	sbr.rel @p0 .LBB2_7-.Ltmp2, $4  }
0x61: {  	v13 =	vadd.f32 v11, v18;
	v11 =	vld [tilespmem:s9+$0x6A50]  }
0x62: {  	v18 =	vmax.f32 v12, $0.0e+00;
	v19 =	vadd.f32 v9, v19;
	v9 =	vld [tilespmem:s9+$0x6A60]  }
0x63: {  	[tilespmem:s10+$0x640] =	vst v18;
	v14 =	vmul.f32 v18, v18;
	v12 =	vmax.f32 v13, $0.0e+00;
	v17 =	vadd.f32 v10, v15;
	v10 =	vld [tilespmem:s9+$0x6A70]  }
0x64: {  	s13 =	sadd.s32 $0x100, s13;
	v7 =	vadd.f32 v18, v7;
	v16 =	vld [tilespmem:s9+$0x640];
	[tilespmem:s10+$0x650] =	vst v12;
	v15 =	vmul.f32 v12, v12;
	v13 =	vmax.f32 v19, $0.0e+00  }
0x65: {  	v18 =	vld [tilespmem:s9+$0x650];
	[tilespmem:s10+$0x660] =	vst v13;
	v17 =	vmax.f32 v17, $0.0e+00  }
0x66: {  	v19 =	vld [tilespmem:s9+$0x660];
	[tilespmem:s10+$0x670] =	vst v17  }
0x67: {  	v20 =	vld [tilespmem:s9+$0x670];
	_ =	sdelay $0x1  }
0x68: {  	v8 =	vadd.f32 v8, v16  }
0x69: {  	v11 =	vadd.f32 v11, v18  }
0x6a: {  	v8 =	vmax.f32 v8, $0.0e+00;
	v9 =	vadd.f32 v9, v19  }
0x6b: {  	[tilespmem:s9+$0x640] =	vst v8;
	v11 =	vmax.f32 v11, $0.0e+00;
	v10 =	vadd.f32 v10, v20  }
0x6c: {  	s13 =	sadd.s32 s8, s29;
	[tilespmem:s9+$0x650] =	vst v11;
	v9 =	vmax.f32 v9, $0.0e+00  }
0x6d: {  	s10 =	sshll.u32 s13, $0x3;
	[tilespmem:s9+$0x660] =	vst v9;
	v10 =	vmax.f32 v10, $0.0e+00  }
0x6e: {  	s13 =	sadd.s32 s7, s10;
	s10 =	simm.s32 $0x0;
	[tilespmem:s9+$0x670] =	vst v10  }
0x6f: {  	[hbm4b:s13+s10] =	stream.linear.scatter [tilespmem:s19], [sflag:$0x3], $0x6400, $0x38;
	[tilespmem:$0x199E0] =	vst v63  }
0x70: {  	s29 =	sadd.s32 s29, s12;
	_ =	swait.ge [sflag:s16], $0x6400  }
0x71: {  	s9 =	sshrl.u32 s29, $0x3;
	[sflag:s16] =	ssyncset.done $0x0  }
0x72: {  	s13 =	sadd.s32 s5, s9;
	[sflag:s16] =	ssyncadd.s32 $0xFFFF9C00  }
0x73: {  	[tilespmem:s10], [sflag:$0x3] =	stream.linear.gather [hbm4b:s13+s10], $0x190, $0x38;
	[tilespmem:$0x199E0] =	vst v63  }
0x74: {  	_ =	swait.ge [sflag:s16], $0x190  }
0x75: {  	v4 =	vadd.f32 v14, v4;
	[sflag:s16] =	ssyncset.done $0x0  }
0x76: {  	v60 =	vmul.f32 v13, v13;
	v6 =	vadd.f32 v12, v6;
	v61 =	vmul.f32 v17, v17;
	s9 =	sadd.s32 s6, s9;
	[sflag:s16] =	ssyncadd.s32 $0xFFFFFE70  }
0x77: {  	v62 =	vadd.f32 v13, v5;
	v2 =	vadd.f32 v15, v2;
	[tilespmem:s17], [sflag:$0x3] =	stream.linear.gather [hbm4b:s9+s10], $0x190, $0x38;
	[tilespmem:$0x199E0] =	vst v63  }
0x78: {  	v1 =	vadd.f32 v60, v1;
	v12 =	vadd.f32 v61, v0;
	v5 =	vmul.f32 v8, v8;
	_ =	swait.ge [sflag:s16], $0x190  }
0x79: {  	v7 =	vadd.f32 v8, v7;
	v0 =	vmul.f32 v11, v11;
	v8 =	vmul.f32 v9, v9;
	[sflag:s16] =	ssyncset.done $0x0  }
0x7a: {  	v63 =	vadd.f32 v17, v3;
	v5 =	vadd.f32 v5, v4;
	s9 =	simm.s32 $0x0;
	[sflag:s16] =	ssyncadd.s32 $0xFFFFFE70  }
0x7b: {  	v4 =	vadd.f32 v0, v2;
	v2 =	vadd.f32 v8, v1;
	v8 =	vld [tilespmem:s9+$0x0]  }
0x7c: {  	v6 =	vadd.f32 v11, v6;
	v3 =	vadd.f32 v9, v62;
	v11 =	vmul.f32 v10, v10;
	v9 =	vld [tilespmem:s9+$0x190];
	_ =	sdelay $0x1  }
0x7d: {  	v0 =	vadd.f32 v10, v63;
	v1 =	vadd.f32 v11, v12;
	s10 =	simm.s32 $0x40  }
.LBB2_9:
0x7e: {  	p0 =	sne.s32 s10, $0x600  }
.Ltmp3:
0x7f: {  	s13 =	sshra.s32 s10, $0x2;
	v10 =	vmov v8;
	(pc) =	sbr.rel @p0 .LBB2_9-.Ltmp3, $4  }
0x80: {  	s10 =	sadd.s32 $0x40, s10;
	v8 =	vld [tilespmem:s13+$0x0];
	vm0 =	veq.s32 v10, v9  }
0x81: {  	v11 =	vsel vm0, $0x2710, v9;
	v9 =	vld [tilespmem:s13+$0x190];
	v10 =	vsel vm0, $0x2710, v10  }
0x82: {  	[tilespmem:s9+$0x4B0] =	vst v10  }
0x83: {  	[tilespmem:s9+$0x320] =	vst v11;
	s9 =	smov.u32 s13  }
0x84: {  	_ =	sdelay $0x1  }
0x85: {  	vm0 =	veq.s32 v8, v9  }
0x86: {  	v8 =	vsel vm0, $0x2710, v8  }
0x87: {  	v9 =	vsel vm0, $0x2710, v9;
	[tilespmem:s9+$0x4B0] =	vst v8  }
0x88: {  	[tilespmem:s9+$0x320] =	vst v9  }
0x89: {  	[tilespmem:s19], [sflag:$0x1] =	stream.indirect.gather [hbm4b:s3+s17], $0x40, s18, s17, $0xb8;
	[tilespmem:$0x199E0] =	vst v63  }
0x8a: {  	_ = 	snop  }
0x8b: {  	[tilespmem:s21], [sflag:$0x1] =	stream.indirect.gather [hbm4b:s4+s17], $0x40, s20, s17, $0xb8;
	[tilespmem:$0x199E0] =	vst v63  }
0x8c: {  	_ =	swait.ge [sflag:s28], $0x6400  }
0x8d: {  	[sflag:s28] =	ssyncset.done $0x0  }
0x8e: {  	[sflag:s28] =	ssyncadd.s32 $0xFFFF9C00  }
0x8f: {  	_ =	swait.ge [sflag:s28], $0x6400  }
0x90: {  	[sflag:s28] =	ssyncset.done $0x0  }
0x91: {  	s9 =	simm.s32 $0x0;
	[sflag:s28] =	ssyncadd.s32 $0xFFFF9C00  }
0x92: {  	v8 =	vld [tilespmem:s9+$0x13560]  }
0x93: {  	v12 =	vld [tilespmem:s9+$0x13570]  }
0x94: {  	v13 =	vld [tilespmem:s9+$0x13580]  }
0x95: {  	v14 =	vld [tilespmem:s9+$0x13590]  }
0x96: {  	v9 =	vld [tilespmem:s9+$0xD160]  }
0x97: {  	v15 =	vld [tilespmem:s9+$0xD170]  }
0x98: {  	v16 =	vld [tilespmem:s9+$0xD180]  }
0x99: {  	v17 =	vld [tilespmem:s9+$0xD190]  }
0x9a: {  	s29 =	simm.s32 $0x40  }
0x9b: {  	v11 =	vld [tilespmem:s29+$0x13560];
	v8 =	vadd.f32 v8, v9  }
0x9c: {  	v10 =	vld [tilespmem:s29+$0x13570];
	v12 =	vadd.f32 v12, v15  }
0x9d: {  	v9 =	vld [tilespmem:s29+$0x13580];
	v19 =	vadd.f32 v13, v16;
	v18 =	vmax.f32 v8, $0.0e+00  }
0x9e: {  	v17 =	vadd.f32 v14, v17;
	v8 =	vld [tilespmem:s29+$0x13590];
	v13 =	vmax.f32 v12, $0.0e+00;
	[tilespmem:s9+$0xD160] =	vst v18;
	v15 =	vmul.f32 v18, v18  }
0x9f: {  	s10 =	simm.s32 $0x200;
	v14 =	vmax.f32 v19, $0.0e+00;
	v7 =	vadd.f32 v18, v7;
	v16 =	vmul.f32 v13, v13;
	v12 =	vld [tilespmem:s29+$0xD160];
	[tilespmem:s9+$0xD170] =	vst v13  }
.LBB2_11:
0xa0: {  	p0 =	sne.s32 s10, $0x18F00;
	v18 =	vld [tilespmem:s29+$0xD170];
	v5 =	vadd.f32 v15, v5;
	[tilespmem:s9+$0xD180] =	vst v14;
	v15 =	vmul.f32 v14, v14;
	v17 =	vmax.f32 v17, $0.0e+00  }
0xa1: {  	v6 =	vadd.f32 v13, v6;
	v19 =	vld [tilespmem:s29+$0xD180];
	v4 =	vadd.f32 v16, v4;
	[tilespmem:s9+$0xD190] =	vst v17;
	v13 =	vmul.f32 v17, v17;
	s9 =	smov.u32 s29  }
0xa2: {  	v3 =	vadd.f32 v14, v3;
	v16 =	vld [tilespmem:s9+$0xD190];
	v2 =	vadd.f32 v15, v2  }
0xa3: {  	s29 =	sshra.s32 s10, $0x2;
	v0 =	vadd.f32 v17, v0;
	v1 =	vadd.f32 v13, v1  }
.Ltmp4:
0xa4: {  	v12 =	vadd.f32 v11, v12;
	v11 =	vld [tilespmem:s29+$0x13560];
	(pc) =	sbr.rel @p0 .LBB2_11-.Ltmp4, $4  }
0xa5: {  	v13 =	vadd.f32 v10, v18;
	v10 =	vld [tilespmem:s29+$0x13570]  }
0xa6: {  	v14 =	vmax.f32 v12, $0.0e+00;
	v18 =	vadd.f32 v9, v19;
	v9 =	vld [tilespmem:s29+$0x13580]  }
0xa7: {  	[tilespmem:s9+$0xD160] =	vst v14;
	v15 =	vmul.f32 v14, v14;
	v13 =	vmax.f32 v13, $0.0e+00;
	v17 =	vadd.f32 v8, v16;
	v8 =	vld [tilespmem:s29+$0x13590]  }
0xa8: {  	s10 =	sadd.s32 $0x100, s10;
	v7 =	vadd.f32 v14, v7;
	v12 =	vld [tilespmem:s29+$0xD160];
	[tilespmem:s9+$0xD170] =	vst v13;
	v16 =	vmul.f32 v13, v13;
	v14 =	vmax.f32 v18, $0.0e+00  }
0xa9: {  	v18 =	vld [tilespmem:s29+$0xD170];
	[tilespmem:s9+$0xD180] =	vst v14;
	v17 =	vmax.f32 v17, $0.0e+00  }
0xaa: {  	v19 =	vld [tilespmem:s29+$0xD180];
	[tilespmem:s9+$0xD190] =	vst v17  }
0xab: {  	v20 =	vld [tilespmem:s29+$0xD190];
	_ =	sdelay $0x1  }
0xac: {  	v5 =	vadd.f32 v15, v5;
	v11 =	vadd.f32 v11, v12  }
0xad: {  	v59 =	vmul.f32 v14, v14;
	v6 =	vadd.f32 v13, v6;
	v10 =	vadd.f32 v10, v18  }
0xae: {  	v3 =	vadd.f32 v14, v3;
	v11 =	vmax.f32 v11, $0.0e+00;
	v9 =	vadd.f32 v9, v19  }
0xaf: {  	v60 =	vadd.f32 v16, v4;
	[tilespmem:s29+$0xD160] =	vst v11;
	v10 =	vmax.f32 v10, $0.0e+00;
	v4 =	vadd.f32 v8, v20  }
0xb0: {  	s1 =	sshll.u32 s1, $0x3;
	s0 =	sadd.s32 $0x1, s0;
	v0 =	vadd.f32 v17, v0;
	v12 =	vadd.f32 v59, v2;
	[tilespmem:s29+$0xD170] =	vst v10;
	v9 =	vmax.f32 v9, $0.0e+00  }
0xb1: {  	s1 =	sand.u32 $0x1FFFFF80, s1;
	p0 =	sne.s32 s0, $0xC;
	v8 =	vmul.f32 v17, v17;
	v2 =	vmul.f32 v11, v11;
	[tilespmem:s29+$0xD180] =	vst v9;
	v61 =	vmax.f32 v4, $0.0e+00  }
.Ltmp5:
0xb2: {  	s1 =	sadd.s32 s7, s1;
	v7 =	vadd.f32 v11, v7;
	v6 =	vadd.f32 v10, v6;
	[tilespmem:s29+$0xD190] =	vst v61;
	(pc) =	sbr.rel @p0 .LBB2_4-.Ltmp5, $4  }
0xb3: {  	v8 =	vadd.f32 v8, v1;
	v1 =	vmul.f32 v10, v10;
	v4 =	vadd.f32 v2, v5;
	[hbm4b:s1+s2] =	stream.linear.scatter [tilespmem:s23], [sflag:$0x3], $0x6400, $0x38;
	[tilespmem:$0x199E0] =	vst v63  }
0xb4: {  	v62 =	vmul.f32 v9, v9;
	v5 =	vadd.f32 v9, v3;
	v63 =	vmul.f32 v61, v61;
	_ =	swait.ge [sflag:s16], $0x6400  }
0xb5: {  	v3 =	vadd.f32 v61, v0;
	v2 =	vadd.f32 v1, v60;
	[sflag:s16] =	ssyncset.done $0x0  }
0xb6: {  	v1 =	vadd.f32 v62, v12;
	v0 =	vadd.f32 v63, v8;
	[sflag:s16] =	ssyncadd.s32 $0xFFFF9C00  }
0xb7: {  	_ =	swait.ge [sflag:s26], $0x6400  }
0xb8: {  	[sflag:s26] =	ssyncset.done $0x0  }
0xb9: {  	[sflag:s26] =	ssyncadd.s32 $0xFFFF9C00  }
0xba: {  	_ =	swait.ge [sflag:s26], $0x6400  }
0xbb: {  	[sflag:s26] =	ssyncset.done $0x0  }
0xbc: {  	s0 =	simm.s32 $0x0;
	[sflag:s26] =	ssyncadd.s32 $0xFFFF9C00  }
0xbd: {  	v9 =	vld [tilespmem:s0+$0x6A40]  }
0xbe: {  	v10 =	vld [tilespmem:s0+$0x6A50]  }
0xbf: {  	v12 =	vld [tilespmem:s0+$0x6A60]  }
0xc0: {  	v13 =	vld [tilespmem:s0+$0x6A70]  }
0xc1: {  	v11 =	vld [tilespmem:s0+$0x640]  }
0xc2: {  	v14 =	vld [tilespmem:s0+$0x650]  }
0xc3: {  	v15 =	vld [tilespmem:s0+$0x660]  }
0xc4: {  	v16 =	vld [tilespmem:s0+$0x670]  }
0xc5: {  	s1 =	simm.s32 $0x40  }
0xc6: {  	v8 =	vld [tilespmem:s1+$0x6A40];
	v17 =	vadd.f32 v9, v11  }
0xc7: {  	v11 =	vld [tilespmem:s1+$0x6A50];
	v14 =	vadd.f32 v10, v14  }
0xc8: {  	v9 =	vld [tilespmem:s1+$0x6A60];
	v19 =	vadd.f32 v12, v15;
	v18 =	vmax.f32 v17, $0.0e+00  }
0xc9: {  	v10 =	vld [tilespmem:s1+$0x6A70];
	v12 =	vmax.f32 v14, $0.0e+00;
	v17 =	vadd.f32 v13, v16;
	[tilespmem:s0+$0x640] =	vst v18;
	v15 =	vmul.f32 v18, v18  }
0xca: {  	s9 =	simm.s32 $0x200;
	v13 =	vmax.f32 v19, $0.0e+00;
	v7 =	vadd.f32 v18, v7;
	v14 =	vmul.f32 v12, v12;
	v16 =	vld [tilespmem:s1+$0x640];
	[tilespmem:s0+$0x650] =	vst v12  }
.LBB2_14:
0xcb: {  	p0 =	sne.s32 s9, $0x18F00;
	v18 =	vld [tilespmem:s1+$0x650];
	v4 =	vadd.f32 v15, v4;
	[tilespmem:s0+$0x660] =	vst v13;
	v15 =	vmul.f32 v13, v13;
	v17 =	vmax.f32 v17, $0.0e+00  }
0xcc: {  	v6 =	vadd.f32 v12, v6;
	v19 =	vld [tilespmem:s1+$0x660];
	v2 =	vadd.f32 v14, v2;
	[tilespmem:s0+$0x670] =	vst v17;
	v12 =	vmul.f32 v17, v17;
	s0 =	smov.u32 s1  }
0xcd: {  	v5 =	vadd.f32 v13, v5;
	v14 =	vld [tilespmem:s0+$0x670];
	v1 =	vadd.f32 v15, v1  }
0xce: {  	s1 =	sshra.s32 s9, $0x2;
	v3 =	vadd.f32 v17, v3;
	v0 =	vadd.f32 v12, v0  }
.Ltmp6:
0xcf: {  	v12 =	vadd.f32 v8, v16;
	v8 =	vld [tilespmem:s1+$0x6A40];
	(pc) =	sbr.rel @p0 .LBB2_14-.Ltmp6, $4  }
0xd0: {  	v13 =	vadd.f32 v11, v18;
	v11 =	vld [tilespmem:s1+$0x6A50]  }
0xd1: {  	v18 =	vmax.f32 v12, $0.0e+00;
	v19 =	vadd.f32 v9, v19;
	v9 =	vld [tilespmem:s1+$0x6A60]  }
0xd2: {  	[tilespmem:s0+$0x640] =	vst v18;
	v15 =	vmul.f32 v18, v18;
	v12 =	vmax.f32 v13, $0.0e+00;
	v17 =	vadd.f32 v10, v14;
	v10 =	vld [tilespmem:s1+$0x6A70]  }
0xd3: {  	s9 =	sadd.s32 $0x100, s9;
	v7 =	vadd.f32 v18, v7;
	v16 =	vld [tilespmem:s1+$0x640];
	[tilespmem:s0+$0x650] =	vst v12;
	v14 =	vmul.f32 v12, v12;
	v13 =	vmax.f32 v19, $0.0e+00  }
0xd4: {  	v18 =	vld [tilespmem:s1+$0x650];
	[tilespmem:s0+$0x660] =	vst v13;
	v17 =	vmax.f32 v17, $0.0e+00  }
0xd5: {  	v19 =	vld [tilespmem:s1+$0x660];
	[tilespmem:s0+$0x670] =	vst v17  }
0xd6: {  	v20 =	vld [tilespmem:s1+$0x670];
	_ =	sdelay $0x1  }
0xd7: {  	v8 =	vadd.f32 v8, v16  }
0xd8: {  	v11 =	vadd.f32 v11, v18  }
0xd9: {  	v8 =	vmax.f32 v8, $0.0e+00;
	v9 =	vadd.f32 v9, v19  }
0xda: {  	[tilespmem:s1+$0x640] =	vst v8;
	v11 =	vmax.f32 v11, $0.0e+00;
	v10 =	vadd.f32 v10, v20  }
0xdb: {  	[tilespmem:s1+$0x650] =	vst v11;
	v9 =	vmax.f32 v9, $0.0e+00  }
0xdc: {  	[tilespmem:s1+$0x660] =	vst v9;
	v10 =	vmax.f32 v10, $0.0e+00  }
0xdd: {  	s13 =	rddreg [dreg:$0x4];
	[tilespmem:s1+$0x670] =	vst v10  }
0xde: {  	[hbm4b:s13+s2] =	stream.linear.scatter [tilespmem:s19], [sflag:$0x3], $0x6400, $0x38;
	[tilespmem:$0x199E0] =	vst v63  }
0xdf: {  	v4 =	vadd.f32 v15, v4;
	v6 =	vadd.f32 v12, v6;
	_ =	swait.ge [sflag:s16], $0x6400  }
0xe0: {  	v5 =	vadd.f32 v13, v5;
	v7 =	vadd.f32 v8, v7;
	[sflag:s16] =	ssyncset.done $0x0  }
0xe1: {  	v60 =	vmul.f32 v13, v13;
	v3 =	vadd.f32 v17, v3;
	v6 =	vadd.f32 v11, v6;
	[sflag:s16] =	ssyncadd.s32 $0xFFFF9C00  }
0xe2: {  	v2 =	vadd.f32 v14, v2;
	v8 =	vmul.f32 v8, v8;
	v5 =	vadd.f32 v9, v5;
	[tilespmem:$0x19960] =	vst v7  }
0xe3: {  	v61 =	vmul.f32 v17, v17;
	v11 =	vmul.f32 v11, v11;
	v3 =	vadd.f32 v10, v3;
	[tilespmem:$0x19970] =	vst v6  }
0xe4: {  	v1 =	vadd.f32 v60, v1;
	v4 =	vadd.f32 v8, v4;
	v62 =	vmul.f32 v9, v9;
	[tilespmem:$0x19980] =	vst v5  }
0xe5: {  	v0 =	vadd.f32 v61, v0;
	v2 =	vadd.f32 v11, v2;
	v63 =	vmul.f32 v10, v10;
	[tilespmem:$0x19990] =	vst v3  }
0xe6: {  	v1 =	vadd.f32 v62, v1;
	[tilespmem:$0x199A0] =	vst v4  }
0xe7: {  	s30 =	sadd.s32 $0x1, s30;
	v0 =	vadd.f32 v63, v0;
	[tilespmem:$0x199B0] =	vst v2  }
0xe8: {  	p0 =	sne.s32 s30, s15;
	[tilespmem:$0x199C0] =	vst v1  }
.Ltmp7:
0xe9: {  	s29 =	simm.s32 $0x19960;
	[tilespmem:$0x199D0] =	vst v0;
	(pc) =	sbr.rel @p0 .LBB2_1-.Ltmp7, $4  }
0xea: {  	[hbm4b:s14+s2] =	stream.linear.scatter [tilespmem:s29], [sflag:$0x3], $0x80, $0x38;
	[tilespmem:$0x199E0] =	vst v63  }
0xeb: {  	_ =	swait.ge [sflag:s16], $0x80  }
0xec: {  	[sflag:s16] =	ssyncset.done $0x0  }
0xed: {  	[sflag:s16] =	ssyncadd.s32 $0xFFFFFF80  }
0xee: {  	_ =	sfence.sel $0x180000  }
0xef: {  	[bflag:$0x0] =	sbarrier.arrive $0xFFFF  }
0xf0: {  	_ =	strace $0x90000047  }
0xf1: {  	s0 =	stileid.u32;
	[bflag:$0x2] =	sbarrier.arrive $0xFFFF  }
0xf2: {  	p0 =	sne.s32 s0, $0x0;
	s0 =	rddreg [dreg:$0x1]  }
0xf3: {  	s0 =	sadd.s32 @!p0 $0x100000, s0  }
0xf4: {  	[sflag:s0] =	ssyncadd.tile.s32 @!p0 $0x1;
	_ =	shalt  }
.Lfunc_end2:
_tile_overlayer_lowered:
.L_overlay_start_2:
0xf5: {  	(tag) =	ssettag $0x2  }
0xf6: {  	s0 =	rddreg [dreg:$0x0];
	s2 =	stileid.u32  }
0xf7: {  	s1 =	rddreg [dreg:$0x1];
	p0 =	sne.s32 s2, $0x0  }
0xf8: {  	s3 =	rddreg [dreg:$0x2];
	[bflag:$0x3] =	sbarrier.arrive $0xFFFF;
	s2 =	simm.s32 @!p0 $0x1C03  }
0xf9: {  	[timem:s3], [sflag:s2] =	dma.local @!p0 [hbm:s0], s1  }
0xfa: {  	s0 =	simm.s32 @!p0 $0x3  }
0xfb: {  	_ =	swait.ge @!p0 [sflag:s0], s1  }
0xfc: {  	s1 =	ssub.s32 @!p0 $0x0, s1;
	[sflag:s0] =	ssyncset.done @!p0 $0x0  }
0xfd: {  	[sflag:s0] =	ssyncadd.s32 @!p0 s1  }
0xfe: {  	[bflag:$0x3] =	sbarrier.arrive $0xFFFF  }
0xff: {  	_ =	shalt  }

// kernel: kernel.14.cloned.1.call-start
scs
__scs_entry_jumppad:
0x0: {  	(pc) =	sbr.rel $0x88, $3  }
0x1: {  	(tag) =	ssettag $0x0;
	lr =	simm.s32 $0x1  }
0x2: {  	[smem:$0x3F8A] =	sst lr;
	_ =	strace $0xD0000000  }
0x3: {  	_ = 	snop  }
0x4: {  	_ = 	snop  }
0x5: {  	_ = 	snop  }
0x6: {  	_ = 	snop  }
0x7: {  	_ = 	snop  }
__scs_overlays_trampoline_lowered:
0x8: {  	[smem:$0x3F99] =	sst s0  }
0x9: {  	[smem:$0x3F9A] =	sst s1  }
0xa: {  	[smem:$0x3F9B] =	sst s2  }
0xb: {  	[smem:$0x3F9C] =	sst s3  }
0xc: {  	[smem:$0x3F9D] =	sst s4  }
0xd: {  	[smem:$0x3F9E] =	sst s5  }
0xe: {  	[smem:$0x3F9F] =	sst s6  }
0xf: {  	[smem:$0x3FA0] =	sst s7  }
0x10: {  	[smem:$0x3FA1] =	sst s8  }
0x11: {  	[smem:$0x3FA2] =	sst s9;
	s0 =	simm.s32 @!p0 $0x0  }
0x12: {  	s1 =	sld [smem:$0x3F88];
	s0 =	simm.s32 @p0 $0x1  }
0x13: {  	[smem:$0x3FA3] =	sst s0;
	s0 =	simm.s32 @!p1 $0x0  }
0x14: {  	s2 =	sld [smem:$0x3F87];
	s0 =	simm.s32 @p1 $0x1  }
0x15: {  	[smem:$0x3FA4] =	sst s0;
	s0 =	simm.s32 @!p2 $0x0  }
0x16: {  	s3 =	sld [smem:$0x3FDB];
	s0 =	simm.s32 @p2 $0x1  }
0x17: {  	s4 =	simm.s32 $0x1BF5;
	[smem:$0x3FA6] =	sst s0  }
0x18: {  	s0 =	sld [smem:$0x3F89];
	_ =	swait.ge [sflag:s4], $0x0  }
0x19: {  	s7 =	sld [smem:$0x3F8A]  }
0x1a: {  	s8 =	sadd.s32 $0xFFFFE003, lr  }
0x1b: {  	s9 =	sadd.s32 $0xFFFFFEF7, lr;
	s5 =	simm.s32 $0xFFFFFFFF;
	p2 =	slt.u32 s8, $0xFFFFF086  }
0x1c: {  	p1 =	slt.u32 s9, $0xF7A;
	s5 =	simm.s32 @!p2 $0x0  }
0x1d: {  	s5 =	simm.s32 @p1 $0x1;
	p0 =	seq.s32 s7, s2  }
0x1e: {  	s7 =	smul.u32 @!p0 $0xF7A, s2;
	p2 =	seq.s32 @!p0 s5, $0x0  }
0x1f: {  	s9 =	smul.u32 $0xF7A, s1;
	s8 =	simm.s32 @!p0 $0x1BF5;
	p2 =	por !p2, p0  }
0x20: {  	[sflag:s8] =	ssyncset.s32 @!p0 $0xFFFFF086;
	s6 =	sadd.s32 @!p0 s3, s7;
	s7 =	simm.s32 @!p0 $0x108  }
0x21: {  	s3 =	sadd.s32 s3, s9;
	s6 =	sadd.s32 @!p0 $0x88, s6;
	s7 =	simm.s32 @p2 $0x1082  }
0x22: {  	[simem:s7], [sflag:s8] =	dma.local @!p0 [hbm:s6], $0xF7A  }
0x23: {  	s9 =	sor.u32 $0xD0000000, s2;
	s6 =	simm.s32 $0x108;
	_ =	swait.ge @!p0 [sflag:s8], $0x0  }
0x24: {  	s3 =	sadd.s32 $0x88, s3;
	s6 =	simm.s32 @!p1 $0x1082;
	[sflag:s4] =	ssyncset.s32 $0xFFFFF086  }
0x25: {  	[simem:s6], [sflag:s4] =	dma.local [hbm:s3], $0xF7A  }
0x26: {  	[smem:$0x3F8A] =	sst s1;
	(tag) =	ssettag s2;
	_ =	strace s9  }
0x27: {  	s1 =	sld [smem:$0x3F9A]  }
0x28: {  	s2 =	sld [smem:$0x3F9B]  }
0x29: {  	s4 =	sld [smem:$0x3F9D]  }
0x2a: {  	p0 =	seq.s32 s5, $0x0;
	s5 =	sld [smem:$0x3F9E]  }
0x2b: {  	s6 =	sld [smem:$0x3F9F]  }
0x2c: {  	s7 =	sld [smem:$0x3FA0]  }
0x2d: {  	s3 =	simm.s32 $0x108;
	s8 =	sld [smem:$0x3FA1]  }
0x2e: {  	s3 =	simm.s32 @!p0 $0x1082;
	s9 =	sld [smem:$0x3FA2]  }
0x2f: {  	lr =	sadd.s32 s0, s3;
	s0 =	sld [smem:$0x3F99]  }
0x30: {  	s3 =	sld [smem:$0x3F9C]  }
0x31: {  	[smem:$0x3FA5] =	sst s10  }
0x32: {  	s10 =	sld [smem:$0x3FA3];
	_ =	sdelay $0x3  }
0x33: {  	p0 =	seq.s32 s10, $0x1;
	s10 =	sld [smem:$0x3FA5];
	_ =	sdelay $0x3  }
0x34: {  	[smem:$0x3FA5] =	sst s10  }
0x35: {  	s10 =	sld [smem:$0x3FA4];
	_ =	sdelay $0x3  }
0x36: {  	p1 =	seq.s32 s10, $0x1;
	s10 =	sld [smem:$0x3FA5];
	_ =	sdelay $0x3  }
0x37: {  	[smem:$0x3FA5] =	sst s10  }
0x38: {  	s10 =	sld [smem:$0x3FA6]  }
0x39: {  	_ = 	snop;
	(pc) =	sbr.ind lr, $3  }
0x3a: {  	_ = 	snop  }
0x3b: {  	_ = 	snop  }
0x3c: {  	p2 =	seq.s32 s10, $0x1;
	s10 =	sld [smem:$0x3FA5]  }
0x3d: {  	_ =	shalt  }
0x3e: {  	_ =	shalt  }
0x3f: {  	_ =	shalt  }
0x40: {  	_ =	shalt  }
0x41: {  	_ =	shalt  }
0x42: {  	_ =	shalt  }
0x43: {  	_ =	shalt  }
0x44: {  	_ =	shalt  }
0x45: {  	_ =	shalt  }
0x46: {  	_ =	shalt  }
0x47: {  	_ =	shalt  }
0x48: {  	_ =	shalt  }
0x49: {  	_ =	shalt  }
0x4a: {  	_ =	shalt  }
0x4b: {  	_ =	shalt  }
0x4c: {  	_ =	shalt  }
0x4d: {  	_ =	shalt  }
0x4e: {  	_ =	shalt  }
0x4f: {  	_ =	shalt  }
0x50: {  	_ =	shalt  }
0x51: {  	_ =	shalt  }
0x52: {  	_ =	shalt  }
0x53: {  	_ =	shalt  }
0x54: {  	_ =	shalt  }
0x55: {  	_ =	shalt  }
0x56: {  	_ =	shalt  }
0x57: {  	_ =	shalt  }
0x58: {  	_ =	shalt  }
0x59: {  	_ =	shalt  }
0x5a: {  	_ =	shalt  }
0x5b: {  	_ =	shalt  }
0x5c: {  	_ =	shalt  }
0x5d: {  	_ =	shalt  }
0x5e: {  	_ =	shalt  }
0x5f: {  	_ =	shalt  }
0x60: {  	_ =	shalt  }
0x61: {  	_ =	shalt  }
0x62: {  	_ =	shalt  }
0x63: {  	_ =	shalt  }
0x64: {  	_ =	shalt  }
0x65: {  	_ =	shalt  }
0x66: {  	_ =	shalt  }
0x67: {  	_ =	shalt  }
0x68: {  	_ =	shalt  }
0x69: {  	_ =	shalt  }
0x6a: {  	_ =	shalt  }
0x6b: {  	_ =	shalt  }
0x6c: {  	_ =	shalt  }
0x6d: {  	_ =	shalt  }
0x6e: {  	_ =	shalt  }
0x6f: {  	_ =	shalt  }
0x70: {  	_ =	shalt  }
0x71: {  	_ =	shalt  }
0x72: {  	_ =	shalt  }
0x73: {  	_ =	shalt  }
0x74: {  	_ =	shalt  }
0x75: {  	_ =	shalt  }
0x76: {  	_ =	shalt  }
0x77: {  	_ =	shalt  }
0x78: {  	_ =	shalt  }
0x79: {  	_ =	shalt  }
0x7a: {  	_ =	shalt  }
0x7b: {  	_ =	shalt  }
0x7c: {  	_ =	shalt  }
0x7d: {  	_ =	shalt  }
0x7e: {  	_ =	shalt  }
0x7f: {  	_ =	shalt  }
0x80: {  	_ =	shalt  }
0x81: {  	_ =	shalt  }
0x82: {  	_ =	shalt  }
0x83: {  	_ =	shalt  }
0x84: {  	_ =	shalt  }
0x85: {  	_ =	shalt  }
0x86: {  	_ =	shalt  }
0x87: {  	_ =	shalt  }
.Lfunc_end0:
.L_simem_size_0:
called_computation.3_lowered:
.L_overlay_start_0:
0x88: {  	s2 =	sld [smem:$0x3FD9]  }
0x89: {  	s3 =	sld [smem:$0x3FFE];
	_ =	sdelay $0x1  }
0x8a: {  	s1 =	srdreg.scid  }
0x8b: {  	s0 =	sand.u32 $0x1, s1  }
0x8c: {  	s17 =	sshll.u32 s0, $0xA;
	s2 =	sadd.s32 s3, s2  }
0x8d: {  	s2 =	sadd.s32 s2, s17  }
0x8e: {  	[smem:$0x3FB1] =	sst s2  }
0x8f: {  	_ = 	snop  }
0x90: {  	(tm) =	ssettm $0x1  }
0x91: {  	s18 =	sld [smem:$0x3FFB];
	_ =	sdelay $0x3  }
0x92: {  	_ =	strace s18  }
0x93: {  	s2 =	sld [smem:$0x3FFC];
	_ =	sdelay $0x3  }
0x94: {  	_ =	strace s2  }
0x95: {  	s2 =	sld [smem:$0x3FFD];
	_ =	sdelay $0x3  }
0x96: {  	_ =	strace s2  }
0x97: {  	_ =	strace $0x8FFFFFFF  }
0x98: {  	s19 =	sld [smem:$0x3FDB];
	_ =	sdelay $0x1  }
0x99: {  	s20 =	simm.s32 $_scs_section_size  }
0x9a: {  	s4 =	simm.s32 $_size__tile_overlayer_lowered;
	s5 =	simm.s32 $_tile_overlayer_lowered  }
0x9b: {  	s6 =	simm.s32 $0x1BFF;
	s21 =	sshll.u32 s5, $0x1;
	s3 =	sadd.s32 s20, s19  }
0x9c: {  	s22 =	simm.s32 $0x0;
	s4 =	sshll.u32 s4, $0x1;
	s5 =	sadd.s32 s21, s3  }
0x9d: {  	[timem:s22], [sflag:s6] =	dma.local [hbm:s5], s4  }
0x9e: {  	_ =	swait.ge [sflag:s6], s4  }
0x9f: {  	s4 =	ssub.s32 $0x0, s4;
	[sflag:s6] =	ssyncset.done $0x0  }
0xa0: {  	[sflag:s6] =	ssyncadd.s32 s4;
	_ =	sdelay $0x1  }
0xa1: {  	s23 =	simm.s32 $0x1B8B  }
0xa2: {  	_ =	swait.ge [sflag:s23], $0x1  }
0xa3: {  	[sflag:s23] =	ssyncset.done $0x0  }
0xa4: {  	[sflag:s23] =	ssyncadd.s32 $0xFFFFFFFF  }
0xa5: {  	s4 =	sld [smem:$0x0]  }
0xa6: {  	s5 =	sand.u32 $0xFFFFFFFE, s1  }
0xa7: {  	p0 =	sne.s32 s1, s5  }
0xa8: {  	s5 =	sshll.u32 @p0 s5, $0xE  }
0xa9: {  	s5 =	sadd.s32 @p0 $0x11B8D, s5;
	s6 =	sshll.u32 @p0 s4, $0x11  }
0xaa: {  	s5 =	sor.u32 @p0 s6, s5  }
0xab: {  	[sflag:s5] =	ssyncadd.remote.s32 @p0 $0x1;
	_ =	sdelay $0x1  }
0xac: {  	s5 =	simm.s32 @p0 $0x1B8D  }
0xad: {  	_ =	swait.eq @p0 [sflag:s5], $0x1  }
0xae: {  	[sflag:s5] =	ssyncadd.s32 @p0 $0xFFFFFFFF  }
0xaf: {  	s6 =	sshll.u32 @!p0 s1, $0xE  }
0xb0: {  	s6 =	sor.u32 @!p0 $0x4000, s6;
	s5 =	simm.s32 @!p0 $0x1B8D  }
0xb1: {  	s4 =	sshll.u32 @!p0 s4, $0x11;
	s6 =	sadd.s32 @!p0 $0x11B8D, s6;
	_ =	swait.eq @!p0 [sflag:s5], $0x1  }
0xb2: {  	s4 =	sor.u32 @!p0 s4, s6;
	[sflag:s5] =	ssyncadd.s32 @!p0 $0xFFFFFFFF  }
0xb3: {  	s25 =	simm.s32 $0x1B8E;
	s24 =	sld [smem:$0x3FFE];
	[sflag:s4] =	ssyncadd.remote.s32 @!p0 $0x1  }
0xb4: {  	s26 =	simm.s32 $execute0_lowered;
	[smem:$0x3FD2] =	sst s25  }
0xb5: {  	s5 =	sshll.u32 s26, $0x1;
	_ =	strace $0x80000049;
	[dreg:$0x1] =	wrdreg $0xFFFFFFFF  }
0xb6: {  	s28 =	simm.s32 $_size_execute0_lowered;
	s3 =	sadd.s32 s3, s5;
	[dreg:$0x0] =	wrdreg $0x0  }
0xb7: {  	s5 =	sshll.u32 s28, $0x1;
	[dreg:$0x2] =	wrdreg s3  }
0xb8: {  	[dreg:$0x3] =	wrdreg s5  }
0xb9: {  	[dreg:$0x4] =	wrdreg $0xC0  }
0xba: {  	_ =	task [dreg:s22], $0x5FFFF  }
0xbb: {  	[dreg:$0x1] =	wrdreg $0xFFFFFFFF  }
0xbc: {  	[dreg:$0x0] =	wrdreg $0x60  }
0xbd: {  	[dreg:$0x2] =	wrdreg s24  }
0xbe: {  	[dreg:$0x3] =	wrdreg $0xB  }
0xbf: {  	_ =	task.clear_ibuf [dreg:s22], $0x4FFFF;
	_ =	strace $0x90000049  }
0xc0: {  	s29 =	simm.s32 $0xB;
	_ =	strace $0x8000004B  }
0xc1: {  	_ =	swait.ge [sflag:s29], $0x1  }
0xc2: {  	[sflag:s29] =	ssyncadd.s32 $0xFFFFFFFF  }
0xc3: {  	_ =	strace $0x9000004B  }
0xc4: {  	_ =	sfence  }
0xc5: {  	s30 =	sld [smem:$0x0];
	_ =	sdelay $0x2  }
0xc6: {  	s31 =	sshll.u32 s1, $0xD;
	s1 =	sshrl.u32 s1, $0x2  }
0xc7: {  	s4 =	sand.u32 $0x4000, s31;
	s1 =	sadd.s32 s1, s30  }
0xc8: {  	s0 =	sor.u32 s4, s0;
	s1 =	sshll.u32 s1, $0x11  }
0xc9: {  	s0 =	sor.u32 s1, s0  }
0xca: {  	s0 =	sadd.s32 $0x8F2B, s0  }
0xcb: {  	[sflag:s0] =	ssyncadd.remote.s32 $0x1  }
0xcc: {  	_ =	sfence.sel $0xFFFF  }
0xcd: {  	[dreg:$0x0] =	wrdreg $0xFFFFFFFF;
	(pc) =	sbr.abs _section_cstart, $3  }
0xce: {  	[dreg:$0x1] =	wrdreg $0xFFFFFFFF  }
0xcf: {  	_ =	task.clear_ibuf [dreg:s22], $0x2FFFF;
	_ =	strace $0x9FFFFFFF  }
0xd0: {  	(tm) =	ssettm $0x7FFFFFFF  }
0xd1: {  	_ =	shalt  }
tec
execute0_lowered:
.L_overlay_start_1:
0x0: {  	(tag) =	ssettag $0x1  }
0x1: {  	s0 =	rddreg [dreg:$0x0];
	s1 =	simm.s32 $0x0;
	s2 =	srdreg.scid  }
0x2: {  	s5 =	stileid.u32;
	s16 =	simm.s32 $0x3;
	s17 =	simm.s32 $0x190  }
0x3: {  	s18 =	simm.s32 $0x320;
	s19 =	simm.s32 $0x640;
	s20 =	simm.s32 $0x4B0  }
0x4: {  	s21 =	simm.s32 $0x6A40;
	s22 =	simm.s32 $0xCE40;
	s23 =	simm.s32 $0xD160  }
0x5: {  	s24 =	simm.s32 $0xCFD0;
	s28 =	simm.s32 $0x2;
	s30 =	simm.s32 $0x0  }
0x6: {  	s31 =	simm.s32 $0x0;
	[smem:$0x7FF] =	sst s1;
	s3 =	sadd.s32 $0x2E7200, s0  }
0x7: {  	s4 =	sadd.s32 $0x2D3800, s0;
	s2 =	sand.u32 $0x1, s2;
	s7 =	sshll.u32 s5, $0x1  }
0x8: {  	s5 =	sadd.s32 $0x304A00, s0;
	s6 =	sadd.s32 $0x2FAC00, s0;
	s9 =	sor.u32 s2, s7  }
0x9: {  	_ =	strace $0x8000004A;
	s2 =	ssub.s32 $0x2, s2;
	s8 =	smul.u32 $0x2710, s9  }
0xa: {  	s10 =	sshll.u32 s9, $0x4;
	s9 =	smul.u32 $0x9C400, s9;
	s25 =	sshrl.u32 s2, $0x1  }
0xb: {  	s7 =	sadd.s32 $0x30E800, s0;
	s0 =	sadd.s32 s10, s0;
	s2 =	ssub.s32 s2, s25  }
0xc: {  	s25 =	simm.s32 $0x13560;
	s11 =	sshrl.u32 s8, $0x3;
	s9 =	sshrl.u32 s9, $0x3  }
0xd: {  	s12 =	sadd.s32 $0x320, s8;
	s14 =	sadd.s32 $0x57F800, s0;
	s26 =	sadd.s32 s5, s11  }
0xe: {  	s29 =	sadd.s32 s6, s11;
	s9 =	sadd.s32 s7, s9;
	[dreg:$0x2] =	wrdreg s26  }
0xf: {  	s15 =	smax.u32 s2, $0x1;
	[dreg:$0x3] =	wrdreg s29;
	s9 =	sadd.s32 $0x12C00, s9  }
0x10: {  	s11 =	sadd.s32 $0x190, s8;
	s26 =	simm.s32 $0x1;
	[dreg:$0x4] =	wrdreg s9  }
.LBB2_1:
0x11: {  	s0 =	rddreg [dreg:$0x2]  }
0x12: {  	[tilespmem:s1], [sflag:$0x3] =	stream.linear.gather [hbm4b:s0+s1], $0x190, $0x38;
	[tilespmem:$0x199E0] =	vst v63  }
0x13: {  	_ =	swait.ge [sflag:s16], $0x190  }
0x14: {  	[sflag:s16] =	ssyncset.done $0x0  }
0x15: {  	s29 =	rddreg [dreg:$0x3];
	[sflag:s16] =	ssyncadd.s32 $0xFFFFFE70  }
0x16: {  	[tilespmem:s17], [sflag:$0x3] =	stream.linear.gather [hbm4b:s29+s1], $0x190, $0x38;
	[tilespmem:$0x199E0] =	vst v63  }
0x17: {  	_ =	swait.ge [sflag:s16], $0x190  }
0x18: {  	[sflag:s16] =	ssyncset.done $0x0  }
0x19: {  	s0 =	simm.s32 $0x0;
	[sflag:s16] =	ssyncadd.s32 $0xFFFFFE70  }
0x1a: {  	v0 =	vld [tilespmem:s0+$0x0]  }
0x1b: {  	v1 =	vld [tilespmem:s0+$0x190];
	_ =	sdelay $0x1  }
0x1c: {  	s2 =	simm.s32 $0x40  }
.LBB2_2:
0x1d: {  	p0 =	sne.s32 s2, $0x600  }
.Ltmp0:
0x1e: {  	s9 =	sshra.s32 s2, $0x2;
	v2 =	vmov v0;
	(pc) =	sbr.rel @p0 .LBB2_2-.Ltmp0, $4  }
0x1f: {  	s2 =	sadd.s32 $0x40, s2;
	v0 =	vld [tilespmem:s9+$0x0];
	vm0 =	veq.s32 v2, v1  }
0x20: {  	v3 =	vsel vm0, $0x2710, v1;
	v1 =	vld [tilespmem:s9+$0x190];
	v2 =	vsel vm0, $0x2710, v2  }
0x21: {  	[tilespmem:s0+$0x4B0] =	vst v2  }
0x22: {  	[tilespmem:s0+$0x320] =	vst v3;
	s0 =	smov.u32 s9  }
0x23: {  	_ =	sdelay $0x1  }
0x24: {  	vm0 =	veq.s32 v0, v1  }
0x25: {  	v0 =	vsel vm0, $0x2710, v0  }
0x26: {  	v1 =	vsel vm0, $0x2710, v1;
	[tilespmem:s0+$0x4B0] =	vst v0  }
0x27: {  	[tilespmem:s0+$0x320] =	vst v1  }
0x28: {  	v2 =	vimm.f32 $0.0e+00;
	v4 =	vimm.f32 $0.0e+00;
	[tilespmem:s19], [sflag:$0x1] =	stream.indirect.gather [hbm4b:s3+s17], $0x40, s18, s17, $0xb8;
	[tilespmem:$0x199E0] =	vst v63  }
0x29: {  	v3 =	vimm.f32 $0.0e+00;
	v5 =	vimm.f32 $0.0e+00;
	v6 =	vimm.f32 $0.0e+00;
	s0 =	simm.s32 $0x0  }
0x2a: {  	v7 =	vimm.f32 $0.0e+00;
	v0 =	vimm.f32 $0.0e+00;
	v1 =	vimm.f32 $0.0e+00;
	[tilespmem:s21], [sflag:$0x1] =	stream.indirect.gather [hbm4b:s4+s17], $0x40, s20, s17, $0xb8;
	[tilespmem:$0x199E0] =	vst v63  }
.LBB2_4:
0x2b: {  	s29 =	smul.u32 $0x320, s0;
	_ =	sdelay $0x1  }
0x2c: {  	s2 =	sadd.s32 s29, s11  }
0x2d: {  	s9 =	sshrl.u32 s2, $0x3  }
0x2e: {  	s10 =	sadd.s32 s5, s9  }
0x2f: {  	[tilespmem:s31], [sflag:$0x3] =	stream.linear.gather [hbm4b:s10+s31], $0x190, $0x38;
	[tilespmem:$0x199E0] =	vst v63  }
0x30: {  	_ =	swait.ge [sflag:s16], $0x190  }
0x31: {  	[sflag:s16] =	ssyncset.done $0x0  }
0x32: {  	s9 =	sadd.s32 s6, s9;
	[sflag:s16] =	ssyncadd.s32 $0xFFFFFE70  }
0x33: {  	[tilespmem:s17], [sflag:$0x3] =	stream.linear.gather [hbm4b:s9+s31], $0x190, $0x38;
	[tilespmem:$0x199E0] =	vst v63  }
0x34: {  	_ =	swait.ge [sflag:s16], $0x190  }
0x35: {  	[sflag:s16] =	ssyncset.done $0x0  }
0x36: {  	s9 =	simm.s32 $0x0;
	[sflag:s16] =	ssyncadd.s32 $0xFFFFFE70  }
0x37: {  	v8 =	vld [tilespmem:s9+$0x0]  }
0x38: {  	v9 =	vld [tilespmem:s9+$0x190];
	_ =	sdelay $0x1  }
0x39: {  	s10 =	simm.s32 $0x40  }
.LBB2_5:
0x3a: {  	p0 =	sne.s32 s10, $0x600  }
.Ltmp1:
0x3b: {  	s13 =	sshra.s32 s10, $0x2;
	v10 =	vmov v8;
	(pc) =	sbr.rel @p0 .LBB2_5-.Ltmp1, $4  }
0x3c: {  	s10 =	sadd.s32 $0x40, s10;
	v8 =	vld [tilespmem:s13+$0x0];
	vm0 =	veq.s32 v10, v9  }
0x3d: {  	v11 =	vsel vm0, $0x2710, v9;
	v9 =	vld [tilespmem:s13+$0x190];
	v10 =	vsel vm0, $0x2710, v10  }
0x3e: {  	[tilespmem:s9+$0xCFD0] =	vst v10  }
0x3f: {  	[tilespmem:s9+$0xCE40] =	vst v11;
	s9 =	smov.u32 s13  }
0x40: {  	_ =	sdelay $0x1  }
0x41: {  	vm0 =	veq.s32 v8, v9  }
0x42: {  	v8 =	vsel vm0, $0x2710, v8  }
0x43: {  	v9 =	vsel vm0, $0x2710, v9;
	[tilespmem:s9+$0xCFD0] =	vst v8  }
0x44: {  	[tilespmem:s9+$0xCE40] =	vst v9  }
0x45: {  	[tilespmem:s23], [sflag:$0x2] =	stream.indirect.gather [hbm4b:s3+s17], $0x40, s22, s17, $0xb8;
	[tilespmem:$0x199E0] =	vst v63  }
0x46: {  	_ = 	snop  }
0x47: {  	[tilespmem:s25], [sflag:$0x2] =	stream.indirect.gather [hbm4b:s4+s17], $0x40, s24, s17, $0xb8;
	[tilespmem:$0x199E0] =	vst v63  }
0x48: {  	_ =	swait.ge [sflag:s26], $0x6400  }
0x49: {  	[sflag:s26] =	ssyncset.done $0x0  }
0x4a: {  	[sflag:s26] =	ssyncadd.s32 $0xFFFF9C00  }
0x4b: {  	_ =	swait.ge [sflag:s26], $0x6400  }
0x4c: {  	[sflag:s26] =	ssyncset.done $0x0  }
0x4d: {  	s10 =	simm.s32 $0x0;
	[sflag:s26] =	ssyncadd.s32 $0xFFFF9C00  }
0x4e: {  	v9 =	vld [tilespmem:s10+$0x6A40]  }
0x4f: {  	v10 =	vld [tilespmem:s10+$0x6A50]  }
0x50: {  	v12 =	vld [tilespmem:s10+$0x6A60]  }
0x51: {  	v13 =	vld [tilespmem:s10+$0x6A70]  }
0x52: {  	v11 =	vld [tilespmem:s10+$0x640]  }
0x53: {  	v14 =	vld [tilespmem:s10+$0x650]  }
0x54: {  	v15 =	vld [tilespmem:s10+$0x660]  }
0x55: {  	v16 =	vld [tilespmem:s10+$0x670]  }
0x56: {  	s9 =	simm.s32 $0x40  }
0x57: {  	v8 =	vld [tilespmem:s9+$0x6A40];
	v17 =	vadd.f32 v9, v11  }
0x58: {  	v11 =	vld [tilespmem:s9+$0x6A50];
	v18 =	vadd.f32 v10, v14  }
0x59: {  	v9 =	vld [tilespmem:s9+$0x6A60];
	v20 =	vadd.f32 v12, v15;
	v19 =	vmax.f32 v17, $0.0e+00  }
0x5a: {  	v10 =	vld [tilespmem:s9+$0x6A70];
	v12 =	vmax.f32 v18, $0.0e+00;
	v17 =	vadd.f32 v13, v16;
	[tilespmem:s10+$0x640] =	vst v19;
	v14 =	vmul.f32 v19, v19  }
0x5b: {  	s13 =	simm.s32 $0x200;
	v13 =	vmax.f32 v20, $0.0e+00;
	v7 =	vadd.f32 v19, v7;
	v15 =	vmul.f32 v12, v12;
	v16 =	vld [tilespmem:s9+$0x640];
	[tilespmem:s10+$0x650] =	vst v12  }
.LBB2_7:
0x5c: {  	p0 =	sne.s32 s13, $0x18F00;
	v18 =	vld [tilespmem:s9+$0x650];
	v4 =	vadd.f32 v14, v4;
	[tilespmem:s10+$0x660] =	vst v13;
	v14 =	vmul.f32 v13, v13;
	v17 =	vmax.f32 v17, $0.0e+00  }
0x5d: {  	v6 =	vadd.f32 v12, v6;
	v19 =	vld [tilespmem:s9+$0x660];
	v2 =	vadd.f32 v15, v2;
	[tilespmem:s10+$0x670] =	vst v17;
	v12 =	vmul.f32 v17, v17;
	s10 =	smov.u32 s9  }
0x5e: {  	v5 =	vadd.f32 v13, v5;
	v15 =	vld [tilespmem:s10+$0x670];
	v1 =	vadd.f32 v14, v1  }
0x5f: {  	s9 =	sshra.s32 s13, $0x2;
	v3 =	vadd.f32 v17, v3;
	v0 =	vadd.f32 v12, v0  }
.Ltmp2:
0x60: {  	v12 =	vadd.f32 v8, v16;
	v8 =	vld [tilespmem:s9+$0x6A40];
	(pc) =	sbr.rel @p0 .LBB2_7-.Ltmp2, $4  }
0x61: {  	v13 =	vadd.f32 v11, v18;
	v11 =	vld [tilespmem:s9+$0x6A50]  }
0x62: {  	v18 =	vmax.f32 v12, $0.0e+00;
	v19 =	vadd.f32 v9, v19;
	v9 =	vld [tilespmem:s9+$0x6A60]  }
0x63: {  	[tilespmem:s10+$0x640] =	vst v18;
	v14 =	vmul.f32 v18, v18;
	v12 =	vmax.f32 v13, $0.0e+00;
	v17 =	vadd.f32 v10, v15;
	v10 =	vld [tilespmem:s9+$0x6A70]  }
0x64: {  	s13 =	sadd.s32 $0x100, s13;
	v7 =	vadd.f32 v18, v7;
	v16 =	vld [tilespmem:s9+$0x640];
	[tilespmem:s10+$0x650] =	vst v12;
	v15 =	vmul.f32 v12, v12;
	v13 =	vmax.f32 v19, $0.0e+00  }
0x65: {  	v18 =	vld [tilespmem:s9+$0x650];
	[tilespmem:s10+$0x660] =	vst v13;
	v17 =	vmax.f32 v17, $0.0e+00  }
0x66: {  	v19 =	vld [tilespmem:s9+$0x660];
	[tilespmem:s10+$0x670] =	vst v17  }
0x67: {  	v20 =	vld [tilespmem:s9+$0x670];
	_ =	sdelay $0x1  }
0x68: {  	v8 =	vadd.f32 v8, v16  }
0x69: {  	v11 =	vadd.f32 v11, v18  }
0x6a: {  	v8 =	vmax.f32 v8, $0.0e+00;
	v9 =	vadd.f32 v9, v19  }
0x6b: {  	[tilespmem:s9+$0x640] =	vst v8;
	v11 =	vmax.f32 v11, $0.0e+00;
	v10 =	vadd.f32 v10, v20  }
0x6c: {  	s13 =	sadd.s32 s8, s29;
	[tilespmem:s9+$0x650] =	vst v11;
	v9 =	vmax.f32 v9, $0.0e+00  }
0x6d: {  	s10 =	sshll.u32 s13, $0x3;
	[tilespmem:s9+$0x660] =	vst v9;
	v10 =	vmax.f32 v10, $0.0e+00  }
0x6e: {  	s13 =	sadd.s32 s7, s10;
	s10 =	simm.s32 $0x0;
	[tilespmem:s9+$0x670] =	vst v10  }
0x6f: {  	[hbm4b:s13+s10] =	stream.linear.scatter [tilespmem:s19], [sflag:$0x3], $0x6400, $0x38;
	[tilespmem:$0x199E0] =	vst v63  }
0x70: {  	s29 =	sadd.s32 s29, s12;
	_ =	swait.ge [sflag:s16], $0x6400  }
0x71: {  	s9 =	sshrl.u32 s29, $0x3;
	[sflag:s16] =	ssyncset.done $0x0  }
0x72: {  	s13 =	sadd.s32 s5, s9;
	[sflag:s16] =	ssyncadd.s32 $0xFFFF9C00  }
0x73: {  	[tilespmem:s10], [sflag:$0x3] =	stream.linear.gather [hbm4b:s13+s10], $0x190, $0x38;
	[tilespmem:$0x199E0] =	vst v63  }
0x74: {  	_ =	swait.ge [sflag:s16], $0x190  }
0x75: {  	v4 =	vadd.f32 v14, v4;
	[sflag:s16] =	ssyncset.done $0x0  }
0x76: {  	v60 =	vmul.f32 v13, v13;
	v6 =	vadd.f32 v12, v6;
	v61 =	vmul.f32 v17, v17;
	s9 =	sadd.s32 s6, s9;
	[sflag:s16] =	ssyncadd.s32 $0xFFFFFE70  }
0x77: {  	v62 =	vadd.f32 v13, v5;
	v2 =	vadd.f32 v15, v2;
	[tilespmem:s17], [sflag:$0x3] =	stream.linear.gather [hbm4b:s9+s10], $0x190, $0x38;
	[tilespmem:$0x199E0] =	vst v63  }
0x78: {  	v1 =	vadd.f32 v60, v1;
	v12 =	vadd.f32 v61, v0;
	v5 =	vmul.f32 v8, v8;
	_ =	swait.ge [sflag:s16], $0x190  }
0x79: {  	v7 =	vadd.f32 v8, v7;
	v0 =	vmul.f32 v11, v11;
	v8 =	vmul.f32 v9, v9;
	[sflag:s16] =	ssyncset.done $0x0  }
0x7a: {  	v63 =	vadd.f32 v17, v3;
	v5 =	vadd.f32 v5, v4;
	s9 =	simm.s32 $0x0;
	[sflag:s16] =	ssyncadd.s32 $0xFFFFFE70  }
0x7b: {  	v4 =	vadd.f32 v0, v2;
	v2 =	vadd.f32 v8, v1;
	v8 =	vld [tilespmem:s9+$0x0]  }
0x7c: {  	v6 =	vadd.f32 v11, v6;
	v3 =	vadd.f32 v9, v62;
	v11 =	vmul.f32 v10, v10;
	v9 =	vld [tilespmem:s9+$0x190];
	_ =	sdelay $0x1  }
0x7d: {  	v0 =	vadd.f32 v10, v63;
	v1 =	vadd.f32 v11, v12;
	s10 =	simm.s32 $0x40  }
.LBB2_9:
0x7e: {  	p0 =	sne.s32 s10, $0x600  }
.Ltmp3:
0x7f: {  	s13 =	sshra.s32 s10, $0x2;
	v10 =	vmov v8;
	(pc) =	sbr.rel @p0 .LBB2_9-.Ltmp3, $4  }
0x80: {  	s10 =	sadd.s32 $0x40, s10;
	v8 =	vld [tilespmem:s13+$0x0];
	vm0 =	veq.s32 v10, v9  }
0x81: {  	v11 =	vsel vm0, $0x2710, v9;
	v9 =	vld [tilespmem:s13+$0x190];
	v10 =	vsel vm0, $0x2710, v10  }
0x82: {  	[tilespmem:s9+$0x4B0] =	vst v10  }
0x83: {  	[tilespmem:s9+$0x320] =	vst v11;
	s9 =	smov.u32 s13  }
0x84: {  	_ =	sdelay $0x1  }
0x85: {  	vm0 =	veq.s32 v8, v9  }
0x86: {  	v8 =	vsel vm0, $0x2710, v8  }
0x87: {  	v9 =	vsel vm0, $0x2710, v9;
	[tilespmem:s9+$0x4B0] =	vst v8  }
0x88: {  	[tilespmem:s9+$0x320] =	vst v9  }
0x89: {  	[tilespmem:s19], [sflag:$0x1] =	stream.indirect.gather [hbm4b:s3+s17], $0x40, s18, s17, $0xb8;
	[tilespmem:$0x199E0] =	vst v63  }
0x8a: {  	_ = 	snop  }
0x8b: {  	[tilespmem:s21], [sflag:$0x1] =	stream.indirect.gather [hbm4b:s4+s17], $0x40, s20, s17, $0xb8;
	[tilespmem:$0x199E0] =	vst v63  }
0x8c: {  	_ =	swait.ge [sflag:s28], $0x6400  }
0x8d: {  	[sflag:s28] =	ssyncset.done $0x0  }
0x8e: {  	[sflag:s28] =	ssyncadd.s32 $0xFFFF9C00  }
0x8f: {  	_ =	swait.ge [sflag:s28], $0x6400  }
0x90: {  	[sflag:s28] =	ssyncset.done $0x0  }
0x91: {  	s9 =	simm.s32 $0x0;
	[sflag:s28] =	ssyncadd.s32 $0xFFFF9C00  }
0x92: {  	v8 =	vld [tilespmem:s9+$0x13560]  }
0x93: {  	v12 =	vld [tilespmem:s9+$0x13570]  }
0x94: {  	v13 =	vld [tilespmem:s9+$0x13580]  }
0x95: {  	v14 =	vld [tilespmem:s9+$0x13590]  }
0x96: {  	v9 =	vld [tilespmem:s9+$0xD160]  }
0x97: {  	v15 =	vld [tilespmem:s9+$0xD170]  }
0x98: {  	v16 =	vld [tilespmem:s9+$0xD180]  }
0x99: {  	v17 =	vld [tilespmem:s9+$0xD190]  }
0x9a: {  	s29 =	simm.s32 $0x40  }
0x9b: {  	v11 =	vld [tilespmem:s29+$0x13560];
	v8 =	vadd.f32 v8, v9  }
0x9c: {  	v10 =	vld [tilespmem:s29+$0x13570];
	v12 =	vadd.f32 v12, v15  }
0x9d: {  	v9 =	vld [tilespmem:s29+$0x13580];
	v19 =	vadd.f32 v13, v16;
	v18 =	vmax.f32 v8, $0.0e+00  }
0x9e: {  	v17 =	vadd.f32 v14, v17;
	v8 =	vld [tilespmem:s29+$0x13590];
	v13 =	vmax.f32 v12, $0.0e+00;
	[tilespmem:s9+$0xD160] =	vst v18;
	v15 =	vmul.f32 v18, v18  }
0x9f: {  	s10 =	simm.s32 $0x200;
	v14 =	vmax.f32 v19, $0.0e+00;
	v7 =	vadd.f32 v18, v7;
	v16 =	vmul.f32 v13, v13;
	v12 =	vld [tilespmem:s29+$0xD160];
	[tilespmem:s9+$0xD170] =	vst v13  }
.LBB2_11:
0xa0: {  	p0 =	sne.s32 s10, $0x18F00;
	v18 =	vld [tilespmem:s29+$0xD170];
	v5 =	vadd.f32 v15, v5;
	[tilespmem:s9+$0xD180] =	vst v14;
	v15 =	vmul.f32 v14, v14;
	v17 =	vmax.f32 v17, $0.0e+00  }
0xa1: {  	v6 =	vadd.f32 v13, v6;
	v19 =	vld [tilespmem:s29+$0xD180];
	v4 =	vadd.f32 v16, v4;
	[tilespmem:s9+$0xD190] =	vst v17;
	v13 =	vmul.f32 v17, v17;
	s9 =	smov.u32 s29  }
0xa2: {  	v3 =	vadd.f32 v14, v3;
	v16 =	vld [tilespmem:s9+$0xD190];
	v2 =	vadd.f32 v15, v2  }
0xa3: {  	s29 =	sshra.s32 s10, $0x2;
	v0 =	vadd.f32 v17, v0;
	v1 =	vadd.f32 v13, v1  }
.Ltmp4:
0xa4: {  	v12 =	vadd.f32 v11, v12;
	v11 =	vld [tilespmem:s29+$0x13560];
	(pc) =	sbr.rel @p0 .LBB2_11-.Ltmp4, $4  }
0xa5: {  	v13 =	vadd.f32 v10, v18;
	v10 =	vld [tilespmem:s29+$0x13570]  }
0xa6: {  	v14 =	vmax.f32 v12, $0.0e+00;
	v18 =	vadd.f32 v9, v19;
	v9 =	vld [tilespmem:s29+$0x13580]  }
0xa7: {  	[tilespmem:s9+$0xD160] =	vst v14;
	v15 =	vmul.f32 v14, v14;
	v13 =	vmax.f32 v13, $0.0e+00;
	v17 =	vadd.f32 v8, v16;
	v8 =	vld [tilespmem:s29+$0x13590]  }
0xa8: {  	s10 =	sadd.s32 $0x100, s10;
	v7 =	vadd.f32 v14, v7;
	v12 =	vld [tilespmem:s29+$0xD160];
	[tilespmem:s9+$0xD170] =	vst v13;
	v16 =	vmul.f32 v13, v13;
	v14 =	vmax.f32 v18, $0.0e+00  }
0xa9: {  	v18 =	vld [tilespmem:s29+$0xD170];
	[tilespmem:s9+$0xD180] =	vst v14;
	v17 =	vmax.f32 v17, $0.0e+00  }
0xaa: {  	v19 =	vld [tilespmem:s29+$0xD180];
	[tilespmem:s9+$0xD190] =	vst v17  }
0xab: {  	v20 =	vld [tilespmem:s29+$0xD190];
	_ =	sdelay $0x1  }
0xac: {  	v5 =	vadd.f32 v15, v5;
	v11 =	vadd.f32 v11, v12  }
0xad: {  	v59 =	vmul.f32 v14, v14;
	v6 =	vadd.f32 v13, v6;
	v10 =	vadd.f32 v10, v18  }
0xae: {  	v3 =	vadd.f32 v14, v3;
	v11 =	vmax.f32 v11, $0.0e+00;
	v9 =	vadd.f32 v9, v19  }
0xaf: {  	v60 =	vadd.f32 v16, v4;
	[tilespmem:s29+$0xD160] =	vst v11;
	v10 =	vmax.f32 v10, $0.0e+00;
	v4 =	vadd.f32 v8, v20  }
0xb0: {  	s2 =	sshll.u32 s2, $0x3;
	s0 =	sadd.s32 $0x1, s0;
	v0 =	vadd.f32 v17, v0;
	v12 =	vadd.f32 v59, v2;
	[tilespmem:s29+$0xD170] =	vst v10;
	v9 =	vmax.f32 v9, $0.0e+00  }
0xb1: {  	s2 =	sand.u32 $0x1FFFFF80, s2;
	p0 =	sne.s32 s0, $0xC;
	v8 =	vmul.f32 v17, v17;
	v2 =	vmul.f32 v11, v11;
	[tilespmem:s29+$0xD180] =	vst v9;
	v61 =	vmax.f32 v4, $0.0e+00  }
.Ltmp5:
0xb2: {  	s2 =	sadd.s32 s7, s2;
	v7 =	vadd.f32 v11, v7;
	v6 =	vadd.f32 v10, v6;
	[tilespmem:s29+$0xD190] =	vst v61;
	(pc) =	sbr.rel @p0 .LBB2_4-.Ltmp5, $4  }
0xb3: {  	v8 =	vadd.f32 v8, v1;
	v1 =	vmul.f32 v10, v10;
	v4 =	vadd.f32 v2, v5;
	[hbm4b:s2+s1] =	stream.linear.scatter [tilespmem:s23], [sflag:$0x3], $0x6400, $0x38;
	[tilespmem:$0x199E0] =	vst v63  }
0xb4: {  	v62 =	vmul.f32 v9, v9;
	v5 =	vadd.f32 v9, v3;
	v63 =	vmul.f32 v61, v61;
	_ =	swait.ge [sflag:s16], $0x6400  }
0xb5: {  	v3 =	vadd.f32 v61, v0;
	v2 =	vadd.f32 v1, v60;
	[sflag:s16] =	ssyncset.done $0x0  }
0xb6: {  	v1 =	vadd.f32 v62, v12;
	v0 =	vadd.f32 v63, v8;
	[sflag:s16] =	ssyncadd.s32 $0xFFFF9C00  }
0xb7: {  	_ =	swait.ge [sflag:s26], $0x6400  }
0xb8: {  	[sflag:s26] =	ssyncset.done $0x0  }
0xb9: {  	[sflag:s26] =	ssyncadd.s32 $0xFFFF9C00  }
0xba: {  	_ =	swait.ge [sflag:s26], $0x6400  }
0xbb: {  	[sflag:s26] =	ssyncset.done $0x0  }
0xbc: {  	s0 =	simm.s32 $0x0;
	[sflag:s26] =	ssyncadd.s32 $0xFFFF9C00  }
0xbd: {  	v9 =	vld [tilespmem:s0+$0x6A40]  }
0xbe: {  	v10 =	vld [tilespmem:s0+$0x6A50]  }
0xbf: {  	v12 =	vld [tilespmem:s0+$0x6A60]  }
0xc0: {  	v13 =	vld [tilespmem:s0+$0x6A70]  }
0xc1: {  	v11 =	vld [tilespmem:s0+$0x640]  }
0xc2: {  	v14 =	vld [tilespmem:s0+$0x650]  }
0xc3: {  	v15 =	vld [tilespmem:s0+$0x660]  }
0xc4: {  	v16 =	vld [tilespmem:s0+$0x670]  }
0xc5: {  	s2 =	simm.s32 $0x40  }
0xc6: {  	v8 =	vld [tilespmem:s2+$0x6A40];
	v17 =	vadd.f32 v9, v11  }
0xc7: {  	v11 =	vld [tilespmem:s2+$0x6A50];
	v14 =	vadd.f32 v10, v14  }
0xc8: {  	v9 =	vld [tilespmem:s2+$0x6A60];
	v19 =	vadd.f32 v12, v15;
	v18 =	vmax.f32 v17, $0.0e+00  }
0xc9: {  	v10 =	vld [tilespmem:s2+$0x6A70];
	v12 =	vmax.f32 v14, $0.0e+00;
	v17 =	vadd.f32 v13, v16;
	[tilespmem:s0+$0x640] =	vst v18;
	v15 =	vmul.f32 v18, v18  }
0xca: {  	s9 =	simm.s32 $0x200;
	v13 =	vmax.f32 v19, $0.0e+00;
	v7 =	vadd.f32 v18, v7;
	v14 =	vmul.f32 v12, v12;
	v16 =	vld [tilespmem:s2+$0x640];
	[tilespmem:s0+$0x650] =	vst v12  }
.LBB2_14:
0xcb: {  	p0 =	sne.s32 s9, $0x18F00;
	v18 =	vld [tilespmem:s2+$0x650];
	v4 =	vadd.f32 v15, v4;
	[tilespmem:s0+$0x660] =	vst v13;
	v15 =	vmul.f32 v13, v13;
	v17 =	vmax.f32 v17, $0.0e+00  }
0xcc: {  	v6 =	vadd.f32 v12, v6;
	v19 =	vld [tilespmem:s2+$0x660];
	v2 =	vadd.f32 v14, v2;
	[tilespmem:s0+$0x670] =	vst v17;
	v12 =	vmul.f32 v17, v17;
	s0 =	smov.u32 s2  }
0xcd: {  	v5 =	vadd.f32 v13, v5;
	v14 =	vld [tilespmem:s0+$0x670];
	v1 =	vadd.f32 v15, v1  }
0xce: {  	s2 =	sshra.s32 s9, $0x2;
	v3 =	vadd.f32 v17, v3;
	v0 =	vadd.f32 v12, v0  }
.Ltmp6:
0xcf: {  	v12 =	vadd.f32 v8, v16;
	v8 =	vld [tilespmem:s2+$0x6A40];
	(pc) =	sbr.rel @p0 .LBB2_14-.Ltmp6, $4  }
0xd0: {  	v13 =	vadd.f32 v11, v18;
	v11 =	vld [tilespmem:s2+$0x6A50]  }
0xd1: {  	v18 =	vmax.f32 v12, $0.0e+00;
	v19 =	vadd.f32 v9, v19;
	v9 =	vld [tilespmem:s2+$0x6A60]  }
0xd2: {  	[tilespmem:s0+$0x640] =	vst v18;
	v15 =	vmul.f32 v18, v18;
	v12 =	vmax.f32 v13, $0.0e+00;
	v17 =	vadd.f32 v10, v14;
	v10 =	vld [tilespmem:s2+$0x6A70]  }
0xd3: {  	s9 =	sadd.s32 $0x100, s9;
	v7 =	vadd.f32 v18, v7;
	v16 =	vld [tilespmem:s2+$0x640];
	[tilespmem:s0+$0x650] =	vst v12;
	v14 =	vmul.f32 v12, v12;
	v13 =	vmax.f32 v19, $0.0e+00  }
0xd4: {  	v18 =	vld [tilespmem:s2+$0x650];
	[tilespmem:s0+$0x660] =	vst v13;
	v17 =	vmax.f32 v17, $0.0e+00  }
0xd5: {  	v19 =	vld [tilespmem:s2+$0x660];
	[tilespmem:s0+$0x670] =	vst v17  }
0xd6: {  	v20 =	vld [tilespmem:s2+$0x670];
	_ =	sdelay $0x1  }
0xd7: {  	v8 =	vadd.f32 v8, v16  }
0xd8: {  	v11 =	vadd.f32 v11, v18  }
0xd9: {  	v8 =	vmax.f32 v8, $0.0e+00;
	v9 =	vadd.f32 v9, v19  }
0xda: {  	[tilespmem:s2+$0x640] =	vst v8;
	v11 =	vmax.f32 v11, $0.0e+00;
	v10 =	vadd.f32 v10, v20  }
0xdb: {  	[tilespmem:s2+$0x650] =	vst v11;
	v9 =	vmax.f32 v9, $0.0e+00  }
0xdc: {  	[tilespmem:s2+$0x660] =	vst v9;
	v10 =	vmax.f32 v10, $0.0e+00  }
0xdd: {  	s13 =	rddreg [dreg:$0x4];
	[tilespmem:s2+$0x670] =	vst v10  }
0xde: {  	[hbm4b:s13+s1] =	stream.linear.scatter [tilespmem:s19], [sflag:$0x3], $0x6400, $0x38;
	[tilespmem:$0x199E0] =	vst v63  }
0xdf: {  	v4 =	vadd.f32 v15, v4;
	v6 =	vadd.f32 v12, v6;
	_ =	swait.ge [sflag:s16], $0x6400  }
0xe0: {  	v5 =	vadd.f32 v13, v5;
	v7 =	vadd.f32 v8, v7;
	[sflag:s16] =	ssyncset.done $0x0  }
0xe1: {  	v60 =	vmul.f32 v13, v13;
	v3 =	vadd.f32 v17, v3;
	v6 =	vadd.f32 v11, v6;
	[sflag:s16] =	ssyncadd.s32 $0xFFFF9C00  }
0xe2: {  	v2 =	vadd.f32 v14, v2;
	v8 =	vmul.f32 v8, v8;
	v5 =	vadd.f32 v9, v5;
	[tilespmem:$0x19960] =	vst v7  }
0xe3: {  	v61 =	vmul.f32 v17, v17;
	v11 =	vmul.f32 v11, v11;
	v3 =	vadd.f32 v10, v3;
	[tilespmem:$0x19970] =	vst v6  }
0xe4: {  	v1 =	vadd.f32 v60, v1;
	v4 =	vadd.f32 v8, v4;
	v62 =	vmul.f32 v9, v9;
	[tilespmem:$0x19980] =	vst v5  }
0xe5: {  	v0 =	vadd.f32 v61, v0;
	v2 =	vadd.f32 v11, v2;
	v63 =	vmul.f32 v10, v10;
	[tilespmem:$0x19990] =	vst v3  }
0xe6: {  	v1 =	vadd.f32 v62, v1;
	[tilespmem:$0x199A0] =	vst v4  }
0xe7: {  	s30 =	sadd.s32 $0x1, s30;
	v0 =	vadd.f32 v63, v0;
	[tilespmem:$0x199B0] =	vst v2  }
0xe8: {  	p0 =	sne.s32 s30, s15;
	[tilespmem:$0x199C0] =	vst v1  }
.Ltmp7:
0xe9: {  	s29 =	simm.s32 $0x19960;
	[tilespmem:$0x199D0] =	vst v0;
	(pc) =	sbr.rel @p0 .LBB2_1-.Ltmp7, $4  }
0xea: {  	[hbm4b:s14+s1] =	stream.linear.scatter [tilespmem:s29], [sflag:$0x3], $0x80, $0x38;
	[tilespmem:$0x199E0] =	vst v63  }
0xeb: {  	_ =	swait.ge [sflag:s16], $0x80  }
0xec: {  	[sflag:s16] =	ssyncset.done $0x0  }
0xed: {  	[sflag:s16] =	ssyncadd.s32 $0xFFFFFF80  }
0xee: {  	_ =	sfence.sel $0x180000  }
0xef: {  	[bflag:$0x0] =	sbarrier.arrive $0xFFFF  }
0xf0: {  	_ =	strace $0x9000004A  }
0xf1: {  	s0 =	stileid.u32;
	[bflag:$0x2] =	sbarrier.arrive $0xFFFF  }
0xf2: {  	p0 =	sne.s32 s0, $0x0;
	s0 =	rddreg [dreg:$0x1]  }
0xf3: {  	s0 =	sadd.s32 @!p0 $0x100000, s0  }
0xf4: {  	[sflag:s0] =	ssyncadd.tile.s32 @!p0 $0x1;
	_ =	shalt  }
.Lfunc_end2:
_tile_overlayer_lowered:
.L_overlay_start_2:
0xf5: {  	(tag) =	ssettag $0x2  }
0xf6: {  	s0 =	rddreg [dreg:$0x0];
	s2 =	stileid.u32  }
0xf7: {  	s1 =	rddreg [dreg:$0x1];
	p0 =	sne.s32 s2, $0x0  }
0xf8: {  	s3 =	rddreg [dreg:$0x2];
	[bflag:$0x3] =	sbarrier.arrive $0xFFFF;
	s2 =	simm.s32 @!p0 $0x1C03  }
0xf9: {  	[timem:s3], [sflag:s2] =	dma.local @!p0 [hbm:s0], s1  }
0xfa: {  	s0 =	simm.s32 @!p0 $0x3  }
0xfb: {  	_ =	swait.ge @!p0 [sflag:s0], s1  }
0xfc: {  	s1 =	ssub.s32 @!p0 $0x0, s1;
	[sflag:s0] =	ssyncset.done @!p0 $0x0  }
0xfd: {  	[sflag:s0] =	ssyncadd.s32 @!p0 s1  }
0xfe: {  	[bflag:$0x3] =	sbarrier.arrive $0xFFFF  }
0xff: {  	_ =	shalt  }

// kernel: scatter_offload_async_start.1
scs
__scs_entry_jumppad:
0x0: {  	(pc) =	sbr.rel $0x88, $3  }
0x1: {  	(tag) =	ssettag $0x0;
	lr =	simm.s32 $0x1  }
0x2: {  	[smem:$0x3F8A] =	sst lr;
	_ =	strace $0xD0000000  }
0x3: {  	_ = 	snop  }
0x4: {  	_ = 	snop  }
0x5: {  	_ = 	snop  }
0x6: {  	_ = 	snop  }
0x7: {  	_ = 	snop  }
__scs_overlays_trampoline_lowered:
0x8: {  	[smem:$0x3F99] =	sst s0  }
0x9: {  	[smem:$0x3F9A] =	sst s1  }
0xa: {  	[smem:$0x3F9B] =	sst s2  }
0xb: {  	[smem:$0x3F9C] =	sst s3  }
0xc: {  	[smem:$0x3F9D] =	sst s4  }
0xd: {  	[smem:$0x3F9E] =	sst s5  }
0xe: {  	[smem:$0x3F9F] =	sst s6  }
0xf: {  	[smem:$0x3FA0] =	sst s7  }
0x10: {  	[smem:$0x3FA1] =	sst s8  }
0x11: {  	[smem:$0x3FA2] =	sst s9;
	s0 =	simm.s32 @!p0 $0x0  }
0x12: {  	s1 =	sld [smem:$0x3F88];
	s0 =	simm.s32 @p0 $0x1  }
0x13: {  	[smem:$0x3FA3] =	sst s0;
	s0 =	simm.s32 @!p1 $0x0  }
0x14: {  	s2 =	sld [smem:$0x3F87];
	s0 =	simm.s32 @p1 $0x1  }
0x15: {  	[smem:$0x3FA4] =	sst s0;
	s0 =	simm.s32 @!p2 $0x0  }
0x16: {  	s3 =	sld [smem:$0x3FDB];
	s0 =	simm.s32 @p2 $0x1  }
0x17: {  	s4 =	simm.s32 $0x1BF5;
	[smem:$0x3FA6] =	sst s0  }
0x18: {  	s0 =	sld [smem:$0x3F89];
	_ =	swait.ge [sflag:s4], $0x0  }
0x19: {  	s7 =	sld [smem:$0x3F8A]  }
0x1a: {  	s8 =	sadd.s32 $0xFFFFE003, lr  }
0x1b: {  	s9 =	sadd.s32 $0xFFFFFEF7, lr;
	s5 =	simm.s32 $0xFFFFFFFF;
	p2 =	slt.u32 s8, $0xFFFFF086  }
0x1c: {  	p1 =	slt.u32 s9, $0xF7A;
	s5 =	simm.s32 @!p2 $0x0  }
0x1d: {  	s5 =	simm.s32 @p1 $0x1;
	p0 =	seq.s32 s7, s2  }
0x1e: {  	s7 =	smul.u32 @!p0 $0xF7A, s2;
	p2 =	seq.s32 @!p0 s5, $0x0  }
0x1f: {  	s9 =	smul.u32 $0xF7A, s1;
	s8 =	simm.s32 @!p0 $0x1BF5;
	p2 =	por !p2, p0  }
0x20: {  	[sflag:s8] =	ssyncset.s32 @!p0 $0xFFFFF086;
	s6 =	sadd.s32 @!p0 s3, s7;
	s7 =	simm.s32 @!p0 $0x108  }
0x21: {  	s3 =	sadd.s32 s3, s9;
	s6 =	sadd.s32 @!p0 $0x88, s6;
	s7 =	simm.s32 @p2 $0x1082  }
0x22: {  	[simem:s7], [sflag:s8] =	dma.local @!p0 [hbm:s6], $0xF7A  }
0x23: {  	s9 =	sor.u32 $0xD0000000, s2;
	s6 =	simm.s32 $0x108;
	_ =	swait.ge @!p0 [sflag:s8], $0x0  }
0x24: {  	s3 =	sadd.s32 $0x88, s3;
	s6 =	simm.s32 @!p1 $0x1082;
	[sflag:s4] =	ssyncset.s32 $0xFFFFF086  }
0x25: {  	[simem:s6], [sflag:s4] =	dma.local [hbm:s3], $0xF7A  }
0x26: {  	[smem:$0x3F8A] =	sst s1;
	(tag) =	ssettag s2;
	_ =	strace s9  }
0x27: {  	s1 =	sld [smem:$0x3F9A]  }
0x28: {  	s2 =	sld [smem:$0x3F9B]  }
0x29: {  	s4 =	sld [smem:$0x3F9D]  }
0x2a: {  	p0 =	seq.s32 s5, $0x0;
	s5 =	sld [smem:$0x3F9E]  }
0x2b: {  	s6 =	sld [smem:$0x3F9F]  }
0x2c: {  	s7 =	sld [smem:$0x3FA0]  }
0x2d: {  	s3 =	simm.s32 $0x108;
	s8 =	sld [smem:$0x3FA1]  }
0x2e: {  	s3 =	simm.s32 @!p0 $0x1082;
	s9 =	sld [smem:$0x3FA2]  }
0x2f: {  	lr =	sadd.s32 s0, s3;
	s0 =	sld [smem:$0x3F99]  }
0x30: {  	s3 =	sld [smem:$0x3F9C]  }
0x31: {  	[smem:$0x3FA5] =	sst s10  }
0x32: {  	s10 =	sld [smem:$0x3FA3];
	_ =	sdelay $0x3  }
0x33: {  	p0 =	seq.s32 s10, $0x1;
	s10 =	sld [smem:$0x3FA5];
	_ =	sdelay $0x3  }
0x34: {  	[smem:$0x3FA5] =	sst s10  }
0x35: {  	s10 =	sld [smem:$0x3FA4];
	_ =	sdelay $0x3  }
0x36: {  	p1 =	seq.s32 s10, $0x1;
	s10 =	sld [smem:$0x3FA5];
	_ =	sdelay $0x3  }
0x37: {  	[smem:$0x3FA5] =	sst s10  }
0x38: {  	s10 =	sld [smem:$0x3FA6]  }
0x39: {  	_ = 	snop;
	(pc) =	sbr.ind lr, $3  }
0x3a: {  	_ = 	snop  }
0x3b: {  	_ = 	snop  }
0x3c: {  	p2 =	seq.s32 s10, $0x1;
	s10 =	sld [smem:$0x3FA5]  }
0x3d: {  	_ =	shalt  }
0x3e: {  	_ =	shalt  }
0x3f: {  	_ =	shalt  }
0x40: {  	_ =	shalt  }
0x41: {  	_ =	shalt  }
0x42: {  	_ =	shalt  }
0x43: {  	_ =	shalt  }
0x44: {  	_ =	shalt  }
0x45: {  	_ =	shalt  }
0x46: {  	_ =	shalt  }
0x47: {  	_ =	shalt  }
0x48: {  	_ =	shalt  }
0x49: {  	_ =	shalt  }
0x4a: {  	_ =	shalt  }
0x4b: {  	_ =	shalt  }
0x4c: {  	_ =	shalt  }
0x4d: {  	_ =	shalt  }
0x4e: {  	_ =	shalt  }
0x4f: {  	_ =	shalt  }
0x50: {  	_ =	shalt  }
0x51: {  	_ =	shalt  }
0x52: {  	_ =	shalt  }
0x53: {  	_ =	shalt  }
0x54: {  	_ =	shalt  }
0x55: {  	_ =	shalt  }
0x56: {  	_ =	shalt  }
0x57: {  	_ =	shalt  }
0x58: {  	_ =	shalt  }
0x59: {  	_ =	shalt  }
0x5a: {  	_ =	shalt  }
0x5b: {  	_ =	shalt  }
0x5c: {  	_ =	shalt  }
0x5d: {  	_ =	shalt  }
0x5e: {  	_ =	shalt  }
0x5f: {  	_ =	shalt  }
0x60: {  	_ =	shalt  }
0x61: {  	_ =	shalt  }
0x62: {  	_ =	shalt  }
0x63: {  	_ =	shalt  }
0x64: {  	_ =	shalt  }
0x65: {  	_ =	shalt  }
0x66: {  	_ =	shalt  }
0x67: {  	_ =	shalt  }
0x68: {  	_ =	shalt  }
0x69: {  	_ =	shalt  }
0x6a: {  	_ =	shalt  }
0x6b: {  	_ =	shalt  }
0x6c: {  	_ =	shalt  }
0x6d: {  	_ =	shalt  }
0x6e: {  	_ =	shalt  }
0x6f: {  	_ =	shalt  }
0x70: {  	_ =	shalt  }
0x71: {  	_ =	shalt  }
0x72: {  	_ =	shalt  }
0x73: {  	_ =	shalt  }
0x74: {  	_ =	shalt  }
0x75: {  	_ =	shalt  }
0x76: {  	_ =	shalt  }
0x77: {  	_ =	shalt  }
0x78: {  	_ =	shalt  }
0x79: {  	_ =	shalt  }
0x7a: {  	_ =	shalt  }
0x7b: {  	_ =	shalt  }
0x7c: {  	_ =	shalt  }
0x7d: {  	_ =	shalt  }
0x7e: {  	_ =	shalt  }
0x7f: {  	_ =	shalt  }
0x80: {  	_ =	shalt  }
0x81: {  	_ =	shalt  }
0x82: {  	_ =	shalt  }
0x83: {  	_ =	shalt  }
0x84: {  	_ =	shalt  }
0x85: {  	_ =	shalt  }
0x86: {  	_ =	shalt  }
0x87: {  	_ =	shalt  }
.Lfunc_end0:
.L_simem_size_0:
called_computation.1_lowered:
.L_overlay_start_0:
0x88: {  	s2 =	sld [smem:$0x3FD9]  }
0x89: {  	s3 =	sld [smem:$0x3FFE];
	_ =	sdelay $0x1  }
0x8a: {  	s1 =	srdreg.scid  }
0x8b: {  	s0 =	sand.u32 $0x1, s1  }
0x8c: {  	s12 =	sshll.u32 s0, $0xA;
	s2 =	sadd.s32 s3, s2  }
0x8d: {  	s2 =	sadd.s32 s2, s12  }
0x8e: {  	[smem:$0x3FB1] =	sst s2  }
0x8f: {  	_ = 	snop  }
0x90: {  	(tm) =	ssettm $0x1  }
0x91: {  	s13 =	sld [smem:$0x3FFB];
	_ =	sdelay $0x3  }
0x92: {  	_ =	strace s13  }
0x93: {  	s2 =	sld [smem:$0x3FFC];
	_ =	sdelay $0x3  }
0x94: {  	_ =	strace s2  }
0x95: {  	s2 =	sld [smem:$0x3FFD];
	_ =	sdelay $0x3  }
0x96: {  	_ =	strace s2  }
0x97: {  	_ =	strace $0x8FFFFFFF  }
0x98: {  	s14 =	sld [smem:$0x3FDB];
	_ =	sdelay $0x1  }
0x99: {  	s15 =	simm.s32 $_scs_section_size  }
0x9a: {  	s4 =	simm.s32 $_size__tile_overlayer_lowered;
	s5 =	simm.s32 $_tile_overlayer_lowered  }
0x9b: {  	s19 =	simm.s32 $0x1BFF;
	s17 =	sshll.u32 s5, $0x1;
	s6 =	sadd.s32 s15, s14  }
0x9c: {  	s20 =	simm.s32 $0x0;
	s16 =	sshll.u32 s4, $0x1;
	s18 =	sadd.s32 s17, s6  }
0x9d: {  	[timem:s20], [sflag:s19] =	dma.local [hbm:s18], s16  }
0x9e: {  	_ =	swait.ge [sflag:s19], s16  }
0x9f: {  	s3 =	ssub.s32 $0x0, s16;
	[sflag:s19] =	ssyncset.done $0x0  }
0xa0: {  	[sflag:s19] =	ssyncadd.s32 s3;
	_ =	sdelay $0x1  }
0xa1: {  	s21 =	simm.s32 $0x1B8B  }
0xa2: {  	_ =	swait.ge [sflag:s21], $0x1  }
0xa3: {  	[sflag:s21] =	ssyncset.done $0x0  }
0xa4: {  	[sflag:s21] =	ssyncadd.s32 $0xFFFFFFFF  }
0xa5: {  	s3 =	sld [smem:$0x0]  }
0xa6: {  	s4 =	sand.u32 $0xFFFFFFFE, s1  }
0xa7: {  	p0 =	sne.s32 s1, s4  }
0xa8: {  	s4 =	sshll.u32 @p0 s4, $0xE  }
0xa9: {  	s5 =	sadd.s32 @p0 $0x11B8D, s4;
	s7 =	sshll.u32 @p0 s3, $0x11  }
0xaa: {  	s5 =	sor.u32 @p0 s7, s5  }
0xab: {  	[sflag:s5] =	ssyncadd.remote.s32 @p0 $0x1;
	_ =	sdelay $0x1  }
0xac: {  	s5 =	simm.s32 @p0 $0x1B8D  }
0xad: {  	_ =	swait.eq @p0 [sflag:s5], $0x1  }
0xae: {  	[sflag:s5] =	ssyncadd.s32 @p0 $0xFFFFFFFF  }
0xaf: {  	s7 =	sshll.u32 @!p0 s1, $0xE  }
0xb0: {  	s7 =	sor.u32 @!p0 $0x4000, s7;
	s5 =	simm.s32 @!p0 $0x1B8D  }
0xb1: {  	s9 =	sshll.u32 @!p0 s3, $0x11;
	s8 =	sadd.s32 @!p0 $0x11B8D, s7;
	_ =	swait.eq @!p0 [sflag:s5], $0x1  }
0xb2: {  	[sflag:s5] =	ssyncadd.s32 @!p0 $0xFFFFFFFF;
	s5 =	sor.u32 @!p0 s9, s8  }
0xb3: {  	s23 =	simm.s32 $0x1B8E;
	s22 =	sld [smem:$0x3FFE];
	[sflag:s5] =	ssyncadd.remote.s32 @!p0 $0x1  }
0xb4: {  	s24 =	simm.s32 $execute0_lowered;
	[smem:$0x3FD2] =	sst s23  }
0xb5: {  	s8 =	sshll.u32 s24, $0x1;
	_ =	strace $0x80000052;
	[dreg:$0x1] =	wrdreg $0xFFFFFFFF  }
0xb6: {  	s25 =	simm.s32 $_size_execute0_lowered;
	s8 =	sadd.s32 s6, s8;
	[dreg:$0x0] =	wrdreg $0x0  }
0xb7: {  	s9 =	sshll.u32 s25, $0x1;
	[dreg:$0x2] =	wrdreg s8  }
0xb8: {  	[dreg:$0x3] =	wrdreg s9  }
0xb9: {  	[dreg:$0x4] =	wrdreg $0xC0  }
0xba: {  	s26 =	simm.s32 $execute1_lowered;
	_ =	task [dreg:s20], $0x5FFFF  }
0xbb: {  	s8 =	sshll.u32 s26, $0x1;
	[dreg:$0x1] =	wrdreg $0xFFFFFFFF  }
0xbc: {  	s6 =	sadd.s32 s6, s8;
	[dreg:$0x0] =	wrdreg $0x60  }
0xbd: {  	[dreg:$0x2] =	wrdreg s6  }
0xbe: {  	[dreg:$0x3] =	wrdreg s22  }
0xbf: {  	[dreg:$0x4] =	wrdreg $0xB  }
0xc0: {  	_ =	task.clear_ibuf [dreg:s20], $0x5FFFF;
	_ =	strace $0x90000052  }
0xc1: {  	s28 =	simm.s32 $0xB;
	_ =	strace $0x80000054  }
0xc2: {  	_ =	swait.ge [sflag:s28], $0x1  }
0xc3: {  	[sflag:s28] =	ssyncadd.s32 $0xFFFFFFFF  }
0xc4: {  	_ =	strace $0x90000054  }
0xc5: {  	s6 =	sld [smem:$0x0];
	_ =	sdelay $0x3  }
0xc6: {  	s4 =	sadd.s32 @p0 $0x11BF3, s4;
	s8 =	sshll.u32 @p0 s6, $0x11  }
0xc7: {  	s4 =	sor.u32 @p0 s8, s4  }
0xc8: {  	[sflag:s4] =	ssyncadd.remote.s32 @p0 $0x1;
	_ =	sdelay $0x1  }
0xc9: {  	s4 =	simm.s32 @p0 $0x1BF3  }
0xca: {  	_ =	swait.eq @p0 [sflag:s4], $0x1  }
0xcb: {  	[sflag:s4] =	ssyncadd.s32 @p0 $0xFFFFFFFF;
	_ =	sdelay $0x1  }
0xcc: {  	s4 =	simm.s32 @!p0 $0x1BF3  }
0xcd: {  	s7 =	sadd.s32 @!p0 $0x11BF3, s7;
	s6 =	sshll.u32 @!p0 s6, $0x11;
	_ =	swait.eq @!p0 [sflag:s4], $0x1  }
0xce: {  	[sflag:s4] =	ssyncadd.s32 @!p0 $0xFFFFFFFF;
	s4 =	sor.u32 @!p0 s6, s7  }
0xcf: {  	[sflag:s4] =	ssyncadd.remote.s32 @!p0 $0x1  }
0xd0: {  	_ =	strace $0x80000055;
	[dreg:$0x1] =	wrdreg $0xFFFFFFFF  }
0xd1: {  	[dreg:$0x0] =	wrdreg $0x2030  }
0xd2: {  	[dreg:$0x2] =	wrdreg s22  }
0xd3: {  	[dreg:$0x3] =	wrdreg s1  }
0xd4: {  	[dreg:$0x4] =	wrdreg s3  }
0xd5: {  	[dreg:$0x5] =	wrdreg $0xC  }
0xd6: {  	_ =	task.clear_ibuf [dreg:s20], $0x6FFFF;
	_ =	strace $0x90000055  }
0xd7: {  	s29 =	simm.s32 $0xC;
	_ =	strace $0x80000057  }
0xd8: {  	_ =	swait.ge [sflag:s29], $0x1  }
0xd9: {  	[sflag:s29] =	ssyncadd.s32 $0xFFFFFFFF  }
0xda: {  	_ =	strace $0x90000057  }
0xdb: {  	_ =	sfence  }
0xdc: {  	s30 =	sld [smem:$0x0];
	_ =	sdelay $0x2  }
0xdd: {  	s31 =	sshll.u32 s1, $0xD;
	s1 =	sshrl.u32 s1, $0x2  }
0xde: {  	s4 =	sand.u32 $0x4000, s31;
	s1 =	sadd.s32 s1, s30  }
0xdf: {  	s0 =	sor.u32 s4, s0;
	s1 =	sshll.u32 s1, $0x11  }
0xe0: {  	s0 =	sor.u32 s1, s0  }
0xe1: {  	s0 =	sadd.s32 $0x8F2B, s0  }
0xe2: {  	[sflag:s0] =	ssyncadd.remote.s32 $0x1  }
0xe3: {  	_ =	sfence.sel $0xFFFF  }
0xe4: {  	[dreg:$0x0] =	wrdreg $0xFFFFFFFF;
	(pc) =	sbr.abs _section_cstart, $3  }
0xe5: {  	[dreg:$0x1] =	wrdreg $0xFFFFFFFF  }
0xe6: {  	_ =	task.clear_ibuf [dreg:s20], $0x2FFFF;
	_ =	strace $0x9FFFFFFF  }
0xe7: {  	(tm) =	ssettm $0x7FFFFFFF  }
tec
execute0_lowered:
.L_overlay_start_1:
0x0: {  	(tag) =	ssettag $0x1  }
0x1: {  	s2 =	rddreg [dreg:$0x0]  }
0x2: {  	s5 =	rddreg [dreg:$0x1]  }
0x3: {  	s0 =	rddreg [dreg:$0x2];
	s3 =	stileid.u32;
	[bflag:$0x3] =	sbarrier.arrive $0xFFFF  }
0x4: {  	s1 =	simm.s32 $_size_execute1_lowered;
	s29 =	srdreg.scid;
	s31 =	simm.s32 $0x2  }
0x5: {  	s13 =	simm.s32 $0x0;
	s8 =	simm.s32 $0x40;
	p0 =	sne.s32 s3, $0x0  }
0x6: {  	s1 =	sshll.u32 s1, $0x1;
	s4 =	simm.s32 @!p0 $0x1C3F;
	s6 =	simm.s32 @!p0 $0x4060  }
0x7: {  	[timem:s6], [sflag:s4] =	dma.local @!p0 [hbm:s2], s1  }
0x8: {  	s9 =	simm.s32 $0x80;
	s11 =	simm.s32 $0x0;
	s2 =	sshll.u32 s29, $0x8  }
.Ltmp0:
0x9: {  	s3 =	sshll.u32 s3, $0x9;
	s30 =	sand.u32 $0x100, s2;
	(pc) =	sbr.rel .LBB2_1-.Ltmp0, $4  }
0xa: {  	s12 =	simm.s32 $0x0;
	s4 =	simm.s32 $0x1;
	s3 =	sor.u32 s3, s30  }
0xb: {  	_ =	strace $0x80000053;
	s2 =	sadd.s32 $0x27C00, s5;
	s7 =	ssub.s32 $0x2700, s3  }
0xc: {  	s5 =	sadd.s32 $0x593A00, s5;
	[sflag:s4] =	ssyncpa.u1 $0x0;
	s6 =	sshrl.u32 s7, $0xD  }
0xd: {  	[sflag:s31] =	ssyncpa.u1 $0x0;
	s10 =	smov.u32 s3;
	s7 =	sor.u32 $0x2, s6  }
.LBB2_5:
0xe: {  	_ =	sdelay $0x3  }
0xf: {  	[tilespmem:v3+s18+$0x0 ss:$0x1] =	vst.idx.msk $0xffff, v1  }
0x10: {  	[tilespmem:v3+s17+$0x0 ss:$0x1] =	vst.idx.msk $0xffff, v2  }
0x11: {  	[tilespmem:v3+s16+$0x0 ss:$0x1] =	vst.idx.msk $0xffff, v4  }
0x12: {  	[tilespmem:v3+s19+$0x0 ss:$0x1] =	vst.idx.msk $0xffff, v5  }
.LBB2_6:
0x13: {  	s16 =	sand.u32 $0x1FFFFFF, s11  }
0x14: {  	s17 =	smulhi.u32 $0x34630B5, s16;
	_ =	sdelay $0x1  }
0x15: {  	s17 =	sshrl.u32 s17, $0x7  }
0x16: {  	s17 =	smul.u32 $0x2718, s17;
	_ =	sdelay $0x1  }
0x17: {  	s16 =	ssub.s32 s16, s17  }
0x18: {  	s16 =	sshll.u32 s16, $0x4  }
0x19: {  	s16 =	sadd.s32 s5, s16  }
0x1a: {  	[hbm4b:s16+s8] =	stream.strided.scatter [tilespmem:s15], [sflag:$0x2], s14, s9, s8, $0x38;
	[tilespmem:$0x10000] =	vst v63  }
.LBB2_7:
0x1b: {  	p1 =	slt.u32 s12, $0x2  }
0x1c: {  	p2 =	sgt.s32 @!p1 s13, $0x2618  }
0x1d: {  	s14 =	smov.u32 s13;
	s15 =	sshra.s32 @!p1 s13, $0x1F;
	p2 =	por !p2, p1  }
0x1e: {  	s13 =	sand.u32 @!p1 s15, s13;
	s14 =	simm.s32 @p2 $0x2618  }
0x1f: {  	s13 =	ssub.s32 @!p1 s14, s13  }
0x20: {  	s13 =	sadd.s32 @!p1 $0xFFFFD9E8, s13  }
0x21: {  	s14 =	sshll.u32 @!p1 s13, $0x8  }
0x22: {  	p2 =	sgt.s32 @!p1 s13, $0xFF;
	s13 =	ssub.s32 @!p1 $0x10000, s14  }
0x23: {  	s15 =	sadd.s32 $0x2000, s10;
	p2 =	por !p2, p1;
	s13 =	sshrl.u32 @!p1 s13, $0x2  }
0x24: {  	s13 =	simm.s32 @!p2 $0x0;
	p2 =	sgt.s32 s15, $0x2710  }
0x25: {  	s15 =	smov.u32 @p2 s3;
	p2 =	sne.s32 s12, s7  }
.Ltmp1:
0x26: {  	_ = 	snop;
	(pc) =	sbr.rel @!p2 .LBB2_8-.Ltmp1, $4  }
0x27: {  	s14 =	simm.s32 @!p1 $0x2  }
0x28: {  	_ =	swait.ge @!p1 [sflag:s14], s13;
	s16 =	ssub.s32 @!p1 $0x0, s13  }
0x29: {  	s13 =	smov.u32 s11;
	s12 =	sadd.s32 $0x1, s12;
	[sflag:s14] =	ssyncset.done @!p1 $0x0  }
0x2a: {  	s11 =	smov.u32 s10;
	s10 =	smov.u32 s15;
	[sflag:s14] =	ssyncadd.s32 @!p1 s16  }
.LBB2_1:
0x2b: {  	p1 =	sgt.u32 s12, s6  }
0x2c: {  	s15 =	smov.u32 s10;
	p2 =	sgt.s32 @!p1 s10, $0x2618  }
0x2d: {  	s14 =	sand.u32 @!p1 $0x1FFFFFF, s10;
	s16 =	sshra.s32 @!p1 s10, $0x1F;
	p2 =	por !p2, p1  }
0x2e: {  	s17 =	smulhi.u32 @!p1 $0x34630B5, s14;
	s16 =	sand.u32 @!p1 s16, s10;
	s15 =	simm.s32 @p2 $0x2618  }
0x2f: {  	s15 =	ssub.s32 @!p1 s15, s16  }
0x30: {  	s16 =	sshrl.u32 @!p1 s17, $0x7;
	s15 =	sadd.s32 @!p1 $0xFFFFD9E8, s15  }
0x31: {  	s17 =	sxor.u32 @!p1 $0xFFFFFFFF, s12;
	s16 =	smul.u32 @!p1 $0x2718, s16;
	s18 =	sshll.u32 @!p1 s15, $0x8  }
0x32: {  	s17 =	sshll.u32 @!p1 s17, $0xE;
	p2 =	sgt.s32 @!p1 s15, $0xFF;
	s15 =	ssub.s32 @!p1 $0x10000, s18  }
0x33: {  	s14 =	ssub.s32 @!p1 s14, s16;
	p2 =	por !p2, p1;
	s16 =	sand.u32 @!p1 $0x4000, s17  }
0x34: {  	s17 =	simm.s32 @!p1 $0x40;
	s15 =	sshrl.u32 @!p1 s15, $0x2;
	s14 =	sshll.u32 @!p1 s14, $0x4  }
0x35: {  	s18 =	simm.s32 @!p1 $0x80;
	s15 =	simm.s32 @!p2 $0x0;
	s14 =	sadd.s32 @!p1 s2, s14  }
0x36: {  	[tilespmem:s16], [sflag:$0x1] =	stream.strided.gather @!p1 [hbm4b:s14+s17], s15, s18, s17, $0x38;
	[tilespmem:$0x10000] =	vst v63  }
0x37: {  	p1 =	seq.s32 s12, $0x0  }
0x38: {  	p2 =	sge.u32 @!p1 s12, s7  }
0x39: {  	p1 =	por p1, p2  }
.Ltmp2:
0x3a: {  	_ = 	snop;
	(pc) =	sbr.rel @p1 .LBB2_7-.Ltmp2, $1  }
0x3b: {  	_ =	sdelay $0x3  }
0x3c: {  	p1 =	sgt.s32 s11, $0x2618;
	s14 =	smov.u32 s11;
	s15 =	sshra.s32 s11, $0x1F  }
0x3d: {  	s14 =	simm.s32 @!p1 $0x2618;
	s15 =	sand.u32 s15, s11  }
0x3e: {  	s14 =	ssub.s32 s14, s15  }
0x3f: {  	s14 =	sadd.s32 $0xFFFFD9E8, s14  }
0x40: {  	s31 =	sshll.u32 s14, $0x8  }
0x41: {  	s15 =	ssub.s32 $0x10000, s31  }
0x42: {  	p1 =	sgt.s32 s14, $0xFF;
	s14 =	sshrl.u32 s15, $0x2;
	s15 =	sadd.s32 $0x100, s11  }
0x43: {  	s14 =	simm.s32 @p1 $0x0;
	p1 =	slt.s32 s15, $0x2711  }
0x44: {  	s15 =	simm.s32 @!p1 $0x2711  }
0x45: {  	s20 =	ssub.s32 s15, s11  }
0x46: {  	p1 =	slt.s32 s20, $0x1  }
.Ltmp3:
0x47: {  	_ = 	snop;
	(pc) =	sbr.rel @p1 .LBB2_6-.Ltmp3, $4  }
0x48: {  	_ = 	snop  }
0x49: {  	s16 =	sshll.u32 s12, $0xE;
	_ =	swait.ge [sflag:s4], s14  }
0x4a: {  	s16 =	sand.u32 $0x4000, s16;
	s17 =	ssub.s32 $0x0, s14;
	[sflag:s4] =	ssyncset.done $0x0  }
0x4b: {  	s15 =	sor.u32 $0x8000, s16;
	[sflag:s4] =	ssyncadd.s32 s17  }
0x4c: {  	v0 =	vmov s16;
	_ =	sdelay $0x2  }
0x4d: {  	s31 =	simm.s32 $0x0;
	p1 =	sne.s32 s20, $0x1  }
.Ltmp4:
0x4e: {  	s18 =	sand.u32 $0x3FC0, s31;
	(pc) =	sbr.rel @!p1 .LBB2_5-.Ltmp4, $4  }
0x4f: {  	s17 =	sor.u32 $0x30, s18;
	v1 =	vld.idx.msk [tilespmem:v0+s18+$0x0 ss:$0x1], $0xffff  }
0x50: {  	v3 =	vmov s15;
	s16 =	sor.u32 $0x10, s18;
	v2 =	vld.idx.msk [tilespmem:v0+s17+$0x0 ss:$0x1], $0xffff  }
0x51: {  	s19 =	sor.u32 $0x20, s18;
	v4 =	vld.idx.msk [tilespmem:v0+s16+$0x0 ss:$0x1], $0xffff  }
0x52: {  	s20 =	sadd.s32 $0xFFFFFFFF, s20;
	s21 =	simm.s32 $0x40;
	v5 =	vld.idx.msk [tilespmem:v0+s19+$0x0 ss:$0x1], $0xffff  }
.LBB2_4:
0x53: {  	s22 =	sand.u32 $0x3FC0, s21  }
0x54: {  	p1 =	sne.s32 s20, $0x1;
	s20 =	sadd.s32 $0xFFFFFFFF, s20;
	s23 =	sor.u32 $0x10, s22  }
.Ltmp5:
0x55: {  	s24 =	sor.u32 $0x20, s22;
	s25 =	sor.u32 $0x30, s22;
	[tilespmem:v3+s18+$0x0 ss:$0x1] =	vst.idx.msk $0xffff, v1;
	v1 =	vld.idx.msk [tilespmem:v0+s22+$0x0 ss:$0x1], $0xffff;
	(pc) =	sbr.rel @p1 .LBB2_4-.Ltmp5, $4  }
0x56: {  	s18 =	smov.u32 s22;
	[tilespmem:v3+s17+$0x0 ss:$0x1] =	vst.idx.msk $0xffff, v2;
	v2 =	vld.idx.msk [tilespmem:v0+s25+$0x0 ss:$0x1], $0xffff;
	s17 =	smov.u32 s25  }
0x57: {  	[tilespmem:v3+s16+$0x0 ss:$0x1] =	vst.idx.msk $0xffff, v4;
	v4 =	vld.idx.msk [tilespmem:v0+s23+$0x0 ss:$0x1], $0xffff;
	s16 =	smov.u32 s23  }
0x58: {  	[tilespmem:v3+s19+$0x0 ss:$0x1] =	vst.idx.msk $0xffff, v5;
	v5 =	vld.idx.msk [tilespmem:v0+s24+$0x0 ss:$0x1], $0xffff;
	s19 =	smov.u32 s24  }
0x59: {  	s21 =	sadd.s32 $0x40, s21  }
.Ltmp6:
0x5a: {  	_ = 	snop;
	(pc) =	sbr.rel .LBB2_5-.Ltmp6, $1  }
0x5b: {  	_ =	sdelay $0x3  }
.LBB2_8:
0x5c: {  	_ =	sfence.sel $0x180000  }
0x5d: {  	s2 =	simm.s32 $0x1;
	[bflag:$0x0] =	sbarrier.arrive $0xFFFF  }
0x5e: {  	s31 =	simm.s32 $0x2;
	[sflag:s2] =	ssyncpa.u1 $0x1  }
0x5f: {  	[sflag:s31] =	ssyncpa.u1 $0x1  }
0x60: {  	_ =	strace $0x90000053  }
0x61: {  	s0 =	sadd.s32 @!p0 $0x100000, s0;
	[bflag:$0x2] =	sbarrier.arrive $0xFFFF  }
0x62: {  	[sflag:s0] =	ssyncadd.tile.s32 @!p0 $0x1;
	s0 =	simm.s32 @!p0 $0x3F  }
0x63: {  	_ =	swait.ge @!p0 [sflag:s0], s1  }
0x64: {  	s1 =	ssub.s32 @!p0 $0x0, s1;
	[sflag:s0] =	ssyncset.done @!p0 $0x0  }
0x65: {  	[sflag:s0] =	ssyncadd.s32 @!p0 s1  }
0x66: {  	[bflag:$0x3] =	sbarrier.arrive $0xFFFF  }
0x67: {  	_ =	shalt  }
.Lfunc_end2:
execute1_lowered:
.L_overlay_start_2:
0x68: {  	(tag) =	ssettag $0x2  }
0x69: {  	s2 =	rddreg [dreg:$0x0]  }
0x6a: {  	s4 =	rddreg [dreg:$0x1];
	_ =	strace $0x80000056;
	s0 =	simm.s32 $0x1  }
0x6b: {  	s3 =	simm.s32 $0x88;
	v0 =	vimm.s32 $0x0;
	[sflag:s0] =	ssyncpa.u1 $0x0  }
0x6c: {  	[tilespmem:s3+$0x30] =	vst v0  }
0x6d: {  	s1 =	sadd.s32 $0x593A00, s2;
	s0 =	sadd.s32 $0x76200, s2;
	s6 =	sadd.s32 $0x8A600, s2;
	[tilespmem:s3+$0x20] =	vst v0  }
0x6e: {  	s2 =	sadd.s32 $0x80000, s2;
	s7 =	sand.u32 $0x1, s4;
	s4 =	simm.s32 $0x40;
	[tilespmem:s3+$0x10] =	vst v0  }
.LBB3_1:
0x6f: {  	s4 =	sadd.s32 $0x40, s4  }
0x70: {  	[tilespmem:s3+$0x0] =	vst v0;
	s3 =	sadd.s32 $0x40, s3;
	p0 =	slt.u32 s4, $0x5040  }
.Ltmp7:
0x71: {  	(pc) =	sbr.rel @p0 .LBB3_1-.Ltmp7, $4  }
0x72: {  	_ = 	snop  }
0x73: {  	[tilespmem:s3+$0x30] =	vst v0  }
0x74: {  	[tilespmem:s3+$0x20] =	vst v0  }
0x75: {  	[tilespmem:s3+$0x10] =	vst v0  }
0x76: {  	s8 =	stileid.u32  }
0x77: {  	s4 =	smul.u32 $0x1F, s8  }
0x78: {  	s5 =	smin.u32 s8, $0x4  }
0x79: {  	s4 =	sadd.s32 s5, s4  }
0x7a: {  	p0 =	slt.u32 s8, $0x4;
	s12 =	smul.u32 $0x140, s4;
	s4 =	simm.s32 $0x2800  }
0x7b: {  	s4 =	simm.s32 @!p0 $0x26C0  }
0x7c: {  	s25 =	simm.s32 $0x2;
	s4 =	sadd.s32 s4, s12  }
0x7d: {  	s28 =	simm.s32 $0x9;
	s9 =	simm.s32 $0xA;
	s14 =	smin.u32 s4, $0x27100  }
0x7e: {  	s30 =	simm.s32 $0xB;
	[dreg:$0x4] =	wrdreg s7;
	s4 =	ssub.s32 s14, s12  }
0x7f: {  	s31 =	smul.u32 $0x4E20, s7;
	s13 =	simm.s32 $0x1;
	p0 =	sgt.s32 s4, $0x0  }
0x80: {  	s19 =	simm.s32 $0x0;
	s20 =	simm.s32 $0xA808;
	s4 =	simm.s32 @!p0 $0x0  }
0x81: {  	s21 =	simm.s32 $0xFFFFFFFF;
	p1 =	por $0x0, $0x0;
	s26 =	smulhi.u32 $0x66666667, s4  }
0x82: {  	[tilespmem:s3+$0x0] =	vst v0;
	s23 =	simm.s32 $0x0;
	[sflag:s25] =	ssyncpa.u1 $0x0;
	s18 =	sshll.u32 s8, $0x7  }
0x83: {  	s0 =	sadd.s32 s31, s0;
	[dreg:$0xa] =	wrdreg s18;
	s3 =	sshrl.u32 s26, $0x7  }
0x84: {  	v0 =	vimm.s32 $0xFFFFFFFF;
	s17 =	sadd.s32 s31, s2;
	[dreg:$0x9] =	wrdreg s0;
	s29 =	smul.u32 $0x140, s3  }
0x85: {  	s25 =	simm.s32 $0x0;
	[tilespmem:$0xA108] =	vst v0;
	[sflag:s28] =	ssyncpa.u1 $0x0;
	[dreg:$0x8] =	wrdreg s17  }
.Ltmp8:
0x86: {  	p0 =	sne.s32 s4, s29;
	s4 =	simm.s32 $0x1;
	(pc) =	sbr.rel .LBB3_3-.Ltmp8, $4  }
0x87: {  	[sflag:s9] =	ssyncpa.u1 $0x0;
	[dreg:$0x5] =	wrdreg s12;
	s4 =	simm.s32 @!p0 $0x0  }
0x88: {  	[sflag:s30] =	ssyncpa.u1 $0x0;
	[dreg:$0x6] =	wrdreg s14;
	s15 =	sadd.s32 s4, s3  }
0x89: {  	s24 =	smov.u32 s12;
	s22 =	sadd.s32 $0x1, s15;
	[dreg:$0x7] =	wrdreg s15  }
0x8a: {  	v0 =	vlaneseq.u32;
	s26 =	simm.s32 $0x0;
	p0 =	por $0x1, $0x1;
	[dreg:$0xb] =	wrdreg s22  }
.LBB3_22:
0x8b: {  	s0 =	sshrl.u32 s2, $0x2  }
.LBB3_24:
0x8c: {  	s2 =	simm.s32 $0xC  }
0x8d: {  	_ =	swait.ge [sflag:s2], s0  }
0x8e: {  	s31 =	ssub.s32 $0x0, s0;
	v1 =	vmov s4;
	vm0 =	veq.s32 v0, $0x0;
	[sflag:s2] =	ssyncset.done $0x0  }
0x8f: {  	vm15 =	veq.s32 v0, $0x2;
	v1 =	vsel vm0, s5, v1;
	[sflag:s2] =	ssyncadd.s32 s31  }
0x90: {  	v1 =	vsel vm15, s26, v1;
	[sflag:s2] =	ssyncpa.u1 $0x1  }
0x91: {  	[tilespmem:$0xA108] =	vst v1  }
.LBB3_25:
0x92: {  	s0 =	sadd.s32 $0x140, s24  }
0x93: {  	s2 =	smov.u32 s12;
	p2 =	slt.s32 s0, s14  }
0x94: {  	s2 =	smov.u32 @p2 s0;
	p2 =	sne.s32 s25, s22  }
.Ltmp9:
0x95: {  	_ = 	snop;
	(pc) =	sbr.rel @!p2 .LBB3_26-.Ltmp9, $4  }
0x96: {  	_ = 	snop  }
0x97: {  	s26 =	smov.u32 s23;
	s31 =	sadd.s32 $0x1, s25;
	p0 =	por !p0, !p0  }
0x98: {  	s23 =	smov.u32 s24;
	s20 =	sadd.s32 $0x140, s20;
	s21 =	sadd.s32 $0x1, s21  }
0x99: {  	p1 =	por !p1, !p1;
	s25 =	smov.u32 s31;
	s24 =	smov.u32 s2  }
.LBB3_3:
0x9a: {  	p2 =	sge.u32 s25, s15  }
0x9b: {  	s0 =	smulhi.u32 @!p2 $0xAAAAAAAB, s25  }
0x9c: {  	s2 =	smov.u32 s24;
	p3 =	sgt.s32 @!p2 s24, $0x26FC0  }
0x9d: {  	s3 =	sshra.s32 @!p2 s24, $0x1F;
	p3 =	por !p3, p2;
	s0 =	sshrl.u32 @!p2 s0, $0x1  }
0x9e: {  	s3 =	sand.u32 @!p2 s3, s24;
	s2 =	simm.s32 @p3 $0x26FC0;
	s0 =	smul.u32 @!p2 $0x3, s0  }
0x9f: {  	s2 =	ssub.s32 @!p2 s2, s3  }
0xa0: {  	s2 =	sadd.s32 @!p2 $0xFFFD9040, s2;
	s0 =	ssub.s32 @!p2 s25, s0  }
0xa1: {  	s3 =	sshll.u32 @!p2 s2, $0x2;
	p3 =	sgt.s32 @!p2 s2, $0x13F;
	s0 =	smul.u32 @!p2 $0x500, s0  }
0xa2: {  	s4 =	sand.u32 @!p2 $0x7, s24;
	s2 =	ssub.s32 @!p2 $0x500, s3;
	p3 =	por !p3, p2  }
0xa3: {  	s3 =	sshrl.u32 @!p2 s24, $0x3;
	s2 =	sshrl.u32 @!p2 s2, $0x2;
	s0 =	sshrl.u32 @!p2 s0, $0x2  }
0xa4: {  	s3 =	sadd.s32 @!p2 s3, s17;
	s2 =	simm.s32 @!p3 $0x0;
	s0 =	sadd.s32 @!p2 $0xA948, s0  }
0xa5: {  	[tilespmem:s0], [sflag:$0xA] =	stream.linear.gather @!p2 [hbm4b:s3+s4], s2, $0x38;
	[tilespmem:$0x1EF88] =	vst v63  }
0xa6: {  	s0 =	sadd.s32 $0xFFFFFFFF, s25  }
0xa7: {  	p2 =	sge.u32 s0, s15  }
.Ltmp10:
0xa8: {  	_ = 	snop;
	(pc) =	sbr.rel @p2 .LBB3_7-.Ltmp10, $1  }
0xa9: {  	_ =	sdelay $0x3  }
0xaa: {  	p2 =	sgt.s32 s23, $0x26FC0;
	s2 =	smov.u32 s23;
	s3 =	sshra.s32 s23, $0x1F  }
0xab: {  	s2 =	simm.s32 @!p2 $0x26FC0;
	s3 =	sand.u32 s3, s23  }
0xac: {  	s2 =	ssub.s32 s2, s3  }
0xad: {  	s17 =	smulhi.u32 $0xAAAAAAAB, s21;
	s0 =	sand.u32 $0x1, s0;
	s2 =	sadd.s32 $0xFFFD9040, s2  }
0xae: {  	s5 =	simm.s32 $0xA;
	s22 =	sshrl.u32 s23, $0x3;
	s4 =	sshll.u32 s2, $0x2  }
0xaf: {  	s0 =	smul.u32 $0x500, s0;
	s3 =	sshrl.u32 s17, $0x1;
	s4 =	ssub.s32 $0x500, s4  }
0xb0: {  	s3 =	smul.u32 $0xFFFFF100, s3;
	p2 =	sgt.s32 s2, $0x13F;
	s2 =	sshrl.u32 s4, $0x2  }
0xb1: {  	s7 =	sand.u32 $0x7, s23;
	s0 =	sshrl.u32 s0, $0x2;
	s2 =	simm.s32 @p2 $0x0  }
0xb2: {  	s0 =	sadd.s32 $0xAD08, s0;
	s3 =	sshra.s32 s3, $0x2;
	_ =	swait.ge [sflag:s5], s2  }
0xb3: {  	s18 =	ssub.s32 $0x0, s2;
	[sflag:s5] =	ssyncset.done $0x0;
	s31 =	rddreg [dreg:$0x9]  }
0xb4: {  	s4 =	sadd.s32 s3, s20;
	[sflag:s5] =	ssyncadd.s32 s18;
	s3 =	sadd.s32 s22, s31  }
0xb5: {  	[tilespmem:s0], [sflag:$0xB] =	stream.linear.gather [hbm4b:s3+s7], s2, $0x38;
	[tilespmem:$0x1EF88] =	vst v63  }
0xb6: {  	v1 =	vld.msk [tilespmem:s4+$0x0], $0xffff;
	_ =	sdelay $0x4  }
0xb7: {  	v1 =	vshll.u32 v1, $0x4  }
0xb8: {  	(v2sf) =	vpush v1, $0x0;
	_ =	sdelay $0x1  }
0xb9: {  	(v2sf) =	vpush v1, $0x1  }
0xba: {  	(v2sf) =	vpush v1, $0x2;
	_ =	sdelay $0x1  }
0xbb: {  	(v2sf) =	vpush v1, $0x3  }
0xbc: {  	(v2sf) =	vpush v1, $0x4;
	_ =	sdelay $0x1  }
0xbd: {  	(v2sf) =	vpush v1, $0x5  }
0xbe: {  	s0 =	simm.s32 $0x1  }
0xbf: {  	s0 =	simm.s32 @!p0 $0x0  }
0xc0: {  	s0 =	smul.u32 $0x28000, s0  }
0xc1: {  	(v2sf) =	vpush v1, $0x6  }
0xc2: {  	s0 =	sshrl.u32 s0, $0x2  }
0xc3: {  	s28 =	sadd.s32 $0xB708, s0  }
0xc4: {  	s10 =	sadd.s32 $0xFFFFF880, s28;
	s15 =	sadd.s32 $0xFFFFF900, s28;
	s8 =	spop (v2sf)  }
0xc5: {  	s16 =	sadd.s32 $0xFFFFF980, s28;
	s31 =	sadd.s32 $0xFFFFFA00, s28;
	(v2sf) =	vpush v1, $0x7;
	s9 =	sand.u32 $0x1FFFFFF0, s8  }
0xc6: {  	s3 =	sadd.s32 $0xFFFFFA80, s28;
	s11 =	spop (v2sf);
	s0 =	sadd.s32 s6, s9  }
0xc7: {  	(v2sf) =	vpush v1, $0x8;
	s12 =	sand.u32 $0x1FFFFFF0, s11;
	s14 =	spop (v2sf);
	s9 =	sadd.s32 $0xFFFFFB00, s28  }
0xc8: {  	(v2sf) =	vpush v1, $0x9;
	[tilespmem:s10], [sflag:$0x9] =	stream.linear.gather [hbm4b:s0+s19], $0x40, $0x38;
	[tilespmem:$0x1EF88] =	vst v63  }
0xc9: {  	s0 =	sadd.s32 s6, s12;
	s2 =	sand.u32 $0x1FFFFFF0, s14;
	s17 =	spop (v2sf)  }
0xca: {  	(v2sf) =	vpush v1, $0xA;
	s10 =	sadd.s32 $0xFFFFFB80, s28;
	s18 =	sand.u32 $0x1FFFFFF0, s17;
	s22 =	spop (v2sf)  }
0xcb: {  	[tilespmem:s15], [sflag:$0x9] =	stream.linear.gather [hbm4b:s0+s19], $0x40, $0x38;
	[tilespmem:$0x1EF88] =	vst v63  }
0xcc: {  	s2 =	sadd.s32 s6, s2;
	(v2sf) =	vpush v1, $0xB;
	s0 =	sadd.s32 s6, s18;
	s5 =	spop (v2sf)  }
0xcd: {  	[tilespmem:s16], [sflag:$0x9] =	stream.linear.gather [hbm4b:s2+s19], $0x40, $0x38;
	[tilespmem:$0x1EF88] =	vst v63  }
0xce: {  	(v2sf) =	vpush v1, $0xC;
	s15 =	sadd.s32 $0xFFFFFC00, s28;
	s7 =	sand.u32 $0x1FFFFFF0, s5;
	s2 =	sand.u32 $0x1FFFFFF0, s22  }
0xcf: {  	[tilespmem:s31], [sflag:$0x9] =	stream.linear.gather [hbm4b:s0+s19], $0x40, $0x38;
	[tilespmem:$0x1EF88] =	vst v63  }
0xd0: {  	s8 =	spop (v2sf);
	(v2sf) =	vpush v1, $0xD;
	s5 =	sadd.s32 $0xFFFFFD80, s28;
	s2 =	sadd.s32 s6, s2  }
0xd1: {  	[tilespmem:s3], [sflag:$0x9] =	stream.linear.gather [hbm4b:s2+s19], $0x40, $0x38;
	[tilespmem:$0x1EF88] =	vst v63  }
0xd2: {  	s16 =	sadd.s32 $0xFFFFFC80, s28;
	s0 =	sadd.s32 s6, s7;
	s2 =	sand.u32 $0x1FFFFFF0, s8  }
0xd3: {  	[tilespmem:s9], [sflag:$0x9] =	stream.linear.gather [hbm4b:s0+s19], $0x40, $0x38;
	[tilespmem:$0x1EF88] =	vst v63  }
0xd4: {  	s31 =	sadd.s32 $0xFFFFFD00, s28;
	s2 =	sadd.s32 s6, s2;
	s11 =	spop (v2sf);
	(v2sf) =	vpush v1, $0xE  }
0xd5: {  	[tilespmem:s10], [sflag:$0x9] =	stream.linear.gather [hbm4b:s2+s19], $0x40, $0x38;
	[tilespmem:$0x1EF88] =	vst v63  }
0xd6: {  	s10 =	sadd.s32 $0xFFFFFE00, s28;
	s12 =	sand.u32 $0x1FFFFFF0, s11;
	s14 =	spop (v2sf);
	(v2sf) =	vpush v1, $0xF  }
0xd7: {  	s0 =	sadd.s32 s6, s12;
	s2 =	sand.u32 $0x1FFFFFF0, s14;
	s17 =	spop (v2sf)  }
0xd8: {  	[tilespmem:s15], [sflag:$0x9] =	stream.linear.gather [hbm4b:s0+s19], $0x40, $0x38;
	[tilespmem:$0x1EF88] =	vst v63  }
0xd9: {  	s2 =	sadd.s32 s6, s2;
	s18 =	sand.u32 $0x1FFFFFF0, s17;
	s22 =	spop (v2sf)  }
0xda: {  	[tilespmem:s16], [sflag:$0x9] =	stream.linear.gather [hbm4b:s2+s19], $0x40, $0x38;
	[tilespmem:$0x1EF88] =	vst v63  }
0xdb: {  	s0 =	sadd.s32 s6, s18;
	s7 =	spop (v2sf);
	s2 =	sand.u32 $0x1FFFFFF0, s22  }
0xdc: {  	[tilespmem:s31], [sflag:$0x9] =	stream.linear.gather [hbm4b:s0+s19], $0x40, $0x38;
	[tilespmem:$0x1EF88] =	vst v63  }
0xdd: {  	s8 =	sand.u32 $0x1FFFFFF0, s7;
	s9 =	spop (v2sf);
	s2 =	sadd.s32 s6, s2  }
0xde: {  	[tilespmem:s5], [sflag:$0x9] =	stream.linear.gather [hbm4b:s2+s19], $0x40, $0x38;
	[tilespmem:$0x1EF88] =	vst v63  }
0xdf: {  	s12 =	spop (v2sf);
	s0 =	sadd.s32 s6, s8;
	s2 =	sand.u32 $0x1FFFFFF0, s9  }
0xe0: {  	[tilespmem:s10], [sflag:$0x9] =	stream.linear.gather [hbm4b:s0+s19], $0x40, $0x38;
	[tilespmem:$0x1EF88] =	vst v63  }
0xe1: {  	s11 =	sadd.s32 $0xFFFFFE80, s28;
	s14 =	sand.u32 $0x1FFFFFF0, s12;
	s2 =	sadd.s32 s6, s2  }
0xe2: {  	[tilespmem:s11], [sflag:$0x9] =	stream.linear.gather [hbm4b:s2+s19], $0x40, $0x38;
	[tilespmem:$0x1EF88] =	vst v63  }
0xe3: {  	s16 =	sadd.s32 $0xFFFFFF00, s28;
	s0 =	sadd.s32 s6, s14;
	s15 =	spop (v2sf)  }
0xe4: {  	[tilespmem:s16], [sflag:$0x9] =	stream.linear.gather [hbm4b:s0+s19], $0x40, $0x38;
	[tilespmem:$0x1EF88] =	vst v63  }
0xe5: {  	s30 =	sadd.s32 $0x10, s4;
	s2 =	sand.u32 $0x1FFFFFF0, s15;
	s17 =	spop (v2sf)  }
0xe6: {  	s22 =	sadd.s32 $0xFFFFFF80, s28;
	s18 =	sadd.s32 s6, s2;
	s31 =	sand.u32 $0x1FFFFFF0, s17  }
0xe7: {  	[tilespmem:s22], [sflag:$0x9] =	stream.linear.gather [hbm4b:s18+s19], $0x40, $0x38;
	[tilespmem:$0x1EF88] =	vst v63  }
0xe8: {  	s29 =	sadd.s32 $0x800, s28;
	s0 =	simm.s32 $0x0;
	s2 =	sadd.s32 s6, s31  }
.LBB3_5:
0xe9: {  	[tilespmem:s28], [sflag:$0x9] =	stream.linear.gather [hbm4b:s2+s19], $0x40, $0x38;
	[tilespmem:$0x1EF88] =	vst v63  }
0xea: {  	s0 =	sadd.s32 $0x10, s0;
	s28 =	smov.u32 s29  }
0xeb: {  	p2 =	slt.u32 s0, $0x130;
	v1 =	vld.msk [tilespmem:s30+$0x0], $0xffff;
	_ =	sdelay $0x4  }
0xec: {  	v1 =	vshll.u32 v1, $0x4  }
0xed: {  	(v2sf) =	vpush v1, $0x0  }
0xee: {  	(v2sf) =	vpush v1, $0x1  }
0xef: {  	(v2sf) =	vpush v1, $0x2;
	_ =	sdelay $0x1  }
0xf0: {  	(v2sf) =	vpush v1, $0x3;
	_ =	sdelay $0x1  }
0xf1: {  	(v2sf) =	vpush v1, $0x4;
	_ =	sdelay $0x1  }
0xf2: {  	(v2sf) =	vpush v1, $0x5;
	_ =	sdelay $0x1  }
0xf3: {  	(v2sf) =	vpush v1, $0x6  }
0xf4: {  	s31 =	sadd.s32 $0xFFFFFE80, s29;
	s4 =	sadd.s32 $0xFFFFFF00, s29  }
0xf5: {  	s3 =	sadd.s32 $0xFFFFFD00, s29;
	s2 =	sadd.s32 $0xFFFFFD80, s29;
	s5 =	sadd.s32 $0xFFFFFE00, s29;
	(v2sf) =	vpush v1, $0x7  }
0xf6: {  	s10 =	sadd.s32 $0xFFFFFB80, s29;
	s9 =	sadd.s32 $0xFFFFFC00, s29;
	s16 =	sadd.s32 $0xFFFFFC80, s29  }
0xf7: {  	s11 =	sadd.s32 $0xFFFFFA00, s29;
	s12 =	sadd.s32 $0xFFFFFA80, s29;
	s15 =	sadd.s32 $0xFFFFFB00, s29;
	(v2sf) =	vpush v1, $0x8  }
0xf8: {  	s18 =	sadd.s32 $0xFFFFF900, s29;
	s7 =	sadd.s32 $0xFFFFF980, s29;
	s22 =	spop (v2sf)  }
0xf9: {  	s8 =	sadd.s32 $0xFFFFF880, s29;
	s22 =	sand.u32 $0x1FFFFFF0, s22;
	s14 =	spop (v2sf);
	(v2sf) =	vpush v1, $0x9  }
0xfa: {  	s22 =	sadd.s32 s6, s22;
	s14 =	sand.u32 $0x1FFFFFF0, s14;
	s17 =	spop (v2sf)  }
0xfb: {  	[tilespmem:s8], [sflag:$0x9] =	stream.linear.gather [hbm4b:s22+s19], $0x40, $0x38;
	(v2sf) =	vpush v1, $0xA;
	[tilespmem:$0x1EF88] =	vst v63  }
0xfc: {  	s8 =	sadd.s32 s6, s14;
	s14 =	sand.u32 $0x1FFFFFF0, s17;
	s17 =	spop (v2sf)  }
0xfd: {  	[tilespmem:s18], [sflag:$0x9] =	stream.linear.gather [hbm4b:s8+s19], $0x40, $0x38;
	(v2sf) =	vpush v1, $0xB;
	[tilespmem:$0x1EF88] =	vst v63  }
0xfe: {  	s8 =	sadd.s32 s6, s14;
	s14 =	sand.u32 $0x1FFFFFF0, s17;
	s17 =	spop (v2sf)  }
0xff: {  	[tilespmem:s7], [sflag:$0x9] =	stream.linear.gather [hbm4b:s8+s19], $0x40, $0x38;
	(v2sf) =	vpush v1, $0xC;
	[tilespmem:$0x1EF88] =	vst v63  }
0x100: {  	s7 =	sadd.s32 s6, s14;
	s8 =	sand.u32 $0x1FFFFFF0, s17;
	s14 =	spop (v2sf)  }
0x101: {  	[tilespmem:s11], [sflag:$0x9] =	stream.linear.gather [hbm4b:s7+s19], $0x40, $0x38;
	(v2sf) =	vpush v1, $0xD;
	[tilespmem:$0x1EF88] =	vst v63  }
0x102: {  	s7 =	sadd.s32 s6, s8;
	s8 =	sand.u32 $0x1FFFFFF0, s14;
	s11 =	spop (v2sf)  }
0x103: {  	[tilespmem:s12], [sflag:$0x9] =	stream.linear.gather [hbm4b:s7+s19], $0x40, $0x38;
	(v2sf) =	vpush v1, $0xE;
	[tilespmem:$0x1EF88] =	vst v63  }
0x104: {  	s7 =	sadd.s32 s6, s8;
	s8 =	sand.u32 $0x1FFFFFF0, s11;
	s11 =	spop (v2sf)  }
0x105: {  	[tilespmem:s15], [sflag:$0x9] =	stream.linear.gather [hbm4b:s7+s19], $0x40, $0x38;
	(v2sf) =	vpush v1, $0xF;
	[tilespmem:$0x1EF88] =	vst v63  }
0x106: {  	s7 =	sadd.s32 s6, s8;
	s8 =	sand.u32 $0x1FFFFFF0, s11;
	s11 =	spop (v2sf)  }
0x107: {  	[tilespmem:s10], [sflag:$0x9] =	stream.linear.gather [hbm4b:s7+s19], $0x40, $0x38;
	[tilespmem:$0x1EF88] =	vst v63  }
0x108: {  	s7 =	sadd.s32 s6, s8;
	s8 =	sand.u32 $0x1FFFFFF0, s11;
	s10 =	spop (v2sf)  }
0x109: {  	[tilespmem:s9], [sflag:$0x9] =	stream.linear.gather [hbm4b:s7+s19], $0x40, $0x38;
	[tilespmem:$0x1EF88] =	vst v63  }
0x10a: {  	s7 =	sadd.s32 s6, s8;
	s8 =	sand.u32 $0x1FFFFFF0, s10;
	s9 =	spop (v2sf)  }
0x10b: {  	[tilespmem:s16], [sflag:$0x9] =	stream.linear.gather [hbm4b:s7+s19], $0x40, $0x38;
	[tilespmem:$0x1EF88] =	vst v63  }
0x10c: {  	s7 =	sadd.s32 s6, s8;
	s8 =	sand.u32 $0x1FFFFFF0, s9;
	s9 =	spop (v2sf)  }
0x10d: {  	[tilespmem:s3], [sflag:$0x9] =	stream.linear.gather [hbm4b:s7+s19], $0x40, $0x38;
	[tilespmem:$0x1EF88] =	vst v63  }
0x10e: {  	s3 =	sadd.s32 s6, s8;
	s7 =	sand.u32 $0x1FFFFFF0, s9;
	s8 =	spop (v2sf)  }
0x10f: {  	[tilespmem:s2], [sflag:$0x9] =	stream.linear.gather [hbm4b:s3+s19], $0x40, $0x38;
	[tilespmem:$0x1EF88] =	vst v63  }
0x110: {  	s2 =	sadd.s32 s6, s7;
	s3 =	sand.u32 $0x1FFFFFF0, s8;
	s7 =	spop (v2sf)  }
0x111: {  	[tilespmem:s5], [sflag:$0x9] =	stream.linear.gather [hbm4b:s2+s19], $0x40, $0x38;
	[tilespmem:$0x1EF88] =	vst v63  }
0x112: {  	s2 =	sadd.s32 s6, s3;
	s3 =	sand.u32 $0x1FFFFFF0, s7;
	s5 =	spop (v2sf)  }
0x113: {  	[tilespmem:s31], [sflag:$0x9] =	stream.linear.gather [hbm4b:s2+s19], $0x40, $0x38;
	[tilespmem:$0x1EF88] =	vst v63  }
0x114: {  	s2 =	sadd.s32 s6, s3  }
.Ltmp11:
0x115: {  	s3 =	sand.u32 $0x1FFFFFF0, s5;
	s5 =	spop (v2sf);
	(pc) =	sbr.rel @p2 .LBB3_5-.Ltmp11, $4  }
0x116: {  	[tilespmem:s4], [sflag:$0x9] =	stream.linear.gather [hbm4b:s2+s19], $0x40, $0x38;
	[tilespmem:$0x1EF88] =	vst v63  }
0x117: {  	s2 =	sadd.s32 s6, s3;
	s3 =	sadd.s32 $0xFFFFFF80, s29;
	s4 =	sand.u32 $0x1FFFFFF0, s5  }
0x118: {  	[tilespmem:s3], [sflag:$0x9] =	stream.linear.gather [hbm4b:s2+s19], $0x40, $0x38;
	[tilespmem:$0x1EF88] =	vst v63  }
0x119: {  	s30 =	sadd.s32 $0x10, s30;
	s29 =	sadd.s32 $0x800, s29;
	s2 =	sadd.s32 s6, s4  }
0x11a: {  	[tilespmem:s28], [sflag:$0x9] =	stream.linear.gather [hbm4b:s2+s19], $0x40, $0x38;
	[tilespmem:$0x1EF88] =	vst v63  }
0x11b: {  	s12 =	rddreg [dreg:$0x5]  }
0x11c: {  	s14 =	rddreg [dreg:$0x6]  }
0x11d: {  	s15 =	rddreg [dreg:$0x7]  }
0x11e: {  	s17 =	rddreg [dreg:$0x8]  }
0x11f: {  	s18 =	rddreg [dreg:$0xa]  }
0x120: {  	s22 =	rddreg [dreg:$0xb]  }
.LBB3_7:
0x121: {  	p2 =	slt.u32 s25, $0x2  }
.Ltmp12:
0x122: {  	_ = 	snop;
	(pc) =	sbr.rel @p2 .LBB3_25-.Ltmp12, $1  }
0x123: {  	_ =	sdelay $0x3  }
0x124: {  	p2 =	sgt.s32 s26, $0x26FC0;
	s0 =	smov.u32 s26;
	s2 =	sshra.s32 s26, $0x1F  }
0x125: {  	s0 =	simm.s32 @!p2 $0x26FC0;
	s2 =	sand.u32 s2, s26  }
0x126: {  	s0 =	ssub.s32 s0, s2  }
0x127: {  	s0 =	sadd.s32 $0xFFFD9040, s0  }
0x128: {  	s3 =	simm.s32 $0x9;
	s29 =	sshll.u32 s0, $0x2  }
0x129: {  	_ =	swait.ge [sflag:s3], $0x5000;
	s2 =	ssub.s32 $0x500, s29  }
0x12a: {  	[sflag:s3] =	ssyncset.done $0x0;
	p2 =	sgt.s32 s0, $0x13F;
	s0 =	sshrl.u32 s2, $0x2  }
0x12b: {  	s30 =	simm.s32 $0xB;
	[sflag:s3] =	ssyncadd.s32 $0xFFFFB000;
	s0 =	simm.s32 @p2 $0x0  }
0x12c: {  	_ =	swait.ge [sflag:s30], s0  }
0x12d: {  	s0 =	ssub.s32 $0x0, s0;
	[sflag:s30] =	ssyncset.done $0x0  }
0x12e: {  	[sflag:s30] =	ssyncadd.s32 s0  }
0x12f: {  	v1 =	vld [tilespmem:$0xA108];
	_ =	sdelay $0x4  }
0x130: {  	(v2sf) =	vpush v1, $0x0  }
0x131: {  	(v2sf) =	vpush v1, $0x1  }
0x132: {  	(v2sf) =	vpush v1, $0x2;
	_ =	sdelay $0x3  }
0x133: {  	s0 =	sadd.s32 $0x140, s26  }
0x134: {  	s4 =	ssub.s32 $0x4E200, s26;
	p2 =	slt.s32 s14, s0  }
0x135: {  	s0 =	smov.u32 @p2 s14;
	p2 =	sgt.s32 s4, $0x0  }
0x136: {  	s0 =	ssub.s32 s0, s26;
	s4 =	simm.s32 @!p2 $0x0  }
0x137: {  	p2 =	slt.s32 s4, s0  }
0x138: {  	s0 =	smov.u32 @p2 s4  }
0x139: {  	s2 =	simm.s32 $0x1;
	p2 =	slt.s32 s0, $0x1  }
.Ltmp13:
0x13a: {  	s2 =	simm.s32 @!p1 $0x0;
	(pc) =	sbr.rel @p2 .LBB3_12-.Ltmp13, $4  }
0x13b: {  	s7 =	smul.u32 $0x500, s2  }
0x13c: {  	s3 =	spop (v2sf)  }
0x13d: {  	s31 =	sshrl.u32 s7, $0x2;
	s5 =	spop (v2sf)  }
0x13e: {  	s28 =	sadd.s32 $0xAD08, s31;
	s26 =	spop (v2sf)  }
0x13f: {  	s4 =	smin.u32 s0, $0x10  }
0x140: {  	v1 =	vmov s4  }
0x141: {  	p3 =	sgt.s32 s0, $0x10;
	vm1 =	vgt.u32 v1, v0  }
.Ltmp14:
0x142: {  	_ = 	snop;
	(pc) =	sbr.rel @!p3 .LBB3_11-.Ltmp14, $2  }
0x143: {  	_ =	sdelay $0x2  }
0x144: {  	s9 =	simm.s32 $0x10;
	s10 =	sadd.s32 $0xFFFFFFF0, s0;
	s4 =	smov.u32 s28;
	vm0 =	vmmov vm1  }
.LBB3_10:
0x145: {  	s7 =	smin.u32 s10, $0x10;
	s9 =	sadd.s32 $0x10, s9;
	v1 =	vld.msk [tilespmem:s4+$0x0 ss:$0x1], vm1  }
0x146: {  	v2 =	vmov s7;
	p3 =	slt.s32 s9, s0  }
0x147: {  	vm1 =	vgt.u32 v2, v0  }
.Ltmp15:
0x148: {  	(pc) =	sbr.rel @p3 .LBB3_10-.Ltmp15, $3  }
0x149: {  	_ =	sdelay $0x1  }
0x14a: {  	v1 =	vshll.u32 v1, $0x4  }
0x14b: {  	s10 =	sadd.s32 $0xFFFFFFF0, s10;
	[tilespmem:s4+$0x0] =	vst.msk vm0, v1;
	s4 =	sadd.s32 $0x10, s4;
	vm0 =	vmmov vm1  }
.LBB3_11:
0x14c: {  	_ =	sdelay $0x4  }
0x14d: {  	v1 =	vld.msk [tilespmem:s4+$0x0 ss:$0x1], vm1;
	_ =	sdelay $0x4  }
0x14e: {  	v1 =	vshll.u32 v1, $0x4  }
0x14f: {  	[tilespmem:s4+$0x0] =	vst.msk vm0, v1  }
.LBB3_12:
0x150: {  	s4 =	sand.u32 $0x1, s25  }
0x151: {  	s7 =	smul.u32 $0xA000, s4  }
0x152: {  	p3 =	sne.s32 s5, $0xFFFFFFFF;
	s4 =	smul.u32 $0x140, s4  }
0x153: {  	v1 =	vld @!p3 [tilespmem:s7+$0xAF88]  }
0x154: {  	v2 =	vld.msk @!p3 [tilespmem:s4+$0xAD08], $0x1;
	_ =	sdelay $0x3  }
0x155: {  	[tilespmem:$0x88] =	vst @!p3 v1  }
0x156: {  	(v2sf) =	vpush @!p3 v2, $0x0;
	v1 =	vld @!p3 [tilespmem:s7+$0xAF98];
	_ =	sdelay $0x4  }
0x157: {  	[tilespmem:$0x98] =	vst @!p3 v1  }
0x158: {  	v1 =	vld @!p3 [tilespmem:s7+$0xAFA8];
	_ =	sdelay $0x4  }
0x159: {  	[tilespmem:$0xA8] =	vst @!p3 v1  }
0x15a: {  	v1 =	vld @!p3 [tilespmem:s7+$0xAFB8]  }
.Ltmp16:
0x15b: {  	_ = 	snop;
	(pc) =	sbr.rel @p2 .LBB3_23-.Ltmp16, $4  }
0x15c: {  	_ = 	snop  }
0x15d: {  	s29 =	spop @!p3 (v2sf)  }
0x15e: {  	s31 =	simm.s32 $0xC;
	s26 =	simm.s32 @!p3 $0x0;
	s4 =	smov.u32 s29  }
0x15f: {  	s29 =	smov.u32 @p3 s3;
	s4 =	smov.u32 @p3 s5;
	[tilespmem:$0xB8] =	vst @!p3 v1;
	[sflag:s31] =	ssyncpa.u1 $0x0  }
0x160: {  	v1 =	vld.msk [tilespmem:s28+$0x0], $0x1;
	_ =	sdelay $0x4  }
0x161: {  	(v2sf) =	vpush v1, $0x0;
	_ =	sdelay $0xe  }
0x162: {  	s2 =	smul.u32 $0x28000, s2;
	s5 =	spop (v2sf)  }
0x163: {  	s31 =	ssub.s32 $0x0, s0;
	p2 =	seq.s32 s29, s5  }
0x164: {  	s3 =	smov.u32 s29;
	s2 =	sshrl.u32 s2, $0x2;
	p3 =	sgt.s32 @!p2 s29, $0x0  }
0x165: {  	s30 =	sadd.s32 $0xAFA8, s2;
	s2 =	sadd.s32 $0x1, s31;
	p3 =	por !p3, p2  }
0x166: {  	s3 =	simm.s32 @p3 $0x0;
	p3 =	seq.s32 s2, $0x0  }
.Ltmp17:
0x167: {  	_ = 	snop;
	(pc) =	sbr.rel @p3 .LBB3_15-.Ltmp17, $4  }
0x168: {  	_ = 	snop  }
0x169: {  	s0 =	simm.s32 $0x0;
	s9 =	simm.s32 @!p2 $0x1;
	s3 =	smin.u32 @!p2 s3, $0x27178  }
0x16a: {  	s10 =	simm.s32 @!p2 $0x50C8;
	s9 =	smov.u32 @p2 s0;
	s7 =	sand.u32 @!p2 $0x3FFF8, s3  }
0x16b: {  	s16 =	sand.u32 @!p2 $0x7, s3;
	s3 =	sadd.s32 $0x1, s28;
	s11 =	sadd.s32 @!p2 s1, s7  }
.LBB3_14:
0x16c: {  	s7 =	smov.u32 s9  }
0x16d: {  	[tilespmem:s10], [sflag:$0x2] =	stream.linear.gather @!p2 [hbm4b:s11+s16], $0x40, $0x38;
	[tilespmem:$0x1EF88] =	vst v63  }
0x16e: {  	s2 =	sadd.s32 $0x1, s2;
	s8 =	smov.u32 s5;
	v1 =	vld.msk [tilespmem:s3+$0x0], $0x1  }
0x16f: {  	p3 =	seq.s32 s2, $0x0;
	_ =	sdelay $0x3  }
0x170: {  	(v2sf) =	vpush v1, $0x0;
	_ =	sdelay $0xe  }
0x171: {  	s5 =	spop (v2sf)  }
0x172: {  	p2 =	seq.s32 s8, s5  }
0x173: {  	p4 =	sgt.s32 @!p2 s8, $0x0;
	s10 =	sshll.u32 @!p2 s9, $0x8;
	s9 =	sadd.s32 @!p2 $0x1, s9  }
.Ltmp18:
0x174: {  	p4 =	por !p4, p2;
	s10 =	sshra.s32 @!p2 s10, $0x2;
	(pc) =	sbr.rel @!p3 .LBB3_14-.Ltmp18, $4  }
0x175: {  	s9 =	smov.u32 @p2 s7;
	s8 =	simm.s32 @p4 $0x0;
	s10 =	sadd.s32 @!p2 $0x50C8, s10  }
0x176: {  	s7 =	smin.u32 @!p2 s8, $0x27178  }
0x177: {  	s8 =	sand.u32 @!p2 $0x3FFF8, s7;
	s16 =	sand.u32 @!p2 $0x7, s7  }
0x178: {  	s3 =	sadd.s32 $0x1, s3;
	s11 =	sadd.s32 @!p2 s1, s8  }
.LBB3_15:
0x179: {  	[tilespmem:s10], [sflag:$0x2] =	stream.linear.gather @!p2 [hbm4b:s11+s16], $0x40, $0x38;
	[tilespmem:$0x1EF88] =	vst v63  }
.Ltmp19:
0x17a: {  	s2 =	sshll.u32 s9, $0x6;
	(pc) =	sbr.rel .LBB3_16-.Ltmp19, $4  }
0x17b: {  	s3 =	simm.s32 $0x2;
	s2 =	sand.u32 $0x3FFFFFC0, s2  }
0x17c: {  	_ =	swait.ge [sflag:s3], s2  }
0x17d: {  	s2 =	ssub.s32 $0x0, s2;
	[sflag:s3] =	ssyncset.done $0x0  }
0x17e: {  	[sflag:s3] =	ssyncadd.s32 s2;
	s2 =	simm.s32 $0x0  }
.LBB3_17:
0x17f: {  	v1 =	vld [tilespmem:s30+$0xFFFFFFE0]  }
0x180: {  	v2 =	vld [tilespmem:s3+$0x88];
	_ =	sdelay $0x4  }
0x181: {  	v1 =	vmax.f32 v1, v2  }
0x182: {  	v2 =	vld [tilespmem:s3+$0x98];
	[tilespmem:s3+$0x88] =	vst v1  }
0x183: {  	v1 =	vld [tilespmem:s30+$0xFFFFFFF0];
	_ =	sdelay $0x4  }
0x184: {  	v1 =	vmax.f32 v1, v2  }
0x185: {  	v2 =	vld [tilespmem:s3+$0xA8];
	[tilespmem:s3+$0x98] =	vst v1  }
0x186: {  	v1 =	vld [tilespmem:s30+$0x0];
	_ =	sdelay $0x4  }
0x187: {  	v1 =	vmax.f32 v1, v2  }
0x188: {  	v2 =	vld [tilespmem:s3+$0xB8];
	[tilespmem:s3+$0xA8] =	vst v1  }
0x189: {  	v1 =	vld [tilespmem:s30+$0x10];
	_ =	sdelay $0x4  }
0x18a: {  	v1 =	vmax.f32 v1, v2  }
0x18b: {  	[tilespmem:s3+$0xB8] =	vst v1  }
.LBB3_21:
0x18c: {  	s31 =	sadd.s32 $0x1, s31  }
0x18d: {  	p2 =	seq.s32 s31, $0x0  }
.Ltmp20:
0x18e: {  	_ = 	snop;
	(pc) =	sbr.rel @p2 .LBB3_22-.Ltmp20, $2  }
0x18f: {  	_ =	sdelay $0x2  }
0x190: {  	s30 =	sadd.s32 $0x80, s30;
	s28 =	sadd.s32 $0x1, s28;
	s29 =	smov.u32 s5  }
.LBB3_16:
0x191: {  	v1 =	vld.msk [tilespmem:s28+$0x0], $0x1;
	_ =	sdelay $0x4  }
0x192: {  	(v2sf) =	vpush v1, $0x0;
	_ =	sdelay $0xe  }
0x193: {  	s5 =	spop (v2sf)  }
0x194: {  	p2 =	sne.s32 s29, s5  }
.Ltmp21:
0x195: {  	_ = 	snop;
	(pc) =	sbr.rel @!p2 .LBB3_17-.Ltmp21, $3  }
0x196: {  	_ =	sdelay $0x1  }
0x197: {  	s3 =	sshll.u32 s26, $0x8  }
0x198: {  	s3 =	sshra.s32 s3, $0x2  }
0x199: {  	p2 =	seq.s32 s29, s4  }
.Ltmp22:
0x19a: {  	_ = 	snop;
	(pc) =	sbr.rel @!p2 .LBB3_19-.Ltmp22, $1  }
0x19b: {  	_ =	sdelay $0x3  }
.Ltmp23:
0x19c: {  	s3 =	sadd.s32 $0x88, s3;
	(pc) =	sbr.rel .LBB3_20-.Ltmp23, $4  }
0x19d: {  	[spmem:s18] =	stream.linear.scatter [tilespmem:s3], [sflag:$0x1], $0x40, $0x38;
	[tilespmem:$0x1EF88] =	vst v63  }
0x19e: {  	_ =	swait.ge [sflag:s13], $0x40  }
0x19f: {  	[sflag:s13] =	ssyncset.done $0x0  }
0x1a0: {  	[sflag:s13] =	ssyncadd.s32 $0xFFFFFFC0  }
.LBB3_19:
0x1a1: {  	s7 =	sshll.u32 s0, $0x8  }
0x1a2: {  	v2 =	vld [tilespmem:s3+$0x88];
	s7 =	sshra.s32 s7, $0x2  }
0x1a3: {  	v1 =	vld [tilespmem:s7+$0x50C8];
	_ =	sdelay $0x4  }
0x1a4: {  	v1 =	vmax.f32 v1, v2  }
0x1a5: {  	v2 =	vld [tilespmem:s3+$0x98];
	[tilespmem:s3+$0x88] =	vst v1  }
0x1a6: {  	v1 =	vld [tilespmem:s7+$0x50D8];
	_ =	sdelay $0x4  }
0x1a7: {  	v1 =	vmax.f32 v1, v2  }
0x1a8: {  	v2 =	vld [tilespmem:s3+$0xA8];
	[tilespmem:s3+$0x98] =	vst v1  }
0x1a9: {  	v1 =	vld [tilespmem:s7+$0x50E8];
	_ =	sdelay $0x4  }
0x1aa: {  	v1 =	vmax.f32 v1, v2  }
0x1ab: {  	v2 =	vld [tilespmem:s3+$0xB8];
	[tilespmem:s3+$0xA8] =	vst v1  }
0x1ac: {  	v1 =	vld [tilespmem:s7+$0x50F8];
	_ =	sdelay $0x3  }
0x1ad: {  	p2 =	sgt.u32 s29, $0x27178  }
0x1ae: {  	s7 =	sand.u32 @!p2 $0x3FFF8, s29;
	v1 =	vmax.f32 v1, v2  }
0x1af: {  	s8 =	sadd.s32 $0x88, s3;
	[tilespmem:s3+$0xB8] =	vst v1;
	s3 =	sadd.s32 @!p2 s1, s7;
	s7 =	sand.u32 @!p2 $0x7, s29  }
0x1b0: {  	[hbm4b:s3+s7] =	stream.linear.scatter @!p2 [tilespmem:s8], [sflag:$0xC], $0x40, $0x38;
	[tilespmem:$0x1EF88] =	vst v63  }
0x1b1: {  	s3 =	simm.s32 $0x0  }
0x1b2: {  	s3 =	simm.s32 @!p2 $0x100  }
0x1b3: {  	s2 =	sadd.s32 s3, s2  }
.LBB3_20:
0x1b4: {  	s3 =	sadd.s32 $0x1, s26  }
0x1b5: {  	s7 =	smulhi.u32 $0xCCCCCCCD, s3;
	_ =	sdelay $0x1  }
0x1b6: {  	v1 =	vld [tilespmem:s30+$0xFFFFFFE0];
	s7 =	sshrl.u32 s7, $0x8  }
0x1b7: {  	s7 =	smul.u32 $0x140, s7;
	_ =	sdelay $0x1  }
0x1b8: {  	s26 =	ssub.s32 s3, s7  }
0x1b9: {  	s3 =	sshll.u32 s26, $0x6  }
0x1ba: {  	[tilespmem:s3+$0x88] =	vst v1  }
0x1bb: {  	v1 =	vld [tilespmem:s30+$0xFFFFFFF0];
	_ =	sdelay $0x4  }
0x1bc: {  	[tilespmem:s3+$0x98] =	vst v1  }
0x1bd: {  	v1 =	vld [tilespmem:s30+$0x0];
	_ =	sdelay $0x4  }
0x1be: {  	[tilespmem:s3+$0xA8] =	vst v1  }
0x1bf: {  	v1 =	vld [tilespmem:s30+$0x10]  }
.Ltmp24:
0x1c0: {  	_ = 	snop;
	(pc) =	sbr.rel .LBB3_21-.Ltmp24, $2  }
0x1c1: {  	_ =	sdelay $0x2  }
0x1c2: {  	s0 =	sadd.s32 $0x1, s0;
	[tilespmem:s3+$0xB8] =	vst v1  }
.LBB3_23:
.Ltmp25:
0x1c3: {  	(pc) =	sbr.rel .LBB3_24-.Ltmp25, $4  }
0x1c4: {  	_ = 	snop  }
0x1c5: {  	s0 =	simm.s32 $0x2  }
0x1c6: {  	_ =	swait.ge [sflag:s0], $0x0  }
0x1c7: {  	s5 =	smov.u32 s29;
	[sflag:s0] =	ssyncset.done $0x0;
	s0 =	simm.s32 $0x0  }
.LBB3_26:
0x1c8: {  	_ =	sfence.sel $0x180000  }
0x1c9: {  	s0 =	simm.s32 $0x9;
	[bflag:$0x0] =	sbarrier.arrive $0xFFFF  }
0x1ca: {  	s24 =	simm.s32 $0xA;
	[sflag:s0] =	ssyncpa.u1 $0x1  }
0x1cb: {  	s25 =	simm.s32 $0xB;
	[sflag:s24] =	ssyncpa.u1 $0x1  }
0x1cc: {  	s26 =	simm.s32 $0x2;
	[sflag:s25] =	ssyncpa.u1 $0x1  }
0x1cd: {  	[sflag:s26] =	ssyncpa.u1 $0x1  }
0x1ce: {  	v0 =	vld [tilespmem:$0xA108];
	_ =	sdelay $0x4  }
0x1cf: {  	(v2sf) =	vpush v0, $0x0  }
0x1d0: {  	(v2sf) =	vpush v0, $0x1;
	_ =	sdelay $0x1  }
0x1d1: {  	(v2sf) =	vpush v0, $0x2;
	_ =	sdelay $0xb  }
0x1d2: {  	s0 =	spop (v2sf)  }
0x1d3: {  	s2 =	spop (v2sf)  }
0x1d4: {  	s3 =	smov.u32 s0;
	p0 =	sne.s32 s0, s2  }
0x1d5: {  	s4 =	spop (v2sf);
	s3 =	simm.s32 @!p0 $0xFFFFFFFF  }
0x1d6: {  	v2 =	vimm.s32 $0x1;
	v3 =	vlaneseq.u32;
	p0 =	seq.s32 s4, $0xFFFFFFFF;
	v1 =	vmov s3  }
0x1d7: {  	s14 =	stileid.u32;
	v0 =	vperm.xlane v0, v2;
	p1 =	sne.s32 @!p0 s0, s2;
	v1 =	vperm.xlane v1, v3  }
0x1d8: {  	vm0 =	vcmask $0x3F04;
	s6 =	simm.s32 $0xA108;
	s0 =	simm.s32 @!p0 $0x1;
	p1 =	por !p1, p0  }
0x1d9: {  	s3 =	sshll.u32 s14, $0x1;
	s2 =	sshll.u32 @!p0 s4, $0x8;
	s0 =	simm.s32 @p1 $0x0;
	v0 =	vsel vm0, v1, v0  }
0x1da: {  	s5 =	sor.u32 $0x800, s3;
	s2 =	sshra.s32 @!p0 s2, $0x2;
	s0 =	sor.u32 @!p0 s0, s3;
	[tilespmem:$0xA108] =	vst v0  }
0x1db: {  	[spmem:s5] =	stream.linear.scatter [tilespmem:s6], [sflag:$0x1], $0x2, $0x38;
	[tilespmem:$0x1EF88] =	vst v63  }
0x1dc: {  	s2 =	sadd.s32 @!p0 $0x88, s2;
	s0 =	sshll.u32 @!p0 s0, $0x6  }
0x1dd: {  	[spmem:s0] =	stream.linear.scatter @!p0 [tilespmem:s2], [sflag:$0x1], $0x40, $0x38;
	[tilespmem:$0x1EF88] =	vst v63  }
0x1de: {  	s0 =	simm.s32 @!p0 $0x42  }
0x1df: {  	s28 =	simm.s32 $0x1;
	s0 =	simm.s32 @p0 $0x2  }
0x1e0: {  	_ =	swait.ge [sflag:s28], s0  }
0x1e1: {  	s0 =	ssub.s32 $0x0, s0;
	[sflag:s28] =	ssyncset.done $0x0  }
0x1e2: {  	p0 =	sne.s32 s14, $0x0;
	[sflag:s28] =	ssyncadd.s32 s0  }
.Ltmp26:
0x1e3: {  	_ =	sfence.stream.spmem;
	(pc) =	sbr.rel @p0 .LBB3_43-.Ltmp26, $4  }
0x1e4: {  	s29 =	simm.s32 $0x3;
	[bflag:$0x0] =	sbarrier.arrive $0xFFFF  }
0x1e5: {  	s30 =	simm.s32 $0x4;
	[sflag:s29] =	ssyncpa.u1 $0x1  }
0x1e6: {  	s31 =	simm.s32 $0x3C;
	[sflag:s30] =	ssyncpa.u1 $0x1  }
0x1e7: {  	s13 =	rddreg [dreg:$0x4];
	[sflag:s31] =	ssyncpa.u1 $0x1  }
0x1e8: {  	_ =	sfence.stream.spmem;
	s0 =	simm.s32 $0x5  }
0x1e9: {  	s2 =	simm.s32 $0x800;
	s3 =	simm.s32 $0xA118;
	[sflag:s0] =	ssyncpa.u1 $0x0  }
0x1ea: {  	[tilespmem:s3], [sflag:$0x5] =	stream.linear.gather [spmem:s2], $0x20, $0x38;
	[tilespmem:$0x1EF88] =	vst v63  }
0x1eb: {  	s26 =	simm.s32 $0x0;
	s28 =	simm.s32 $0xA138  }
0x1ec: {  	[tilespmem:s28], [sflag:$0x5] =	stream.linear.gather [spmem:s26], $0x800, $0x38;
	[tilespmem:$0x1EF88] =	vst v63  }
0x1ed: {  	_ =	swait.ge [sflag:s0], $0x820  }
0x1ee: {  	[sflag:s0] =	ssyncset.done $0x0  }
0x1ef: {  	s29 =	simm.s32 $0x0;
	[sflag:s0] =	ssyncadd.s32 $0xFFFFF7E0  }
0x1f0: {  	v0 =	vld.msk [tilespmem:s29+$0xA118], $0x1;
	_ =	sdelay $0x1  }
0x1f1: {  	s30 =	simm.s32 $0x1  }
0x1f2: {  	v1 =	vld.msk [tilespmem:s30+$0xA118], $0x1;
	_ =	sdelay $0x1  }
0x1f3: {  	(v2sf) =	vpush v0, $0x0;
	_ =	sdelay $0x2  }
0x1f4: {  	(v2sf) =	vpush v1, $0x0;
	_ =	sdelay $0x2  }
0x1f5: {  	s31 =	simm.s32 $0x2  }
0x1f6: {  	v0 =	vld.msk [tilespmem:s31+$0xA118], $0x1;
	_ =	sdelay $0x2  }
0x1f7: {  	s2 =	simm.s32 $0xFFFFFFFF;
	s3 =	simm.s32 $0xFFFFFFFF;
	s0 =	simm.s32 $0xC  }
.LBB3_28:
0x1f8: {  	s4 =	smov.u32 s3;
	s5 =	smov.u32 s2  }
0x1f9: {  	s2 =	sshra.s32 s0, $0x2;
	p1 =	sne.s32 s0, $0x7C;
	s0 =	sadd.s32 $0x4, s0;
	(v2sf) =	vpush v0, $0x0  }
0x1fa: {  	v0 =	vld.msk [tilespmem:s2+$0xA118], $0x1  }
.Ltmp27:
0x1fb: {  	(pc) =	sbr.rel @p1 .LBB3_28-.Ltmp27, $4  }
0x1fc: {  	s3 =	spop (v2sf)  }
0x1fd: {  	p2 =	sne.s32 s5, $0xFFFFFFFF;
	s2 =	smov.u32 s3  }
0x1fe: {  	p3 =	seq.s32 s3, $0xFFFFFFFF;
	s2 =	smov.u32 @p2 s5  }
0x1ff: {  	s3 =	smov.u32 @p3 s4;
	s2 =	smov.u32 @p3 s5  }
0x200: {  	(v2sf) =	vpush v0, $0x0;
	_ =	sdelay $0x8  }
0x201: {  	s0 =	spop (v2sf)  }
0x202: {  	p1 =	sne.s32 s2, $0xFFFFFFFF;
	s4 =	smov.u32 s0  }
0x203: {  	s6 =	simm.s32 $0x0;
	p2 =	seq.s32 s0, $0xFFFFFFFF;
	s4 =	smov.u32 @p1 s2  }
0x204: {  	s9 =	simm.s32 $0xA0C8;
	s4 =	smov.u32 @p2 s2;
	s2 =	spop (v2sf)  }
0x205: {  	s0 =	smov.u32 @p2 s3;
	p1 =	sne.s32 s4, $0xFFFFFFFF;
	s5 =	smov.u32 s2  }
.Ltmp28:
0x206: {  	p2 =	seq.s32 s2, $0xFFFFFFFF;
	s5 =	smov.u32 @p1 s4;
	(pc) =	sbr.rel .LBB3_30-.Ltmp28, $4  }
0x207: {  	s10 =	simm.s32 $0x0;
	s5 =	smov.u32 @p2 s4;
	s7 =	spop (v2sf)  }
0x208: {  	s2 =	smov.u32 @p2 s0;
	p1 =	sne.s32 s5, $0xFFFFFFFF;
	s8 =	smov.u32 s7  }
0x209: {  	s0 =	simm.s32 $0x6;
	p2 =	seq.s32 s7, $0xFFFFFFFF;
	s8 =	smov.u32 @p1 s5  }
0x20a: {  	[sflag:s0] =	ssyncpa.u1 $0x0;
	s7 =	smov.u32 @p2 s2;
	s8 =	smov.u32 @p2 s5  }
.LBB3_36:
0x20b: {  	p1 =	sgt.u32 s2, $0x27178  }
0x20c: {  	p2 =	seq.s32 @!p1 s2, s8  }
0x20d: {  	p1 =	por p1, p2  }
0x20e: {  	p2 =	sne.s32 @!p1 s2, s7  }
0x20f: {  	p1 =	por p1, !p2  }
0x210: {  	s2 =	sshll.u32 @p1 s10, $0x8  }
0x211: {  	s3 =	sand.u32 @!p1 $0x3FFF8, s2  }
0x212: {  	s2 =	sand.u32 @!p1 $0x7, s2;
	s3 =	sadd.s32 @!p1 s1, s3  }
0x213: {  	[tilespmem:s9], [sflag:$0x6] =	stream.linear.gather @!p1 [hbm4b:s3+s2], $0x40, $0x38;
	[tilespmem:$0x1EF88] =	vst v63  }
0x214: {  	_ =	swait.ge @!p1 [sflag:s0], $0x40  }
0x215: {  	[sflag:s0] =	ssyncset.done @!p1 $0x0  }
0x216: {  	s2 =	sshll.u32 @!p1 s10, $0x8;
	[sflag:s0] =	ssyncadd.s32 @!p1 $0xFFFFFFC0  }
0x217: {  	s3 =	sshrl.u32 @!p1 s2, $0x2;
	v1 =	vld @!p1 [tilespmem:$0xA0C8]  }
0x218: {  	v2 =	vld @!p1 [tilespmem:s3+$0xA138];
	_ =	sdelay $0x4  }
0x219: {  	v1 =	vmax.f32 @!p1 v1, v2  }
0x21a: {  	v2 =	vld @!p1 [tilespmem:s3+$0xA148];
	[tilespmem:s3+$0xA138] =	vst @!p1 v1  }
0x21b: {  	v1 =	vld @!p1 [tilespmem:$0xA0D8];
	_ =	sdelay $0x4  }
0x21c: {  	v1 =	vmax.f32 @!p1 v1, v2  }
0x21d: {  	v2 =	vld @!p1 [tilespmem:s3+$0xA158];
	[tilespmem:s3+$0xA148] =	vst @!p1 v1  }
0x21e: {  	v1 =	vld @!p1 [tilespmem:$0xA0E8];
	_ =	sdelay $0x4  }
0x21f: {  	v1 =	vmax.f32 @!p1 v1, v2  }
0x220: {  	v2 =	vld @!p1 [tilespmem:s3+$0xA168];
	[tilespmem:s3+$0xA158] =	vst @!p1 v1  }
0x221: {  	v1 =	vld @!p1 [tilespmem:$0xA0F8];
	_ =	sdelay $0x4  }
0x222: {  	v1 =	vmax.f32 @!p1 v1, v2  }
0x223: {  	[tilespmem:s3+$0xA168] =	vst @!p1 v1  }
0x224: {  	s2 =	sshrl.u32 s2, $0x2;
	[tilespmem:s6+$0xA118] =	vst.msk $0x1, v0  }
0x225: {  	v0 =	vld [tilespmem:s2+$0xA138];
	_ =	sdelay $0x2  }
0x226: {  	s31 =	sshll.u32 s6, $0x8  }
0x227: {  	s3 =	sshra.s32 s31, $0x2  }
0x228: {  	[tilespmem:s3+$0xA138] =	vst v0  }
0x229: {  	v0 =	vld [tilespmem:s2+$0xA148];
	_ =	sdelay $0x4  }
0x22a: {  	[tilespmem:s3+$0xA148] =	vst v0  }
0x22b: {  	v0 =	vld [tilespmem:s2+$0xA158];
	_ =	sdelay $0x4  }
0x22c: {  	[tilespmem:s3+$0xA158] =	vst v0  }
0x22d: {  	v0 =	vld [tilespmem:s2+$0xA168];
	_ =	sdelay $0x4  }
0x22e: {  	s6 =	sadd.s32 $0x1, s6;
	[tilespmem:s3+$0xA168] =	vst v0  }
.LBB3_37:
0x22f: {  	s10 =	sadd.s32 $0x1, s10  }
0x230: {  	p1 =	sne.s32 s10, $0x20  }
.Ltmp29:
0x231: {  	_ = 	snop;
	(pc) =	sbr.rel @!p1 .LBB3_38-.Ltmp29, $1  }
0x232: {  	_ =	sdelay $0x3  }
.LBB3_30:
0x233: {  	v0 =	vld.msk [tilespmem:s10+$0xA118], $0x1;
	_ =	sdelay $0x4  }
0x234: {  	(v2sf) =	vpush v0, $0x0;
	_ =	sdelay $0xe  }
0x235: {  	s2 =	spop (v2sf)  }
0x236: {  	p1 =	seq.s32 s2, $0xFFFFFFFF  }
.Ltmp30:
0x237: {  	_ = 	snop;
	(pc) =	sbr.rel @p1 .LBB3_37-.Ltmp30, $1  }
0x238: {  	_ =	sdelay $0x3  }
0x239: {  	p1 =	slt.s32 s6, $0x1  }
.Ltmp31:
0x23a: {  	_ = 	snop;
	(pc) =	sbr.rel @p1 .LBB3_36-.Ltmp31, $1  }
0x23b: {  	_ =	sdelay $0x3  }
0x23c: {  	s3 =	simm.s32 $0xA118;
	p1 =	por $0x0, $0x0  }
0x23d: {  	v1 =	vld.msk @!p1 [tilespmem:s3+$0x0], $0x1;
	_ =	sdelay $0x4  }
0x23e: {  	(v2sf) =	vpush @!p1 v1, $0x0;
	_ =	sdelay $0xd  }
0x23f: {  	p3 =	sne.s32 s6, $0x1  }
.Ltmp32:
0x240: {  	s4 =	spop @!p1 (v2sf);
	(pc) =	sbr.rel @!p3 .LBB3_34-.Ltmp32, $4  }
0x241: {  	p2 =	seq.s32 @!p1 s2, s4  }
0x242: {  	s4 =	simm.s32 $0x0;
	p2 =	por !p2, p1  }
0x243: {  	s11 =	simm.s32 $0xFFFFFFFF;
	s4 =	simm.s32 @p2 $0xFFFFFFFF  }
0x244: {  	s5 =	simm.s32 $0x1;
	s4 =	smov.u32 @p1 s11  }
.LBB3_33:
0x245: {  	s11 =	smov.u32 s4;
	p1 =	sne.s32 s4, $0xFFFFFFFF  }
0x246: {  	s3 =	sadd.s32 $0x1, s3;
	s4 =	smov.u32 s5;
	s5 =	sadd.s32 $0x1, s5  }
0x247: {  	p2 =	sne.s32 s6, s5;
	v1 =	vld.msk @!p1 [tilespmem:s3+$0x0], $0x1;
	_ =	sdelay $0x4  }
0x248: {  	(v2sf) =	vpush @!p1 v1, $0x0;
	_ =	sdelay $0xe  }
.Ltmp33:
0x249: {  	s12 =	spop @!p1 (v2sf);
	(pc) =	sbr.rel @p2 .LBB3_33-.Ltmp33, $4  }
0x24a: {  	p3 =	seq.s32 @!p1 s2, s12  }
0x24b: {  	p3 =	por !p3, p1  }
0x24c: {  	s4 =	simm.s32 @p3 $0xFFFFFFFF  }
0x24d: {  	s4 =	smov.u32 @p1 s11  }
.LBB3_34:
0x24e: {  	p1 =	seq.s32 s4, $0xFFFFFFFF  }
.Ltmp34:
0x24f: {  	_ = 	snop;
	(pc) =	sbr.rel @p1 .LBB3_36-.Ltmp34, $1  }
0x250: {  	_ =	sdelay $0x3  }
0x251: {  	s2 =	sshll.u32 s10, $0x6  }
0x252: {  	s3 =	sshll.u32 s4, $0x8;
	s2 =	sand.u32 $0x3FFFFFC0, s2  }
0x253: {  	s3 =	sshra.s32 s3, $0x2;
	v0 =	vld [tilespmem:s2+$0xA138]  }
0x254: {  	v1 =	vld [tilespmem:s3+$0xA138];
	_ =	sdelay $0x4  }
0x255: {  	v0 =	vmax.f32 v0, v1  }
0x256: {  	v61 =	vld [tilespmem:s3+$0xA148];
	[tilespmem:s3+$0xA138] =	vst v0  }
0x257: {  	v0 =	vld [tilespmem:s2+$0xA148];
	_ =	sdelay $0x4  }
0x258: {  	v0 =	vmax.f32 v0, v61  }
0x259: {  	v62 =	vld [tilespmem:s3+$0xA158];
	[tilespmem:s3+$0xA148] =	vst v0  }
0x25a: {  	v0 =	vld [tilespmem:s2+$0xA158];
	_ =	sdelay $0x4  }
0x25b: {  	v0 =	vmax.f32 v0, v62  }
0x25c: {  	v63 =	vld [tilespmem:s3+$0xA168];
	[tilespmem:s3+$0xA158] =	vst v0  }
0x25d: {  	v0 =	vld [tilespmem:s2+$0xA168];
	_ =	sdelay $0x1  }
.Ltmp35:
0x25e: {  	_ = 	snop;
	(pc) =	sbr.rel .LBB3_37-.Ltmp35, $3  }
0x25f: {  	_ =	sdelay $0x1  }
0x260: {  	v0 =	vmax.f32 v0, v63  }
0x261: {  	[tilespmem:s3+$0xA168] =	vst v0  }
.LBB3_38:
0x262: {  	s0 =	simm.s32 $0x6;
	p1 =	seq.s32 s6, $0x0  }
0x263: {  	[sflag:s0] =	ssyncpa.u1 $0x1;
	v0 =	vimm.s32 @p1 $0xFFFFFFFF  }
0x264: {  	s0 =	sadd.s32 $0xFFFFFFFF, s6;
	[tilespmem:$0xA938] =	vst @p1 v0  }
0x265: {  	v0 =	vld.msk @!p1 [tilespmem:s0+$0xA118], $0x1;
	_ =	sdelay $0x1  }
0x266: {  	v1 =	vld.msk @!p1 [tilespmem:$0xA118], $0x1;
	_ =	sdelay $0x2  }
0x267: {  	p2 =	seq.s32 @!p1 s0, $0x0;
	v0 =	vbroadcast @!p1 v0, $0x0  }
0x268: {  	vm0 =	vmmov @!p1 $0x1;
	p2 =	por !p2, p1  }
0x269: {  	v1 =	vnsel @!p1 vm0, $0xFFFFFFFF, v1;
	vm0 =	vcmask @!p1 $0x308;
	v0 =	vpsel !p2, $0xFFFFFFFF, v0  }
0x26a: {  	p2 =	sne.s32 @!p1 s8, s7;
	v0 =	vsel @!p1 vm0, v1, v0  }
0x26b: {  	s2 =	simm.s32 @!p1 $0xA138;
	s3 =	simm.s32 @!p1 $0x0;
	p3 =	por !p2, p1;
	[tilespmem:$0xA938] =	vst @!p1 v0  }
0x26c: {  	[spmem:s3] =	stream.linear.scatter @!p1 [tilespmem:s2], [sflag:$0x1], $0x40, $0x38;
	[tilespmem:$0x1EF88] =	vst v63  }
0x26d: {  	s2 =	sshll.u32 @!p3 s0, $0x8  }
0x26e: {  	s2 =	sshra.s32 @!p3 s2, $0x2  }
0x26f: {  	s3 =	simm.s32 @!p3 $0x40;
	s2 =	sadd.s32 @!p3 $0xA138, s2  }
0x270: {  	[spmem:s3] =	stream.linear.scatter @!p3 [tilespmem:s2], [sflag:$0x1], $0x40, $0x38;
	[tilespmem:$0x1EF88] =	vst v63  }
0x271: {  	s2 =	simm.s32 @!p3 $0x1  }
0x272: {  	_ =	swait.ge @!p3 [sflag:s2], $0x80  }
0x273: {  	p1 =	por p2, p1;
	[sflag:s2] =	ssyncset.done @!p3 $0x0  }
0x274: {  	[sflag:s2] =	ssyncadd.s32 @!p3 $0xFFFFFF80;
	s2 =	simm.s32 @!p1 $0x1  }
0x275: {  	_ =	swait.ge @!p1 [sflag:s2], $0x40  }
0x276: {  	s29 =	simm.s32 $0xA938;
	[sflag:s2] =	ssyncset.done @!p1 $0x0  }
0x277: {  	s30 =	simm.s32 $0x800;
	s31 =	simm.s32 $0x1;
	[sflag:s2] =	ssyncadd.s32 @!p1 $0xFFFFFFC0  }
0x278: {  	[spmem:s30] =	stream.linear.scatter [tilespmem:s29], [sflag:$0x1], $0x10, $0x38;
	[tilespmem:$0x1EF88] =	vst v63  }
0x279: {  	_ =	swait.ge [sflag:s31], $0x10  }
0x27a: {  	[sflag:s31] =	ssyncset.done $0x0  }
0x27b: {  	p1 =	seq.s32 s13, $0x0;
	s9 =	rddreg [dreg:$0x1];
	[sflag:s31] =	ssyncadd.s32 $0xFFFFFFF0  }
0x27c: {  	s3 =	sshll.u32 @p1 s9, $0xE;
	s8 =	rddreg [dreg:$0x2]  }
0x27d: {  	s2 =	sadd.s32 @p1 $0x15C3C, s3;
	s3 =	sshll.u32 @p1 s8, $0x11  }
0x27e: {  	_ =	sfence.stream.spmem;
	s2 =	sor.u32 @p1 s3, s2  }
0x27f: {  	[sflag:s2] =	ssyncadd.remote.s32 @p1 $0x1;
	s2 =	simm.s32 @p1 $0x4  }
0x280: {  	s4 =	simm.s32 @!p1 $0x3C;
	s3 =	sand.u32 $0xFFFFFFFE, s9;
	_ =	swait.ge @p1 [sflag:s2], $0x12  }
0x281: {  	s5 =	simm.s32 @!p1 $0x0;
	s3 =	sadd.s32 @!p1 $0x4, s3;
	[sflag:s2] =	ssyncset.done @p1 $0x0  }
0x282: {  	s7 =	simm.s32 @!p1 $0x80;
	[sflag:s2] =	ssyncadd.s32 @p1 $0xFFFFFFEE;
	s2 =	sshll.u32 @!p1 s3, $0x1A  }
0x283: {  	s3 =	sshll.u32 @!p1 s3, $0xD;
	s2 =	sor.u32 @!p1 s2, s8;
	_ =	swait.eq @!p1 [sflag:s4], $0x1  }
0x284: {  	s3 =	sor.u32 @!p1 $0x1C04, s3;
	s4 =	simm.s32 @!p1 $0x1C03;
	s2 =	sor.u32 @!p1 $0x80004000, s2  }
0x285: {  	[spmem:s7], [sflag:s3] =	dma.general @!p1 [spmem:s5], [sflag:s4], length:$0x10, [dreg:$0x0], stride_count:$0x0, ici_dest:s2, dma_misc:DstOpCode:WRITE  }
0x286: {  	p2 =	slt.s32 s0, $0x2;
	s5 =	simm.s32 @!p1 $0x100;
	s7 =	simm.s32 @!p1 $0x102  }
0x287: {  	[spmem:s7], [sflag:s3] =	dma.general @!p1 [spmem:s5], [sflag:s4], length:$0x2, [dreg:$0x0], stride_count:$0x0, ici_dest:s2, dma_misc:DstOpCode:WRITE  }
.Ltmp36:
0x288: {  	s2 =	simm.s32 @!p1 $0x3;
	(pc) =	sbr.rel @p2 .LBB3_42-.Ltmp36, $4  }
0x289: {  	s3 =	sshll.u32 @!p1 s9, $0xE;
	_ =	swait.ge @!p1 [sflag:s2], $0x12  }
0x28a: {  	s4 =	sshll.u32 @!p1 s8, $0x11;
	s3 =	sadd.s32 @!p1 $0x11C3C, s3;
	[sflag:s2] =	ssyncset.done @!p1 $0x0  }
0x28b: {  	[sflag:s2] =	ssyncadd.s32 @!p1 $0xFFFFFFEE;
	s2 =	sor.u32 @!p1 s4, s3  }
0x28c: {  	s0 =	simm.s32 $0x0;
	[sflag:s2] =	ssyncadd.remote.s32 @!p1 $0xFFFFFFFF  }
0x28d: {  	s0 =	simm.s32 $0xA119  }
0x28e: {  	v0 =	vld.msk [tilespmem:s0+$0x0], $0x1;
	_ =	sdelay $0x4  }
0x28f: {  	(v2sf) =	vpush v0, $0x0;
	_ =	sdelay $0xc  }
0x290: {  	s2 =	sadd.s32 $0xFFFFFFFE, s6  }
0x291: {  	s2 =	sadd.s32 $0xFFFFFFFF, s2  }
0x292: {  	p2 =	sne.s32 s2, $0x0;
	s3 =	spop (v2sf)  }
.Ltmp37:
0x293: {  	p1 =	sgt.u32 s3, $0x27178;
	(pc) =	sbr.rel @!p2 .LBB3_41-.Ltmp37, $4  }
0x294: {  	s5 =	simm.s32 $0x0;
	s4 =	sand.u32 @!p1 $0x3FFF8, s3  }
0x295: {  	s0 =	simm.s32 $0xA178;
	s3 =	sand.u32 @!p1 $0x7, s3;
	s4 =	sadd.s32 @!p1 s1, s4  }
0x296: {  	[hbm4b:s4+s3] =	stream.linear.scatter @!p1 [tilespmem:s0], [sflag:$0x5], $0x40, $0x38;
	[tilespmem:$0x1EF88] =	vst v63  }
0x297: {  	s5 =	simm.s32 @!p1 $0x100;
	s3 =	simm.s32 $0x0;
	s4 =	simm.s32 $0xA11A  }
.LBB3_40:
0x298: {  	v0 =	vld.msk [tilespmem:s4+$0x0], $0x1;
	s2 =	sadd.s32 $0xFFFFFFFF, s2;
	s3 =	sadd.s32 s3, s5  }
0x299: {  	p1 =	sne.s32 s2, $0x0;
	_ =	sdelay $0x3  }
0x29a: {  	(v2sf) =	vpush v0, $0x0;
	_ =	sdelay $0xe  }
.Ltmp38:
0x29b: {  	s6 =	spop (v2sf);
	(pc) =	sbr.rel @p1 .LBB3_40-.Ltmp38, $4  }
0x29c: {  	s5 =	simm.s32 $0x0;
	p2 =	sgt.u32 s6, $0x27178  }
0x29d: {  	s0 =	sadd.s32 $0x40, s0;
	s5 =	simm.s32 @!p2 $0x100;
	s7 =	sand.u32 @!p2 $0x3FFF8, s6  }
0x29e: {  	s4 =	sadd.s32 $0x1, s4;
	s6 =	sand.u32 @!p2 $0x7, s6;
	s7 =	sadd.s32 @!p2 s1, s7  }
0x29f: {  	[hbm4b:s7+s6] =	stream.linear.scatter @!p2 [tilespmem:s0], [sflag:$0x5], $0x40, $0x38;
	[tilespmem:$0x1EF88] =	vst v63  }
.LBB3_41:
0x2a0: {  	s0 =	sadd.s32 s3, s5  }
0x2a1: {  	s0 =	sshrl.u32 s0, $0x2  }
.LBB3_42:
0x2a2: {  	s2 =	simm.s32 $0x5  }
0x2a3: {  	_ =	swait.ge [sflag:s2], s0  }
0x2a4: {  	s31 =	ssub.s32 $0x0, s0;
	[sflag:s2] =	ssyncset.done $0x0  }
0x2a5: {  	[sflag:s2] =	ssyncadd.s32 s31  }
0x2a6: {  	[sflag:s2] =	ssyncpa.u1 $0x1  }
.LBB3_43:
0x2a7: {  	s0 =	sor.u32 s13, s14  }
0x2a8: {  	p1 =	sne.s32 s0, $0x0  }
.Ltmp39:
0x2a9: {  	_ = 	snop;
	(pc) =	sbr.rel @p1 .LBB3_58-.Ltmp39, $3  }
0x2aa: {  	_ =	sdelay $0x1  }
0x2ab: {  	[bflag:$0x0] =	sbarrier.arrive $0xFFFF  }
0x2ac: {  	_ =	sfence  }
0x2ad: {  	s2 =	simm.s32 $0x7  }
0x2ae: {  	s0 =	simm.s32 $0x800;
	s3 =	simm.s32 $0xA118;
	[sflag:s2] =	ssyncpa.u1 $0x0  }
0x2af: {  	[tilespmem:s3], [sflag:$0x7] =	stream.linear.gather [spmem:s0], $0x20, $0x38;
	[tilespmem:$0x1EF88] =	vst v63  }
0x2b0: {  	s30 =	simm.s32 $0xA138;
	s0 =	simm.s32 $0x0  }
0x2b1: {  	[tilespmem:s30], [sflag:$0x7] =	stream.linear.gather [spmem:s0], $0x800, $0x38;
	[tilespmem:$0x1EF88] =	vst v63  }
.Ltmp40:
0x2b2: {  	_ = 	snop;
	(pc) =	sbr.rel .LBB3_45-.Ltmp40, $4  }
0x2b3: {  	_ =	swait.ge [sflag:s2], $0x820  }
0x2b4: {  	[sflag:s2] =	ssyncset.done $0x0  }
0x2b5: {  	s31 =	simm.s32 $0x8;
	[sflag:s2] =	ssyncadd.s32 $0xFFFFF7E0  }
0x2b6: {  	s2 =	simm.s32 $0x0;
	[sflag:s31] =	ssyncpa.u1 $0x0  }
.LBB3_51:
0x2b7: {  	p1 =	slt.u32 s3, $0x27179  }
0x2b8: {  	s4 =	sand.u32 @p1 $0x3FFF8, s3  }
0x2b9: {  	s3 =	sand.u32 @p1 $0x7, s3;
	s5 =	simm.s32 @p1 $0xA0C8;
	s4 =	sadd.s32 @p1 s1, s4  }
0x2ba: {  	[tilespmem:s5], [sflag:$0x8] =	stream.linear.gather @p1 [hbm4b:s4+s3], $0x40, $0x38;
	[tilespmem:$0x1EF88] =	vst v63  }
0x2bb: {  	s3 =	simm.s32 @p1 $0x8  }
0x2bc: {  	_ =	swait.ge @p1 [sflag:s3], $0x40  }
0x2bd: {  	[sflag:s3] =	ssyncset.done @p1 $0x0  }
0x2be: {  	[sflag:s3] =	ssyncadd.s32 @p1 $0xFFFFFFC0;
	s3 =	sshll.u32 @p1 s2, $0x8  }
0x2bf: {  	s4 =	sshrl.u32 @p1 s3, $0x2;
	v1 =	vld @p1 [tilespmem:$0xA0C8]  }
0x2c0: {  	v2 =	vld @p1 [tilespmem:s4+$0xA138];
	_ =	sdelay $0x4  }
0x2c1: {  	v1 =	vmax.f32 @p1 v1, v2  }
0x2c2: {  	v2 =	vld @p1 [tilespmem:s4+$0xA148];
	[tilespmem:s4+$0xA138] =	vst @p1 v1  }
0x2c3: {  	v1 =	vld @p1 [tilespmem:$0xA0D8];
	_ =	sdelay $0x4  }
0x2c4: {  	v1 =	vmax.f32 @p1 v1, v2  }
0x2c5: {  	v2 =	vld @p1 [tilespmem:s4+$0xA158];
	[tilespmem:s4+$0xA148] =	vst @p1 v1  }
0x2c6: {  	v1 =	vld @p1 [tilespmem:$0xA0E8];
	_ =	sdelay $0x4  }
0x2c7: {  	v1 =	vmax.f32 @p1 v1, v2  }
0x2c8: {  	v2 =	vld @p1 [tilespmem:s4+$0xA168];
	[tilespmem:s4+$0xA158] =	vst @p1 v1  }
0x2c9: {  	v1 =	vld @p1 [tilespmem:$0xA0F8];
	_ =	sdelay $0x4  }
0x2ca: {  	s5 =	sshll.u32 @!p1 s2, $0x8;
	v1 =	vmax.f32 @p1 v1, v2  }
0x2cb: {  	s5 =	smov.u32 @p1 s3;
	[tilespmem:s4+$0xA168] =	vst @p1 v1  }
0x2cc: {  	s3 =	sshrl.u32 s5, $0x2;
	[tilespmem:s0+$0xA118] =	vst.msk $0x1, v0  }
0x2cd: {  	v0 =	vld [tilespmem:s3+$0xA138];
	_ =	sdelay $0x2  }
0x2ce: {  	s31 =	sshll.u32 s0, $0x8  }
0x2cf: {  	s4 =	sshra.s32 s31, $0x2  }
0x2d0: {  	[tilespmem:s4+$0xA138] =	vst v0  }
0x2d1: {  	v0 =	vld [tilespmem:s3+$0xA148];
	_ =	sdelay $0x4  }
0x2d2: {  	[tilespmem:s4+$0xA148] =	vst v0  }
0x2d3: {  	v0 =	vld [tilespmem:s3+$0xA158];
	_ =	sdelay $0x4  }
0x2d4: {  	[tilespmem:s4+$0xA158] =	vst v0  }
0x2d5: {  	v0 =	vld [tilespmem:s3+$0xA168];
	_ =	sdelay $0x4  }
0x2d6: {  	s0 =	sadd.s32 $0x1, s0;
	[tilespmem:s4+$0xA168] =	vst v0  }
.LBB3_52:
0x2d7: {  	s2 =	sadd.s32 $0x1, s2  }
0x2d8: {  	p1 =	sne.s32 s2, $0x20  }
.Ltmp41:
0x2d9: {  	_ = 	snop;
	(pc) =	sbr.rel @!p1 .LBB3_53-.Ltmp41, $1  }
0x2da: {  	_ =	sdelay $0x3  }
.LBB3_45:
0x2db: {  	v0 =	vld.msk [tilespmem:s2+$0xA118], $0x1;
	_ =	sdelay $0x4  }
0x2dc: {  	(v2sf) =	vpush v0, $0x0;
	_ =	sdelay $0xe  }
0x2dd: {  	s3 =	spop (v2sf)  }
0x2de: {  	p1 =	seq.s32 s3, $0xFFFFFFFF  }
.Ltmp42:
0x2df: {  	_ = 	snop;
	(pc) =	sbr.rel @p1 .LBB3_52-.Ltmp42, $1  }
0x2e0: {  	_ =	sdelay $0x3  }
0x2e1: {  	p1 =	slt.s32 s0, $0x1  }
.Ltmp43:
0x2e2: {  	_ = 	snop;
	(pc) =	sbr.rel @p1 .LBB3_51-.Ltmp43, $1  }
0x2e3: {  	_ =	sdelay $0x3  }
0x2e4: {  	s4 =	simm.s32 $0xA118;
	p1 =	por $0x0, $0x0  }
0x2e5: {  	v1 =	vld.msk @!p1 [tilespmem:s4+$0x0], $0x1;
	_ =	sdelay $0x4  }
0x2e6: {  	(v2sf) =	vpush @!p1 v1, $0x0;
	_ =	sdelay $0xd  }
0x2e7: {  	p3 =	sne.s32 s0, $0x1  }
.Ltmp44:
0x2e8: {  	s5 =	spop @!p1 (v2sf);
	(pc) =	sbr.rel @!p3 .LBB3_49-.Ltmp44, $4  }
0x2e9: {  	p2 =	seq.s32 @!p1 s3, s5  }
0x2ea: {  	s5 =	simm.s32 $0x0;
	p2 =	por !p2, p1  }
0x2eb: {  	s7 =	simm.s32 $0xFFFFFFFF;
	s5 =	simm.s32 @p2 $0xFFFFFFFF  }
0x2ec: {  	s6 =	simm.s32 $0x1;
	s5 =	smov.u32 @p1 s7  }
.LBB3_48:
0x2ed: {  	s7 =	smov.u32 s5;
	p1 =	sne.s32 s5, $0xFFFFFFFF  }
0x2ee: {  	s4 =	sadd.s32 $0x1, s4;
	s5 =	smov.u32 s6;
	s6 =	sadd.s32 $0x1, s6  }
0x2ef: {  	p2 =	sne.s32 s0, s6;
	v1 =	vld.msk @!p1 [tilespmem:s4+$0x0], $0x1;
	_ =	sdelay $0x4  }
0x2f0: {  	(v2sf) =	vpush @!p1 v1, $0x0;
	_ =	sdelay $0xe  }
.Ltmp45:
0x2f1: {  	s8 =	spop @!p1 (v2sf);
	(pc) =	sbr.rel @p2 .LBB3_48-.Ltmp45, $4  }
0x2f2: {  	p3 =	seq.s32 @!p1 s3, s8  }
0x2f3: {  	p3 =	por !p3, p1  }
0x2f4: {  	s5 =	simm.s32 @p3 $0xFFFFFFFF  }
0x2f5: {  	s5 =	smov.u32 @p1 s7  }
.LBB3_49:
0x2f6: {  	p1 =	seq.s32 s5, $0xFFFFFFFF  }
.Ltmp46:
0x2f7: {  	_ = 	snop;
	(pc) =	sbr.rel @p1 .LBB3_51-.Ltmp46, $1  }
0x2f8: {  	_ =	sdelay $0x3  }
0x2f9: {  	s3 =	sshll.u32 s2, $0x6  }
0x2fa: {  	s4 =	sshll.u32 s5, $0x8;
	s3 =	sand.u32 $0x3FFFFFC0, s3  }
0x2fb: {  	s4 =	sshra.s32 s4, $0x2;
	v0 =	vld [tilespmem:s3+$0xA138]  }
0x2fc: {  	v1 =	vld [tilespmem:s4+$0xA138];
	_ =	sdelay $0x4  }
0x2fd: {  	v0 =	vmax.f32 v0, v1  }
0x2fe: {  	v61 =	vld [tilespmem:s4+$0xA148];
	[tilespmem:s4+$0xA138] =	vst v0  }
0x2ff: {  	v0 =	vld [tilespmem:s3+$0xA148];
	_ =	sdelay $0x4  }
0x300: {  	v0 =	vmax.f32 v0, v61  }
0x301: {  	v62 =	vld [tilespmem:s4+$0xA158];
	[tilespmem:s4+$0xA148] =	vst v0  }
0x302: {  	v0 =	vld [tilespmem:s3+$0xA158];
	_ =	sdelay $0x4  }
0x303: {  	v0 =	vmax.f32 v0, v62  }
0x304: {  	v63 =	vld [tilespmem:s4+$0xA168];
	[tilespmem:s4+$0xA158] =	vst v0  }
0x305: {  	v0 =	vld [tilespmem:s3+$0xA168];
	_ =	sdelay $0x1  }
.Ltmp47:
0x306: {  	_ = 	snop;
	(pc) =	sbr.rel .LBB3_52-.Ltmp47, $3  }
0x307: {  	_ =	sdelay $0x1  }
0x308: {  	v0 =	vmax.f32 v0, v63  }
0x309: {  	[tilespmem:s4+$0xA168] =	vst v0  }
.LBB3_53:
0x30a: {  	p1 =	slt.s32 s0, $0x1  }
.Ltmp48:
0x30b: {  	_ = 	snop;
	(pc) =	sbr.rel @p1 .LBB3_57-.Ltmp48, $3  }
0x30c: {  	_ =	sdelay $0x1  }
0x30d: {  	s2 =	simm.s32 $0x8  }
0x30e: {  	[sflag:s2] =	ssyncpa.u1 $0x1;
	s2 =	simm.s32 $0x0  }
0x30f: {  	s3 =	simm.s32 $0xA118  }
0x310: {  	v0 =	vld.msk [tilespmem:s3+$0x0], $0x1;
	_ =	sdelay $0x4  }
0x311: {  	(v2sf) =	vpush v0, $0x0;
	_ =	sdelay $0xe  }
0x312: {  	s0 =	sadd.s32 $0xFFFFFFFF, s0;
	s4 =	spop (v2sf)  }
0x313: {  	p2 =	sne.s32 s0, $0x0;
	p1 =	sgt.u32 s4, $0x27178  }
.Ltmp49:
0x314: {  	s5 =	sand.u32 @!p1 $0x3FFF8, s4;
	(pc) =	sbr.rel @!p2 .LBB3_56-.Ltmp49, $4  }
0x315: {  	s3 =	simm.s32 $0xA138;
	s4 =	sand.u32 @!p1 $0x7, s4;
	s5 =	sadd.s32 @!p1 s1, s5  }
0x316: {  	[hbm4b:s5+s4] =	stream.linear.scatter @!p1 [tilespmem:s3], [sflag:$0x7], $0x40, $0x38;
	[tilespmem:$0x1EF88] =	vst v63  }
0x317: {  	s5 =	simm.s32 $0x0  }
0x318: {  	s4 =	simm.s32 $0xA119;
	s5 =	simm.s32 @!p1 $0x100  }
.LBB3_55:
0x319: {  	v0 =	vld.msk [tilespmem:s4+$0x0], $0x1;
	s0 =	sadd.s32 $0xFFFFFFFF, s0;
	s2 =	sadd.s32 s2, s5  }
0x31a: {  	p1 =	sne.s32 s0, $0x0;
	_ =	sdelay $0x3  }
0x31b: {  	(v2sf) =	vpush v0, $0x0;
	_ =	sdelay $0xe  }
.Ltmp50:
0x31c: {  	s6 =	spop (v2sf);
	(pc) =	sbr.rel @p1 .LBB3_55-.Ltmp50, $4  }
0x31d: {  	s5 =	simm.s32 $0x0;
	p2 =	sgt.u32 s6, $0x27178  }
0x31e: {  	s3 =	sadd.s32 $0x40, s3;
	s5 =	simm.s32 @!p2 $0x100;
	s7 =	sand.u32 @!p2 $0x3FFF8, s6  }
0x31f: {  	s4 =	sadd.s32 $0x1, s4;
	s6 =	sand.u32 @!p2 $0x7, s6;
	s7 =	sadd.s32 @!p2 s1, s7  }
0x320: {  	[hbm4b:s7+s6] =	stream.linear.scatter @!p2 [tilespmem:s3], [sflag:$0x7], $0x40, $0x38;
	[tilespmem:$0x1EF88] =	vst v63  }
.LBB3_56:
0x321: {  	s0 =	sadd.s32 s2, s5  }
0x322: {  	s2 =	sshrl.u32 s0, $0x2  }
.LBB3_57:
0x323: {  	s0 =	simm.s32 $0x7  }
0x324: {  	_ =	swait.ge [sflag:s0], s2  }
0x325: {  	s1 =	ssub.s32 $0x0, s2;
	[sflag:s0] =	ssyncset.done $0x0  }
0x326: {  	[sflag:s0] =	ssyncadd.s32 s1  }
0x327: {  	[sflag:s0] =	ssyncpa.u1 $0x1  }
.LBB3_58:
0x328: {  	_ =	sfence;
	s0 =	simm.s32 $0x1  }
0x329: {  	[sflag:s0] =	ssyncpa.u1 $0x1  }
0x32a: {  	_ =	strace $0x90000056  }
0x32b: {  	[bflag:$0x2] =	sbarrier.arrive $0xFFFF  }
0x32c: {  	s0 =	rddreg [dreg:$0x3]  }
0x32d: {  	s0 =	sadd.s32 @!p0 $0x100000, s0  }
0x32e: {  	[sflag:s0] =	ssyncadd.tile.s32 @!p0 $0x1;
	_ =	shalt  }
.Lfunc_end3:
_tile_overlayer_lowered:
.L_overlay_start_3:
0x32f: {  	(tag) =	ssettag $0x3  }
0x330: {  	s0 =	rddreg [dreg:$0x0];
	s2 =	stileid.u32  }
0x331: {  	s1 =	rddreg [dreg:$0x1];
	p0 =	sne.s32 s2, $0x0  }
0x332: {  	s3 =	rddreg [dreg:$0x2];
	[bflag:$0x3] =	sbarrier.arrive $0xFFFF;
	s2 =	simm.s32 @!p0 $0x1C01  }
0x333: {  	[timem:s3], [sflag:s2] =	dma.local @!p0 [hbm:s0], s1  }
0x334: {  	s0 =	simm.s32 @!p0 $0x1  }
0x335: {  	_ =	swait.ge @!p0 [sflag:s0], s1  }
0x336: {  	s1 =	ssub.s32 @!p0 $0x0, s1;
	[sflag:s0] =	ssyncset.done @!p0 $0x0  }
0x337: {  	[sflag:s0] =	ssyncadd.s32 @!p0 s1  }
0x338: {  	[bflag:$0x3] =	sbarrier.arrive $0xFFFF  }
0x339: {  	_ =	shalt  }

// kernel: scatter_offload_async_start
scs
__scs_entry_jumppad:
0x0: {  	(pc) =	sbr.rel $0x88, $3  }
0x1: {  	(tag) =	ssettag $0x0;
	lr =	simm.s32 $0x1  }
0x2: {  	[smem:$0x3F8A] =	sst lr;
	_ =	strace $0xD0000000  }
0x3: {  	_ = 	snop  }
0x4: {  	_ = 	snop  }
0x5: {  	_ = 	snop  }
0x6: {  	_ = 	snop  }
0x7: {  	_ = 	snop  }
__scs_overlays_trampoline_lowered:
0x8: {  	[smem:$0x3F99] =	sst s0  }
0x9: {  	[smem:$0x3F9A] =	sst s1  }
0xa: {  	[smem:$0x3F9B] =	sst s2  }
0xb: {  	[smem:$0x3F9C] =	sst s3  }
0xc: {  	[smem:$0x3F9D] =	sst s4  }
0xd: {  	[smem:$0x3F9E] =	sst s5  }
0xe: {  	[smem:$0x3F9F] =	sst s6  }
0xf: {  	[smem:$0x3FA0] =	sst s7  }
0x10: {  	[smem:$0x3FA1] =	sst s8  }
0x11: {  	[smem:$0x3FA2] =	sst s9;
	s0 =	simm.s32 @!p0 $0x0  }
0x12: {  	s1 =	sld [smem:$0x3F88];
	s0 =	simm.s32 @p0 $0x1  }
0x13: {  	[smem:$0x3FA3] =	sst s0;
	s0 =	simm.s32 @!p1 $0x0  }
0x14: {  	s2 =	sld [smem:$0x3F87];
	s0 =	simm.s32 @p1 $0x1  }
0x15: {  	[smem:$0x3FA4] =	sst s0;
	s0 =	simm.s32 @!p2 $0x0  }
0x16: {  	s3 =	sld [smem:$0x3FDB];
	s0 =	simm.s32 @p2 $0x1  }
0x17: {  	s4 =	simm.s32 $0x1BF5;
	[smem:$0x3FA6] =	sst s0  }
0x18: {  	s0 =	sld [smem:$0x3F89];
	_ =	swait.ge [sflag:s4], $0x0  }
0x19: {  	s7 =	sld [smem:$0x3F8A]  }
0x1a: {  	s8 =	sadd.s32 $0xFFFFE003, lr  }
0x1b: {  	s9 =	sadd.s32 $0xFFFFFEF7, lr;
	s5 =	simm.s32 $0xFFFFFFFF;
	p2 =	slt.u32 s8, $0xFFFFF086  }
0x1c: {  	p1 =	slt.u32 s9, $0xF7A;
	s5 =	simm.s32 @!p2 $0x0  }
0x1d: {  	s5 =	simm.s32 @p1 $0x1;
	p0 =	seq.s32 s7, s2  }
0x1e: {  	s7 =	smul.u32 @!p0 $0xF7A, s2;
	p2 =	seq.s32 @!p0 s5, $0x0  }
0x1f: {  	s9 =	smul.u32 $0xF7A, s1;
	s8 =	simm.s32 @!p0 $0x1BF5;
	p2 =	por !p2, p0  }
0x20: {  	[sflag:s8] =	ssyncset.s32 @!p0 $0xFFFFF086;
	s6 =	sadd.s32 @!p0 s3, s7;
	s7 =	simm.s32 @!p0 $0x108  }
0x21: {  	s3 =	sadd.s32 s3, s9;
	s6 =	sadd.s32 @!p0 $0x88, s6;
	s7 =	simm.s32 @p2 $0x1082  }
0x22: {  	[simem:s7], [sflag:s8] =	dma.local @!p0 [hbm:s6], $0xF7A  }
0x23: {  	s9 =	sor.u32 $0xD0000000, s2;
	s6 =	simm.s32 $0x108;
	_ =	swait.ge @!p0 [sflag:s8], $0x0  }
0x24: {  	s3 =	sadd.s32 $0x88, s3;
	s6 =	simm.s32 @!p1 $0x1082;
	[sflag:s4] =	ssyncset.s32 $0xFFFFF086  }
0x25: {  	[simem:s6], [sflag:s4] =	dma.local [hbm:s3], $0xF7A  }
0x26: {  	[smem:$0x3F8A] =	sst s1;
	(tag) =	ssettag s2;
	_ =	strace s9  }
0x27: {  	s1 =	sld [smem:$0x3F9A]  }
0x28: {  	s2 =	sld [smem:$0x3F9B]  }
0x29: {  	s4 =	sld [smem:$0x3F9D]  }
0x2a: {  	p0 =	seq.s32 s5, $0x0;
	s5 =	sld [smem:$0x3F9E]  }
0x2b: {  	s6 =	sld [smem:$0x3F9F]  }
0x2c: {  	s7 =	sld [smem:$0x3FA0]  }
0x2d: {  	s3 =	simm.s32 $0x108;
	s8 =	sld [smem:$0x3FA1]  }
0x2e: {  	s3 =	simm.s32 @!p0 $0x1082;
	s9 =	sld [smem:$0x3FA2]  }
0x2f: {  	lr =	sadd.s32 s0, s3;
	s0 =	sld [smem:$0x3F99]  }
0x30: {  	s3 =	sld [smem:$0x3F9C]  }
0x31: {  	[smem:$0x3FA5] =	sst s10  }
0x32: {  	s10 =	sld [smem:$0x3FA3];
	_ =	sdelay $0x3  }
0x33: {  	p0 =	seq.s32 s10, $0x1;
	s10 =	sld [smem:$0x3FA5];
	_ =	sdelay $0x3  }
0x34: {  	[smem:$0x3FA5] =	sst s10  }
0x35: {  	s10 =	sld [smem:$0x3FA4];
	_ =	sdelay $0x3  }
0x36: {  	p1 =	seq.s32 s10, $0x1;
	s10 =	sld [smem:$0x3FA5];
	_ =	sdelay $0x3  }
0x37: {  	[smem:$0x3FA5] =	sst s10  }
0x38: {  	s10 =	sld [smem:$0x3FA6]  }
0x39: {  	_ = 	snop;
	(pc) =	sbr.ind lr, $3  }
0x3a: {  	_ = 	snop  }
0x3b: {  	_ = 	snop  }
0x3c: {  	p2 =	seq.s32 s10, $0x1;
	s10 =	sld [smem:$0x3FA5]  }
0x3d: {  	_ =	shalt  }
0x3e: {  	_ =	shalt  }
0x3f: {  	_ =	shalt  }
0x40: {  	_ =	shalt  }
0x41: {  	_ =	shalt  }
0x42: {  	_ =	shalt  }
0x43: {  	_ =	shalt  }
0x44: {  	_ =	shalt  }
0x45: {  	_ =	shalt  }
0x46: {  	_ =	shalt  }
0x47: {  	_ =	shalt  }
0x48: {  	_ =	shalt  }
0x49: {  	_ =	shalt  }
0x4a: {  	_ =	shalt  }
0x4b: {  	_ =	shalt  }
0x4c: {  	_ =	shalt  }
0x4d: {  	_ =	shalt  }
0x4e: {  	_ =	shalt  }
0x4f: {  	_ =	shalt  }
0x50: {  	_ =	shalt  }
0x51: {  	_ =	shalt  }
0x52: {  	_ =	shalt  }
0x53: {  	_ =	shalt  }
0x54: {  	_ =	shalt  }
0x55: {  	_ =	shalt  }
0x56: {  	_ =	shalt  }
0x57: {  	_ =	shalt  }
0x58: {  	_ =	shalt  }
0x59: {  	_ =	shalt  }
0x5a: {  	_ =	shalt  }
0x5b: {  	_ =	shalt  }
0x5c: {  	_ =	shalt  }
0x5d: {  	_ =	shalt  }
0x5e: {  	_ =	shalt  }
0x5f: {  	_ =	shalt  }
0x60: {  	_ =	shalt  }
0x61: {  	_ =	shalt  }
0x62: {  	_ =	shalt  }
0x63: {  	_ =	shalt  }
0x64: {  	_ =	shalt  }
0x65: {  	_ =	shalt  }
0x66: {  	_ =	shalt  }
0x67: {  	_ =	shalt  }
0x68: {  	_ =	shalt  }
0x69: {  	_ =	shalt  }
0x6a: {  	_ =	shalt  }
0x6b: {  	_ =	shalt  }
0x6c: {  	_ =	shalt  }
0x6d: {  	_ =	shalt  }
0x6e: {  	_ =	shalt  }
0x6f: {  	_ =	shalt  }
0x70: {  	_ =	shalt  }
0x71: {  	_ =	shalt  }
0x72: {  	_ =	shalt  }
0x73: {  	_ =	shalt  }
0x74: {  	_ =	shalt  }
0x75: {  	_ =	shalt  }
0x76: {  	_ =	shalt  }
0x77: {  	_ =	shalt  }
0x78: {  	_ =	shalt  }
0x79: {  	_ =	shalt  }
0x7a: {  	_ =	shalt  }
0x7b: {  	_ =	shalt  }
0x7c: {  	_ =	shalt  }
0x7d: {  	_ =	shalt  }
0x7e: {  	_ =	shalt  }
0x7f: {  	_ =	shalt  }
0x80: {  	_ =	shalt  }
0x81: {  	_ =	shalt  }
0x82: {  	_ =	shalt  }
0x83: {  	_ =	shalt  }
0x84: {  	_ =	shalt  }
0x85: {  	_ =	shalt  }
0x86: {  	_ =	shalt  }
0x87: {  	_ =	shalt  }
.Lfunc_end0:
.L_simem_size_0:
called_computation_lowered:
.L_overlay_start_0:
0x88: {  	s2 =	sld [smem:$0x3FD9]  }
0x89: {  	s3 =	sld [smem:$0x3FFE];
	_ =	sdelay $0x1  }
0x8a: {  	s1 =	srdreg.scid  }
0x8b: {  	s0 =	sand.u32 $0x1, s1  }
0x8c: {  	s12 =	sshll.u32 s0, $0xA;
	s2 =	sadd.s32 s3, s2  }
0x8d: {  	s2 =	sadd.s32 s2, s12  }
0x8e: {  	[smem:$0x3FB1] =	sst s2  }
0x8f: {  	_ = 	snop  }
0x90: {  	(tm) =	ssettm $0x1  }
0x91: {  	s13 =	sld [smem:$0x3FFB];
	_ =	sdelay $0x3  }
0x92: {  	_ =	strace s13  }
0x93: {  	s2 =	sld [smem:$0x3FFC];
	_ =	sdelay $0x3  }
0x94: {  	_ =	strace s2  }
0x95: {  	s2 =	sld [smem:$0x3FFD];
	_ =	sdelay $0x3  }
0x96: {  	_ =	strace s2  }
0x97: {  	_ =	strace $0x8FFFFFFF  }
0x98: {  	s14 =	sld [smem:$0x3FDB];
	_ =	sdelay $0x1  }
0x99: {  	s15 =	simm.s32 $_scs_section_size  }
0x9a: {  	s4 =	simm.s32 $_size__tile_overlayer_lowered;
	s5 =	simm.s32 $_tile_overlayer_lowered  }
0x9b: {  	s19 =	simm.s32 $0x1BFF;
	s17 =	sshll.u32 s5, $0x1;
	s6 =	sadd.s32 s15, s14  }
0x9c: {  	s20 =	simm.s32 $0x0;
	s16 =	sshll.u32 s4, $0x1;
	s18 =	sadd.s32 s17, s6  }
0x9d: {  	[timem:s20], [sflag:s19] =	dma.local [hbm:s18], s16  }
0x9e: {  	_ =	swait.ge [sflag:s19], s16  }
0x9f: {  	s3 =	ssub.s32 $0x0, s16;
	[sflag:s19] =	ssyncset.done $0x0  }
0xa0: {  	[sflag:s19] =	ssyncadd.s32 s3;
	_ =	sdelay $0x1  }
0xa1: {  	s21 =	simm.s32 $0x1B8B  }
0xa2: {  	_ =	swait.ge [sflag:s21], $0x1  }
0xa3: {  	[sflag:s21] =	ssyncset.done $0x0  }
0xa4: {  	[sflag:s21] =	ssyncadd.s32 $0xFFFFFFFF  }
0xa5: {  	s3 =	sld [smem:$0x0]  }
0xa6: {  	s4 =	sand.u32 $0xFFFFFFFE, s1  }
0xa7: {  	p0 =	sne.s32 s1, s4  }
0xa8: {  	s4 =	sshll.u32 @p0 s4, $0xE  }
0xa9: {  	s5 =	sadd.s32 @p0 $0x11B8D, s4;
	s7 =	sshll.u32 @p0 s3, $0x11  }
0xaa: {  	s5 =	sor.u32 @p0 s7, s5  }
0xab: {  	[sflag:s5] =	ssyncadd.remote.s32 @p0 $0x1;
	_ =	sdelay $0x1  }
0xac: {  	s5 =	simm.s32 @p0 $0x1B8D  }
0xad: {  	_ =	swait.eq @p0 [sflag:s5], $0x1  }
0xae: {  	[sflag:s5] =	ssyncadd.s32 @p0 $0xFFFFFFFF  }
0xaf: {  	s7 =	sshll.u32 @!p0 s1, $0xE  }
0xb0: {  	s7 =	sor.u32 @!p0 $0x4000, s7;
	s5 =	simm.s32 @!p0 $0x1B8D  }
0xb1: {  	s9 =	sshll.u32 @!p0 s3, $0x11;
	s8 =	sadd.s32 @!p0 $0x11B8D, s7;
	_ =	swait.eq @!p0 [sflag:s5], $0x1  }
0xb2: {  	[sflag:s5] =	ssyncadd.s32 @!p0 $0xFFFFFFFF;
	s5 =	sor.u32 @!p0 s9, s8  }
0xb3: {  	s23 =	simm.s32 $0x1B8E;
	s22 =	sld [smem:$0x3FFE];
	[sflag:s5] =	ssyncadd.remote.s32 @!p0 $0x1  }
0xb4: {  	s24 =	simm.s32 $execute0_lowered;
	[smem:$0x3FD2] =	sst s23  }
0xb5: {  	s8 =	sshll.u32 s24, $0x1;
	_ =	strace $0x8000004C;
	[dreg:$0x1] =	wrdreg $0xFFFFFFFF  }
0xb6: {  	s25 =	simm.s32 $_size_execute0_lowered;
	s8 =	sadd.s32 s6, s8;
	[dreg:$0x0] =	wrdreg $0x0  }
0xb7: {  	s9 =	sshll.u32 s25, $0x1;
	[dreg:$0x2] =	wrdreg s8  }
0xb8: {  	[dreg:$0x3] =	wrdreg s9  }
0xb9: {  	[dreg:$0x4] =	wrdreg $0xC0  }
0xba: {  	s26 =	simm.s32 $execute1_lowered;
	_ =	task [dreg:s20], $0x5FFFF  }
0xbb: {  	s8 =	sshll.u32 s26, $0x1;
	[dreg:$0x1] =	wrdreg $0xFFFFFFFF  }
0xbc: {  	s6 =	sadd.s32 s6, s8;
	[dreg:$0x0] =	wrdreg $0x60  }
0xbd: {  	[dreg:$0x2] =	wrdreg s6  }
0xbe: {  	[dreg:$0x3] =	wrdreg s22  }
0xbf: {  	[dreg:$0x4] =	wrdreg $0x9  }
0xc0: {  	_ =	task.clear_ibuf [dreg:s20], $0x5FFFF;
	_ =	strace $0x9000004C  }
0xc1: {  	s28 =	simm.s32 $0x9;
	_ =	strace $0x8000004E  }
0xc2: {  	_ =	swait.ge [sflag:s28], $0x1  }
0xc3: {  	[sflag:s28] =	ssyncadd.s32 $0xFFFFFFFF  }
0xc4: {  	_ =	strace $0x9000004E  }
0xc5: {  	s6 =	sld [smem:$0x0];
	_ =	sdelay $0x3  }
0xc6: {  	s4 =	sadd.s32 @p0 $0x11BF3, s4;
	s8 =	sshll.u32 @p0 s6, $0x11  }
0xc7: {  	s4 =	sor.u32 @p0 s8, s4  }
0xc8: {  	[sflag:s4] =	ssyncadd.remote.s32 @p0 $0x1;
	_ =	sdelay $0x1  }
0xc9: {  	s4 =	simm.s32 @p0 $0x1BF3  }
0xca: {  	_ =	swait.eq @p0 [sflag:s4], $0x1  }
0xcb: {  	[sflag:s4] =	ssyncadd.s32 @p0 $0xFFFFFFFF;
	_ =	sdelay $0x1  }
0xcc: {  	s4 =	simm.s32 @!p0 $0x1BF3  }
0xcd: {  	s7 =	sadd.s32 @!p0 $0x11BF3, s7;
	s6 =	sshll.u32 @!p0 s6, $0x11;
	_ =	swait.eq @!p0 [sflag:s4], $0x1  }
0xce: {  	[sflag:s4] =	ssyncadd.s32 @!p0 $0xFFFFFFFF;
	s4 =	sor.u32 @!p0 s6, s7  }
0xcf: {  	[sflag:s4] =	ssyncadd.remote.s32 @!p0 $0x1  }
0xd0: {  	_ =	strace $0x8000004F;
	[dreg:$0x1] =	wrdreg $0xFFFFFFFF  }
0xd1: {  	[dreg:$0x0] =	wrdreg $0x2030  }
0xd2: {  	[dreg:$0x2] =	wrdreg s22  }
0xd3: {  	[dreg:$0x3] =	wrdreg s1  }
0xd4: {  	[dreg:$0x4] =	wrdreg s3  }
0xd5: {  	[dreg:$0x5] =	wrdreg $0xA  }
0xd6: {  	_ =	task.clear_ibuf [dreg:s20], $0x6FFFF;
	_ =	strace $0x9000004F  }
0xd7: {  	s29 =	simm.s32 $0xA;
	_ =	strace $0x80000051  }
0xd8: {  	_ =	swait.ge [sflag:s29], $0x1  }
0xd9: {  	[sflag:s29] =	ssyncadd.s32 $0xFFFFFFFF  }
0xda: {  	_ =	strace $0x90000051  }
0xdb: {  	_ =	sfence  }
0xdc: {  	s30 =	sld [smem:$0x0];
	_ =	sdelay $0x2  }
0xdd: {  	s31 =	sshll.u32 s1, $0xD;
	s1 =	sshrl.u32 s1, $0x2  }
0xde: {  	s4 =	sand.u32 $0x4000, s31;
	s1 =	sadd.s32 s1, s30  }
0xdf: {  	s0 =	sor.u32 s4, s0;
	s1 =	sshll.u32 s1, $0x11  }
0xe0: {  	s0 =	sor.u32 s1, s0  }
0xe1: {  	s0 =	sadd.s32 $0x8F2B, s0  }
0xe2: {  	[sflag:s0] =	ssyncadd.remote.s32 $0x1  }
0xe3: {  	_ =	sfence.sel $0xFFFF  }
0xe4: {  	[dreg:$0x0] =	wrdreg $0xFFFFFFFF;
	(pc) =	sbr.abs _section_cstart, $3  }
0xe5: {  	[dreg:$0x1] =	wrdreg $0xFFFFFFFF  }
0xe6: {  	_ =	task.clear_ibuf [dreg:s20], $0x2FFFF;
	_ =	strace $0x9FFFFFFF  }
0xe7: {  	(tm) =	ssettm $0x7FFFFFFF  }
tec
execute0_lowered:
.L_overlay_start_1:
0x0: {  	(tag) =	ssettag $0x1  }
0x1: {  	s2 =	rddreg [dreg:$0x0]  }
0x2: {  	s5 =	rddreg [dreg:$0x1]  }
0x3: {  	s0 =	rddreg [dreg:$0x2];
	s3 =	stileid.u32;
	[bflag:$0x3] =	sbarrier.arrive $0xFFFF  }
0x4: {  	s1 =	simm.s32 $_size_execute1_lowered;
	s29 =	srdreg.scid;
	s31 =	simm.s32 $0x2  }
0x5: {  	s13 =	simm.s32 $0x0;
	s8 =	simm.s32 $0x40;
	p0 =	sne.s32 s3, $0x0  }
0x6: {  	s1 =	sshll.u32 s1, $0x1;
	s4 =	simm.s32 @!p0 $0x1C3F;
	s6 =	simm.s32 @!p0 $0x4060  }
0x7: {  	[timem:s6], [sflag:s4] =	dma.local @!p0 [hbm:s2], s1  }
0x8: {  	s9 =	simm.s32 $0x80;
	s11 =	simm.s32 $0x0;
	s2 =	sshll.u32 s29, $0x8  }
.Ltmp0:
0x9: {  	s3 =	sshll.u32 s3, $0x9;
	s30 =	sand.u32 $0x100, s2;
	(pc) =	sbr.rel .LBB2_1-.Ltmp0, $4  }
0xa: {  	s12 =	simm.s32 $0x0;
	s4 =	simm.s32 $0x1;
	s3 =	sor.u32 s3, s30  }
0xb: {  	_ =	strace $0x8000004D;
	s2 =	sadd.s32 $0x27C00, s5;
	s7 =	ssub.s32 $0x2700, s3  }
0xc: {  	s5 =	sadd.s32 $0x4EE00, s5;
	[sflag:s4] =	ssyncpa.u1 $0x0;
	s6 =	sshrl.u32 s7, $0xD  }
0xd: {  	[sflag:s31] =	ssyncpa.u1 $0x0;
	s10 =	smov.u32 s3;
	s7 =	sor.u32 $0x2, s6  }
.LBB2_5:
0xe: {  	_ =	sdelay $0x3  }
0xf: {  	[tilespmem:v3+s18+$0x0 ss:$0x1] =	vst.idx.msk $0xffff, v1  }
0x10: {  	[tilespmem:v3+s17+$0x0 ss:$0x1] =	vst.idx.msk $0xffff, v2  }
0x11: {  	[tilespmem:v3+s16+$0x0 ss:$0x1] =	vst.idx.msk $0xffff, v4  }
0x12: {  	[tilespmem:v3+s19+$0x0 ss:$0x1] =	vst.idx.msk $0xffff, v5  }
.LBB2_6:
0x13: {  	s16 =	sand.u32 $0x1FFFFFF, s11  }
0x14: {  	s17 =	smulhi.u32 $0x34630B5, s16;
	_ =	sdelay $0x1  }
0x15: {  	s17 =	sshrl.u32 s17, $0x7  }
0x16: {  	s17 =	smul.u32 $0x2718, s17;
	_ =	sdelay $0x1  }
0x17: {  	s16 =	ssub.s32 s16, s17  }
0x18: {  	s16 =	sshll.u32 s16, $0x4  }
0x19: {  	s16 =	sadd.s32 s5, s16  }
0x1a: {  	[hbm4b:s16+s8] =	stream.strided.scatter [tilespmem:s15], [sflag:$0x2], s14, s9, s8, $0x38;
	[tilespmem:$0x10000] =	vst v63  }
.LBB2_7:
0x1b: {  	p1 =	slt.u32 s12, $0x2  }
0x1c: {  	p2 =	sgt.s32 @!p1 s13, $0x2618  }
0x1d: {  	s14 =	smov.u32 s13;
	s15 =	sshra.s32 @!p1 s13, $0x1F;
	p2 =	por !p2, p1  }
0x1e: {  	s13 =	sand.u32 @!p1 s15, s13;
	s14 =	simm.s32 @p2 $0x2618  }
0x1f: {  	s13 =	ssub.s32 @!p1 s14, s13  }
0x20: {  	s13 =	sadd.s32 @!p1 $0xFFFFD9E8, s13  }
0x21: {  	s14 =	sshll.u32 @!p1 s13, $0x8  }
0x22: {  	p2 =	sgt.s32 @!p1 s13, $0xFF;
	s13 =	ssub.s32 @!p1 $0x10000, s14  }
0x23: {  	s15 =	sadd.s32 $0x2000, s10;
	p2 =	por !p2, p1;
	s13 =	sshrl.u32 @!p1 s13, $0x2  }
0x24: {  	s13 =	simm.s32 @!p2 $0x0;
	p2 =	sgt.s32 s15, $0x2710  }
0x25: {  	s15 =	smov.u32 @p2 s3;
	p2 =	sne.s32 s12, s7  }
.Ltmp1:
0x26: {  	_ = 	snop;
	(pc) =	sbr.rel @!p2 .LBB2_8-.Ltmp1, $4  }
0x27: {  	s14 =	simm.s32 @!p1 $0x2  }
0x28: {  	_ =	swait.ge @!p1 [sflag:s14], s13;
	s16 =	ssub.s32 @!p1 $0x0, s13  }
0x29: {  	s13 =	smov.u32 s11;
	s12 =	sadd.s32 $0x1, s12;
	[sflag:s14] =	ssyncset.done @!p1 $0x0  }
0x2a: {  	s11 =	smov.u32 s10;
	s10 =	smov.u32 s15;
	[sflag:s14] =	ssyncadd.s32 @!p1 s16  }
.LBB2_1:
0x2b: {  	p1 =	sgt.u32 s12, s6  }
0x2c: {  	s15 =	smov.u32 s10;
	p2 =	sgt.s32 @!p1 s10, $0x2618  }
0x2d: {  	s14 =	sand.u32 @!p1 $0x1FFFFFF, s10;
	s16 =	sshra.s32 @!p1 s10, $0x1F;
	p2 =	por !p2, p1  }
0x2e: {  	s17 =	smulhi.u32 @!p1 $0x34630B5, s14;
	s16 =	sand.u32 @!p1 s16, s10;
	s15 =	simm.s32 @p2 $0x2618  }
0x2f: {  	s15 =	ssub.s32 @!p1 s15, s16  }
0x30: {  	s16 =	sshrl.u32 @!p1 s17, $0x7;
	s15 =	sadd.s32 @!p1 $0xFFFFD9E8, s15  }
0x31: {  	s17 =	sxor.u32 @!p1 $0xFFFFFFFF, s12;
	s16 =	smul.u32 @!p1 $0x2718, s16;
	s18 =	sshll.u32 @!p1 s15, $0x8  }
0x32: {  	s17 =	sshll.u32 @!p1 s17, $0xE;
	p2 =	sgt.s32 @!p1 s15, $0xFF;
	s15 =	ssub.s32 @!p1 $0x10000, s18  }
0x33: {  	s14 =	ssub.s32 @!p1 s14, s16;
	p2 =	por !p2, p1;
	s16 =	sand.u32 @!p1 $0x4000, s17  }
0x34: {  	s17 =	simm.s32 @!p1 $0x40;
	s15 =	sshrl.u32 @!p1 s15, $0x2;
	s14 =	sshll.u32 @!p1 s14, $0x4  }
0x35: {  	s18 =	simm.s32 @!p1 $0x80;
	s15 =	simm.s32 @!p2 $0x0;
	s14 =	sadd.s32 @!p1 s2, s14  }
0x36: {  	[tilespmem:s16], [sflag:$0x1] =	stream.strided.gather @!p1 [hbm4b:s14+s17], s15, s18, s17, $0x38;
	[tilespmem:$0x10000] =	vst v63  }
0x37: {  	p1 =	seq.s32 s12, $0x0  }
0x38: {  	p2 =	sge.u32 @!p1 s12, s7  }
0x39: {  	p1 =	por p1, p2  }
.Ltmp2:
0x3a: {  	_ = 	snop;
	(pc) =	sbr.rel @p1 .LBB2_7-.Ltmp2, $1  }
0x3b: {  	_ =	sdelay $0x3  }
0x3c: {  	p1 =	sgt.s32 s11, $0x2618;
	s14 =	smov.u32 s11;
	s15 =	sshra.s32 s11, $0x1F  }
0x3d: {  	s14 =	simm.s32 @!p1 $0x2618;
	s15 =	sand.u32 s15, s11  }
0x3e: {  	s14 =	ssub.s32 s14, s15  }
0x3f: {  	s14 =	sadd.s32 $0xFFFFD9E8, s14  }
0x40: {  	s31 =	sshll.u32 s14, $0x8  }
0x41: {  	s15 =	ssub.s32 $0x10000, s31  }
0x42: {  	p1 =	sgt.s32 s14, $0xFF;
	s14 =	sshrl.u32 s15, $0x2;
	s15 =	sadd.s32 $0x100, s11  }
0x43: {  	s14 =	simm.s32 @p1 $0x0;
	p1 =	slt.s32 s15, $0x2711  }
0x44: {  	s15 =	simm.s32 @!p1 $0x2711  }
0x45: {  	s20 =	ssub.s32 s15, s11  }
0x46: {  	p1 =	slt.s32 s20, $0x1  }
.Ltmp3:
0x47: {  	_ = 	snop;
	(pc) =	sbr.rel @p1 .LBB2_6-.Ltmp3, $4  }
0x48: {  	_ = 	snop  }
0x49: {  	s16 =	sshll.u32 s12, $0xE;
	_ =	swait.ge [sflag:s4], s14  }
0x4a: {  	s16 =	sand.u32 $0x4000, s16;
	s17 =	ssub.s32 $0x0, s14;
	[sflag:s4] =	ssyncset.done $0x0  }
0x4b: {  	s15 =	sor.u32 $0x8000, s16;
	[sflag:s4] =	ssyncadd.s32 s17  }
0x4c: {  	v0 =	vmov s16;
	_ =	sdelay $0x2  }
0x4d: {  	s31 =	simm.s32 $0x0;
	p1 =	sne.s32 s20, $0x1  }
.Ltmp4:
0x4e: {  	s18 =	sand.u32 $0x3FC0, s31;
	(pc) =	sbr.rel @!p1 .LBB2_5-.Ltmp4, $4  }
0x4f: {  	s17 =	sor.u32 $0x30, s18;
	v1 =	vld.idx.msk [tilespmem:v0+s18+$0x0 ss:$0x1], $0xffff  }
0x50: {  	v3 =	vmov s15;
	s16 =	sor.u32 $0x10, s18;
	v2 =	vld.idx.msk [tilespmem:v0+s17+$0x0 ss:$0x1], $0xffff  }
0x51: {  	s19 =	sor.u32 $0x20, s18;
	v4 =	vld.idx.msk [tilespmem:v0+s16+$0x0 ss:$0x1], $0xffff  }
0x52: {  	s20 =	sadd.s32 $0xFFFFFFFF, s20;
	s21 =	simm.s32 $0x40;
	v5 =	vld.idx.msk [tilespmem:v0+s19+$0x0 ss:$0x1], $0xffff  }
.LBB2_4:
0x53: {  	s22 =	sand.u32 $0x3FC0, s21  }
0x54: {  	p1 =	sne.s32 s20, $0x1;
	s20 =	sadd.s32 $0xFFFFFFFF, s20;
	s23 =	sor.u32 $0x10, s22  }
.Ltmp5:
0x55: {  	s24 =	sor.u32 $0x20, s22;
	s25 =	sor.u32 $0x30, s22;
	[tilespmem:v3+s18+$0x0 ss:$0x1] =	vst.idx.msk $0xffff, v1;
	v1 =	vld.idx.msk [tilespmem:v0+s22+$0x0 ss:$0x1], $0xffff;
	(pc) =	sbr.rel @p1 .LBB2_4-.Ltmp5, $4  }
0x56: {  	s18 =	smov.u32 s22;
	[tilespmem:v3+s17+$0x0 ss:$0x1] =	vst.idx.msk $0xffff, v2;
	v2 =	vld.idx.msk [tilespmem:v0+s25+$0x0 ss:$0x1], $0xffff;
	s17 =	smov.u32 s25  }
0x57: {  	[tilespmem:v3+s16+$0x0 ss:$0x1] =	vst.idx.msk $0xffff, v4;
	v4 =	vld.idx.msk [tilespmem:v0+s23+$0x0 ss:$0x1], $0xffff;
	s16 =	smov.u32 s23  }
0x58: {  	[tilespmem:v3+s19+$0x0 ss:$0x1] =	vst.idx.msk $0xffff, v5;
	v5 =	vld.idx.msk [tilespmem:v0+s24+$0x0 ss:$0x1], $0xffff;
	s19 =	smov.u32 s24  }
0x59: {  	s21 =	sadd.s32 $0x40, s21  }
.Ltmp6:
0x5a: {  	_ = 	snop;
	(pc) =	sbr.rel .LBB2_5-.Ltmp6, $1  }
0x5b: {  	_ =	sdelay $0x3  }
.LBB2_8:
0x5c: {  	_ =	sfence.sel $0x180000  }
0x5d: {  	s2 =	simm.s32 $0x1;
	[bflag:$0x0] =	sbarrier.arrive $0xFFFF  }
0x5e: {  	s31 =	simm.s32 $0x2;
	[sflag:s2] =	ssyncpa.u1 $0x1  }
0x5f: {  	[sflag:s31] =	ssyncpa.u1 $0x1  }
0x60: {  	_ =	strace $0x9000004D  }
0x61: {  	s0 =	sadd.s32 @!p0 $0x100000, s0;
	[bflag:$0x2] =	sbarrier.arrive $0xFFFF  }
0x62: {  	[sflag:s0] =	ssyncadd.tile.s32 @!p0 $0x1;
	s0 =	simm.s32 @!p0 $0x3F  }
0x63: {  	_ =	swait.ge @!p0 [sflag:s0], s1  }
0x64: {  	s1 =	ssub.s32 @!p0 $0x0, s1;
	[sflag:s0] =	ssyncset.done @!p0 $0x0  }
0x65: {  	[sflag:s0] =	ssyncadd.s32 @!p0 s1  }
0x66: {  	[bflag:$0x3] =	sbarrier.arrive $0xFFFF  }
0x67: {  	_ =	shalt  }
.Lfunc_end2:
execute1_lowered:
.L_overlay_start_2:
0x68: {  	(tag) =	ssettag $0x2  }
0x69: {  	s2 =	rddreg [dreg:$0x0]  }
0x6a: {  	s4 =	rddreg [dreg:$0x1];
	_ =	strace $0x80000050;
	s0 =	simm.s32 $0x1  }
0x6b: {  	s3 =	simm.s32 $0x88;
	v0 =	vimm.s32 $0x0;
	[sflag:s0] =	ssyncpa.u1 $0x0  }
0x6c: {  	s1 =	sadd.s32 $0x4EE00, s2;
	[tilespmem:s3+$0x30] =	vst v0  }
0x6d: {  	s0 =	sadd.s32 $0x57FC00, s2;
	s6 =	sadd.s32 $0xA75A00, s2;
	[tilespmem:s3+$0x20] =	vst v0  }
0x6e: {  	s2 =	sadd.s32 $0x589A00, s2;
	s7 =	sand.u32 $0x1, s4;
	s4 =	simm.s32 $0x40;
	[tilespmem:s3+$0x10] =	vst v0  }
.LBB3_1:
0x6f: {  	s4 =	sadd.s32 $0x40, s4  }
0x70: {  	[tilespmem:s3+$0x0] =	vst v0;
	s3 =	sadd.s32 $0x40, s3;
	p0 =	slt.u32 s4, $0x5040  }
.Ltmp7:
0x71: {  	(pc) =	sbr.rel @p0 .LBB3_1-.Ltmp7, $4  }
0x72: {  	_ = 	snop  }
0x73: {  	[tilespmem:s3+$0x30] =	vst v0  }
0x74: {  	[tilespmem:s3+$0x20] =	vst v0  }
0x75: {  	[tilespmem:s3+$0x10] =	vst v0  }
0x76: {  	s8 =	stileid.u32  }
0x77: {  	s4 =	smul.u32 $0x1F, s8  }
0x78: {  	s5 =	smin.u32 s8, $0x4  }
0x79: {  	s4 =	sadd.s32 s5, s4  }
0x7a: {  	p0 =	slt.u32 s8, $0x4;
	s12 =	smul.u32 $0x140, s4;
	s4 =	simm.s32 $0x2800  }
0x7b: {  	s4 =	simm.s32 @!p0 $0x26C0  }
0x7c: {  	s25 =	simm.s32 $0x2;
	s4 =	sadd.s32 s4, s12  }
0x7d: {  	s28 =	simm.s32 $0x9;
	s9 =	simm.s32 $0xA;
	s14 =	smin.u32 s4, $0x27100  }
0x7e: {  	s30 =	simm.s32 $0xB;
	[dreg:$0x4] =	wrdreg s7;
	s4 =	ssub.s32 s14, s12  }
0x7f: {  	s31 =	smul.u32 $0x4E20, s7;
	s13 =	simm.s32 $0x1;
	p0 =	sgt.s32 s4, $0x0  }
0x80: {  	s19 =	simm.s32 $0x0;
	s20 =	simm.s32 $0xA808;
	s4 =	simm.s32 @!p0 $0x0  }
0x81: {  	s21 =	simm.s32 $0xFFFFFFFF;
	p1 =	por $0x0, $0x0;
	s26 =	smulhi.u32 $0x66666667, s4  }
0x82: {  	[tilespmem:s3+$0x0] =	vst v0;
	s23 =	simm.s32 $0x0;
	[sflag:s25] =	ssyncpa.u1 $0x0;
	s18 =	sshll.u32 s8, $0x7  }
0x83: {  	s0 =	sadd.s32 s31, s0;
	[dreg:$0xa] =	wrdreg s18;
	s3 =	sshrl.u32 s26, $0x7  }
0x84: {  	v0 =	vimm.s32 $0xFFFFFFFF;
	s17 =	sadd.s32 s31, s2;
	[dreg:$0x9] =	wrdreg s0;
	s29 =	smul.u32 $0x140, s3  }
0x85: {  	s25 =	simm.s32 $0x0;
	[tilespmem:$0xA108] =	vst v0;
	[sflag:s28] =	ssyncpa.u1 $0x0;
	[dreg:$0x8] =	wrdreg s17  }
.Ltmp8:
0x86: {  	p0 =	sne.s32 s4, s29;
	s4 =	simm.s32 $0x1;
	(pc) =	sbr.rel .LBB3_3-.Ltmp8, $4  }
0x87: {  	[sflag:s9] =	ssyncpa.u1 $0x0;
	[dreg:$0x5] =	wrdreg s12;
	s4 =	simm.s32 @!p0 $0x0  }
0x88: {  	[sflag:s30] =	ssyncpa.u1 $0x0;
	[dreg:$0x6] =	wrdreg s14;
	s15 =	sadd.s32 s4, s3  }
0x89: {  	s24 =	smov.u32 s12;
	s22 =	sadd.s32 $0x1, s15;
	[dreg:$0x7] =	wrdreg s15  }
0x8a: {  	v0 =	vlaneseq.u32;
	s26 =	simm.s32 $0x0;
	p0 =	por $0x1, $0x1;
	[dreg:$0xb] =	wrdreg s22  }
.LBB3_22:
0x8b: {  	s0 =	sshrl.u32 s2, $0x2  }
.LBB3_24:
0x8c: {  	s2 =	simm.s32 $0xC  }
0x8d: {  	_ =	swait.ge [sflag:s2], s0  }
0x8e: {  	s31 =	ssub.s32 $0x0, s0;
	v1 =	vmov s4;
	vm0 =	veq.s32 v0, $0x0;
	[sflag:s2] =	ssyncset.done $0x0  }
0x8f: {  	vm15 =	veq.s32 v0, $0x2;
	v1 =	vsel vm0, s5, v1;
	[sflag:s2] =	ssyncadd.s32 s31  }
0x90: {  	v1 =	vsel vm15, s26, v1;
	[sflag:s2] =	ssyncpa.u1 $0x1  }
0x91: {  	[tilespmem:$0xA108] =	vst v1  }
.LBB3_25:
0x92: {  	s0 =	sadd.s32 $0x140, s24  }
0x93: {  	s2 =	smov.u32 s12;
	p2 =	slt.s32 s0, s14  }
0x94: {  	s2 =	smov.u32 @p2 s0;
	p2 =	sne.s32 s25, s22  }
.Ltmp9:
0x95: {  	_ = 	snop;
	(pc) =	sbr.rel @!p2 .LBB3_26-.Ltmp9, $4  }
0x96: {  	_ = 	snop  }
0x97: {  	s26 =	smov.u32 s23;
	s31 =	sadd.s32 $0x1, s25;
	p0 =	por !p0, !p0  }
0x98: {  	s23 =	smov.u32 s24;
	s20 =	sadd.s32 $0x140, s20;
	s21 =	sadd.s32 $0x1, s21  }
0x99: {  	p1 =	por !p1, !p1;
	s25 =	smov.u32 s31;
	s24 =	smov.u32 s2  }
.LBB3_3:
0x9a: {  	p2 =	sge.u32 s25, s15  }
0x9b: {  	s0 =	smulhi.u32 @!p2 $0xAAAAAAAB, s25  }
0x9c: {  	s2 =	smov.u32 s24;
	p3 =	sgt.s32 @!p2 s24, $0x26FC0  }
0x9d: {  	s3 =	sshra.s32 @!p2 s24, $0x1F;
	p3 =	por !p3, p2;
	s0 =	sshrl.u32 @!p2 s0, $0x1  }
0x9e: {  	s3 =	sand.u32 @!p2 s3, s24;
	s2 =	simm.s32 @p3 $0x26FC0;
	s0 =	smul.u32 @!p2 $0x3, s0  }
0x9f: {  	s2 =	ssub.s32 @!p2 s2, s3  }
0xa0: {  	s2 =	sadd.s32 @!p2 $0xFFFD9040, s2;
	s0 =	ssub.s32 @!p2 s25, s0  }
0xa1: {  	s3 =	sshll.u32 @!p2 s2, $0x2;
	p3 =	sgt.s32 @!p2 s2, $0x13F;
	s0 =	smul.u32 @!p2 $0x500, s0  }
0xa2: {  	s4 =	sand.u32 @!p2 $0x7, s24;
	s2 =	ssub.s32 @!p2 $0x500, s3;
	p3 =	por !p3, p2  }
0xa3: {  	s3 =	sshrl.u32 @!p2 s24, $0x3;
	s2 =	sshrl.u32 @!p2 s2, $0x2;
	s0 =	sshrl.u32 @!p2 s0, $0x2  }
0xa4: {  	s3 =	sadd.s32 @!p2 s3, s17;
	s2 =	simm.s32 @!p3 $0x0;
	s0 =	sadd.s32 @!p2 $0xA948, s0  }
0xa5: {  	[tilespmem:s0], [sflag:$0xA] =	stream.linear.gather @!p2 [hbm4b:s3+s4], s2, $0x38;
	[tilespmem:$0x1EF88] =	vst v63  }
0xa6: {  	s0 =	sadd.s32 $0xFFFFFFFF, s25  }
0xa7: {  	p2 =	sge.u32 s0, s15  }
.Ltmp10:
0xa8: {  	_ = 	snop;
	(pc) =	sbr.rel @p2 .LBB3_7-.Ltmp10, $1  }
0xa9: {  	_ =	sdelay $0x3  }
0xaa: {  	p2 =	sgt.s32 s23, $0x26FC0;
	s2 =	smov.u32 s23;
	s3 =	sshra.s32 s23, $0x1F  }
0xab: {  	s2 =	simm.s32 @!p2 $0x26FC0;
	s3 =	sand.u32 s3, s23  }
0xac: {  	s2 =	ssub.s32 s2, s3  }
0xad: {  	s17 =	smulhi.u32 $0xAAAAAAAB, s21;
	s0 =	sand.u32 $0x1, s0;
	s2 =	sadd.s32 $0xFFFD9040, s2  }
0xae: {  	s5 =	simm.s32 $0xA;
	s22 =	sshrl.u32 s23, $0x3;
	s4 =	sshll.u32 s2, $0x2  }
0xaf: {  	s0 =	smul.u32 $0x500, s0;
	s3 =	sshrl.u32 s17, $0x1;
	s4 =	ssub.s32 $0x500, s4  }
0xb0: {  	s3 =	smul.u32 $0xFFFFF100, s3;
	p2 =	sgt.s32 s2, $0x13F;
	s2 =	sshrl.u32 s4, $0x2  }
0xb1: {  	s7 =	sand.u32 $0x7, s23;
	s0 =	sshrl.u32 s0, $0x2;
	s2 =	simm.s32 @p2 $0x0  }
0xb2: {  	s0 =	sadd.s32 $0xAD08, s0;
	s3 =	sshra.s32 s3, $0x2;
	_ =	swait.ge [sflag:s5], s2  }
0xb3: {  	s18 =	ssub.s32 $0x0, s2;
	[sflag:s5] =	ssyncset.done $0x0;
	s31 =	rddreg [dreg:$0x9]  }
0xb4: {  	s4 =	sadd.s32 s3, s20;
	[sflag:s5] =	ssyncadd.s32 s18;
	s3 =	sadd.s32 s22, s31  }
0xb5: {  	[tilespmem:s0], [sflag:$0xB] =	stream.linear.gather [hbm4b:s3+s7], s2, $0x38;
	[tilespmem:$0x1EF88] =	vst v63  }
0xb6: {  	v1 =	vld.msk [tilespmem:s4+$0x0], $0xffff;
	_ =	sdelay $0x4  }
0xb7: {  	v1 =	vshll.u32 v1, $0x4  }
0xb8: {  	(v2sf) =	vpush v1, $0x0;
	_ =	sdelay $0x1  }
0xb9: {  	(v2sf) =	vpush v1, $0x1  }
0xba: {  	(v2sf) =	vpush v1, $0x2;
	_ =	sdelay $0x1  }
0xbb: {  	(v2sf) =	vpush v1, $0x3  }
0xbc: {  	(v2sf) =	vpush v1, $0x4;
	_ =	sdelay $0x1  }
0xbd: {  	(v2sf) =	vpush v1, $0x5  }
0xbe: {  	s0 =	simm.s32 $0x1  }
0xbf: {  	s0 =	simm.s32 @!p0 $0x0  }
0xc0: {  	s0 =	smul.u32 $0x28000, s0  }
0xc1: {  	(v2sf) =	vpush v1, $0x6  }
0xc2: {  	s0 =	sshrl.u32 s0, $0x2  }
0xc3: {  	s28 =	sadd.s32 $0xB708, s0  }
0xc4: {  	s10 =	sadd.s32 $0xFFFFF880, s28;
	s15 =	sadd.s32 $0xFFFFF900, s28;
	s8 =	spop (v2sf)  }
0xc5: {  	s16 =	sadd.s32 $0xFFFFF980, s28;
	s31 =	sadd.s32 $0xFFFFFA00, s28;
	(v2sf) =	vpush v1, $0x7;
	s9 =	sand.u32 $0x1FFFFFF0, s8  }
0xc6: {  	s3 =	sadd.s32 $0xFFFFFA80, s28;
	s11 =	spop (v2sf);
	s0 =	sadd.s32 s6, s9  }
0xc7: {  	(v2sf) =	vpush v1, $0x8;
	s12 =	sand.u32 $0x1FFFFFF0, s11;
	s14 =	spop (v2sf);
	s9 =	sadd.s32 $0xFFFFFB00, s28  }
0xc8: {  	(v2sf) =	vpush v1, $0x9;
	[tilespmem:s10], [sflag:$0x9] =	stream.linear.gather [hbm4b:s0+s19], $0x40, $0x38;
	[tilespmem:$0x1EF88] =	vst v63  }
0xc9: {  	s0 =	sadd.s32 s6, s12;
	s2 =	sand.u32 $0x1FFFFFF0, s14;
	s17 =	spop (v2sf)  }
0xca: {  	(v2sf) =	vpush v1, $0xA;
	s10 =	sadd.s32 $0xFFFFFB80, s28;
	s18 =	sand.u32 $0x1FFFFFF0, s17;
	s22 =	spop (v2sf)  }
0xcb: {  	[tilespmem:s15], [sflag:$0x9] =	stream.linear.gather [hbm4b:s0+s19], $0x40, $0x38;
	[tilespmem:$0x1EF88] =	vst v63  }
0xcc: {  	s2 =	sadd.s32 s6, s2;
	(v2sf) =	vpush v1, $0xB;
	s0 =	sadd.s32 s6, s18;
	s5 =	spop (v2sf)  }
0xcd: {  	[tilespmem:s16], [sflag:$0x9] =	stream.linear.gather [hbm4b:s2+s19], $0x40, $0x38;
	[tilespmem:$0x1EF88] =	vst v63  }
0xce: {  	(v2sf) =	vpush v1, $0xC;
	s15 =	sadd.s32 $0xFFFFFC00, s28;
	s7 =	sand.u32 $0x1FFFFFF0, s5;
	s2 =	sand.u32 $0x1FFFFFF0, s22  }
0xcf: {  	[tilespmem:s31], [sflag:$0x9] =	stream.linear.gather [hbm4b:s0+s19], $0x40, $0x38;
	[tilespmem:$0x1EF88] =	vst v63  }
0xd0: {  	s8 =	spop (v2sf);
	(v2sf) =	vpush v1, $0xD;
	s5 =	sadd.s32 $0xFFFFFD80, s28;
	s2 =	sadd.s32 s6, s2  }
0xd1: {  	[tilespmem:s3], [sflag:$0x9] =	stream.linear.gather [hbm4b:s2+s19], $0x40, $0x38;
	[tilespmem:$0x1EF88] =	vst v63  }
0xd2: {  	s16 =	sadd.s32 $0xFFFFFC80, s28;
	s0 =	sadd.s32 s6, s7;
	s2 =	sand.u32 $0x1FFFFFF0, s8  }
0xd3: {  	[tilespmem:s9], [sflag:$0x9] =	stream.linear.gather [hbm4b:s0+s19], $0x40, $0x38;
	[tilespmem:$0x1EF88] =	vst v63  }
0xd4: {  	s31 =	sadd.s32 $0xFFFFFD00, s28;
	s2 =	sadd.s32 s6, s2;
	s11 =	spop (v2sf);
	(v2sf) =	vpush v1, $0xE  }
0xd5: {  	[tilespmem:s10], [sflag:$0x9] =	stream.linear.gather [hbm4b:s2+s19], $0x40, $0x38;
	[tilespmem:$0x1EF88] =	vst v63  }
0xd6: {  	s10 =	sadd.s32 $0xFFFFFE00, s28;
	s12 =	sand.u32 $0x1FFFFFF0, s11;
	s14 =	spop (v2sf);
	(v2sf) =	vpush v1, $0xF  }
0xd7: {  	s0 =	sadd.s32 s6, s12;
	s2 =	sand.u32 $0x1FFFFFF0, s14;
	s17 =	spop (v2sf)  }
0xd8: {  	[tilespmem:s15], [sflag:$0x9] =	stream.linear.gather [hbm4b:s0+s19], $0x40, $0x38;
	[tilespmem:$0x1EF88] =	vst v63  }
0xd9: {  	s2 =	sadd.s32 s6, s2;
	s18 =	sand.u32 $0x1FFFFFF0, s17;
	s22 =	spop (v2sf)  }
0xda: {  	[tilespmem:s16], [sflag:$0x9] =	stream.linear.gather [hbm4b:s2+s19], $0x40, $0x38;
	[tilespmem:$0x1EF88] =	vst v63  }
0xdb: {  	s0 =	sadd.s32 s6, s18;
	s7 =	spop (v2sf);
	s2 =	sand.u32 $0x1FFFFFF0, s22  }
0xdc: {  	[tilespmem:s31], [sflag:$0x9] =	stream.linear.gather [hbm4b:s0+s19], $0x40, $0x38;
	[tilespmem:$0x1EF88] =	vst v63  }
0xdd: {  	s8 =	sand.u32 $0x1FFFFFF0, s7;
	s9 =	spop (v2sf);
	s2 =	sadd.s32 s6, s2  }
0xde: {  	[tilespmem:s5], [sflag:$0x9] =	stream.linear.gather [hbm4b:s2+s19], $0x40, $0x38;
	[tilespmem:$0x1EF88] =	vst v63  }
0xdf: {  	s12 =	spop (v2sf);
	s0 =	sadd.s32 s6, s8;
	s2 =	sand.u32 $0x1FFFFFF0, s9  }
0xe0: {  	[tilespmem:s10], [sflag:$0x9] =	stream.linear.gather [hbm4b:s0+s19], $0x40, $0x38;
	[tilespmem:$0x1EF88] =	vst v63  }
0xe1: {  	s11 =	sadd.s32 $0xFFFFFE80, s28;
	s14 =	sand.u32 $0x1FFFFFF0, s12;
	s2 =	sadd.s32 s6, s2  }
0xe2: {  	[tilespmem:s11], [sflag:$0x9] =	stream.linear.gather [hbm4b:s2+s19], $0x40, $0x38;
	[tilespmem:$0x1EF88] =	vst v63  }
0xe3: {  	s16 =	sadd.s32 $0xFFFFFF00, s28;
	s0 =	sadd.s32 s6, s14;
	s15 =	spop (v2sf)  }
0xe4: {  	[tilespmem:s16], [sflag:$0x9] =	stream.linear.gather [hbm4b:s0+s19], $0x40, $0x38;
	[tilespmem:$0x1EF88] =	vst v63  }
0xe5: {  	s30 =	sadd.s32 $0x10, s4;
	s2 =	sand.u32 $0x1FFFFFF0, s15;
	s17 =	spop (v2sf)  }
0xe6: {  	s22 =	sadd.s32 $0xFFFFFF80, s28;
	s18 =	sadd.s32 s6, s2;
	s31 =	sand.u32 $0x1FFFFFF0, s17  }
0xe7: {  	[tilespmem:s22], [sflag:$0x9] =	stream.linear.gather [hbm4b:s18+s19], $0x40, $0x38;
	[tilespmem:$0x1EF88] =	vst v63  }
0xe8: {  	s29 =	sadd.s32 $0x800, s28;
	s0 =	simm.s32 $0x0;
	s2 =	sadd.s32 s6, s31  }
.LBB3_5:
0xe9: {  	[tilespmem:s28], [sflag:$0x9] =	stream.linear.gather [hbm4b:s2+s19], $0x40, $0x38;
	[tilespmem:$0x1EF88] =	vst v63  }
0xea: {  	s0 =	sadd.s32 $0x10, s0;
	s28 =	smov.u32 s29  }
0xeb: {  	p2 =	slt.u32 s0, $0x130;
	v1 =	vld.msk [tilespmem:s30+$0x0], $0xffff;
	_ =	sdelay $0x4  }
0xec: {  	v1 =	vshll.u32 v1, $0x4  }
0xed: {  	(v2sf) =	vpush v1, $0x0  }
0xee: {  	(v2sf) =	vpush v1, $0x1  }
0xef: {  	(v2sf) =	vpush v1, $0x2;
	_ =	sdelay $0x1  }
0xf0: {  	(v2sf) =	vpush v1, $0x3;
	_ =	sdelay $0x1  }
0xf1: {  	(v2sf) =	vpush v1, $0x4;
	_ =	sdelay $0x1  }
0xf2: {  	(v2sf) =	vpush v1, $0x5;
	_ =	sdelay $0x1  }
0xf3: {  	(v2sf) =	vpush v1, $0x6  }
0xf4: {  	s31 =	sadd.s32 $0xFFFFFE80, s29;
	s4 =	sadd.s32 $0xFFFFFF00, s29  }
0xf5: {  	s3 =	sadd.s32 $0xFFFFFD00, s29;
	s2 =	sadd.s32 $0xFFFFFD80, s29;
	s5 =	sadd.s32 $0xFFFFFE00, s29;
	(v2sf) =	vpush v1, $0x7  }
0xf6: {  	s10 =	sadd.s32 $0xFFFFFB80, s29;
	s9 =	sadd.s32 $0xFFFFFC00, s29;
	s16 =	sadd.s32 $0xFFFFFC80, s29  }
0xf7: {  	s11 =	sadd.s32 $0xFFFFFA00, s29;
	s12 =	sadd.s32 $0xFFFFFA80, s29;
	s15 =	sadd.s32 $0xFFFFFB00, s29;
	(v2sf) =	vpush v1, $0x8  }
0xf8: {  	s18 =	sadd.s32 $0xFFFFF900, s29;
	s7 =	sadd.s32 $0xFFFFF980, s29;
	s22 =	spop (v2sf)  }
0xf9: {  	s8 =	sadd.s32 $0xFFFFF880, s29;
	s22 =	sand.u32 $0x1FFFFFF0, s22;
	s14 =	spop (v2sf);
	(v2sf) =	vpush v1, $0x9  }
0xfa: {  	s22 =	sadd.s32 s6, s22;
	s14 =	sand.u32 $0x1FFFFFF0, s14;
	s17 =	spop (v2sf)  }
0xfb: {  	[tilespmem:s8], [sflag:$0x9] =	stream.linear.gather [hbm4b:s22+s19], $0x40, $0x38;
	(v2sf) =	vpush v1, $0xA;
	[tilespmem:$0x1EF88] =	vst v63  }
0xfc: {  	s8 =	sadd.s32 s6, s14;
	s14 =	sand.u32 $0x1FFFFFF0, s17;
	s17 =	spop (v2sf)  }
0xfd: {  	[tilespmem:s18], [sflag:$0x9] =	stream.linear.gather [hbm4b:s8+s19], $0x40, $0x38;
	(v2sf) =	vpush v1, $0xB;
	[tilespmem:$0x1EF88] =	vst v63  }
0xfe: {  	s8 =	sadd.s32 s6, s14;
	s14 =	sand.u32 $0x1FFFFFF0, s17;
	s17 =	spop (v2sf)  }
0xff: {  	[tilespmem:s7], [sflag:$0x9] =	stream.linear.gather [hbm4b:s8+s19], $0x40, $0x38;
	(v2sf) =	vpush v1, $0xC;
	[tilespmem:$0x1EF88] =	vst v63  }
0x100: {  	s7 =	sadd.s32 s6, s14;
	s8 =	sand.u32 $0x1FFFFFF0, s17;
	s14 =	spop (v2sf)  }
0x101: {  	[tilespmem:s11], [sflag:$0x9] =	stream.linear.gather [hbm4b:s7+s19], $0x40, $0x38;
	(v2sf) =	vpush v1, $0xD;
	[tilespmem:$0x1EF88] =	vst v63  }
0x102: {  	s7 =	sadd.s32 s6, s8;
	s8 =	sand.u32 $0x1FFFFFF0, s14;
	s11 =	spop (v2sf)  }
0x103: {  	[tilespmem:s12], [sflag:$0x9] =	stream.linear.gather [hbm4b:s7+s19], $0x40, $0x38;
	(v2sf) =	vpush v1, $0xE;
	[tilespmem:$0x1EF88] =	vst v63  }
0x104: {  	s7 =	sadd.s32 s6, s8;
	s8 =	sand.u32 $0x1FFFFFF0, s11;
	s11 =	spop (v2sf)  }
0x105: {  	[tilespmem:s15], [sflag:$0x9] =	stream.linear.gather [hbm4b:s7+s19], $0x40, $0x38;
	(v2sf) =	vpush v1, $0xF;
	[tilespmem:$0x1EF88] =	vst v63  }
0x106: {  	s7 =	sadd.s32 s6, s8;
	s8 =	sand.u32 $0x1FFFFFF0, s11;
	s11 =	spop (v2sf)  }
0x107: {  	[tilespmem:s10], [sflag:$0x9] =	stream.linear.gather [hbm4b:s7+s19], $0x40, $0x38;
	[tilespmem:$0x1EF88] =	vst v63  }
0x108: {  	s7 =	sadd.s32 s6, s8;
	s8 =	sand.u32 $0x1FFFFFF0, s11;
	s10 =	spop (v2sf)  }
0x109: {  	[tilespmem:s9], [sflag:$0x9] =	stream.linear.gather [hbm4b:s7+s19], $0x40, $0x38;
	[tilespmem:$0x1EF88] =	vst v63  }
0x10a: {  	s7 =	sadd.s32 s6, s8;
	s8 =	sand.u32 $0x1FFFFFF0, s10;
	s9 =	spop (v2sf)  }
0x10b: {  	[tilespmem:s16], [sflag:$0x9] =	stream.linear.gather [hbm4b:s7+s19], $0x40, $0x38;
	[tilespmem:$0x1EF88] =	vst v63  }
0x10c: {  	s7 =	sadd.s32 s6, s8;
	s8 =	sand.u32 $0x1FFFFFF0, s9;
	s9 =	spop (v2sf)  }
0x10d: {  	[tilespmem:s3], [sflag:$0x9] =	stream.linear.gather [hbm4b:s7+s19], $0x40, $0x38;
	[tilespmem:$0x1EF88] =	vst v63  }
0x10e: {  	s3 =	sadd.s32 s6, s8;
	s7 =	sand.u32 $0x1FFFFFF0, s9;
	s8 =	spop (v2sf)  }
0x10f: {  	[tilespmem:s2], [sflag:$0x9] =	stream.linear.gather [hbm4b:s3+s19], $0x40, $0x38;
	[tilespmem:$0x1EF88] =	vst v63  }
0x110: {  	s2 =	sadd.s32 s6, s7;
	s3 =	sand.u32 $0x1FFFFFF0, s8;
	s7 =	spop (v2sf)  }
0x111: {  	[tilespmem:s5], [sflag:$0x9] =	stream.linear.gather [hbm4b:s2+s19], $0x40, $0x38;
	[tilespmem:$0x1EF88] =	vst v63  }
0x112: {  	s2 =	sadd.s32 s6, s3;
	s3 =	sand.u32 $0x1FFFFFF0, s7;
	s5 =	spop (v2sf)  }
0x113: {  	[tilespmem:s31], [sflag:$0x9] =	stream.linear.gather [hbm4b:s2+s19], $0x40, $0x38;
	[tilespmem:$0x1EF88] =	vst v63  }
0x114: {  	s2 =	sadd.s32 s6, s3  }
.Ltmp11:
0x115: {  	s3 =	sand.u32 $0x1FFFFFF0, s5;
	s5 =	spop (v2sf);
	(pc) =	sbr.rel @p2 .LBB3_5-.Ltmp11, $4  }
0x116: {  	[tilespmem:s4], [sflag:$0x9] =	stream.linear.gather [hbm4b:s2+s19], $0x40, $0x38;
	[tilespmem:$0x1EF88] =	vst v63  }
0x117: {  	s2 =	sadd.s32 s6, s3;
	s3 =	sadd.s32 $0xFFFFFF80, s29;
	s4 =	sand.u32 $0x1FFFFFF0, s5  }
0x118: {  	[tilespmem:s3], [sflag:$0x9] =	stream.linear.gather [hbm4b:s2+s19], $0x40, $0x38;
	[tilespmem:$0x1EF88] =	vst v63  }
0x119: {  	s30 =	sadd.s32 $0x10, s30;
	s29 =	sadd.s32 $0x800, s29;
	s2 =	sadd.s32 s6, s4  }
0x11a: {  	[tilespmem:s28], [sflag:$0x9] =	stream.linear.gather [hbm4b:s2+s19], $0x40, $0x38;
	[tilespmem:$0x1EF88] =	vst v63  }
0x11b: {  	s12 =	rddreg [dreg:$0x5]  }
0x11c: {  	s14 =	rddreg [dreg:$0x6]  }
0x11d: {  	s15 =	rddreg [dreg:$0x7]  }
0x11e: {  	s17 =	rddreg [dreg:$0x8]  }
0x11f: {  	s18 =	rddreg [dreg:$0xa]  }
0x120: {  	s22 =	rddreg [dreg:$0xb]  }
.LBB3_7:
0x121: {  	p2 =	slt.u32 s25, $0x2  }
.Ltmp12:
0x122: {  	_ = 	snop;
	(pc) =	sbr.rel @p2 .LBB3_25-.Ltmp12, $1  }
0x123: {  	_ =	sdelay $0x3  }
0x124: {  	p2 =	sgt.s32 s26, $0x26FC0;
	s0 =	smov.u32 s26;
	s2 =	sshra.s32 s26, $0x1F  }
0x125: {  	s0 =	simm.s32 @!p2 $0x26FC0;
	s2 =	sand.u32 s2, s26  }
0x126: {  	s0 =	ssub.s32 s0, s2  }
0x127: {  	s0 =	sadd.s32 $0xFFFD9040, s0  }
0x128: {  	s3 =	simm.s32 $0x9;
	s29 =	sshll.u32 s0, $0x2  }
0x129: {  	_ =	swait.ge [sflag:s3], $0x5000;
	s2 =	ssub.s32 $0x500, s29  }
0x12a: {  	[sflag:s3] =	ssyncset.done $0x0;
	p2 =	sgt.s32 s0, $0x13F;
	s0 =	sshrl.u32 s2, $0x2  }
0x12b: {  	s30 =	simm.s32 $0xB;
	[sflag:s3] =	ssyncadd.s32 $0xFFFFB000;
	s0 =	simm.s32 @p2 $0x0  }
0x12c: {  	_ =	swait.ge [sflag:s30], s0  }
0x12d: {  	s0 =	ssub.s32 $0x0, s0;
	[sflag:s30] =	ssyncset.done $0x0  }
0x12e: {  	[sflag:s30] =	ssyncadd.s32 s0  }
0x12f: {  	v1 =	vld [tilespmem:$0xA108];
	_ =	sdelay $0x4  }
0x130: {  	(v2sf) =	vpush v1, $0x0  }
0x131: {  	(v2sf) =	vpush v1, $0x1  }
0x132: {  	(v2sf) =	vpush v1, $0x2;
	_ =	sdelay $0x3  }
0x133: {  	s0 =	sadd.s32 $0x140, s26  }
0x134: {  	s4 =	ssub.s32 $0x4E200, s26;
	p2 =	slt.s32 s14, s0  }
0x135: {  	s0 =	smov.u32 @p2 s14;
	p2 =	sgt.s32 s4, $0x0  }
0x136: {  	s0 =	ssub.s32 s0, s26;
	s4 =	simm.s32 @!p2 $0x0  }
0x137: {  	p2 =	slt.s32 s4, s0  }
0x138: {  	s0 =	smov.u32 @p2 s4  }
0x139: {  	s2 =	simm.s32 $0x1;
	p2 =	slt.s32 s0, $0x1  }
.Ltmp13:
0x13a: {  	s2 =	simm.s32 @!p1 $0x0;
	(pc) =	sbr.rel @p2 .LBB3_12-.Ltmp13, $4  }
0x13b: {  	s7 =	smul.u32 $0x500, s2  }
0x13c: {  	s3 =	spop (v2sf)  }
0x13d: {  	s31 =	sshrl.u32 s7, $0x2;
	s5 =	spop (v2sf)  }
0x13e: {  	s28 =	sadd.s32 $0xAD08, s31;
	s26 =	spop (v2sf)  }
0x13f: {  	s4 =	smin.u32 s0, $0x10  }
0x140: {  	v1 =	vmov s4  }
0x141: {  	p3 =	sgt.s32 s0, $0x10;
	vm1 =	vgt.u32 v1, v0  }
.Ltmp14:
0x142: {  	_ = 	snop;
	(pc) =	sbr.rel @!p3 .LBB3_11-.Ltmp14, $2  }
0x143: {  	_ =	sdelay $0x2  }
0x144: {  	s9 =	simm.s32 $0x10;
	s10 =	sadd.s32 $0xFFFFFFF0, s0;
	s4 =	smov.u32 s28;
	vm0 =	vmmov vm1  }
.LBB3_10:
0x145: {  	s7 =	smin.u32 s10, $0x10;
	s9 =	sadd.s32 $0x10, s9;
	v1 =	vld.msk [tilespmem:s4+$0x0 ss:$0x1], vm1  }
0x146: {  	v2 =	vmov s7;
	p3 =	slt.s32 s9, s0  }
0x147: {  	vm1 =	vgt.u32 v2, v0  }
.Ltmp15:
0x148: {  	(pc) =	sbr.rel @p3 .LBB3_10-.Ltmp15, $3  }
0x149: {  	_ =	sdelay $0x1  }
0x14a: {  	v1 =	vshll.u32 v1, $0x4  }
0x14b: {  	s10 =	sadd.s32 $0xFFFFFFF0, s10;
	[tilespmem:s4+$0x0] =	vst.msk vm0, v1;
	s4 =	sadd.s32 $0x10, s4;
	vm0 =	vmmov vm1  }
.LBB3_11:
0x14c: {  	_ =	sdelay $0x4  }
0x14d: {  	v1 =	vld.msk [tilespmem:s4+$0x0 ss:$0x1], vm1;
	_ =	sdelay $0x4  }
0x14e: {  	v1 =	vshll.u32 v1, $0x4  }
0x14f: {  	[tilespmem:s4+$0x0] =	vst.msk vm0, v1  }
.LBB3_12:
0x150: {  	s4 =	sand.u32 $0x1, s25  }
0x151: {  	s7 =	smul.u32 $0xA000, s4  }
0x152: {  	p3 =	sne.s32 s5, $0xFFFFFFFF;
	s4 =	smul.u32 $0x140, s4  }
0x153: {  	v1 =	vld @!p3 [tilespmem:s7+$0xAF88]  }
0x154: {  	v2 =	vld.msk @!p3 [tilespmem:s4+$0xAD08], $0x1;
	_ =	sdelay $0x3  }
0x155: {  	[tilespmem:$0x88] =	vst @!p3 v1  }
0x156: {  	(v2sf) =	vpush @!p3 v2, $0x0;
	v1 =	vld @!p3 [tilespmem:s7+$0xAF98];
	_ =	sdelay $0x4  }
0x157: {  	[tilespmem:$0x98] =	vst @!p3 v1  }
0x158: {  	v1 =	vld @!p3 [tilespmem:s7+$0xAFA8];
	_ =	sdelay $0x4  }
0x159: {  	[tilespmem:$0xA8] =	vst @!p3 v1  }
0x15a: {  	v1 =	vld @!p3 [tilespmem:s7+$0xAFB8]  }
.Ltmp16:
0x15b: {  	_ = 	snop;
	(pc) =	sbr.rel @p2 .LBB3_23-.Ltmp16, $4  }
0x15c: {  	_ = 	snop  }
0x15d: {  	s29 =	spop @!p3 (v2sf)  }
0x15e: {  	s31 =	simm.s32 $0xC;
	s26 =	simm.s32 @!p3 $0x0;
	s4 =	smov.u32 s29  }
0x15f: {  	s29 =	smov.u32 @p3 s3;
	s4 =	smov.u32 @p3 s5;
	[tilespmem:$0xB8] =	vst @!p3 v1;
	[sflag:s31] =	ssyncpa.u1 $0x0  }
0x160: {  	v1 =	vld.msk [tilespmem:s28+$0x0], $0x1;
	_ =	sdelay $0x4  }
0x161: {  	(v2sf) =	vpush v1, $0x0;
	_ =	sdelay $0xe  }
0x162: {  	s2 =	smul.u32 $0x28000, s2;
	s5 =	spop (v2sf)  }
0x163: {  	s31 =	ssub.s32 $0x0, s0;
	p2 =	seq.s32 s29, s5  }
0x164: {  	s3 =	smov.u32 s29;
	s2 =	sshrl.u32 s2, $0x2;
	p3 =	sgt.s32 @!p2 s29, $0x0  }
0x165: {  	s30 =	sadd.s32 $0xAFA8, s2;
	s2 =	sadd.s32 $0x1, s31;
	p3 =	por !p3, p2  }
0x166: {  	s3 =	simm.s32 @p3 $0x0;
	p3 =	seq.s32 s2, $0x0  }
.Ltmp17:
0x167: {  	_ = 	snop;
	(pc) =	sbr.rel @p3 .LBB3_15-.Ltmp17, $4  }
0x168: {  	_ = 	snop  }
0x169: {  	s0 =	simm.s32 $0x0;
	s9 =	simm.s32 @!p2 $0x1;
	s3 =	smin.u32 @!p2 s3, $0x27178  }
0x16a: {  	s10 =	simm.s32 @!p2 $0x50C8;
	s9 =	smov.u32 @p2 s0;
	s7 =	sand.u32 @!p2 $0x3FFF8, s3  }
0x16b: {  	s16 =	sand.u32 @!p2 $0x7, s3;
	s3 =	sadd.s32 $0x1, s28;
	s11 =	sadd.s32 @!p2 s1, s7  }
.LBB3_14:
0x16c: {  	s7 =	smov.u32 s9  }
0x16d: {  	[tilespmem:s10], [sflag:$0x2] =	stream.linear.gather @!p2 [hbm4b:s11+s16], $0x40, $0x38;
	[tilespmem:$0x1EF88] =	vst v63  }
0x16e: {  	s2 =	sadd.s32 $0x1, s2;
	s8 =	smov.u32 s5;
	v1 =	vld.msk [tilespmem:s3+$0x0], $0x1  }
0x16f: {  	p3 =	seq.s32 s2, $0x0;
	_ =	sdelay $0x3  }
0x170: {  	(v2sf) =	vpush v1, $0x0;
	_ =	sdelay $0xe  }
0x171: {  	s5 =	spop (v2sf)  }
0x172: {  	p2 =	seq.s32 s8, s5  }
0x173: {  	p4 =	sgt.s32 @!p2 s8, $0x0;
	s10 =	sshll.u32 @!p2 s9, $0x8;
	s9 =	sadd.s32 @!p2 $0x1, s9  }
.Ltmp18:
0x174: {  	p4 =	por !p4, p2;
	s10 =	sshra.s32 @!p2 s10, $0x2;
	(pc) =	sbr.rel @!p3 .LBB3_14-.Ltmp18, $4  }
0x175: {  	s9 =	smov.u32 @p2 s7;
	s8 =	simm.s32 @p4 $0x0;
	s10 =	sadd.s32 @!p2 $0x50C8, s10  }
0x176: {  	s7 =	smin.u32 @!p2 s8, $0x27178  }
0x177: {  	s8 =	sand.u32 @!p2 $0x3FFF8, s7;
	s16 =	sand.u32 @!p2 $0x7, s7  }
0x178: {  	s3 =	sadd.s32 $0x1, s3;
	s11 =	sadd.s32 @!p2 s1, s8  }
.LBB3_15:
0x179: {  	[tilespmem:s10], [sflag:$0x2] =	stream.linear.gather @!p2 [hbm4b:s11+s16], $0x40, $0x38;
	[tilespmem:$0x1EF88] =	vst v63  }
.Ltmp19:
0x17a: {  	s2 =	sshll.u32 s9, $0x6;
	(pc) =	sbr.rel .LBB3_16-.Ltmp19, $4  }
0x17b: {  	s3 =	simm.s32 $0x2;
	s2 =	sand.u32 $0x3FFFFFC0, s2  }
0x17c: {  	_ =	swait.ge [sflag:s3], s2  }
0x17d: {  	s2 =	ssub.s32 $0x0, s2;
	[sflag:s3] =	ssyncset.done $0x0  }
0x17e: {  	[sflag:s3] =	ssyncadd.s32 s2;
	s2 =	simm.s32 $0x0  }
.LBB3_17:
0x17f: {  	v1 =	vld [tilespmem:s30+$0xFFFFFFE0]  }
0x180: {  	v2 =	vld [tilespmem:s3+$0x88];
	_ =	sdelay $0x4  }
0x181: {  	v1 =	vmax.f32 v1, v2  }
0x182: {  	v2 =	vld [tilespmem:s3+$0x98];
	[tilespmem:s3+$0x88] =	vst v1  }
0x183: {  	v1 =	vld [tilespmem:s30+$0xFFFFFFF0];
	_ =	sdelay $0x4  }
0x184: {  	v1 =	vmax.f32 v1, v2  }
0x185: {  	v2 =	vld [tilespmem:s3+$0xA8];
	[tilespmem:s3+$0x98] =	vst v1  }
0x186: {  	v1 =	vld [tilespmem:s30+$0x0];
	_ =	sdelay $0x4  }
0x187: {  	v1 =	vmax.f32 v1, v2  }
0x188: {  	v2 =	vld [tilespmem:s3+$0xB8];
	[tilespmem:s3+$0xA8] =	vst v1  }
0x189: {  	v1 =	vld [tilespmem:s30+$0x10];
	_ =	sdelay $0x4  }
0x18a: {  	v1 =	vmax.f32 v1, v2  }
0x18b: {  	[tilespmem:s3+$0xB8] =	vst v1  }
.LBB3_21:
0x18c: {  	s31 =	sadd.s32 $0x1, s31  }
0x18d: {  	p2 =	seq.s32 s31, $0x0  }
.Ltmp20:
0x18e: {  	_ = 	snop;
	(pc) =	sbr.rel @p2 .LBB3_22-.Ltmp20, $2  }
0x18f: {  	_ =	sdelay $0x2  }
0x190: {  	s30 =	sadd.s32 $0x80, s30;
	s28 =	sadd.s32 $0x1, s28;
	s29 =	smov.u32 s5  }
.LBB3_16:
0x191: {  	v1 =	vld.msk [tilespmem:s28+$0x0], $0x1;
	_ =	sdelay $0x4  }
0x192: {  	(v2sf) =	vpush v1, $0x0;
	_ =	sdelay $0xe  }
0x193: {  	s5 =	spop (v2sf)  }
0x194: {  	p2 =	sne.s32 s29, s5  }
.Ltmp21:
0x195: {  	_ = 	snop;
	(pc) =	sbr.rel @!p2 .LBB3_17-.Ltmp21, $3  }
0x196: {  	_ =	sdelay $0x1  }
0x197: {  	s3 =	sshll.u32 s26, $0x8  }
0x198: {  	s3 =	sshra.s32 s3, $0x2  }
0x199: {  	p2 =	seq.s32 s29, s4  }
.Ltmp22:
0x19a: {  	_ = 	snop;
	(pc) =	sbr.rel @!p2 .LBB3_19-.Ltmp22, $1  }
0x19b: {  	_ =	sdelay $0x3  }
.Ltmp23:
0x19c: {  	s3 =	sadd.s32 $0x88, s3;
	(pc) =	sbr.rel .LBB3_20-.Ltmp23, $4  }
0x19d: {  	[spmem:s18] =	stream.linear.scatter [tilespmem:s3], [sflag:$0x1], $0x40, $0x38;
	[tilespmem:$0x1EF88] =	vst v63  }
0x19e: {  	_ =	swait.ge [sflag:s13], $0x40  }
0x19f: {  	[sflag:s13] =	ssyncset.done $0x0  }
0x1a0: {  	[sflag:s13] =	ssyncadd.s32 $0xFFFFFFC0  }
.LBB3_19:
0x1a1: {  	s7 =	sshll.u32 s0, $0x8  }
0x1a2: {  	v2 =	vld [tilespmem:s3+$0x88];
	s7 =	sshra.s32 s7, $0x2  }
0x1a3: {  	v1 =	vld [tilespmem:s7+$0x50C8];
	_ =	sdelay $0x4  }
0x1a4: {  	v1 =	vmax.f32 v1, v2  }
0x1a5: {  	v2 =	vld [tilespmem:s3+$0x98];
	[tilespmem:s3+$0x88] =	vst v1  }
0x1a6: {  	v1 =	vld [tilespmem:s7+$0x50D8];
	_ =	sdelay $0x4  }
0x1a7: {  	v1 =	vmax.f32 v1, v2  }
0x1a8: {  	v2 =	vld [tilespmem:s3+$0xA8];
	[tilespmem:s3+$0x98] =	vst v1  }
0x1a9: {  	v1 =	vld [tilespmem:s7+$0x50E8];
	_ =	sdelay $0x4  }
0x1aa: {  	v1 =	vmax.f32 v1, v2  }
0x1ab: {  	v2 =	vld [tilespmem:s3+$0xB8];
	[tilespmem:s3+$0xA8] =	vst v1  }
0x1ac: {  	v1 =	vld [tilespmem:s7+$0x50F8];
	_ =	sdelay $0x3  }
0x1ad: {  	p2 =	sgt.u32 s29, $0x27178  }
0x1ae: {  	s7 =	sand.u32 @!p2 $0x3FFF8, s29;
	v1 =	vmax.f32 v1, v2  }
0x1af: {  	s8 =	sadd.s32 $0x88, s3;
	[tilespmem:s3+$0xB8] =	vst v1;
	s3 =	sadd.s32 @!p2 s1, s7;
	s7 =	sand.u32 @!p2 $0x7, s29  }
0x1b0: {  	[hbm4b:s3+s7] =	stream.linear.scatter @!p2 [tilespmem:s8], [sflag:$0xC], $0x40, $0x38;
	[tilespmem:$0x1EF88] =	vst v63  }
0x1b1: {  	s3 =	simm.s32 $0x0  }
0x1b2: {  	s3 =	simm.s32 @!p2 $0x100  }
0x1b3: {  	s2 =	sadd.s32 s3, s2  }
.LBB3_20:
0x1b4: {  	s3 =	sadd.s32 $0x1, s26  }
0x1b5: {  	s7 =	smulhi.u32 $0xCCCCCCCD, s3;
	_ =	sdelay $0x1  }
0x1b6: {  	v1 =	vld [tilespmem:s30+$0xFFFFFFE0];
	s7 =	sshrl.u32 s7, $0x8  }
0x1b7: {  	s7 =	smul.u32 $0x140, s7;
	_ =	sdelay $0x1  }
0x1b8: {  	s26 =	ssub.s32 s3, s7  }
0x1b9: {  	s3 =	sshll.u32 s26, $0x6  }
0x1ba: {  	[tilespmem:s3+$0x88] =	vst v1  }
0x1bb: {  	v1 =	vld [tilespmem:s30+$0xFFFFFFF0];
	_ =	sdelay $0x4  }
0x1bc: {  	[tilespmem:s3+$0x98] =	vst v1  }
0x1bd: {  	v1 =	vld [tilespmem:s30+$0x0];
	_ =	sdelay $0x4  }
0x1be: {  	[tilespmem:s3+$0xA8] =	vst v1  }
0x1bf: {  	v1 =	vld [tilespmem:s30+$0x10]  }
.Ltmp24:
0x1c0: {  	_ = 	snop;
	(pc) =	sbr.rel .LBB3_21-.Ltmp24, $2  }
0x1c1: {  	_ =	sdelay $0x2  }
0x1c2: {  	s0 =	sadd.s32 $0x1, s0;
	[tilespmem:s3+$0xB8] =	vst v1  }
.LBB3_23:
.Ltmp25:
0x1c3: {  	(pc) =	sbr.rel .LBB3_24-.Ltmp25, $4  }
0x1c4: {  	_ = 	snop  }
0x1c5: {  	s0 =	simm.s32 $0x2  }
0x1c6: {  	_ =	swait.ge [sflag:s0], $0x0  }
0x1c7: {  	s5 =	smov.u32 s29;
	[sflag:s0] =	ssyncset.done $0x0;
	s0 =	simm.s32 $0x0  }
.LBB3_26:
0x1c8: {  	_ =	sfence.sel $0x180000  }
0x1c9: {  	s0 =	simm.s32 $0x9;
	[bflag:$0x0] =	sbarrier.arrive $0xFFFF  }
0x1ca: {  	s24 =	simm.s32 $0xA;
	[sflag:s0] =	ssyncpa.u1 $0x1  }
0x1cb: {  	s25 =	simm.s32 $0xB;
	[sflag:s24] =	ssyncpa.u1 $0x1  }
0x1cc: {  	s26 =	simm.s32 $0x2;
	[sflag:s25] =	ssyncpa.u1 $0x1  }
0x1cd: {  	[sflag:s26] =	ssyncpa.u1 $0x1  }
0x1ce: {  	v0 =	vld [tilespmem:$0xA108];
	_ =	sdelay $0x4  }
0x1cf: {  	(v2sf) =	vpush v0, $0x0  }
0x1d0: {  	(v2sf) =	vpush v0, $0x1;
	_ =	sdelay $0x1  }
0x1d1: {  	(v2sf) =	vpush v0, $0x2;
	_ =	sdelay $0xb  }
0x1d2: {  	s0 =	spop (v2sf)  }
0x1d3: {  	s2 =	spop (v2sf)  }
0x1d4: {  	s3 =	smov.u32 s0;
	p0 =	sne.s32 s0, s2  }
0x1d5: {  	s4 =	spop (v2sf);
	s3 =	simm.s32 @!p0 $0xFFFFFFFF  }
0x1d6: {  	v2 =	vimm.s32 $0x1;
	v3 =	vlaneseq.u32;
	p0 =	seq.s32 s4, $0xFFFFFFFF;
	v1 =	vmov s3  }
0x1d7: {  	s14 =	stileid.u32;
	v0 =	vperm.xlane v0, v2;
	p1 =	sne.s32 @!p0 s0, s2;
	v1 =	vperm.xlane v1, v3  }
0x1d8: {  	vm0 =	vcmask $0x3F04;
	s6 =	simm.s32 $0xA108;
	s0 =	simm.s32 @!p0 $0x1;
	p1 =	por !p1, p0  }
0x1d9: {  	s3 =	sshll.u32 s14, $0x1;
	s2 =	sshll.u32 @!p0 s4, $0x8;
	s0 =	simm.s32 @p1 $0x0;
	v0 =	vsel vm0, v1, v0  }
0x1da: {  	s5 =	sor.u32 $0x800, s3;
	s2 =	sshra.s32 @!p0 s2, $0x2;
	s0 =	sor.u32 @!p0 s0, s3;
	[tilespmem:$0xA108] =	vst v0  }
0x1db: {  	[spmem:s5] =	stream.linear.scatter [tilespmem:s6], [sflag:$0x1], $0x2, $0x38;
	[tilespmem:$0x1EF88] =	vst v63  }
0x1dc: {  	s2 =	sadd.s32 @!p0 $0x88, s2;
	s0 =	sshll.u32 @!p0 s0, $0x6  }
0x1dd: {  	[spmem:s0] =	stream.linear.scatter @!p0 [tilespmem:s2], [sflag:$0x1], $0x40, $0x38;
	[tilespmem:$0x1EF88] =	vst v63  }
0x1de: {  	s0 =	simm.s32 @!p0 $0x42  }
0x1df: {  	s28 =	simm.s32 $0x1;
	s0 =	simm.s32 @p0 $0x2  }
0x1e0: {  	_ =	swait.ge [sflag:s28], s0  }
0x1e1: {  	s0 =	ssub.s32 $0x0, s0;
	[sflag:s28] =	ssyncset.done $0x0  }
0x1e2: {  	p0 =	sne.s32 s14, $0x0;
	[sflag:s28] =	ssyncadd.s32 s0  }
.Ltmp26:
0x1e3: {  	_ =	sfence.stream.spmem;
	(pc) =	sbr.rel @p0 .LBB3_43-.Ltmp26, $4  }
0x1e4: {  	s29 =	simm.s32 $0x3;
	[bflag:$0x0] =	sbarrier.arrive $0xFFFF  }
0x1e5: {  	s30 =	simm.s32 $0x4;
	[sflag:s29] =	ssyncpa.u1 $0x1  }
0x1e6: {  	s31 =	simm.s32 $0x3C;
	[sflag:s30] =	ssyncpa.u1 $0x1  }
0x1e7: {  	s13 =	rddreg [dreg:$0x4];
	[sflag:s31] =	ssyncpa.u1 $0x1  }
0x1e8: {  	_ =	sfence.stream.spmem;
	s0 =	simm.s32 $0x5  }
0x1e9: {  	s2 =	simm.s32 $0x800;
	s3 =	simm.s32 $0xA118;
	[sflag:s0] =	ssyncpa.u1 $0x0  }
0x1ea: {  	[tilespmem:s3], [sflag:$0x5] =	stream.linear.gather [spmem:s2], $0x20, $0x38;
	[tilespmem:$0x1EF88] =	vst v63  }
0x1eb: {  	s26 =	simm.s32 $0x0;
	s28 =	simm.s32 $0xA138  }
0x1ec: {  	[tilespmem:s28], [sflag:$0x5] =	stream.linear.gather [spmem:s26], $0x800, $0x38;
	[tilespmem:$0x1EF88] =	vst v63  }
0x1ed: {  	_ =	swait.ge [sflag:s0], $0x820  }
0x1ee: {  	[sflag:s0] =	ssyncset.done $0x0  }
0x1ef: {  	s29 =	simm.s32 $0x0;
	[sflag:s0] =	ssyncadd.s32 $0xFFFFF7E0  }
0x1f0: {  	v0 =	vld.msk [tilespmem:s29+$0xA118], $0x1;
	_ =	sdelay $0x1  }
0x1f1: {  	s30 =	simm.s32 $0x1  }
0x1f2: {  	v1 =	vld.msk [tilespmem:s30+$0xA118], $0x1;
	_ =	sdelay $0x1  }
0x1f3: {  	(v2sf) =	vpush v0, $0x0;
	_ =	sdelay $0x2  }
0x1f4: {  	(v2sf) =	vpush v1, $0x0;
	_ =	sdelay $0x2  }
0x1f5: {  	s31 =	simm.s32 $0x2  }
0x1f6: {  	v0 =	vld.msk [tilespmem:s31+$0xA118], $0x1;
	_ =	sdelay $0x2  }
0x1f7: {  	s2 =	simm.s32 $0xFFFFFFFF;
	s3 =	simm.s32 $0xFFFFFFFF;
	s0 =	simm.s32 $0xC  }
.LBB3_28:
0x1f8: {  	s4 =	smov.u32 s3;
	s5 =	smov.u32 s2  }
0x1f9: {  	s2 =	sshra.s32 s0, $0x2;
	p1 =	sne.s32 s0, $0x7C;
	s0 =	sadd.s32 $0x4, s0;
	(v2sf) =	vpush v0, $0x0  }
0x1fa: {  	v0 =	vld.msk [tilespmem:s2+$0xA118], $0x1  }
.Ltmp27:
0x1fb: {  	(pc) =	sbr.rel @p1 .LBB3_28-.Ltmp27, $4  }
0x1fc: {  	s3 =	spop (v2sf)  }
0x1fd: {  	p2 =	sne.s32 s5, $0xFFFFFFFF;
	s2 =	smov.u32 s3  }
0x1fe: {  	p3 =	seq.s32 s3, $0xFFFFFFFF;
	s2 =	smov.u32 @p2 s5  }
0x1ff: {  	s3 =	smov.u32 @p3 s4;
	s2 =	smov.u32 @p3 s5  }
0x200: {  	(v2sf) =	vpush v0, $0x0;
	_ =	sdelay $0x8  }
0x201: {  	s0 =	spop (v2sf)  }
0x202: {  	p1 =	sne.s32 s2, $0xFFFFFFFF;
	s4 =	smov.u32 s0  }
0x203: {  	s6 =	simm.s32 $0x0;
	p2 =	seq.s32 s0, $0xFFFFFFFF;
	s4 =	smov.u32 @p1 s2  }
0x204: {  	s9 =	simm.s32 $0xA0C8;
	s4 =	smov.u32 @p2 s2;
	s2 =	spop (v2sf)  }
0x205: {  	s0 =	smov.u32 @p2 s3;
	p1 =	sne.s32 s4, $0xFFFFFFFF;
	s5 =	smov.u32 s2  }
.Ltmp28:
0x206: {  	p2 =	seq.s32 s2, $0xFFFFFFFF;
	s5 =	smov.u32 @p1 s4;
	(pc) =	sbr.rel .LBB3_30-.Ltmp28, $4  }
0x207: {  	s10 =	simm.s32 $0x0;
	s5 =	smov.u32 @p2 s4;
	s7 =	spop (v2sf)  }
0x208: {  	s2 =	smov.u32 @p2 s0;
	p1 =	sne.s32 s5, $0xFFFFFFFF;
	s8 =	smov.u32 s7  }
0x209: {  	s0 =	simm.s32 $0x6;
	p2 =	seq.s32 s7, $0xFFFFFFFF;
	s8 =	smov.u32 @p1 s5  }
0x20a: {  	[sflag:s0] =	ssyncpa.u1 $0x0;
	s7 =	smov.u32 @p2 s2;
	s8 =	smov.u32 @p2 s5  }
.LBB3_36:
0x20b: {  	p1 =	sgt.u32 s2, $0x27178  }
0x20c: {  	p2 =	seq.s32 @!p1 s2, s8  }
0x20d: {  	p1 =	por p1, p2  }
0x20e: {  	p2 =	sne.s32 @!p1 s2, s7  }
0x20f: {  	p1 =	por p1, !p2  }
0x210: {  	s2 =	sshll.u32 @p1 s10, $0x8  }
0x211: {  	s3 =	sand.u32 @!p1 $0x3FFF8, s2  }
0x212: {  	s2 =	sand.u32 @!p1 $0x7, s2;
	s3 =	sadd.s32 @!p1 s1, s3  }
0x213: {  	[tilespmem:s9], [sflag:$0x6] =	stream.linear.gather @!p1 [hbm4b:s3+s2], $0x40, $0x38;
	[tilespmem:$0x1EF88] =	vst v63  }
0x214: {  	_ =	swait.ge @!p1 [sflag:s0], $0x40  }
0x215: {  	[sflag:s0] =	ssyncset.done @!p1 $0x0  }
0x216: {  	s2 =	sshll.u32 @!p1 s10, $0x8;
	[sflag:s0] =	ssyncadd.s32 @!p1 $0xFFFFFFC0  }
0x217: {  	s3 =	sshrl.u32 @!p1 s2, $0x2;
	v1 =	vld @!p1 [tilespmem:$0xA0C8]  }
0x218: {  	v2 =	vld @!p1 [tilespmem:s3+$0xA138];
	_ =	sdelay $0x4  }
0x219: {  	v1 =	vmax.f32 @!p1 v1, v2  }
0x21a: {  	v2 =	vld @!p1 [tilespmem:s3+$0xA148];
	[tilespmem:s3+$0xA138] =	vst @!p1 v1  }
0x21b: {  	v1 =	vld @!p1 [tilespmem:$0xA0D8];
	_ =	sdelay $0x4  }
0x21c: {  	v1 =	vmax.f32 @!p1 v1, v2  }
0x21d: {  	v2 =	vld @!p1 [tilespmem:s3+$0xA158];
	[tilespmem:s3+$0xA148] =	vst @!p1 v1  }
0x21e: {  	v1 =	vld @!p1 [tilespmem:$0xA0E8];
	_ =	sdelay $0x4  }
0x21f: {  	v1 =	vmax.f32 @!p1 v1, v2  }
0x220: {  	v2 =	vld @!p1 [tilespmem:s3+$0xA168];
	[tilespmem:s3+$0xA158] =	vst @!p1 v1  }
0x221: {  	v1 =	vld @!p1 [tilespmem:$0xA0F8];
	_ =	sdelay $0x4  }
0x222: {  	v1 =	vmax.f32 @!p1 v1, v2  }
0x223: {  	[tilespmem:s3+$0xA168] =	vst @!p1 v1  }
0x224: {  	s2 =	sshrl.u32 s2, $0x2;
	[tilespmem:s6+$0xA118] =	vst.msk $0x1, v0  }
0x225: {  	v0 =	vld [tilespmem:s2+$0xA138];
	_ =	sdelay $0x2  }
0x226: {  	s31 =	sshll.u32 s6, $0x8  }
0x227: {  	s3 =	sshra.s32 s31, $0x2  }
0x228: {  	[tilespmem:s3+$0xA138] =	vst v0  }
0x229: {  	v0 =	vld [tilespmem:s2+$0xA148];
	_ =	sdelay $0x4  }
0x22a: {  	[tilespmem:s3+$0xA148] =	vst v0  }
0x22b: {  	v0 =	vld [tilespmem:s2+$0xA158];
	_ =	sdelay $0x4  }
0x22c: {  	[tilespmem:s3+$0xA158] =	vst v0  }
0x22d: {  	v0 =	vld [tilespmem:s2+$0xA168];
	_ =	sdelay $0x4  }
0x22e: {  	s6 =	sadd.s32 $0x1, s6;
	[tilespmem:s3+$0xA168] =	vst v0  }
.LBB3_37:
0x22f: {  	s10 =	sadd.s32 $0x1, s10  }
0x230: {  	p1 =	sne.s32 s10, $0x20  }
.Ltmp29:
0x231: {  	_ = 	snop;
	(pc) =	sbr.rel @!p1 .LBB3_38-.Ltmp29, $1  }
0x232: {  	_ =	sdelay $0x3  }
.LBB3_30:
0x233: {  	v0 =	vld.msk [tilespmem:s10+$0xA118], $0x1;
	_ =	sdelay $0x4  }
0x234: {  	(v2sf) =	vpush v0, $0x0;
	_ =	sdelay $0xe  }
0x235: {  	s2 =	spop (v2sf)  }
0x236: {  	p1 =	seq.s32 s2, $0xFFFFFFFF  }
.Ltmp30:
0x237: {  	_ = 	snop;
	(pc) =	sbr.rel @p1 .LBB3_37-.Ltmp30, $1  }
0x238: {  	_ =	sdelay $0x3  }
0x239: {  	p1 =	slt.s32 s6, $0x1  }
.Ltmp31:
0x23a: {  	_ = 	snop;
	(pc) =	sbr.rel @p1 .LBB3_36-.Ltmp31, $1  }
0x23b: {  	_ =	sdelay $0x3  }
0x23c: {  	s3 =	simm.s32 $0xA118;
	p1 =	por $0x0, $0x0  }
0x23d: {  	v1 =	vld.msk @!p1 [tilespmem:s3+$0x0], $0x1;
	_ =	sdelay $0x4  }
0x23e: {  	(v2sf) =	vpush @!p1 v1, $0x0;
	_ =	sdelay $0xd  }
0x23f: {  	p3 =	sne.s32 s6, $0x1  }
.Ltmp32:
0x240: {  	s4 =	spop @!p1 (v2sf);
	(pc) =	sbr.rel @!p3 .LBB3_34-.Ltmp32, $4  }
0x241: {  	p2 =	seq.s32 @!p1 s2, s4  }
0x242: {  	s4 =	simm.s32 $0x0;
	p2 =	por !p2, p1  }
0x243: {  	s11 =	simm.s32 $0xFFFFFFFF;
	s4 =	simm.s32 @p2 $0xFFFFFFFF  }
0x244: {  	s5 =	simm.s32 $0x1;
	s4 =	smov.u32 @p1 s11  }
.LBB3_33:
0x245: {  	s11 =	smov.u32 s4;
	p1 =	sne.s32 s4, $0xFFFFFFFF  }
0x246: {  	s3 =	sadd.s32 $0x1, s3;
	s4 =	smov.u32 s5;
	s5 =	sadd.s32 $0x1, s5  }
0x247: {  	p2 =	sne.s32 s6, s5;
	v1 =	vld.msk @!p1 [tilespmem:s3+$0x0], $0x1;
	_ =	sdelay $0x4  }
0x248: {  	(v2sf) =	vpush @!p1 v1, $0x0;
	_ =	sdelay $0xe  }
.Ltmp33:
0x249: {  	s12 =	spop @!p1 (v2sf);
	(pc) =	sbr.rel @p2 .LBB3_33-.Ltmp33, $4  }
0x24a: {  	p3 =	seq.s32 @!p1 s2, s12  }
0x24b: {  	p3 =	por !p3, p1  }
0x24c: {  	s4 =	simm.s32 @p3 $0xFFFFFFFF  }
0x24d: {  	s4 =	smov.u32 @p1 s11  }
.LBB3_34:
0x24e: {  	p1 =	seq.s32 s4, $0xFFFFFFFF  }
.Ltmp34:
0x24f: {  	_ = 	snop;
	(pc) =	sbr.rel @p1 .LBB3_36-.Ltmp34, $1  }
0x250: {  	_ =	sdelay $0x3  }
0x251: {  	s2 =	sshll.u32 s10, $0x6  }
0x252: {  	s3 =	sshll.u32 s4, $0x8;
	s2 =	sand.u32 $0x3FFFFFC0, s2  }
0x253: {  	s3 =	sshra.s32 s3, $0x2;
	v0 =	vld [tilespmem:s2+$0xA138]  }
0x254: {  	v1 =	vld [tilespmem:s3+$0xA138];
	_ =	sdelay $0x4  }
0x255: {  	v0 =	vmax.f32 v0, v1  }
0x256: {  	v61 =	vld [tilespmem:s3+$0xA148];
	[tilespmem:s3+$0xA138] =	vst v0  }
0x257: {  	v0 =	vld [tilespmem:s2+$0xA148];
	_ =	sdelay $0x4  }
0x258: {  	v0 =	vmax.f32 v0, v61  }
0x259: {  	v62 =	vld [tilespmem:s3+$0xA158];
	[tilespmem:s3+$0xA148] =	vst v0  }
0x25a: {  	v0 =	vld [tilespmem:s2+$0xA158];
	_ =	sdelay $0x4  }
0x25b: {  	v0 =	vmax.f32 v0, v62  }
0x25c: {  	v63 =	vld [tilespmem:s3+$0xA168];
	[tilespmem:s3+$0xA158] =	vst v0  }
0x25d: {  	v0 =	vld [tilespmem:s2+$0xA168];
	_ =	sdelay $0x1  }
.Ltmp35:
0x25e: {  	_ = 	snop;
	(pc) =	sbr.rel .LBB3_37-.Ltmp35, $3  }
0x25f: {  	_ =	sdelay $0x1  }
0x260: {  	v0 =	vmax.f32 v0, v63  }
0x261: {  	[tilespmem:s3+$0xA168] =	vst v0  }
.LBB3_38:
0x262: {  	s0 =	simm.s32 $0x6;
	p1 =	seq.s32 s6, $0x0  }
0x263: {  	[sflag:s0] =	ssyncpa.u1 $0x1;
	v0 =	vimm.s32 @p1 $0xFFFFFFFF  }
0x264: {  	s0 =	sadd.s32 $0xFFFFFFFF, s6;
	[tilespmem:$0xA938] =	vst @p1 v0  }
0x265: {  	v0 =	vld.msk @!p1 [tilespmem:s0+$0xA118], $0x1;
	_ =	sdelay $0x1  }
0x266: {  	v1 =	vld.msk @!p1 [tilespmem:$0xA118], $0x1;
	_ =	sdelay $0x2  }
0x267: {  	p2 =	seq.s32 @!p1 s0, $0x0;
	v0 =	vbroadcast @!p1 v0, $0x0  }
0x268: {  	vm0 =	vmmov @!p1 $0x1;
	p2 =	por !p2, p1  }
0x269: {  	v1 =	vnsel @!p1 vm0, $0xFFFFFFFF, v1;
	vm0 =	vcmask @!p1 $0x308;
	v0 =	vpsel !p2, $0xFFFFFFFF, v0  }
0x26a: {  	p2 =	sne.s32 @!p1 s8, s7;
	v0 =	vsel @!p1 vm0, v1, v0  }
0x26b: {  	s2 =	simm.s32 @!p1 $0xA138;
	s3 =	simm.s32 @!p1 $0x0;
	p3 =	por !p2, p1;
	[tilespmem:$0xA938] =	vst @!p1 v0  }
0x26c: {  	[spmem:s3] =	stream.linear.scatter @!p1 [tilespmem:s2], [sflag:$0x1], $0x40, $0x38;
	[tilespmem:$0x1EF88] =	vst v63  }
0x26d: {  	s2 =	sshll.u32 @!p3 s0, $0x8  }
0x26e: {  	s2 =	sshra.s32 @!p3 s2, $0x2  }
0x26f: {  	s3 =	simm.s32 @!p3 $0x40;
	s2 =	sadd.s32 @!p3 $0xA138, s2  }
0x270: {  	[spmem:s3] =	stream.linear.scatter @!p3 [tilespmem:s2], [sflag:$0x1], $0x40, $0x38;
	[tilespmem:$0x1EF88] =	vst v63  }
0x271: {  	s2 =	simm.s32 @!p3 $0x1  }
0x272: {  	_ =	swait.ge @!p3 [sflag:s2], $0x80  }
0x273: {  	p1 =	por p2, p1;
	[sflag:s2] =	ssyncset.done @!p3 $0x0  }
0x274: {  	[sflag:s2] =	ssyncadd.s32 @!p3 $0xFFFFFF80;
	s2 =	simm.s32 @!p1 $0x1  }
0x275: {  	_ =	swait.ge @!p1 [sflag:s2], $0x40  }
0x276: {  	s29 =	simm.s32 $0xA938;
	[sflag:s2] =	ssyncset.done @!p1 $0x0  }
0x277: {  	s30 =	simm.s32 $0x800;
	s31 =	simm.s32 $0x1;
	[sflag:s2] =	ssyncadd.s32 @!p1 $0xFFFFFFC0  }
0x278: {  	[spmem:s30] =	stream.linear.scatter [tilespmem:s29], [sflag:$0x1], $0x10, $0x38;
	[tilespmem:$0x1EF88] =	vst v63  }
0x279: {  	_ =	swait.ge [sflag:s31], $0x10  }
0x27a: {  	[sflag:s31] =	ssyncset.done $0x0  }
0x27b: {  	p1 =	seq.s32 s13, $0x0;
	s9 =	rddreg [dreg:$0x1];
	[sflag:s31] =	ssyncadd.s32 $0xFFFFFFF0  }
0x27c: {  	s3 =	sshll.u32 @p1 s9, $0xE;
	s8 =	rddreg [dreg:$0x2]  }
0x27d: {  	s2 =	sadd.s32 @p1 $0x15C3C, s3;
	s3 =	sshll.u32 @p1 s8, $0x11  }
0x27e: {  	_ =	sfence.stream.spmem;
	s2 =	sor.u32 @p1 s3, s2  }
0x27f: {  	[sflag:s2] =	ssyncadd.remote.s32 @p1 $0x1;
	s2 =	simm.s32 @p1 $0x4  }
0x280: {  	s4 =	simm.s32 @!p1 $0x3C;
	s3 =	sand.u32 $0xFFFFFFFE, s9;
	_ =	swait.ge @p1 [sflag:s2], $0x12  }
0x281: {  	s5 =	simm.s32 @!p1 $0x0;
	s3 =	sadd.s32 @!p1 $0x4, s3;
	[sflag:s2] =	ssyncset.done @p1 $0x0  }
0x282: {  	s7 =	simm.s32 @!p1 $0x80;
	[sflag:s2] =	ssyncadd.s32 @p1 $0xFFFFFFEE;
	s2 =	sshll.u32 @!p1 s3, $0x1A  }
0x283: {  	s3 =	sshll.u32 @!p1 s3, $0xD;
	s2 =	sor.u32 @!p1 s2, s8;
	_ =	swait.eq @!p1 [sflag:s4], $0x1  }
0x284: {  	s3 =	sor.u32 @!p1 $0x1C04, s3;
	s4 =	simm.s32 @!p1 $0x1C03;
	s2 =	sor.u32 @!p1 $0x80004000, s2  }
0x285: {  	[spmem:s7], [sflag:s3] =	dma.general @!p1 [spmem:s5], [sflag:s4], length:$0x10, [dreg:$0x0], stride_count:$0x0, ici_dest:s2, dma_misc:DstOpCode:WRITE  }
0x286: {  	p2 =	slt.s32 s0, $0x2;
	s5 =	simm.s32 @!p1 $0x100;
	s7 =	simm.s32 @!p1 $0x102  }
0x287: {  	[spmem:s7], [sflag:s3] =	dma.general @!p1 [spmem:s5], [sflag:s4], length:$0x2, [dreg:$0x0], stride_count:$0x0, ici_dest:s2, dma_misc:DstOpCode:WRITE  }
.Ltmp36:
0x288: {  	s2 =	simm.s32 @!p1 $0x3;
	(pc) =	sbr.rel @p2 .LBB3_42-.Ltmp36, $4  }
0x289: {  	s3 =	sshll.u32 @!p1 s9, $0xE;
	_ =	swait.ge @!p1 [sflag:s2], $0x12  }
0x28a: {  	s4 =	sshll.u32 @!p1 s8, $0x11;
	s3 =	sadd.s32 @!p1 $0x11C3C, s3;
	[sflag:s2] =	ssyncset.done @!p1 $0x0  }
0x28b: {  	[sflag:s2] =	ssyncadd.s32 @!p1 $0xFFFFFFEE;
	s2 =	sor.u32 @!p1 s4, s3  }
0x28c: {  	s0 =	simm.s32 $0x0;
	[sflag:s2] =	ssyncadd.remote.s32 @!p1 $0xFFFFFFFF  }
0x28d: {  	s0 =	simm.s32 $0xA119  }
0x28e: {  	v0 =	vld.msk [tilespmem:s0+$0x0], $0x1;
	_ =	sdelay $0x4  }
0x28f: {  	(v2sf) =	vpush v0, $0x0;
	_ =	sdelay $0xc  }
0x290: {  	s2 =	sadd.s32 $0xFFFFFFFE, s6  }
0x291: {  	s2 =	sadd.s32 $0xFFFFFFFF, s2  }
0x292: {  	p2 =	sne.s32 s2, $0x0;
	s3 =	spop (v2sf)  }
.Ltmp37:
0x293: {  	p1 =	sgt.u32 s3, $0x27178;
	(pc) =	sbr.rel @!p2 .LBB3_41-.Ltmp37, $4  }
0x294: {  	s5 =	simm.s32 $0x0;
	s4 =	sand.u32 @!p1 $0x3FFF8, s3  }
0x295: {  	s0 =	simm.s32 $0xA178;
	s3 =	sand.u32 @!p1 $0x7, s3;
	s4 =	sadd.s32 @!p1 s1, s4  }
0x296: {  	[hbm4b:s4+s3] =	stream.linear.scatter @!p1 [tilespmem:s0], [sflag:$0x5], $0x40, $0x38;
	[tilespmem:$0x1EF88] =	vst v63  }
0x297: {  	s5 =	simm.s32 @!p1 $0x100;
	s3 =	simm.s32 $0x0;
	s4 =	simm.s32 $0xA11A  }
.LBB3_40:
0x298: {  	v0 =	vld.msk [tilespmem:s4+$0x0], $0x1;
	s2 =	sadd.s32 $0xFFFFFFFF, s2;
	s3 =	sadd.s32 s3, s5  }
0x299: {  	p1 =	sne.s32 s2, $0x0;
	_ =	sdelay $0x3  }
0x29a: {  	(v2sf) =	vpush v0, $0x0;
	_ =	sdelay $0xe  }
.Ltmp38:
0x29b: {  	s6 =	spop (v2sf);
	(pc) =	sbr.rel @p1 .LBB3_40-.Ltmp38, $4  }
0x29c: {  	s5 =	simm.s32 $0x0;
	p2 =	sgt.u32 s6, $0x27178  }
0x29d: {  	s0 =	sadd.s32 $0x40, s0;
	s5 =	simm.s32 @!p2 $0x100;
	s7 =	sand.u32 @!p2 $0x3FFF8, s6  }
0x29e: {  	s4 =	sadd.s32 $0x1, s4;
	s6 =	sand.u32 @!p2 $0x7, s6;
	s7 =	sadd.s32 @!p2 s1, s7  }
0x29f: {  	[hbm4b:s7+s6] =	stream.linear.scatter @!p2 [tilespmem:s0], [sflag:$0x5], $0x40, $0x38;
	[tilespmem:$0x1EF88] =	vst v63  }
.LBB3_41:
0x2a0: {  	s0 =	sadd.s32 s3, s5  }
0x2a1: {  	s0 =	sshrl.u32 s0, $0x2  }
.LBB3_42:
0x2a2: {  	s2 =	simm.s32 $0x5  }
0x2a3: {  	_ =	swait.ge [sflag:s2], s0  }
0x2a4: {  	s31 =	ssub.s32 $0x0, s0;
	[sflag:s2] =	ssyncset.done $0x0  }
0x2a5: {  	[sflag:s2] =	ssyncadd.s32 s31  }
0x2a6: {  	[sflag:s2] =	ssyncpa.u1 $0x1  }
.LBB3_43:
0x2a7: {  	s0 =	sor.u32 s13, s14  }
0x2a8: {  	p1 =	sne.s32 s0, $0x0  }
.Ltmp39:
0x2a9: {  	_ = 	snop;
	(pc) =	sbr.rel @p1 .LBB3_58-.Ltmp39, $3  }
0x2aa: {  	_ =	sdelay $0x1  }
0x2ab: {  	[bflag:$0x0] =	sbarrier.arrive $0xFFFF  }
0x2ac: {  	_ =	sfence  }
0x2ad: {  	s2 =	simm.s32 $0x7  }
0x2ae: {  	s0 =	simm.s32 $0x800;
	s3 =	simm.s32 $0xA118;
	[sflag:s2] =	ssyncpa.u1 $0x0  }
0x2af: {  	[tilespmem:s3], [sflag:$0x7] =	stream.linear.gather [spmem:s0], $0x20, $0x38;
	[tilespmem:$0x1EF88] =	vst v63  }
0x2b0: {  	s30 =	simm.s32 $0xA138;
	s0 =	simm.s32 $0x0  }
0x2b1: {  	[tilespmem:s30], [sflag:$0x7] =	stream.linear.gather [spmem:s0], $0x800, $0x38;
	[tilespmem:$0x1EF88] =	vst v63  }
.Ltmp40:
0x2b2: {  	_ = 	snop;
	(pc) =	sbr.rel .LBB3_45-.Ltmp40, $4  }
0x2b3: {  	_ =	swait.ge [sflag:s2], $0x820  }
0x2b4: {  	[sflag:s2] =	ssyncset.done $0x0  }
0x2b5: {  	s31 =	simm.s32 $0x8;
	[sflag:s2] =	ssyncadd.s32 $0xFFFFF7E0  }
0x2b6: {  	s2 =	simm.s32 $0x0;
	[sflag:s31] =	ssyncpa.u1 $0x0  }
.LBB3_51:
0x2b7: {  	p1 =	slt.u32 s3, $0x27179  }
0x2b8: {  	s4 =	sand.u32 @p1 $0x3FFF8, s3  }
0x2b9: {  	s3 =	sand.u32 @p1 $0x7, s3;
	s5 =	simm.s32 @p1 $0xA0C8;
	s4 =	sadd.s32 @p1 s1, s4  }
0x2ba: {  	[tilespmem:s5], [sflag:$0x8] =	stream.linear.gather @p1 [hbm4b:s4+s3], $0x40, $0x38;
	[tilespmem:$0x1EF88] =	vst v63  }
0x2bb: {  	s3 =	simm.s32 @p1 $0x8  }
0x2bc: {  	_ =	swait.ge @p1 [sflag:s3], $0x40  }
0x2bd: {  	[sflag:s3] =	ssyncset.done @p1 $0x0  }
0x2be: {  	[sflag:s3] =	ssyncadd.s32 @p1 $0xFFFFFFC0;
	s3 =	sshll.u32 @p1 s2, $0x8  }
0x2bf: {  	s4 =	sshrl.u32 @p1 s3, $0x2;
	v1 =	vld @p1 [tilespmem:$0xA0C8]  }
0x2c0: {  	v2 =	vld @p1 [tilespmem:s4+$0xA138];
	_ =	sdelay $0x4  }
0x2c1: {  	v1 =	vmax.f32 @p1 v1, v2  }
0x2c2: {  	v2 =	vld @p1 [tilespmem:s4+$0xA148];
	[tilespmem:s4+$0xA138] =	vst @p1 v1  }
0x2c3: {  	v1 =	vld @p1 [tilespmem:$0xA0D8];
	_ =	sdelay $0x4  }
0x2c4: {  	v1 =	vmax.f32 @p1 v1, v2  }
0x2c5: {  	v2 =	vld @p1 [tilespmem:s4+$0xA158];
	[tilespmem:s4+$0xA148] =	vst @p1 v1  }
0x2c6: {  	v1 =	vld @p1 [tilespmem:$0xA0E8];
	_ =	sdelay $0x4  }
0x2c7: {  	v1 =	vmax.f32 @p1 v1, v2  }
0x2c8: {  	v2 =	vld @p1 [tilespmem:s4+$0xA168];
	[tilespmem:s4+$0xA158] =	vst @p1 v1  }
0x2c9: {  	v1 =	vld @p1 [tilespmem:$0xA0F8];
	_ =	sdelay $0x4  }
0x2ca: {  	s5 =	sshll.u32 @!p1 s2, $0x8;
	v1 =	vmax.f32 @p1 v1, v2  }
0x2cb: {  	s5 =	smov.u32 @p1 s3;
	[tilespmem:s4+$0xA168] =	vst @p1 v1  }
0x2cc: {  	s3 =	sshrl.u32 s5, $0x2;
	[tilespmem:s0+$0xA118] =	vst.msk $0x1, v0  }
0x2cd: {  	v0 =	vld [tilespmem:s3+$0xA138];
	_ =	sdelay $0x2  }
0x2ce: {  	s31 =	sshll.u32 s0, $0x8  }
0x2cf: {  	s4 =	sshra.s32 s31, $0x2  }
0x2d0: {  	[tilespmem:s4+$0xA138] =	vst v0  }
0x2d1: {  	v0 =	vld [tilespmem:s3+$0xA148];
	_ =	sdelay $0x4  }
0x2d2: {  	[tilespmem:s4+$0xA148] =	vst v0  }
0x2d3: {  	v0 =	vld [tilespmem:s3+$0xA158];
	_ =	sdelay $0x4  }
0x2d4: {  	[tilespmem:s4+$0xA158] =	vst v0  }
0x2d5: {  	v0 =	vld [tilespmem:s3+$0xA168];
	_ =	sdelay $0x4  }
0x2d6: {  	s0 =	sadd.s32 $0x1, s0;
	[tilespmem:s4+$0xA168] =	vst v0  }
.LBB3_52:
0x2d7: {  	s2 =	sadd.s32 $0x1, s2  }
0x2d8: {  	p1 =	sne.s32 s2, $0x20  }
.Ltmp41:
0x2d9: {  	_ = 	snop;
	(pc) =	sbr.rel @!p1 .LBB3_53-.Ltmp41, $1  }
0x2da: {  	_ =	sdelay $0x3  }
.LBB3_45:
0x2db: {  	v0 =	vld.msk [tilespmem:s2+$0xA118], $0x1;
	_ =	sdelay $0x4  }
0x2dc: {  	(v2sf) =	vpush v0, $0x0;
	_ =	sdelay $0xe  }
0x2dd: {  	s3 =	spop (v2sf)  }
0x2de: {  	p1 =	seq.s32 s3, $0xFFFFFFFF  }
.Ltmp42:
0x2df: {  	_ = 	snop;
	(pc) =	sbr.rel @p1 .LBB3_52-.Ltmp42, $1  }
0x2e0: {  	_ =	sdelay $0x3  }
0x2e1: {  	p1 =	slt.s32 s0, $0x1  }
.Ltmp43:
0x2e2: {  	_ = 	snop;
	(pc) =	sbr.rel @p1 .LBB3_51-.Ltmp43, $1  }
0x2e3: {  	_ =	sdelay $0x3  }
0x2e4: {  	s4 =	simm.s32 $0xA118;
	p1 =	por $0x0, $0x0  }
0x2e5: {  	v1 =	vld.msk @!p1 [tilespmem:s4+$0x0], $0x1;
	_ =	sdelay $0x4  }
0x2e6: {  	(v2sf) =	vpush @!p1 v1, $0x0;
	_ =	sdelay $0xd  }
0x2e7: {  	p3 =	sne.s32 s0, $0x1  }
.Ltmp44:
0x2e8: {  	s5 =	spop @!p1 (v2sf);
	(pc) =	sbr.rel @!p3 .LBB3_49-.Ltmp44, $4  }
0x2e9: {  	p2 =	seq.s32 @!p1 s3, s5  }
0x2ea: {  	s5 =	simm.s32 $0x0;
	p2 =	por !p2, p1  }
0x2eb: {  	s7 =	simm.s32 $0xFFFFFFFF;
	s5 =	simm.s32 @p2 $0xFFFFFFFF  }
0x2ec: {  	s6 =	simm.s32 $0x1;
	s5 =	smov.u32 @p1 s7  }
.LBB3_48:
0x2ed: {  	s7 =	smov.u32 s5;
	p1 =	sne.s32 s5, $0xFFFFFFFF  }
0x2ee: {  	s4 =	sadd.s32 $0x1, s4;
	s5 =	smov.u32 s6;
	s6 =	sadd.s32 $0x1, s6  }
0x2ef: {  	p2 =	sne.s32 s0, s6;
	v1 =	vld.msk @!p1 [tilespmem:s4+$0x0], $0x1;
	_ =	sdelay $0x4  }
0x2f0: {  	(v2sf) =	vpush @!p1 v1, $0x0;
	_ =	sdelay $0xe  }
.Ltmp45:
0x2f1: {  	s8 =	spop @!p1 (v2sf);
	(pc) =	sbr.rel @p2 .LBB3_48-.Ltmp45, $4  }
0x2f2: {  	p3 =	seq.s32 @!p1 s3, s8  }
0x2f3: {  	p3 =	por !p3, p1  }
0x2f4: {  	s5 =	simm.s32 @p3 $0xFFFFFFFF  }
0x2f5: {  	s5 =	smov.u32 @p1 s7  }
.LBB3_49:
0x2f6: {  	p1 =	seq.s32 s5, $0xFFFFFFFF  }
.Ltmp46:
0x2f7: {  	_ = 	snop;
	(pc) =	sbr.rel @p1 .LBB3_51-.Ltmp46, $1  }
0x2f8: {  	_ =	sdelay $0x3  }
0x2f9: {  	s3 =	sshll.u32 s2, $0x6  }
0x2fa: {  	s4 =	sshll.u32 s5, $0x8;
	s3 =	sand.u32 $0x3FFFFFC0, s3  }
0x2fb: {  	s4 =	sshra.s32 s4, $0x2;
	v0 =	vld [tilespmem:s3+$0xA138]  }
0x2fc: {  	v1 =	vld [tilespmem:s4+$0xA138];
	_ =	sdelay $0x4  }
0x2fd: {  	v0 =	vmax.f32 v0, v1  }
0x2fe: {  	v61 =	vld [tilespmem:s4+$0xA148];
	[tilespmem:s4+$0xA138] =	vst v0  }
0x2ff: {  	v0 =	vld [tilespmem:s3+$0xA148];
	_ =	sdelay $0x4  }
0x300: {  	v0 =	vmax.f32 v0, v61  }
0x301: {  	v62 =	vld [tilespmem:s4+$0xA158];
	[tilespmem:s4+$0xA148] =	vst v0  }
0x302: {  	v0 =	vld [tilespmem:s3+$0xA158];
	_ =	sdelay $0x4  }
0x303: {  	v0 =	vmax.f32 v0, v62  }
0x304: {  	v63 =	vld [tilespmem:s4+$0xA168];
	[tilespmem:s4+$0xA158] =	vst v0  }
0x305: {  	v0 =	vld [tilespmem:s3+$0xA168];
	_ =	sdelay $0x1  }
.Ltmp47:
0x306: {  	_ = 	snop;
	(pc) =	sbr.rel .LBB3_52-.Ltmp47, $3  }
0x307: {  	_ =	sdelay $0x1  }
0x308: {  	v0 =	vmax.f32 v0, v63  }
0x309: {  	[tilespmem:s4+$0xA168] =	vst v0  }
.LBB3_53:
0x30a: {  	p1 =	slt.s32 s0, $0x1  }
.Ltmp48:
0x30b: {  	_ = 	snop;
	(pc) =	sbr.rel @p1 .LBB3_57-.Ltmp48, $3  }
0x30c: {  	_ =	sdelay $0x1  }
0x30d: {  	s2 =	simm.s32 $0x8  }
0x30e: {  	[sflag:s2] =	ssyncpa.u1 $0x1;
	s2 =	simm.s32 $0x0  }
0x30f: {  	s3 =	simm.s32 $0xA118  }
0x310: {  	v0 =	vld.msk [tilespmem:s3+$0x0], $0x1;
	_ =	sdelay $0x4  }
0x311: {  	(v2sf) =	vpush v0, $0x0;
	_ =	sdelay $0xe  }
0x312: {  	s0 =	sadd.s32 $0xFFFFFFFF, s0;
	s4 =	spop (v2sf)  }
0x313: {  	p2 =	sne.s32 s0, $0x0;
	p1 =	sgt.u32 s4, $0x27178  }
.Ltmp49:
0x314: {  	s5 =	sand.u32 @!p1 $0x3FFF8, s4;
	(pc) =	sbr.rel @!p2 .LBB3_56-.Ltmp49, $4  }
0x315: {  	s3 =	simm.s32 $0xA138;
	s4 =	sand.u32 @!p1 $0x7, s4;
	s5 =	sadd.s32 @!p1 s1, s5  }
0x316: {  	[hbm4b:s5+s4] =	stream.linear.scatter @!p1 [tilespmem:s3], [sflag:$0x7], $0x40, $0x38;
	[tilespmem:$0x1EF88] =	vst v63  }
0x317: {  	s5 =	simm.s32 $0x0  }
0x318: {  	s4 =	simm.s32 $0xA119;
	s5 =	simm.s32 @!p1 $0x100  }
.LBB3_55:
0x319: {  	v0 =	vld.msk [tilespmem:s4+$0x0], $0x1;
	s0 =	sadd.s32 $0xFFFFFFFF, s0;
	s2 =	sadd.s32 s2, s5  }
0x31a: {  	p1 =	sne.s32 s0, $0x0;
	_ =	sdelay $0x3  }
0x31b: {  	(v2sf) =	vpush v0, $0x0;
	_ =	sdelay $0xe  }
.Ltmp50:
0x31c: {  	s6 =	spop (v2sf);
	(pc) =	sbr.rel @p1 .LBB3_55-.Ltmp50, $4  }
0x31d: {  	s5 =	simm.s32 $0x0;
	p2 =	sgt.u32 s6, $0x27178  }
0x31e: {  	s3 =	sadd.s32 $0x40, s3;
	s5 =	simm.s32 @!p2 $0x100;
	s7 =	sand.u32 @!p2 $0x3FFF8, s6  }
0x31f: {  	s4 =	sadd.s32 $0x1, s4;
	s6 =	sand.u32 @!p2 $0x7, s6;
	s7 =	sadd.s32 @!p2 s1, s7  }
0x320: {  	[hbm4b:s7+s6] =	stream.linear.scatter @!p2 [tilespmem:s3], [sflag:$0x7], $0x40, $0x38;
	[tilespmem:$0x1EF88] =	vst v63  }
.LBB3_56:
0x321: {  	s0 =	sadd.s32 s2, s5  }
0x322: {  	s2 =	sshrl.u32 s0, $0x2  }
.LBB3_57:
0x323: {  	s0 =	simm.s32 $0x7  }
0x324: {  	_ =	swait.ge [sflag:s0], s2  }
0x325: {  	s1 =	ssub.s32 $0x0, s2;
	[sflag:s0] =	ssyncset.done $0x0  }
0x326: {  	[sflag:s0] =	ssyncadd.s32 s1  }
0x327: {  	[sflag:s0] =	ssyncpa.u1 $0x1  }
.LBB3_58:
0x328: {  	_ =	sfence;
	s0 =	simm.s32 $0x1  }
0x329: {  	[sflag:s0] =	ssyncpa.u1 $0x1  }
0x32a: {  	_ =	strace $0x90000050  }
0x32b: {  	[bflag:$0x2] =	sbarrier.arrive $0xFFFF  }
0x32c: {  	s0 =	rddreg [dreg:$0x3]  }
0x32d: {  	s0 =	sadd.s32 @!p0 $0x100000, s0  }
0x32e: {  	[sflag:s0] =	ssyncadd.tile.s32 @!p0 $0x1;
	_ =	shalt  }
.Lfunc_end3:
_tile_overlayer_lowered:
.L_overlay_start_3:
0x32f: {  	(tag) =	ssettag $0x3  }
0x330: {  	s0 =	rddreg [dreg:$0x0];
	s2 =	stileid.u32  }
0x331: {  	s1 =	rddreg [dreg:$0x1];
	p0 =	sne.s32 s2, $0x0  }
0x332: {  	s3 =	rddreg [dreg:$0x2];
	[bflag:$0x3] =	sbarrier.arrive $0xFFFF;
	s2 =	simm.s32 @!p0 $0x1C01  }
0x333: {  	[timem:s3], [sflag:s2] =	dma.local @!p0 [hbm:s0], s1  }
0x334: {  	s0 =	simm.s32 @!p0 $0x1  }
0x335: {  	_ =	swait.ge @!p0 [sflag:s0], s1  }
0x336: {  	s1 =	ssub.s32 @!p0 $0x0, s1;
	[sflag:s0] =	ssyncset.done @!p0 $0x0  }
0x337: {  	[sflag:s0] =	ssyncadd.s32 @!p0 s1  }
0x338: {  	[bflag:$0x3] =	sbarrier.arrive $0xFFFF  }
0x339: {  	_ =	shalt  }

</sc_bundles>
